<compile_context>
chip_gen: v7x
topology: tpu7x:2x2x1
jax: 0.10.2.dev20260603
libtpu: 0.0.44.dev20260713+nightly
codegen_flags: <defaults>
</compile_context>

<pallas_src>
import functools

import jax
import jax.numpy as jnp
from jax import lax
from jax.experimental import pallas as pl
from jax.experimental.pallas import tpu as pltpu
from jax.experimental.pallas import tpu_sc as plsc

D = 128
NCORES = 2
NSUB = 16
NW = NCORES * NSUB
BLK = 40
NPAD = 10240
ZROWS = 160

def _mm(a, b):
    return jax.lax.dot_general(a, b, (((1,), (0,)), ((), ())),
                               preferred_element_type=jnp.float32)


def _pad2(w, r, c):
    return jnp.pad(w, ((0, r - w.shape[0]), (0, c - w.shape[1])))


def _pad1(b, n, fill=0.0):
    return jnp.pad(b, (0, n - b.shape[0]), constant_values=fill).reshape(1, n)


def _proj(x, w_p, b_p, rb):
    n, k = x.shape

    def body(x_ref, w_ref, b_ref, o_ref):
        o_ref[...] = _mm(x_ref[...], w_ref[...]) + b_ref[...]

    return pl.pallas_call(
        body,
        grid=(n // rb,),
        in_specs=[pl.BlockSpec((rb, k), lambda i: (i, 0)),
                  pl.BlockSpec((k, D), lambda i: (0, 0)),
                  pl.BlockSpec((1, D), lambda i: (0, 0))],
        out_specs=pl.BlockSpec((rb, D), lambda i: (i, 0)),
        out_shape=jax.ShapeDtypeStruct((n, D), jnp.float32),
        compiler_params=pltpu.CompilerParams(
            dimension_semantics=("parallel",)),
    )(x, w_p, b_p)


def _layer_update(h_pad, parts, w1, b1, w2, b2, g, bt, m, v, head=None):
    n = h_pad.shape[0]
    rb = 2000
    out_d = D if head is None else 8

    def update(h, agg, w1r, b1r, w2r, b2r, gr, btr, mr, vr):
        z = h + agg
        z = _mm(jnp.maximum(_mm(z, w1r) + b1r, 0.0), w2r) + b2r
        z = (z - mr) * jax.lax.rsqrt(vr + 1e-5) * gr + btr
        return (h + jnp.maximum(z, 0.0)) * 0.5

    if head is None:
        def body(h_ref, p_ref, w1r, b1r, w2r, b2r, gr, btr, mr, vr,
                 o_ref):
            o_ref[...] = update(h_ref[...], p_ref[0] + p_ref[1],
                                w1r[...], b1r[...], w2r[...], b2r[...],
                                gr[...], btr[...], mr[...], vr[...])
        extra_in, extra_specs = [], []
    else:
        mw1, mb1, mw2, mb2, mw3, mb3 = head

        def body(h_ref, p_ref, w1r, b1r, w2r, b2r, gr, btr, mr, vr,
                 mw1r, mb1r, mw2r, mb2r, mw3r, mb3r, o_ref):
            hn = update(h_ref[...], p_ref[0] + p_ref[1],
                        w1r[...], b1r[...], w2r[...], b2r[...],
                        gr[...], btr[...], mr[...], vr[...])
            o1 = jnp.maximum(_mm(hn, mw1r[...]) + mb1r[...], 0.0)
            o2 = jnp.maximum(_mm(o1, mw2r[...]) + mb2r[...], 0.0)
            o_ref[...] = _mm(o2, mw3r[...]) + mb3r[...]
        extra_in = [mw1, mb1, mw2, mb2, mw3, mb3]
        extra_specs = [
            pl.BlockSpec((D, 64), lambda i: (0, 0)),
            pl.BlockSpec((1, 64), lambda i: (0, 0)),
            pl.BlockSpec((64, 32), lambda i: (0, 0)),
            pl.BlockSpec((1, 32), lambda i: (0, 0)),
            pl.BlockSpec((32, 8), lambda i: (0, 0)),
            pl.BlockSpec((1, 8), lambda i: (0, 0)),
        ]

    return pl.pallas_call(
        body,
        grid=(n // rb,),
        in_specs=[pl.BlockSpec((rb, D), lambda i: (i, 0)),
                  pl.BlockSpec((NCORES, rb, D), lambda i: (0, i, 0)),
                  pl.BlockSpec((D, D), lambda i: (0, 0)),
                  pl.BlockSpec((1, D), lambda i: (0, 0)),
                  pl.BlockSpec((D, D), lambda i: (0, 0)),
                  pl.BlockSpec((1, D), lambda i: (0, 0)),
                  pl.BlockSpec((1, D), lambda i: (0, 0)),
                  pl.BlockSpec((1, D), lambda i: (0, 0)),
                  pl.BlockSpec((1, D), lambda i: (0, 0)),
                  pl.BlockSpec((1, D), lambda i: (0, 0))] + extra_specs,
        out_specs=pl.BlockSpec((rb, out_d), lambda i: (i, 0)),
        out_shape=jax.ShapeDtypeStruct((n, out_d), jnp.float32),
        compiler_params=pltpu.CompilerParams(
            dimension_semantics=("parallel",)),
    )(h_pad, parts, w1, b1, w2, b2, g, bt, m, v, *extra_in)


def _sc_aggregate(h_pad, packed2, ea_pad):
    epw = ea_pad.shape[0] // NW
    nblk = epw // BLK
    epw_pad = packed2.shape[1]
    rps = NPAD // NSUB
    mesh = plsc.VectorSubcoreMesh(core_axis_name="c", subcore_axis_name="s")
    offs = tuple(sorted(set(list(range(0, BLK - 15, 16)) + [BLK - 16])))

    @functools.partial(
        pl.kernel,
        out_type=jax.ShapeDtypeStruct((NCORES, NPAD, D), jnp.float32),
        mesh=mesh,
        scratch_types=[
            pltpu.VMEM((epw_pad,), jnp.int32),
            pltpu.VMEM((2, BLK), jnp.int32),
            pltpu.VMEM((2, BLK), jnp.int32),
            pltpu.VMEM((2, BLK, D), jnp.float32),
            pltpu.VMEM((2, BLK, D), jnp.float32),
            pltpu.VMEM((2, BLK, D), jnp.float32),
            pltpu.VMEM_SHARED((NPAD, D), jnp.float32),
            pltpu.SemaphoreType.DMA,
            pltpu.SemaphoreType.DMA,
            pltpu.SemaphoreType.DMA,
            pltpu.SemaphoreType.DMA,
            pltpu.SemaphoreType.DMA,
            pltpu.SemaphoreType.DMA,
            pltpu.SemaphoreType.DMA,
            pltpu.SemaphoreType.DMA,
        ],
    )
    def k(h_hbm, pk_hbm, ea_hbm, out_hbm,
          pk_all, sidx, didx, gat, eab, msg, agg_sp,
          isem, zsem, gsem0, gsem1, esem0, esem1, ssem0, ssem1):
        core = lax.axis_index("c")
        sub = lax.axis_index("s")
        wid = sub * NCORES + core
        ebase = wid * epw
        gsem = (gsem0, gsem1)
        esem = (esem0, esem1)
        ssem = (ssem0, ssem1)

        pltpu.async_copy(pk_hbm.at[wid], pk_all, isem)

        for p in range(2):
            @pl.loop(0, BLK)
            def _(r):
                for j in range(D // 16):
                    msg.at[p, r, pl.ds(j * 16, 16)][...] = jnp.zeros(
                        (16,), jnp.float32)

        @pl.loop(0, rps // BLK)
        def _(t):
            pltpu.async_copy(
                msg.at[0], agg_sp.at[pl.ds(sub * rps + t * BLK, BLK)], zsem)
        pltpu.make_async_copy(pk_hbm.at[wid], pk_all, isem).wait()

        @pl.loop(0, rps // BLK)
        def _(t):
            pltpu.make_async_copy(
                msg.at[0], agg_sp.at[pl.ds(sub * rps + t * BLK, BLK)],
                zsem).wait()

        def unpack_src(b, p):
            for off in offs:
                sidx.at[p, pl.ds(off, 16)][...] = jnp.bitwise_and(
                    pk_all.at[pl.ds(b * BLK + off, 16)][...], 16383)

        def unpack_dst(b, p):
            for off in offs:
                didx.at[p, pl.ds(off, 16)][...] = jax.lax.shift_right_logical(
                    pk_all.at[pl.ds(b * BLK + off, 16)][...], 14)

        def fetch(b, p):
            pltpu.async_copy(ea_hbm.at[pl.ds(ebase + b * BLK, BLK)],
                             eab.at[p], esem[p])
            pltpu.async_copy(h_hbm.at[sidx.at[p]], gat.at[p], gsem[p])

        def wait_fetch(b, p):
            pltpu.make_async_copy(ea_hbm.at[pl.ds(ebase + b * BLK, BLK)],
                                  eab.at[p], esem[p]).wait()
            pltpu.make_async_copy(h_hbm.at[sidx.at[p]], gat.at[p],
                                  gsem[p]).wait()

        def wait_scat(b, p):
            pltpu.make_async_copy(msg.at[p], agg_sp.at[didx.at[p]],
                                  ssem[p]).wait()

        def compute(p):
            @plsc.parallel_loop(0, BLK)
            def _(r):
                for j in range(D // 16 - 1):
                    sl = pl.ds(j * 16, 16)
                    msg.at[p, r, sl][...] = jnp.maximum(
                        gat.at[p, r, sl][...] + eab.at[p, r, sl][...], 0.0)

        def scat(p):
            pltpu.async_copy(msg.at[p], agg_sp.at[didx.at[p]],
                             ssem[p], add=True)

        unpack_src(0, 0)
        unpack_src(1, 1)
        plsc.subcore_barrier()
        fetch(0, 0)
        fetch(1, 1)

        @pl.loop(0, nblk // 2)
        def _(t):
            for p in range(2):
                b = 2 * t + p
                wait_fetch(b, p)

                @pl.when(t > 0)
                def _():
                    wait_scat(b - 2, p)

                unpack_dst(b, p)
                compute(p)
                scat(p)

                @pl.when(b + 2 < nblk)
                def _():
                    unpack_src(b + 2, p)
                    fetch(b + 2, p)

        if nblk % 2:
            b = nblk - 1
            wait_fetch(b, 0)
            wait_scat(b - 2, 0)
            unpack_dst(b, 0)
            compute(0)
            scat(0)
            wait_scat(b - 1, 1)
            wait_scat(b, 0)
        else:
            wait_scat(nblk - 2, 0)
            wait_scat(nblk - 1, 1)
        plsc.subcore_barrier()

        @pl.loop(0, rps // ZROWS)
        def _(t):
            r0 = sub * rps + t * ZROWS
            pltpu.async_copy(agg_sp.at[pl.ds(r0, ZROWS)],
                             out_hbm.at[core, pl.ds(r0, ZROWS)], isem)

        @pl.loop(0, rps // ZROWS)
        def _(t):
            r0 = sub * rps + t * ZROWS
            pltpu.make_async_copy(agg_sp.at[pl.ds(r0, ZROWS)],
                                  out_hbm.at[core, pl.ds(r0, ZROWS)],
                                  isem).wait()

    return k(h_pad, packed2, ea_pad)


def kernel(x, edge_index, edge_attr, Wn, bn_, We, be, conv_W1, conv_b1,
           conv_W2, conv_b2, bn_gamma, bn_beta, bn_mean, bn_var,
           mW1, mb1, mW2, mb2, mW3, mb3):
    h = _proj(x, _pad2(Wn, Wn.shape[0], D), _pad1(bn_, D), 2000)
    ea = _proj(edge_attr, _pad2(We, edge_attr.shape[1], D), _pad1(be, D), 4000)
    e = edge_index.shape[1]
    epw = e // NW
    epw_pad = -(-epw // D) * D
    packed = jnp.pad((edge_index[0] + edge_index[1] * 16384).reshape(NW, epw),
                     ((0, 0), (0, epw_pad - epw)))

    head = (_pad2(mW1, D, 64), _pad1(mb1, 64),
            _pad2(mW2, 64, 32), _pad1(mb2, 32),
            _pad2(mW3, 32, 8), _pad1(mb3, 8))

    out_pad = None
    for i in range(conv_W1.shape[0]):
        parts = _sc_aggregate(h, packed, ea)
        args = (h, parts,
                _pad2(conv_W1[i], D, D), _pad1(conv_b1[i], D),
                _pad2(conv_W2[i], D, D), _pad1(conv_b2[i], D),
                _pad1(bn_gamma[i], D), _pad1(bn_beta[i], D),
                _pad1(bn_mean[i], D), _pad1(bn_var[i], D, fill=1.0))
        if i + 1 < conv_W1.shape[0]:
            h = _layer_update(*args)
        else:
            out_pad = _layer_update(*args, head=head)
    return out_pad[:, :mW3.shape[1]]

# --- scband reference (transcript-rebuilt; emitter-appended) ---
"""Pipeline reference for scband-node-gine-24850680775301 (READ-ONLY COPY).

The authoritative reference and input builder live on the scoring server;
editing this copy changes nothing except your own understanding.
"""

import jax, jax.numpy as jnp
import numpy as np

N = 10000
E = 320000
DF = 128
DE = 16
H = 100
L = 2
NC = 2


def setup_inputs(seed: int = 0) -> dict:
    key = jax.random.key(seed)
    ks = jax.random.split(key, 16)
    s = 0.05
    inp = {}
    inp['x'] = jax.random.normal(ks[0], (N, DF), dtype=jnp.float32)
    inp['edge_index'] = jax.random.randint(ks[1], (2, E), 0, N, dtype=jnp.int32)
    inp['edge_attr'] = jax.random.normal(ks[2], (E, DE), dtype=jnp.float32)
    inp['Wn'] = jax.random.normal(ks[3], (DF, H), dtype=jnp.float32) * s
    inp['bn_'] = jnp.zeros((H,), dtype=jnp.float32)
    inp['We'] = jax.random.normal(ks[4], (DE, H), dtype=jnp.float32) * s
    inp['be'] = jnp.zeros((H,), dtype=jnp.float32)
    inp['conv_W1'] = jax.random.normal(ks[5], (L, H, H), dtype=jnp.float32) * s
    inp['conv_b1'] = jnp.zeros((L, H), dtype=jnp.float32)
    inp['conv_W2'] = jax.random.normal(ks[6], (L, H, H), dtype=jnp.float32) * s
    inp['conv_b2'] = jnp.zeros((L, H), dtype=jnp.float32)
    inp['bn_gamma'] = jnp.ones((L, H), dtype=jnp.float32)
    inp['bn_beta'] = jnp.zeros((L, H), dtype=jnp.float32)
    inp['bn_mean'] = jnp.zeros((L, H), dtype=jnp.float32)
    inp['bn_var'] = jnp.ones((L, H), dtype=jnp.float32)
    inp['mW1'] = jax.random.normal(ks[7], (H, 50), dtype=jnp.float32) * s
    inp['mb1'] = jnp.zeros((50,), dtype=jnp.float32)
    inp['mW2'] = jax.random.normal(ks[8], (50, 25), dtype=jnp.float32) * s
    inp['mb2'] = jnp.zeros((25,), dtype=jnp.float32)
    inp['mW3'] = jax.random.normal(ks[9], (25, NC), dtype=jnp.float32) * s
    inp['mb3'] = jnp.zeros((NC,), dtype=jnp.float32)
    return inp


def reference(x, edge_index, edge_attr, Wn, bn_, We, be, conv_W1, conv_b1, conv_W2, conv_b2, bn_gamma, bn_beta, bn_mean, bn_var, mW1, mb1, mW2, mb2, mW3, mb3):
    src = edge_index[0]
    dst = edge_index[1]
    h = x @ Wn + bn_
    ea = edge_attr @ We + be
    for i in range(L):
        # GINEConv: message = relu(x_src + edge_attr), sum-aggregated at dst
        msg = jax.nn.relu(h[src] + ea)
        agg = jax.ops.segment_sum(msg, dst, num_segments=N)
        z = h + agg  # (1 + eps) * x with eps = 0
        z = jax.nn.relu(z @ conv_W1[i] + conv_b1[i]) @ conv_W2[i] + conv_b2[i]
        # BatchNorm (eval mode: running stats)
        z = (z - bn_mean[i]) / jnp.sqrt(bn_var[i] + 1e-5) * bn_gamma[i] + bn_beta[i]
        h = (h + jax.nn.relu(z)) / 2.0
    # MLP head (dropout = identity in eval)
    out = jax.nn.relu(h @ mW1 + mb1)
    out = jax.nn.relu(out @ mW2 + mb2)
    out = out @ mW3 + mb3
    return out

if __name__ == "__main__":
    import jax
    _d = setup_inputs()
    print(jax.jit(kernel)(*tuple(_d.values())))

</pallas_src>

<mosaic_0001>
#map = affine_map<(d0, d1) -> (0, 0)>
#map1 = affine_map<(d0, d1) -> (0, 0, 0)>
module attributes {stable_mosaic.version = 14 : i64} {
  func.func @k(%arg0: i32, %arg1: i32, %arg2: memref<10000x128xf32, #tpu.memory_space<hbm>>, %arg3: memref<32x10112xi32, #tpu.memory_space<hbm>>, %arg4: memref<320000x128xf32, #tpu.memory_space<hbm>>, %arg5: memref<2x10240x128xf32, #tpu.memory_space<hbm>>, %arg6: memref<10112xi32, #tpu.memory_space<vmem>>, %arg7: memref<2x40xi32, #tpu.memory_space<vmem>>, %arg8: memref<2x40xi32, #tpu.memory_space<vmem>>, %arg9: memref<2x40x128xf32, #tpu.memory_space<vmem>>, %arg10: memref<2x40x128xf32, #tpu.memory_space<vmem>>, %arg11: memref<2x40x128xf32, #tpu.memory_space<vmem>>, %arg12: memref<10240x128xf32, #tpu.memory_space<vmem_shared>>, %arg13: memref<!tpu.dma_semaphore, #tpu.memory_space<semaphore_mem>>, %arg14: memref<!tpu.dma_semaphore, #tpu.memory_space<semaphore_mem>>, %arg15: memref<!tpu.dma_semaphore, #tpu.memory_space<semaphore_mem>>, %arg16: memref<!tpu.dma_semaphore, #tpu.memory_space<semaphore_mem>>, %arg17: memref<!tpu.dma_semaphore, #tpu.memory_space<semaphore_mem>>, %arg18: memref<!tpu.dma_semaphore, #tpu.memory_space<semaphore_mem>>, %arg19: memref<!tpu.dma_semaphore, #tpu.memory_space<semaphore_mem>>, %arg20: memref<!tpu.dma_semaphore, #tpu.memory_space<semaphore_mem>>) attributes {dimension_semantics = [#tpu.dimension_semantics<core_parallel>, #tpu.dimension_semantics<subcore_parallel>], iteration_bounds = array<i64: 2, 16>, scalar_prefetch = 0 : i64, scratch_operands = 15 : i64, tpu.core_type = #tpu.core_type<sc_vector_subcore>, window_params = [{transform_indices = #map}, {transform_indices = #map}, {transform_indices = #map}, {transform_indices = #map1}]} {
    %mul3A = arith.constant 2 : i32
    %mul3A_0 = arith.muli %arg1, %mul3A : i32
    %add3A = arith.addi %mul3A_0, %arg0 : i32
    %mul3A_1 = arith.constant 10000 : i32
    %mul3A_2 = arith.muli %add3A, %mul3A_1 : i32
    %dma_start3A = arith.constant 0 : i32
    %dma_start3A_3 = tpu.memref_slice %arg3[%add3A, %dma_start3A] : memref<32x10112xi32, #tpu.memory_space<hbm>> -> memref<1x10112xi32, #tpu.memory_space<hbm>>
    %dma_start3A_4 = tpu.memref_squeeze %dma_start3A_3 : memref<1x10112xi32, #tpu.memory_space<hbm>> -> memref<10112xi32, #tpu.memory_space<hbm>>
    %dma_start3A_5 = arith.constant 0 : i32
    %dma_start3A_6 = tpu.memref_slice %arg3[%add3A, %dma_start3A_5] : memref<32x10112xi32, #tpu.memory_space<hbm>> -> memref<1x10112xi32, #tpu.memory_space<hbm>>
    %dma_start3A_7 = tpu.memref_squeeze %dma_start3A_6 : memref<1x10112xi32, #tpu.memory_space<hbm>> -> memref<10112xi32, #tpu.memory_space<hbm>>
    tpu.enqueue_dma source(%dma_start3A_7 : memref<10112xi32, #tpu.memory_space<hbm>>) target(%arg6 : memref<10112xi32, #tpu.memory_space<vmem>>) target_semaphore(%arg13 : memref<!tpu.dma_semaphore, #tpu.memory_space<semaphore_mem>>)
    %scan3A = arith.constant 0 : i32
    %scan3A_8 = arith.constant 40 : i32
    %scan3A_9 = arith.addi %scan3A, %scan3A_8 : i32
    %scan3A_10 = arith.constant 1 : i32
    scf.for %scan3A_195 = %scan3A to %scan3A_9 step %scan3A_10  : i32 {
      %mul3A_196 = arith.constant 1 : i32
      %mul3A_197 = arith.muli %scan3A_195, %mul3A_196 : i32
      %add3A_198 = arith.constant 0 : i32
      %add3A_199 = arith.addi %add3A_198, %mul3A_197 : i32
      %broadcast_in_dim3A = arith.constant 0.000000e+00 : f32
      %broadcast_in_dim3A_200 = vector.broadcast %broadcast_in_dim3A : f32 to vector<16xf32>
      %swap3A_201 = arith.constant 0 : i32
      %swap3A_202 = arith.index_cast %swap3A_201 : i32 to index
      %swap3A_203 = arith.index_cast %add3A_199 : i32 to index
      %swap3A_204 = arith.constant 0 : index
      %swap3A_205 = tpu.vector_load %arg11[%swap3A_202, %swap3A_203, %swap3A_204] {strides = array<i32>} : memref<2x40x128xf32, #tpu.memory_space<vmem>>, vector<1x1x16xf32>,
      %swap3A_206 = vector.shape_cast %swap3A_205 : vector<1x1x16xf32> to vector<16xf32>
      %swap3A_207 = vector.shape_cast %broadcast_in_dim3A_200 : vector<16xf32> to vector<1x1x16xf32>
      tpu.vector_store %arg11[%swap3A_202, %swap3A_203, %swap3A_204], %swap3A_207 {strides = array<i32>} : memref<2x40x128xf32, #tpu.memory_space<vmem>>, vector<1x1x16xf32>,
      %broadcast_in_dim3A_208 = arith.constant 0.000000e+00 : f32
      %broadcast_in_dim3A_209 = vector.broadcast %broadcast_in_dim3A_208 : f32 to vector<16xf32>
      %swap3A_210 = arith.constant 0 : i32
      %swap3A_211 = arith.index_cast %swap3A_210 : i32 to index
      %swap3A_212 = arith.index_cast %add3A_199 : i32 to index
      %swap3A_213 = arith.constant 16 : index
      %swap3A_214 = tpu.vector_load %arg11[%swap3A_211, %swap3A_212, %swap3A_213] {strides = array<i32>} : memref<2x40x128xf32, #tpu.memory_space<vmem>>, vector<1x1x16xf32>,
      %swap3A_215 = vector.shape_cast %swap3A_214 : vector<1x1x16xf32> to vector<16xf32>
      %swap3A_216 = vector.shape_cast %broadcast_in_dim3A_209 : vector<16xf32> to vector<1x1x16xf32>
      tpu.vector_store %arg11[%swap3A_211, %swap3A_212, %swap3A_213], %swap3A_216 {strides = array<i32>} : memref<2x40x128xf32, #tpu.memory_space<vmem>>, vector<1x1x16xf32>,
      %broadcast_in_dim3A_217 = arith.constant 0.000000e+00 : f32
      %broadcast_in_dim3A_218 = vector.broadcast %broadcast_in_dim3A_217 : f32 to vector<16xf32>
      %swap3A_219 = arith.constant 0 : i32
      %swap3A_220 = arith.index_cast %swap3A_219 : i32 to index
      %swap3A_221 = arith.index_cast %add3A_199 : i32 to index
      %swap3A_222 = arith.constant 32 : index
      %swap3A_223 = tpu.vector_load %arg11[%swap3A_220, %swap3A_221, %swap3A_222] {strides = array<i32>} : memref<2x40x128xf32, #tpu.memory_space<vmem>>, vector<1x1x16xf32>,
      %swap3A_224 = vector.shape_cast %swap3A_223 : vector<1x1x16xf32> to vector<16xf32>
      %swap3A_225 = vector.shape_cast %broadcast_in_dim3A_218 : vector<16xf32> to vector<1x1x16xf32>
      tpu.vector_store %arg11[%swap3A_220, %swap3A_221, %swap3A_222], %swap3A_225 {strides = array<i32>} : memref<2x40x128xf32, #tpu.memory_space<vmem>>, vector<1x1x16xf32>,
      %broadcast_in_dim3A_226 = arith.constant 0.000000e+00 : f32
      %broadcast_in_dim3A_227 = vector.broadcast %broadcast_in_dim3A_226 : f32 to vector<16xf32>
      %swap3A_228 = arith.constant 0 : i32
      %swap3A_229 = arith.index_cast %swap3A_228 : i32 to index
      %swap3A_230 = arith.index_cast %add3A_199 : i32 to index
      %swap3A_231 = arith.constant 48 : index
      %swap3A_232 = tpu.vector_load %arg11[%swap3A_229, %swap3A_230, %swap3A_231] {strides = array<i32>} : memref<2x40x128xf32, #tpu.memory_space<vmem>>, vector<1x1x16xf32>,
      %swap3A_233 = vector.shape_cast %swap3A_232 : vector<1x1x16xf32> to vector<16xf32>
      %swap3A_234 = vector.shape_cast %broadcast_in_dim3A_227 : vector<16xf32> to vector<1x1x16xf32>
      tpu.vector_store %arg11[%swap3A_229, %swap3A_230, %swap3A_231], %swap3A_234 {strides = array<i32>} : memref<2x40x128xf32, #tpu.memory_space<vmem>>, vector<1x1x16xf32>,
      %broadcast_in_dim3A_235 = arith.constant 0.000000e+00 : f32
      %broadcast_in_dim3A_236 = vector.broadcast %broadcast_in_dim3A_235 : f32 to vector<16xf32>
      %swap3A_237 = arith.constant 0 : i32
      %swap3A_238 = arith.index_cast %swap3A_237 : i32 to index
      %swap3A_239 = arith.index_cast %add3A_199 : i32 to index
      %swap3A_240 = arith.constant 64 : index
      %swap3A_241 = tpu.vector_load %arg11[%swap3A_238, %swap3A_239, %swap3A_240] {strides = array<i32>} : memref<2x40x128xf32, #tpu.memory_space<vmem>>, vector<1x1x16xf32>,
      %swap3A_242 = vector.shape_cast %swap3A_241 : vector<1x1x16xf32> to vector<16xf32>
      %swap3A_243 = vector.shape_cast %broadcast_in_dim3A_236 : vector<16xf32> to vector<1x1x16xf32>
      tpu.vector_store %arg11[%swap3A_238, %swap3A_239, %swap3A_240], %swap3A_243 {strides = array<i32>} : memref<2x40x128xf32, #tpu.memory_space<vmem>>, vector<1x1x16xf32>,
      %broadcast_in_dim3A_244 = arith.constant 0.000000e+00 : f32
      %broadcast_in_dim3A_245 = vector.broadcast %broadcast_in_dim3A_244 : f32 to vector<16xf32>
      %swap3A_246 = arith.constant 0 : i32
      %swap3A_247 = arith.index_cast %swap3A_246 : i32 to index
      %swap3A_248 = arith.index_cast %add3A_199 : i32 to index
      %swap3A_249 = arith.constant 80 : index
      %swap3A_250 = tpu.vector_load %arg11[%swap3A_247, %swap3A_248, %swap3A_249] {strides = array<i32>} : memref<2x40x128xf32, #tpu.memory_space<vmem>>, vector<1x1x16xf32>,
      %swap3A_251 = vector.shape_cast %swap3A_250 : vector<1x1x16xf32> to vector<16xf32>
      %swap3A_252 = vector.shape_cast %broadcast_in_dim3A_245 : vector<16xf32> to vector<1x1x16xf32>
      tpu.vector_store %arg11[%swap3A_247, %swap3A_248, %swap3A_249], %swap3A_252 {strides = array<i32>} : memref<2x40x128xf32, #tpu.memory_space<vmem>>, vector<1x1x16xf32>,
      %broadcast_in_dim3A_253 = arith.constant 0.000000e+00 : f32
      %broadcast_in_dim3A_254 = vector.broadcast %broadcast_in_dim3A_253 : f32 to vector<16xf32>
      %swap3A_255 = arith.constant 0 : i32
      %swap3A_256 = arith.index_cast %swap3A_255 : i32 to index
      %swap3A_257 = arith.index_cast %add3A_199 : i32 to index
      %swap3A_258 = arith.constant 96 : index
      %swap3A_259 = tpu.vector_load %arg11[%swap3A_256, %swap3A_257, %swap3A_258] {strides = array<i32>} : memref<2x40x128xf32, #tpu.memory_space<vmem>>, vector<1x1x16xf32>,
      %swap3A_260 = vector.shape_cast %swap3A_259 : vector<1x1x16xf32> to vector<16xf32>
      %swap3A_261 = vector.shape_cast %broadcast_in_dim3A_254 : vector<16xf32> to vector<1x1x16xf32>
      tpu.vector_store %arg11[%swap3A_256, %swap3A_257, %swap3A_258], %swap3A_261 {strides = array<i32>} : memref<2x40x128xf32, #tpu.memory_space<vmem>>, vector<1x1x16xf32>,
      %broadcast_in_dim3A_262 = arith.constant 0.000000e+00 : f32
      %broadcast_in_dim3A_263 = vector.broadcast %broadcast_in_dim3A_262 : f32 to vector<16xf32>
      %swap3A_264 = arith.constant 0 : i32
      %swap3A_265 = arith.index_cast %swap3A_264 : i32 to index
      %swap3A_266 = arith.index_cast %add3A_199 : i32 to index
      %swap3A_267 = arith.constant 112 : index
      %swap3A_268 = tpu.vector_load %arg11[%swap3A_265, %swap3A_266, %swap3A_267] {strides = array<i32>} : memref<2x40x128xf32, #tpu.memory_space<vmem>>, vector<1x1x16xf32>,
      %swap3A_269 = vector.shape_cast %swap3A_268 : vector<1x1x16xf32> to vector<16xf32>
      %swap3A_270 = vector.shape_cast %broadcast_in_dim3A_263 : vector<16xf32> to vector<1x1x16xf32>
      tpu.vector_store %arg11[%swap3A_265, %swap3A_266, %swap3A_267], %swap3A_270 {strides = array<i32>} : memref<2x40x128xf32, #tpu.memory_space<vmem>>, vector<1x1x16xf32>,
    }
    %scan3A_11 = arith.constant 40 : i32
    %scan3A_12 = arith.constant 0 : i32
    %scan3A_13 = arith.constant 40 : i32
    %scan3A_14 = arith.addi %scan3A_12, %scan3A_13 : i32
    %scan3A_15 = arith.constant 1 : i32
    scf.for %scan3A_195 = %scan3A_12 to %scan3A_14 step %scan3A_15  : i32 {
      %mul3A_196 = arith.constant 1 : i32
      %mul3A_197 = arith.muli %scan3A_195, %mul3A_196 : i32
      %add3A_198 = arith.constant 0 : i32
      %add3A_199 = arith.addi %add3A_198, %mul3A_197 : i32
      %broadcast_in_dim3A = arith.constant 0.000000e+00 : f32
      %broadcast_in_dim3A_200 = vector.broadcast %broadcast_in_dim3A : f32 to vector<16xf32>
      %swap3A_201 = arith.constant 1 : i32
      %swap3A_202 = arith.index_cast %swap3A_201 : i32 to index
      %swap3A_203 = arith.index_cast %add3A_199 : i32 to index
      %swap3A_204 = arith.constant 0 : index
      %swap3A_205 = tpu.vector_load %arg11[%swap3A_202, %swap3A_203, %swap3A_204] {strides = array<i32>} : memref<2x40x128xf32, #tpu.memory_space<vmem>>, vector<1x1x16xf32>,
      %swap3A_206 = vector.shape_cast %swap3A_205 : vector<1x1x16xf32> to vector<16xf32>
      %swap3A_207 = vector.shape_cast %broadcast_in_dim3A_200 : vector<16xf32> to vector<1x1x16xf32>
      tpu.vector_store %arg11[%swap3A_202, %swap3A_203, %swap3A_204], %swap3A_207 {strides = array<i32>} : memref<2x40x128xf32, #tpu.memory_space<vmem>>, vector<1x1x16xf32>,
      %broadcast_in_dim3A_208 = arith.constant 0.000000e+00 : f32
      %broadcast_in_dim3A_209 = vector.broadcast %broadcast_in_dim3A_208 : f32 to vector<16xf32>
      %swap3A_210 = arith.constant 1 : i32
      %swap3A_211 = arith.index_cast %swap3A_210 : i32 to index
      %swap3A_212 = arith.index_cast %add3A_199 : i32 to index
      %swap3A_213 = arith.constant 16 : index
      %swap3A_214 = tpu.vector_load %arg11[%swap3A_211, %swap3A_212, %swap3A_213] {strides = array<i32>} : memref<2x40x128xf32, #tpu.memory_space<vmem>>, vector<1x1x16xf32>,
      %swap3A_215 = vector.shape_cast %swap3A_214 : vector<1x1x16xf32> to vector<16xf32>
      %swap3A_216 = vector.shape_cast %broadcast_in_dim3A_209 : vector<16xf32> to vector<1x1x16xf32>
      tpu.vector_store %arg11[%swap3A_211, %swap3A_212, %swap3A_213], %swap3A_216 {strides = array<i32>} : memref<2x40x128xf32, #tpu.memory_space<vmem>>, vector<1x1x16xf32>,
      %broadcast_in_dim3A_217 = arith.constant 0.000000e+00 : f32
      %broadcast_in_dim3A_218 = vector.broadcast %broadcast_in_dim3A_217 : f32 to vector<16xf32>
      %swap3A_219 = arith.constant 1 : i32
      %swap3A_220 = arith.index_cast %swap3A_219 : i32 to index
      %swap3A_221 = arith.index_cast %add3A_199 : i32 to index
      %swap3A_222 = arith.constant 32 : index
      %swap3A_223 = tpu.vector_load %arg11[%swap3A_220, %swap3A_221, %swap3A_222] {strides = array<i32>} : memref<2x40x128xf32, #tpu.memory_space<vmem>>, vector<1x1x16xf32>,
      %swap3A_224 = vector.shape_cast %swap3A_223 : vector<1x1x16xf32> to vector<16xf32>
      %swap3A_225 = vector.shape_cast %broadcast_in_dim3A_218 : vector<16xf32> to vector<1x1x16xf32>
      tpu.vector_store %arg11[%swap3A_220, %swap3A_221, %swap3A_222], %swap3A_225 {strides = array<i32>} : memref<2x40x128xf32, #tpu.memory_space<vmem>>, vector<1x1x16xf32>,
      %broadcast_in_dim3A_226 = arith.constant 0.000000e+00 : f32
      %broadcast_in_dim3A_227 = vector.broadcast %broadcast_in_dim3A_226 : f32 to vector<16xf32>
      %swap3A_228 = arith.constant 1 : i32
      %swap3A_229 = arith.index_cast %swap3A_228 : i32 to index
      %swap3A_230 = arith.index_cast %add3A_199 : i32 to index
      %swap3A_231 = arith.constant 48 : index
      %swap3A_232 = tpu.vector_load %arg11[%swap3A_229, %swap3A_230, %swap3A_231] {strides = array<i32>} : memref<2x40x128xf32, #tpu.memory_space<vmem>>, vector<1x1x16xf32>,
      %swap3A_233 = vector.shape_cast %swap3A_232 : vector<1x1x16xf32> to vector<16xf32>
      %swap3A_234 = vector.shape_cast %broadcast_in_dim3A_227 : vector<16xf32> to vector<1x1x16xf32>
      tpu.vector_store %arg11[%swap3A_229, %swap3A_230, %swap3A_231], %swap3A_234 {strides = array<i32>} : memref<2x40x128xf32, #tpu.memory_space<vmem>>, vector<1x1x16xf32>,
      %broadcast_in_dim3A_235 = arith.constant 0.000000e+00 : f32
      %broadcast_in_dim3A_236 = vector.broadcast %broadcast_in_dim3A_235 : f32 to vector<16xf32>
      %swap3A_237 = arith.constant 1 : i32
      %swap3A_238 = arith.index_cast %swap3A_237 : i32 to index
      %swap3A_239 = arith.index_cast %add3A_199 : i32 to index
      %swap3A_240 = arith.constant 64 : index
      %swap3A_241 = tpu.vector_load %arg11[%swap3A_238, %swap3A_239, %swap3A_240] {strides = array<i32>} : memref<2x40x128xf32, #tpu.memory_space<vmem>>, vector<1x1x16xf32>,
      %swap3A_242 = vector.shape_cast %swap3A_241 : vector<1x1x16xf32> to vector<16xf32>
      %swap3A_243 = vector.shape_cast %broadcast_in_dim3A_236 : vector<16xf32> to vector<1x1x16xf32>
      tpu.vector_store %arg11[%swap3A_238, %swap3A_239, %swap3A_240], %swap3A_243 {strides = array<i32>} : memref<2x40x128xf32, #tpu.memory_space<vmem>>, vector<1x1x16xf32>,
      %broadcast_in_dim3A_244 = arith.constant 0.000000e+00 : f32
      %broadcast_in_dim3A_245 = vector.broadcast %broadcast_in_dim3A_244 : f32 to vector<16xf32>
      %swap3A_246 = arith.constant 1 : i32
      %swap3A_247 = arith.index_cast %swap3A_246 : i32 to index
      %swap3A_248 = arith.index_cast %add3A_199 : i32 to index
      %swap3A_249 = arith.constant 80 : index
      %swap3A_250 = tpu.vector_load %arg11[%swap3A_247, %swap3A_248, %swap3A_249] {strides = array<i32>} : memref<2x40x128xf32, #tpu.memory_space<vmem>>, vector<1x1x16xf32>,
      %swap3A_251 = vector.shape_cast %swap3A_250 : vector<1x1x16xf32> to vector<16xf32>
      %swap3A_252 = vector.shape_cast %broadcast_in_dim3A_245 : vector<16xf32> to vector<1x1x16xf32>
      tpu.vector_store %arg11[%swap3A_247, %swap3A_248, %swap3A_249], %swap3A_252 {strides = array<i32>} : memref<2x40x128xf32, #tpu.memory_space<vmem>>, vector<1x1x16xf32>,
      %broadcast_in_dim3A_253 = arith.constant 0.000000e+00 : f32
      %broadcast_in_dim3A_254 = vector.broadcast %broadcast_in_dim3A_253 : f32 to vector<16xf32>
      %swap3A_255 = arith.constant 1 : i32
      %swap3A_256 = arith.index_cast %swap3A_255 : i32 to index
      %swap3A_257 = arith.index_cast %add3A_199 : i32 to index
      %swap3A_258 = arith.constant 96 : index
      %swap3A_259 = tpu.vector_load %arg11[%swap3A_256, %swap3A_257, %swap3A_258] {strides = array<i32>} : memref<2x40x128xf32, #tpu.memory_space<vmem>>, vector<1x1x16xf32>,
      %swap3A_260 = vector.shape_cast %swap3A_259 : vector<1x1x16xf32> to vector<16xf32>
      %swap3A_261 = vector.shape_cast %broadcast_in_dim3A_254 : vector<16xf32> to vector<1x1x16xf32>
      tpu.vector_store %arg11[%swap3A_256, %swap3A_257, %swap3A_258], %swap3A_261 {strides = array<i32>} : memref<2x40x128xf32, #tpu.memory_space<vmem>>, vector<1x1x16xf32>,
      %broadcast_in_dim3A_262 = arith.constant 0.000000e+00 : f32
      %broadcast_in_dim3A_263 = vector.broadcast %broadcast_in_dim3A_262 : f32 to vector<16xf32>
      %swap3A_264 = arith.constant 1 : i32
      %swap3A_265 = arith.index_cast %swap3A_264 : i32 to index
      %swap3A_266 = arith.index_cast %add3A_199 : i32 to index
      %swap3A_267 = arith.constant 112 : index
      %swap3A_268 = tpu.vector_load %arg11[%swap3A_265, %swap3A_266, %swap3A_267] {strides = array<i32>} : memref<2x40x128xf32, #tpu.memory_space<vmem>>, vector<1x1x16xf32>,
      %swap3A_269 = vector.shape_cast %swap3A_268 : vector<1x1x16xf32> to vector<16xf32>
      %swap3A_270 = vector.shape_cast %broadcast_in_dim3A_263 : vector<16xf32> to vector<1x1x16xf32>
      tpu.vector_store %arg11[%swap3A_265, %swap3A_266, %swap3A_267], %swap3A_270 {strides = array<i32>} : memref<2x40x128xf32, #tpu.memory_space<vmem>>, vector<1x1x16xf32>,
    }
    %scan3A_16 = arith.constant 40 : i32
    %scan3A_17 = arith.constant 0 : i32
    %scan3A_18 = arith.constant 16 : i32
    %scan3A_19 = arith.addi %scan3A_17, %scan3A_18 : i32
    %scan3A_20 = arith.constant 1 : i32
    scf.for %scan3A_195 = %scan3A_17 to %scan3A_19 step %scan3A_20  : i32 {
      %mul3A_196 = arith.constant 1 : i32
      %mul3A_197 = arith.muli %scan3A_195, %mul3A_196 : i32
      %add3A_198 = arith.constant 0 : i32
      %add3A_199 = arith.addi %add3A_198, %mul3A_197 : i32
      %mul3A_200 = arith.constant 640 : i32
      %mul3A_201 = arith.muli %arg1, %mul3A_200 : i32
      %mul3A_202 = arith.constant 40 : i32
      %mul3A_203 = arith.muli %add3A_199, %mul3A_202 : i32
      %add3A_204 = arith.addi %mul3A_201, %mul3A_203 : i32
      %dma_start3A_205 = arith.constant 0 : i32
      %dma_start3A_206 = arith.constant 0 : i32
      %dma_start3A_207 = arith.constant 0 : i32
      %dma_start3A_208 = tpu.memref_slice %arg11[%dma_start3A_205, %dma_start3A_206, %dma_start3A_207] : memref<2x40x128xf32, #tpu.memory_space<vmem>> -> memref<1x40x128xf32, #tpu.memory_space<vmem>>
      %dma_start3A_209 = tpu.memref_squeeze %dma_start3A_208 : memref<1x40x128xf32, #tpu.memory_space<vmem>> -> memref<40x128xf32, #tpu.memory_space<vmem>>
      %dma_start3A_210 = arith.constant 0 : i32
      %dma_start3A_211 = tpu.memref_slice %arg12[%add3A_204, %dma_start3A_210] : memref<10240x128xf32, #tpu.memory_space<vmem_shared>> -> memref<40x128xf32, #tpu.memory_space<vmem_shared>>
      %dma_start3A_212 = arith.constant 0 : i32
      %dma_start3A_213 = tpu.memref_slice %arg12[%add3A_204, %dma_start3A_212] : memref<10240x128xf32, #tpu.memory_space<vmem_shared>> -> memref<40x128xf32, #tpu.memory_space<vmem_shared>>
      %dma_start3A_214 = arith.constant 0 : i32
      %dma_start3A_215 = arith.constant 0 : i32
      %dma_start3A_216 = tpu.memref_slice %arg11[%dma_start3A_205, %dma_start3A_214, %dma_start3A_215] : memref<2x40x128xf32, #tpu.memory_space<vmem>> -> memref<1x40x128xf32, #tpu.memory_space<vmem>>
      %dma_start3A_217 = tpu.memref_squeeze %dma_start3A_216 : memref<1x40x128xf32, #tpu.memory_space<vmem>> -> memref<40x128xf32, #tpu.memory_space<vmem>>
      tpu.enqueue_dma source(%dma_start3A_217 : memref<40x128xf32, #tpu.memory_space<vmem>>) target(%dma_start3A_213 : memref<40x128xf32, #tpu.memory_space<vmem_shared>>) target_semaphore(%arg14 : memref<!tpu.dma_semaphore, #tpu.memory_space<semaphore_mem>>)
    }
    %scan3A_21 = arith.constant 16 : i32
    %dma_wait3A = arith.constant 0 : i32
    %dma_wait3A_22 = tpu.memref_slice %arg3[%add3A, %dma_wait3A] : memref<32x10112xi32, #tpu.memory_space<hbm>> -> memref<1x10112xi32, #tpu.memory_space<hbm>>
    %dma_wait3A_23 = tpu.memref_squeeze %dma_wait3A_22 : memref<1x10112xi32, #tpu.memory_space<hbm>> -> memref<10112xi32, #tpu.memory_space<hbm>>
    %dma_wait3A_24 = arith.constant 0 : i32
    %dma_wait3A_25 = tpu.memref_slice %arg3[%add3A, %dma_wait3A_24] : memref<32x10112xi32, #tpu.memory_space<hbm>> -> memref<1x10112xi32, #tpu.memory_space<hbm>>
    %dma_wait3A_26 = tpu.memref_squeeze %dma_wait3A_25 : memref<1x10112xi32, #tpu.memory_space<hbm>> -> memref<10112xi32, #tpu.memory_space<hbm>>
    tpu.wait_dma2 semaphore(%arg13 : memref<!tpu.dma_semaphore, #tpu.memory_space<semaphore_mem>>) src(%dma_wait3A_26 : memref<10112xi32, #tpu.memory_space<hbm>>) dst(%arg6 : memref<10112xi32, #tpu.memory_space<vmem>>)
    %scan3A_27 = arith.constant 0 : i32
    %scan3A_28 = arith.constant 16 : i32
    %scan3A_29 = arith.addi %scan3A_27, %scan3A_28 : i32
    %scan3A_30 = arith.constant 1 : i32
    scf.for %scan3A_195 = %scan3A_27 to %scan3A_29 step %scan3A_30  : i32 {
      %mul3A_196 = arith.constant 1 : i32
      %mul3A_197 = arith.muli %scan3A_195, %mul3A_196 : i32
      %add3A_198 = arith.constant 0 : i32
      %add3A_199 = arith.addi %add3A_198, %mul3A_197 : i32
      %mul3A_200 = arith.constant 640 : i32
      %mul3A_201 = arith.muli %arg1, %mul3A_200 : i32
      %mul3A_202 = arith.constant 40 : i32
      %mul3A_203 = arith.muli %add3A_199, %mul3A_202 : i32
      %add3A_204 = arith.addi %mul3A_201, %mul3A_203 : i32
      %dma_wait3A_205 = arith.constant 0 : i32
      %dma_wait3A_206 = arith.constant 0 : i32
      %dma_wait3A_207 = arith.constant 0 : i32
      %dma_wait3A_208 = tpu.memref_slice %arg11[%dma_wait3A_205, %dma_wait3A_206, %dma_wait3A_207] : memref<2x40x128xf32, #tpu.memory_space<vmem>> -> memref<1x40x128xf32, #tpu.memory_space<vmem>>
      %dma_wait3A_209 = tpu.memref_squeeze %dma_wait3A_208 : memref<1x40x128xf32, #tpu.memory_space<vmem>> -> memref<40x128xf32, #tpu.memory_space<vmem>>
      %dma_wait3A_210 = arith.constant 0 : i32
      %dma_wait3A_211 = tpu.memref_slice %arg12[%add3A_204, %dma_wait3A_210] : memref<10240x128xf32, #tpu.memory_space<vmem_shared>> -> memref<40x128xf32, #tpu.memory_space<vmem_shared>>
      %dma_wait3A_212 = arith.constant 0 : i32
      %dma_wait3A_213 = tpu.memref_slice %arg12[%add3A_204, %dma_wait3A_212] : memref<10240x128xf32, #tpu.memory_space<vmem_shared>> -> memref<40x128xf32, #tpu.memory_space<vmem_shared>>
      %dma_wait3A_214 = arith.constant 0 : i32
      %dma_wait3A_215 = arith.constant 0 : i32
      %dma_wait3A_216 = tpu.memref_slice %arg11[%dma_wait3A_205, %dma_wait3A_214, %dma_wait3A_215] : memref<2x40x128xf32, #tpu.memory_space<vmem>> -> memref<1x40x128xf32, #tpu.memory_space<vmem>>
      %dma_wait3A_217 = tpu.memref_squeeze %dma_wait3A_216 : memref<1x40x128xf32, #tpu.memory_space<vmem>> -> memref<40x128xf32, #tpu.memory_space<vmem>>
      tpu.wait_dma2 semaphore(%arg14 : memref<!tpu.dma_semaphore, #tpu.memory_space<semaphore_mem>>) src(%dma_wait3A_217 : memref<40x128xf32, #tpu.memory_space<vmem>>) dst(%dma_wait3A_213 : memref<40x128xf32, #tpu.memory_space<vmem_shared>>)
    }
    %scan3A_31 = arith.constant 16 : i32
    %get3A = arith.constant 0 : index
    %get3A_32 = tpu.vector_load %arg6[%get3A] {strides = array<i32>} : memref<10112xi32, #tpu.memory_space<vmem>>, vector<16xi32>,
    %get3A_33 = vector.shape_cast %get3A_32 : vector<16xi32> to vector<16xi32>
    %and3A = arith.constant 16383 : i32
    %and3A_34 = vector.broadcast %and3A : i32 to vector<16xi32>
    %and3A_35 = arith.andi %get3A_33, %and3A_34 : vector<16xi32>
    %swap3A = arith.constant 0 : i32
    %swap3A_36 = arith.index_cast %swap3A : i32 to index
    %swap3A_37 = arith.constant 0 : index
    %swap3A_38 = tpu.vector_load %arg7[%swap3A_36, %swap3A_37] {strides = array<i32>} : memref<2x40xi32, #tpu.memory_space<vmem>>, vector<1x16xi32>,
    %swap3A_39 = vector.shape_cast %swap3A_38 : vector<1x16xi32> to vector<16xi32>
    %swap3A_40 = vector.shape_cast %and3A_35 : vector<16xi32> to vector<1x16xi32>
    tpu.vector_store %arg7[%swap3A_36, %swap3A_37], %swap3A_40 {strides = array<i32>} : memref<2x40xi32, #tpu.memory_space<vmem>>, vector<1x16xi32>,
    %get3A_41 = arith.constant 16 : index
    %get3A_42 = tpu.vector_load %arg6[%get3A_41] {strides = array<i32>} : memref<10112xi32, #tpu.memory_space<vmem>>, vector<16xi32>,
    %get3A_43 = vector.shape_cast %get3A_42 : vector<16xi32> to vector<16xi32>
    %and3A_44 = arith.constant 16383 : i32
    %and3A_45 = vector.broadcast %and3A_44 : i32 to vector<16xi32>
    %and3A_46 = arith.andi %get3A_43, %and3A_45 : vector<16xi32>
    %swap3A_47 = arith.constant 0 : i32
    %swap3A_48 = arith.index_cast %swap3A_47 : i32 to index
    %swap3A_49 = arith.constant 16 : index
    %swap3A_50 = tpu.vector_load %arg7[%swap3A_48, %swap3A_49] {strides = array<i32>} : memref<2x40xi32, #tpu.memory_space<vmem>>, vector<1x16xi32>,
    %swap3A_51 = vector.shape_cast %swap3A_50 : vector<1x16xi32> to vector<16xi32>
    %swap3A_52 = vector.shape_cast %and3A_46 : vector<16xi32> to vector<1x16xi32>
    tpu.vector_store %arg7[%swap3A_48, %swap3A_49], %swap3A_52 {strides = array<i32>} : memref<2x40xi32, #tpu.memory_space<vmem>>, vector<1x16xi32>,
    %get3A_53 = arith.constant 24 : index
    %get3A_54 = tpu.vector_load %arg6[%get3A_53] {strides = array<i32>} : memref<10112xi32, #tpu.memory_space<vmem>>, vector<16xi32>,
    %get3A_55 = vector.shape_cast %get3A_54 : vector<16xi32> to vector<16xi32>
    %and3A_56 = arith.constant 16383 : i32
    %and3A_57 = vector.broadcast %and3A_56 : i32 to vector<16xi32>
    %and3A_58 = arith.andi %get3A_55, %and3A_57 : vector<16xi32>
    %swap3A_59 = arith.constant 0 : i32
    %swap3A_60 = arith.index_cast %swap3A_59 : i32 to index
    %swap3A_61 = arith.constant 24 : index
    %swap3A_62 = tpu.vector_load %arg7[%swap3A_60, %swap3A_61] {strides = array<i32>} : memref<2x40xi32, #tpu.memory_space<vmem>>, vector<1x16xi32>,
    %swap3A_63 = vector.shape_cast %swap3A_62 : vector<1x16xi32> to vector<16xi32>
    %swap3A_64 = vector.shape_cast %and3A_58 : vector<16xi32> to vector<1x16xi32>
    tpu.vector_store %arg7[%swap3A_60, %swap3A_61], %swap3A_64 {strides = array<i32>} : memref<2x40xi32, #tpu.memory_space<vmem>>, vector<1x16xi32>,
    %get3A_65 = arith.constant 40 : index
    %get3A_66 = tpu.vector_load %arg6[%get3A_65] {strides = array<i32>} : memref<10112xi32, #tpu.memory_space<vmem>>, vector<16xi32>,
    %get3A_67 = vector.shape_cast %get3A_66 : vector<16xi32> to vector<16xi32>
    %and3A_68 = arith.constant 16383 : i32
    %and3A_69 = vector.broadcast %and3A_68 : i32 to vector<16xi32>
    %and3A_70 = arith.andi %get3A_67, %and3A_69 : vector<16xi32>
    %swap3A_71 = arith.constant 1 : i32
    %swap3A_72 = arith.index_cast %swap3A_71 : i32 to index
    %swap3A_73 = arith.constant 0 : index
    %swap3A_74 = tpu.vector_load %arg7[%swap3A_72, %swap3A_73] {strides = array<i32>} : memref<2x40xi32, #tpu.memory_space<vmem>>, vector<1x16xi32>,
    %swap3A_75 = vector.shape_cast %swap3A_74 : vector<1x16xi32> to vector<16xi32>
    %swap3A_76 = vector.shape_cast %and3A_70 : vector<16xi32> to vector<1x16xi32>
    tpu.vector_store %arg7[%swap3A_72, %swap3A_73], %swap3A_76 {strides = array<i32>} : memref<2x40xi32, #tpu.memory_space<vmem>>, vector<1x16xi32>,
    %get3A_77 = arith.constant 56 : index
    %get3A_78 = tpu.vector_load %arg6[%get3A_77] {strides = array<i32>} : memref<10112xi32, #tpu.memory_space<vmem>>, vector<16xi32>,
    %get3A_79 = vector.shape_cast %get3A_78 : vector<16xi32> to vector<16xi32>
    %and3A_80 = arith.constant 16383 : i32
    %and3A_81 = vector.broadcast %and3A_80 : i32 to vector<16xi32>
    %and3A_82 = arith.andi %get3A_79, %and3A_81 : vector<16xi32>
    %swap3A_83 = arith.constant 1 : i32
    %swap3A_84 = arith.index_cast %swap3A_83 : i32 to index
    %swap3A_85 = arith.constant 16 : index
    %swap3A_86 = tpu.vector_load %arg7[%swap3A_84, %swap3A_85] {strides = array<i32>} : memref<2x40xi32, #tpu.memory_space<vmem>>, vector<1x16xi32>,
    %swap3A_87 = vector.shape_cast %swap3A_86 : vector<1x16xi32> to vector<16xi32>
    %swap3A_88 = vector.shape_cast %and3A_82 : vector<16xi32> to vector<1x16xi32>
    tpu.vector_store %arg7[%swap3A_84, %swap3A_85], %swap3A_88 {strides = array<i32>} : memref<2x40xi32, #tpu.memory_space<vmem>>, vector<1x16xi32>,
    %get3A_89 = arith.constant 64 : index
    %get3A_90 = tpu.vector_load %arg6[%get3A_89] {strides = array<i32>} : memref<10112xi32, #tpu.memory_space<vmem>>, vector<16xi32>,
    %get3A_91 = vector.shape_cast %get3A_90 : vector<16xi32> to vector<16xi32>
    %and3A_92 = arith.constant 16383 : i32
    %and3A_93 = vector.broadcast %and3A_92 : i32 to vector<16xi32>
    %and3A_94 = arith.andi %get3A_91, %and3A_93 : vector<16xi32>
    %swap3A_95 = arith.constant 1 : i32
    %swap3A_96 = arith.index_cast %swap3A_95 : i32 to index
    %swap3A_97 = arith.constant 24 : index
    %swap3A_98 = tpu.vector_load %arg7[%swap3A_96, %swap3A_97] {strides = array<i32>} : memref<2x40xi32, #tpu.memory_space<vmem>>, vector<1x16xi32>,
    %swap3A_99 = vector.shape_cast %swap3A_98 : vector<1x16xi32> to vector<16xi32>
    %swap3A_100 = vector.shape_cast %and3A_94 : vector<16xi32> to vector<1x16xi32>
    tpu.vector_store %arg7[%swap3A_96, %swap3A_97], %swap3A_100 {strides = array<i32>} : memref<2x40xi32, #tpu.memory_space<vmem>>, vector<1x16xi32>,
    %barrier3A = arith.constant 0 : index
    tpu.barrier barrier_id(%barrier3A)
    %add3A_101 = arith.constant 0 : i32
    %add3A_102 = arith.addi %mul3A_2, %add3A_101 : i32
    %dma_start3A_103 = arith.constant 0 : i32
    %dma_start3A_104 = arith.constant 0 : i32
    %dma_start3A_105 = arith.constant 0 : i32
    %dma_start3A_106 = tpu.memref_slice %arg10[%dma_start3A_103, %dma_start3A_104, %dma_start3A_105] : memref<2x40x128xf32, #tpu.memory_space<vmem>> -> memref<1x40x128xf32, #tpu.memory_space<vmem>>
    %dma_start3A_107 = tpu.memref_squeeze %dma_start3A_106 : memref<1x40x128xf32, #tpu.memory_space<vmem>> -> memref<40x128xf32, #tpu.memory_space<vmem>>
    %dma_start3A_108 = arith.constant 0 : i32
    %dma_start3A_109 = tpu.memref_slice %arg4[%add3A_102, %dma_start3A_108] : memref<320000x128xf32, #tpu.memory_space<hbm>> -> memref<40x128xf32, #tpu.memory_space<hbm>>
    %dma_start3A_110 = arith.constant 0 : i32
    %dma_start3A_111 = arith.constant 0 : i32
    %dma_start3A_112 = tpu.memref_slice %arg10[%dma_start3A_103, %dma_start3A_110, %dma_start3A_111] : memref<2x40x128xf32, #tpu.memory_space<vmem>> -> memref<1x40x128xf32, #tpu.memory_space<vmem>>
    %dma_start3A_113 = tpu.memref_squeeze %dma_start3A_112 : memref<1x40x128xf32, #tpu.memory_space<vmem>> -> memref<40x128xf32, #tpu.memory_space<vmem>>
    %dma_start3A_114 = arith.constant 0 : i32
    %dma_start3A_115 = tpu.memref_slice %arg4[%add3A_102, %dma_start3A_114] : memref<320000x128xf32, #tpu.memory_space<hbm>> -> memref<40x128xf32, #tpu.memory_space<hbm>>
    tpu.enqueue_dma source(%dma_start3A_115 : memref<40x128xf32, #tpu.memory_space<hbm>>) target(%dma_start3A_113 : memref<40x128xf32, #tpu.memory_space<vmem>>) target_semaphore(%arg17 : memref<!tpu.dma_semaphore, #tpu.memory_space<semaphore_mem>>)
    %dma_start3A_116 = arith.constant 0 : i32
    %dma_start3A_117 = arith.constant 0 : i32
    %dma_start3A_118 = arith.constant 0 : i32
    %dma_start3A_119 = arith.constant 0 : i32
    %dma_start3A_120 = tpu.memref_slice %arg9[%dma_start3A_117, %dma_start3A_118, %dma_start3A_119] : memref<2x40x128xf32, #tpu.memory_space<vmem>> -> memref<1x40x128xf32, #tpu.memory_space<vmem>>
    %dma_start3A_121 = tpu.memref_squeeze %dma_start3A_120 : memref<1x40x128xf32, #tpu.memory_space<vmem>> -> memref<40x128xf32, #tpu.memory_space<vmem>>
    %dma_start3A_122 = arith.constant 0 : i32
    %dma_start3A_123 = tpu.memref_slice %arg7[%dma_start3A_116, %dma_start3A_122] : memref<2x40xi32, #tpu.memory_space<vmem>> -> memref<1x40xi32, #tpu.memory_space<vmem>>
    %dma_start3A_124 = tpu.memref_squeeze %dma_start3A_123 : memref<1x40xi32, #tpu.memory_space<vmem>> -> memref<40xi32, #tpu.memory_space<vmem>>
    %dma_start3A_125 = arith.constant 0 : i32
    %dma_start3A_126 = arith.constant 0 : i32
    %dma_start3A_127 = tpu.memref_slice %arg2[%dma_start3A_125, %dma_start3A_126] : memref<10000x128xf32, #tpu.memory_space<hbm>> -> memref<10000x128xf32, #tpu.memory_space<hbm>>
    tpu.enqueue_indirect_dma source(%dma_start3A_127 : memref<10000x128xf32, #tpu.memory_space<hbm>>) target(%dma_start3A_121 : memref<40x128xf32, #tpu.memory_space<vmem>>) offsets(%dma_start3A_124 : memref<40xi32, #tpu.memory_space<vmem>>) semaphore(%arg15 : memref<!tpu.dma_semaphore, #tpu.memory_space<semaphore_mem>>)
    %add3A_128 = arith.constant 40 : i32
    %add3A_129 = arith.addi %mul3A_2, %add3A_128 : i32
    %dma_start3A_130 = arith.constant 1 : i32
    %dma_start3A_131 = arith.constant 0 : i32
    %dma_start3A_132 = arith.constant 0 : i32
    %dma_start3A_133 = tpu.memref_slice %arg10[%dma_start3A_130, %dma_start3A_131, %dma_start3A_132] : memref<2x40x128xf32, #tpu.memory_space<vmem>> -> memref<1x40x128xf32, #tpu.memory_space<vmem>>
    %dma_start3A_134 = tpu.memref_squeeze %dma_start3A_133 : memref<1x40x128xf32, #tpu.memory_space<vmem>> -> memref<40x128xf32, #tpu.memory_space<vmem>>
    %dma_start3A_135 = arith.constant 0 : i32
    %dma_start3A_136 = tpu.memref_slice %arg4[%add3A_129, %dma_start3A_135] : memref<320000x128xf32, #tpu.memory_space<hbm>> -> memref<40x128xf32, #tpu.memory_space<hbm>>
    %dma_start3A_137 = arith.constant 0 : i32
    %dma_start3A_138 = arith.constant 0 : i32
    %dma_start3A_139 = tpu.memref_slice %arg10[%dma_start3A_130, %dma_start3A_137, %dma_start3A_138] : memref<2x40x128xf32, #tpu.memory_space<vmem>> -> memref<1x40x128xf32, #tpu.memory_space<vmem>>
    %dma_start3A_140 = tpu.memref_squeeze %dma_start3A_139 : memref<1x40x128xf32, #tpu.memory_space<vmem>> -> memref<40x128xf32, #tpu.memory_space<vmem>>
    %dma_start3A_141 = arith.constant 0 : i32
    %dma_start3A_142 = tpu.memref_slice %arg4[%add3A_129, %dma_start3A_141] : memref<320000x128xf32, #tpu.memory_space<hbm>> -> memref<40x128xf32, #tpu.memory_space<hbm>>
    tpu.enqueue_dma source(%dma_start3A_142 : memref<40x128xf32, #tpu.memory_space<hbm>>) target(%dma_start3A_140 : memref<40x128xf32, #tpu.memory_space<vmem>>) target_semaphore(%arg18 : memref<!tpu.dma_semaphore, #tpu.memory_space<semaphore_mem>>)
    %dma_start3A_143 = arith.constant 1 : i32
    %dma_start3A_144 = arith.constant 1 : i32
    %dma_start3A_145 = arith.constant 0 : i32
    %dma_start3A_146 = arith.constant 0 : i32
    %dma_start3A_147 = tpu.memref_slice %arg9[%dma_start3A_144, %dma_start3A_145, %dma_start3A_146] : memref<2x40x128xf32, #tpu.memory_space<vmem>> -> memref<1x40x128xf32, #tpu.memory_space<vmem>>
    %dma_start3A_148 = tpu.memref_squeeze %dma_start3A_147 : memref<1x40x128xf32, #tpu.memory_space<vmem>> -> memref<40x128xf32, #tpu.memory_space<vmem>>
    %dma_start3A_149 = arith.constant 0 : i32
    %dma_start3A_150 = tpu.memref_slice %arg7[%dma_start3A_143, %dma_start3A_149] : memref<2x40xi32, #tpu.memory_space<vmem>> -> memref<1x40xi32, #tpu.memory_space<vmem>>
    %dma_start3A_151 = tpu.memref_squeeze %dma_start3A_150 : memref<1x40xi32, #tpu.memory_space<vmem>> -> memref<40xi32, #tpu.memory_space<vmem>>
    %dma_start3A_152 = arith.constant 0 : i32
    %dma_start3A_153 = arith.constant 0 : i32
    %dma_start3A_154 = tpu.memref_slice %arg2[%dma_start3A_152, %dma_start3A_153] : memref<10000x128xf32, #tpu.memory_space<hbm>> -> memref<10000x128xf32, #tpu.memory_space<hbm>>
    tpu.enqueue_indirect_dma source(%dma_start3A_154 : memref<10000x128xf32, #tpu.memory_space<hbm>>) target(%dma_start3A_148 : memref<40x128xf32, #tpu.memory_space<vmem>>) offsets(%dma_start3A_151 : memref<40xi32, #tpu.memory_space<vmem>>) semaphore(%arg16 : memref<!tpu.dma_semaphore, #tpu.memory_space<semaphore_mem>>)
    %scan3A_155 = arith.constant 0 : i32
    %scan3A_156 = arith.constant 125 : i32
    %scan3A_157 = arith.addi %scan3A_155, %scan3A_156 : i32
    %scan3A_158 = arith.constant 1 : i32
    scf.for %scan3A_195 = %scan3A_155 to %scan3A_157 step %scan3A_158  : i32 {
      %mul3A_196 = arith.constant 1 : i32
      %mul3A_197 = arith.muli %scan3A_195, %mul3A_196 : i32
      %add3A_198 = arith.constant 0 : i32
      %add3A_199 = arith.addi %add3A_198, %mul3A_197 : i32
      %mul3A_200 = arith.constant 2 : i32
      %mul3A_201 = arith.muli %mul3A_200, %add3A_199 : i32
      %add3A_202 = arith.constant 0 : i32
      %add3A_203 = arith.addi %mul3A_201, %add3A_202 : i32
      %mul3A_204 = arith.constant 40 : i32
      %mul3A_205 = arith.muli %add3A_203, %mul3A_204 : i32
      %add3A_206 = arith.addi %mul3A_2, %mul3A_205 : i32
      %dma_wait3A_207 = arith.constant 0 : i32
      %dma_wait3A_208 = arith.constant 0 : i32
      %dma_wait3A_209 = arith.constant 0 : i32
      %dma_wait3A_210 = tpu.memref_slice %arg10[%dma_wait3A_207, %dma_wait3A_208, %dma_wait3A_209] : memref<2x40x128xf32, #tpu.memory_space<vmem>> -> memref<1x40x128xf32, #tpu.memory_space<vmem>>
      %dma_wait3A_211 = tpu.memref_squeeze %dma_wait3A_210 : memref<1x40x128xf32, #tpu.memory_space<vmem>> -> memref<40x128xf32, #tpu.memory_space<vmem>>
      %dma_wait3A_212 = arith.constant 0 : i32
      %dma_wait3A_213 = tpu.memref_slice %arg4[%add3A_206, %dma_wait3A_212] : memref<320000x128xf32, #tpu.memory_space<hbm>> -> memref<40x128xf32, #tpu.memory_space<hbm>>
      %dma_wait3A_214 = arith.constant 0 : i32
      %dma_wait3A_215 = arith.constant 0 : i32
      %dma_wait3A_216 = tpu.memref_slice %arg10[%dma_wait3A_207, %dma_wait3A_214, %dma_wait3A_215] : memref<2x40x128xf32, #tpu.memory_space<vmem>> -> memref<1x40x128xf32, #tpu.memory_space<vmem>>
      %dma_wait3A_217 = tpu.memref_squeeze %dma_wait3A_216 : memref<1x40x128xf32, #tpu.memory_space<vmem>> -> memref<40x128xf32, #tpu.memory_space<vmem>>
      %dma_wait3A_218 = arith.constant 0 : i32
      %dma_wait3A_219 = tpu.memref_slice %arg4[%add3A_206, %dma_wait3A_218] : memref<320000x128xf32, #tpu.memory_space<hbm>> -> memref<40x128xf32, #tpu.memory_space<hbm>>
      tpu.wait_dma2 semaphore(%arg17 : memref<!tpu.dma_semaphore, #tpu.memory_space<semaphore_mem>>) src(%dma_wait3A_219 : memref<40x128xf32, #tpu.memory_space<hbm>>) dst(%dma_wait3A_217 : memref<40x128xf32, #tpu.memory_space<vmem>>)
      %dma_wait3A_220 = arith.constant 0 : i32
      %dma_wait3A_221 = arith.constant 0 : i32
      %dma_wait3A_222 = arith.constant 0 : i32
      %dma_wait3A_223 = arith.constant 0 : i32
      %dma_wait3A_224 = tpu.memref_slice %arg9[%dma_wait3A_221, %dma_wait3A_222, %dma_wait3A_223] : memref<2x40x128xf32, #tpu.memory_space<vmem>> -> memref<1x40x128xf32, #tpu.memory_space<vmem>>
      %dma_wait3A_225 = tpu.memref_squeeze %dma_wait3A_224 : memref<1x40x128xf32, #tpu.memory_space<vmem>> -> memref<40x128xf32, #tpu.memory_space<vmem>>
      %dma_wait3A_226 = arith.constant 0 : i32
      %dma_wait3A_227 = tpu.memref_slice %arg7[%dma_wait3A_220, %dma_wait3A_226] : memref<2x40xi32, #tpu.memory_space<vmem>> -> memref<1x40xi32, #tpu.memory_space<vmem>>
      %dma_wait3A_228 = tpu.memref_squeeze %dma_wait3A_227 : memref<1x40xi32, #tpu.memory_space<vmem>> -> memref<40xi32, #tpu.memory_space<vmem>>
      %dma_wait3A_229 = arith.constant 0 : i32
      %dma_wait3A_230 = arith.constant 0 : i32
      %dma_wait3A_231 = tpu.memref_slice %arg2[%dma_wait3A_229, %dma_wait3A_230] : memref<10000x128xf32, #tpu.memory_space<hbm>> -> memref<10000x128xf32, #tpu.memory_space<hbm>>
      tpu.wait_indirect_dma semaphore(%arg15 : memref<!tpu.dma_semaphore, #tpu.memory_space<semaphore_mem>>) src(%dma_wait3A_231 : memref<10000x128xf32, #tpu.memory_space<hbm>>) dst(%dma_wait3A_225 : memref<40x128xf32, #tpu.memory_space<vmem>>)
      %gt3A = arith.constant 0 : i32
      %gt3A_232 = arith.cmpi sgt, %add3A_199, %gt3A : i32
      %convert_element_type3A = arith.extui %gt3A_232 : i1 to i32
      %cond3A = arith.constant 0 : i32
      %cond3A_233 = arith.cmpi ne, %convert_element_type3A, %cond3A : i32
      scf.if %cond3A_233 {
        %sub3A = arith.constant 2 : i32
        %sub3A_408 = arith.subi %add3A_203, %sub3A : i32
        %dma_wait3A_409 = arith.constant 0 : i32
        %dma_wait3A_410 = arith.constant 0 : i32
        %dma_wait3A_411 = arith.constant 0 : i32
        %dma_wait3A_412 = arith.constant 0 : i32
        %dma_wait3A_413 = tpu.memref_slice %arg11[%dma_wait3A_409, %dma_wait3A_411, %dma_wait3A_412] : memref<2x40x128xf32, #tpu.memory_space<vmem>> -> memref<1x40x128xf32, #tpu.memory_space<vmem>>
        %dma_wait3A_414 = tpu.memref_squeeze %dma_wait3A_413 : memref<1x40x128xf32, #tpu.memory_space<vmem>> -> memref<40x128xf32, #tpu.memory_space<vmem>>
        %dma_wait3A_415 = arith.constant 0 : i32
        %dma_wait3A_416 = tpu.memref_slice %arg8[%dma_wait3A_410, %dma_wait3A_415] : memref<2x40xi32, #tpu.memory_space<vmem>> -> memref<1x40xi32, #tpu.memory_space<vmem>>
        %dma_wait3A_417 = tpu.memref_squeeze %dma_wait3A_416 : memref<1x40xi32, #tpu.memory_space<vmem>> -> memref<40xi32, #tpu.memory_space<vmem>>
        %dma_wait3A_418 = arith.constant 0 : i32
        %dma_wait3A_419 = arith.constant 0 : i32
        %dma_wait3A_420 = tpu.memref_slice %arg12[%dma_wait3A_418, %dma_wait3A_419] : memref<10240x128xf32, #tpu.memory_space<vmem_shared>> -> memref<10240x128xf32, #tpu.memory_space<vmem_shared>>
        tpu.wait_indirect_dma semaphore(%arg19 : memref<!tpu.dma_semaphore, #tpu.memory_space<semaphore_mem>>) src(%dma_wait3A_414 : memref<40x128xf32, #tpu.memory_space<vmem>>) dst(%dma_wait3A_420 : memref<10240x128xf32, #tpu.memory_space<vmem_shared>>)
      } else {
      }
      %mul3A_234 = arith.constant 40 : i32
      %mul3A_235 = arith.muli %add3A_203, %mul3A_234 : i32
      %add3A_236 = arith.constant 0 : i32
      %add3A_237 = arith.addi %mul3A_235, %add3A_236 : i32
      %get3A_238 = arith.index_cast %add3A_237 : i32 to index
      %get3A_239 = tpu.vector_load %arg6[%get3A_238] {strides = array<i32>} : memref<10112xi32, #tpu.memory_space<vmem>>, vector<16xi32>,
      %get3A_240 = vector.shape_cast %get3A_239 : vector<16xi32> to vector<16xi32>
      %shift_right_logical3A = arith.constant 14 : i32
      %shift_right_logical3A_241 = vector.broadcast %shift_right_logical3A : i32 to vector<16xi32>
      %shift_right_logical3A_242 = arith.shrui %get3A_240, %shift_right_logical3A_241 : vector<16xi32>
      %swap3A_243 = arith.constant 0 : i32
      %swap3A_244 = arith.index_cast %swap3A_243 : i32 to index
      %swap3A_245 = arith.constant 0 : index
      %swap3A_246 = tpu.vector_load %arg8[%swap3A_244, %swap3A_245] {strides = array<i32>} : memref<2x40xi32, #tpu.memory_space<vmem>>, vector<1x16xi32>,
      %swap3A_247 = vector.shape_cast %swap3A_246 : vector<1x16xi32> to vector<16xi32>
      %swap3A_248 = vector.shape_cast %shift_right_logical3A_242 : vector<16xi32> to vector<1x16xi32>
      tpu.vector_store %arg8[%swap3A_244, %swap3A_245], %swap3A_248 {strides = array<i32>} : memref<2x40xi32, #tpu.memory_space<vmem>>, vector<1x16xi32>,
      %mul3A_249 = arith.constant 40 : i32
      %mul3A_250 = arith.muli %add3A_203, %mul3A_249 : i32
      %add3A_251 = arith.constant 16 : i32
      %add3A_252 = arith.addi %mul3A_250, %add3A_251 : i32
      %get3A_253 = arith.index_cast %add3A_252 : i32 to index
      %get3A_254 = tpu.vector_load %arg6[%get3A_253] {strides = array<i32>} : memref<10112xi32, #tpu.memory_space<vmem>>, vector<16xi32>,
      %get3A_255 = vector.shape_cast %get3A_254 : vector<16xi32> to vector<16xi32>
      %shift_right_logical3A_256 = arith.constant 14 : i32
      %shift_right_logical3A_257 = vector.broadcast %shift_right_logical3A_256 : i32 to vector<16xi32>
      %shift_right_logical3A_258 = arith.shrui %get3A_255, %shift_right_logical3A_257 : vector<16xi32>
      %swap3A_259 = arith.constant 0 : i32
      %swap3A_260 = arith.index_cast %swap3A_259 : i32 to index
      %swap3A_261 = arith.constant 16 : index
      %swap3A_262 = tpu.vector_load %arg8[%swap3A_260, %swap3A_261] {strides = array<i32>} : memref<2x40xi32, #tpu.memory_space<vmem>>, vector<1x16xi32>,
      %swap3A_263 = vector.shape_cast %swap3A_262 : vector<1x16xi32> to vector<16xi32>
      %swap3A_264 = vector.shape_cast %shift_right_logical3A_258 : vector<16xi32> to vector<1x16xi32>
      tpu.vector_store %arg8[%swap3A_260, %swap3A_261], %swap3A_264 {strides = array<i32>} : memref<2x40xi32, #tpu.memory_space<vmem>>, vector<1x16xi32>,
      %mul3A_265 = arith.constant 40 : i32
      %mul3A_266 = arith.muli %add3A_203, %mul3A_265 : i32
      %add3A_267 = arith.constant 24 : i32
      %add3A_268 = arith.addi %mul3A_266, %add3A_267 : i32
      %get3A_269 = arith.index_cast %add3A_268 : i32 to index
      %get3A_270 = tpu.vector_load %arg6[%get3A_269] {strides = array<i32>} : memref<10112xi32, #tpu.memory_space<vmem>>, vector<16xi32>,
      %get3A_271 = vector.shape_cast %get3A_270 : vector<16xi32> to vector<16xi32>
      %shift_right_logical3A_272 = arith.constant 14 : i32
      %shift_right_logical3A_273 = vector.broadcast %shift_right_logical3A_272 : i32 to vector<16xi32>
      %shift_right_logical3A_274 = arith.shrui %get3A_271, %shift_right_logical3A_273 : vector<16xi32>
      %swap3A_275 = arith.constant 0 : i32
      %swap3A_276 = arith.index_cast %swap3A_275 : i32 to index
      %swap3A_277 = arith.constant 24 : index
      %swap3A_278 = tpu.vector_load %arg8[%swap3A_276, %swap3A_277] {strides = array<i32>} : memref<2x40xi32, #tpu.memory_space<vmem>>, vector<1x16xi32>,
      %swap3A_279 = vector.shape_cast %swap3A_278 : vector<1x16xi32> to vector<16xi32>
      %swap3A_280 = vector.shape_cast %shift_right_logical3A_274 : vector<16xi32> to vector<1x16xi32>
      tpu.vector_store %arg8[%swap3A_276, %swap3A_277], %swap3A_280 {strides = array<i32>} : memref<2x40xi32, #tpu.memory_space<vmem>>, vector<1x16xi32>,
      %parallel_loop3A = arith.constant 0 : i32
      %parallel_loop3A_281 = arith.constant 40 : i32
      %parallel_loop3A_282 = arith.constant 1 : i32
      scf.for %parallel_loop3A_408 = %parallel_loop3A to %parallel_loop3A_281 step %parallel_loop3A_282  : i32 {
        %parallel_loop3A_409 = arith.constant 0 : i32
        %parallel_loop3A_410 = arith.index_cast %parallel_loop3A_409 : i32 to index
        %parallel_loop3A_411 = arith.index_cast %parallel_loop3A_408 : i32 to index
        %parallel_loop3A_412 = arith.constant 0 : index
        %parallel_loop3A_413 = tpu.vector_load %arg9[%parallel_loop3A_410, %parallel_loop3A_411, %parallel_loop3A_412] {strides = array<i32>} : memref<2x40x128xf32, #tpu.memory_space<vmem>>, vector<1x1x16xf32>,
        %parallel_loop3A_414 = vector.shape_cast %parallel_loop3A_413 : vector<1x1x16xf32> to vector<16xf32>
        %parallel_loop3A_415 = arith.constant 0 : i32
        %parallel_loop3A_416 = arith.index_cast %parallel_loop3A_415 : i32 to index
        %parallel_loop3A_417 = arith.index_cast %parallel_loop3A_408 : i32 to index
        %parallel_loop3A_418 = arith.constant 0 : index
        %parallel_loop3A_419 = tpu.vector_load %arg10[%parallel_loop3A_416, %parallel_loop3A_417, %parallel_loop3A_418] {strides = array<i32>} : memref<2x40x128xf32, #tpu.memory_space<vmem>>, vector<1x1x16xf32>,
        %parallel_loop3A_420 = vector.shape_cast %parallel_loop3A_419 : vector<1x1x16xf32> to vector<16xf32>
        %parallel_loop3A_421 = arith.addf %parallel_loop3A_414, %parallel_loop3A_420 : vector<16xf32>
        %parallel_loop3A_422 = arith.constant 0.000000e+00 : f32
        %parallel_loop3A_423 = vector.broadcast %parallel_loop3A_422 : f32 to vector<16xf32>
        %parallel_loop3A_424 = arith.maximumf %parallel_loop3A_421, %parallel_loop3A_423 : vector<16xf32>
        %parallel_loop3A_425 = arith.constant 0 : i32
        %parallel_loop3A_426 = arith.index_cast %parallel_loop3A_425 : i32 to index
        %parallel_loop3A_427 = arith.index_cast %parallel_loop3A_408 : i32 to index
        %parallel_loop3A_428 = arith.constant 0 : index
        %parallel_loop3A_429 = tpu.vector_load %arg11[%parallel_loop3A_426, %parallel_loop3A_427, %parallel_loop3A_428] {strides = array<i32>} : memref<2x40x128xf32, #tpu.memory_space<vmem>>, vector<1x1x16xf32>,
        %parallel_loop3A_430 = vector.shape_cast %parallel_loop3A_429 : vector<1x1x16xf32> to vector<16xf32>
        %parallel_loop3A_431 = vector.shape_cast %parallel_loop3A_424 : vector<16xf32> to vector<1x1x16xf32>
        tpu.vector_store %arg11[%parallel_loop3A_426, %parallel_loop3A_427, %parallel_loop3A_428], %parallel_loop3A_431 {strides = array<i32>} : memref<2x40x128xf32, #tpu.memory_space<vmem>>, vector<1x1x16xf32>,
        %parallel_loop3A_432 = arith.constant 0 : i32
        %parallel_loop3A_433 = arith.index_cast %parallel_loop3A_432 : i32 to index
        %parallel_loop3A_434 = arith.index_cast %parallel_loop3A_408 : i32 to index
        %parallel_loop3A_435 = arith.constant 16 : index
        %parallel_loop3A_436 = tpu.vector_load %arg9[%parallel_loop3A_433, %parallel_loop3A_434, %parallel_loop3A_435] {strides = array<i32>} : memref<2x40x128xf32, #tpu.memory_space<vmem>>, vector<1x1x16xf32>,
        %parallel_loop3A_437 = vector.shape_cast %parallel_loop3A_436 : vector<1x1x16xf32> to vector<16xf32>
        %parallel_loop3A_438 = arith.constant 0 : i32
        %parallel_loop3A_439 = arith.index_cast %parallel_loop3A_438 : i32 to index
        %parallel_loop3A_440 = arith.index_cast %parallel_loop3A_408 : i32 to index
        %parallel_loop3A_441 = arith.constant 16 : index
        %parallel_loop3A_442 = tpu.vector_load %arg10[%parallel_loop3A_439, %parallel_loop3A_440, %parallel_loop3A_441] {strides = array<i32>} : memref<2x40x128xf32, #tpu.memory_space<vmem>>, vector<1x1x16xf32>,
        %parallel_loop3A_443 = vector.shape_cast %parallel_loop3A_442 : vector<1x1x16xf32> to vector<16xf32>
        %parallel_loop3A_444 = arith.addf %parallel_loop3A_437, %parallel_loop3A_443 : vector<16xf32>
        %parallel_loop3A_445 = arith.constant 0.000000e+00 : f32
        %parallel_loop3A_446 = vector.broadcast %parallel_loop3A_445 : f32 to vector<16xf32>
        %parallel_loop3A_447 = arith.maximumf %parallel_loop3A_444, %parallel_loop3A_446 : vector<16xf32>
        %parallel_loop3A_448 = arith.constant 0 : i32
        %parallel_loop3A_449 = arith.index_cast %parallel_loop3A_448 : i32 to index
        %parallel_loop3A_450 = arith.index_cast %parallel_loop3A_408 : i32 to index
        %parallel_loop3A_451 = arith.constant 16 : index
        %parallel_loop3A_452 = tpu.vector_load %arg11[%parallel_loop3A_449, %parallel_loop3A_450, %parallel_loop3A_451] {strides = array<i32>} : memref<2x40x128xf32, #tpu.memory_space<vmem>>, vector<1x1x16xf32>,
        %parallel_loop3A_453 = vector.shape_cast %parallel_loop3A_452 : vector<1x1x16xf32> to vector<16xf32>
        %parallel_loop3A_454 = vector.shape_cast %parallel_loop3A_447 : vector<16xf32> to vector<1x1x16xf32>
        tpu.vector_store %arg11[%parallel_loop3A_449, %parallel_loop3A_450, %parallel_loop3A_451], %parallel_loop3A_454 {strides = array<i32>} : memref<2x40x128xf32, #tpu.memory_space<vmem>>, vector<1x1x16xf32>,
        %parallel_loop3A_455 = arith.constant 0 : i32
        %parallel_loop3A_456 = arith.index_cast %parallel_loop3A_455 : i32 to index
        %parallel_loop3A_457 = arith.index_cast %parallel_loop3A_408 : i32 to index
        %parallel_loop3A_458 = arith.constant 32 : index
        %parallel_loop3A_459 = tpu.vector_load %arg9[%parallel_loop3A_456, %parallel_loop3A_457, %parallel_loop3A_458] {strides = array<i32>} : memref<2x40x128xf32, #tpu.memory_space<vmem>>, vector<1x1x16xf32>,
        %parallel_loop3A_460 = vector.shape_cast %parallel_loop3A_459 : vector<1x1x16xf32> to vector<16xf32>
        %parallel_loop3A_461 = arith.constant 0 : i32
        %parallel_loop3A_462 = arith.index_cast %parallel_loop3A_461 : i32 to index
        %parallel_loop3A_463 = arith.index_cast %parallel_loop3A_408 : i32 to index
        %parallel_loop3A_464 = arith.constant 32 : index
        %parallel_loop3A_465 = tpu.vector_load %arg10[%parallel_loop3A_462, %parallel_loop3A_463, %parallel_loop3A_464] {strides = array<i32>} : memref<2x40x128xf32, #tpu.memory_space<vmem>>, vector<1x1x16xf32>,
        %parallel_loop3A_466 = vector.shape_cast %parallel_loop3A_465 : vector<1x1x16xf32> to vector<16xf32>
        %parallel_loop3A_467 = arith.addf %parallel_loop3A_460, %parallel_loop3A_466 : vector<16xf32>
        %parallel_loop3A_468 = arith.constant 0.000000e+00 : f32
        %parallel_loop3A_469 = vector.broadcast %parallel_loop3A_468 : f32 to vector<16xf32>
        %parallel_loop3A_470 = arith.maximumf %parallel_loop3A_467, %parallel_loop3A_469 : vector<16xf32>
        %parallel_loop3A_471 = arith.constant 0 : i32
        %parallel_loop3A_472 = arith.index_cast %parallel_loop3A_471 : i32 to index
        %parallel_loop3A_473 = arith.index_cast %parallel_loop3A_408 : i32 to index
        %parallel_loop3A_474 = arith.constant 32 : index
        %parallel_loop3A_475 = tpu.vector_load %arg11[%parallel_loop3A_472, %parallel_loop3A_473, %parallel_loop3A_474] {strides = array<i32>} : memref<2x40x128xf32, #tpu.memory_space<vmem>>, vector<1x1x16xf32>,
        %parallel_loop3A_476 = vector.shape_cast %parallel_loop3A_475 : vector<1x1x16xf32> to vector<16xf32>
        %parallel_loop3A_477 = vector.shape_cast %parallel_loop3A_470 : vector<16xf32> to vector<1x1x16xf32>
        tpu.vector_store %arg11[%parallel_loop3A_472, %parallel_loop3A_473, %parallel_loop3A_474], %parallel_loop3A_477 {strides = array<i32>} : memref<2x40x128xf32, #tpu.memory_space<vmem>>, vector<1x1x16xf32>,
        %parallel_loop3A_478 = arith.constant 0 : i32
        %parallel_loop3A_479 = arith.index_cast %parallel_loop3A_478 : i32 to index
        %parallel_loop3A_480 = arith.index_cast %parallel_loop3A_408 : i32 to index
        %parallel_loop3A_481 = arith.constant 48 : index
        %parallel_loop3A_482 = tpu.vector_load %arg9[%parallel_loop3A_479, %parallel_loop3A_480, %parallel_loop3A_481] {strides = array<i32>} : memref<2x40x128xf32, #tpu.memory_space<vmem>>, vector<1x1x16xf32>,
        %parallel_loop3A_483 = vector.shape_cast %parallel_loop3A_482 : vector<1x1x16xf32> to vector<16xf32>
        %parallel_loop3A_484 = arith.constant 0 : i32
        %parallel_loop3A_485 = arith.index_cast %parallel_loop3A_484 : i32 to index
        %parallel_loop3A_486 = arith.index_cast %parallel_loop3A_408 : i32 to index
        %parallel_loop3A_487 = arith.constant 48 : index
        %parallel_loop3A_488 = tpu.vector_load %arg10[%parallel_loop3A_485, %parallel_loop3A_486, %parallel_loop3A_487] {strides = array<i32>} : memref<2x40x128xf32, #tpu.memory_space<vmem>>, vector<1x1x16xf32>,
        %parallel_loop3A_489 = vector.shape_cast %parallel_loop3A_488 : vector<1x1x16xf32> to vector<16xf32>
        %parallel_loop3A_490 = arith.addf %parallel_loop3A_483, %parallel_loop3A_489 : vector<16xf32>
        %parallel_loop3A_491 = arith.constant 0.000000e+00 : f32
        %parallel_loop3A_492 = vector.broadcast %parallel_loop3A_491 : f32 to vector<16xf32>
        %parallel_loop3A_493 = arith.maximumf %parallel_loop3A_490, %parallel_loop3A_492 : vector<16xf32>
        %parallel_loop3A_494 = arith.constant 0 : i32
        %parallel_loop3A_495 = arith.index_cast %parallel_loop3A_494 : i32 to index
        %parallel_loop3A_496 = arith.index_cast %parallel_loop3A_408 : i32 to index
        %parallel_loop3A_497 = arith.constant 48 : index
        %parallel_loop3A_498 = tpu.vector_load %arg11[%parallel_loop3A_495, %parallel_loop3A_496, %parallel_loop3A_497] {strides = array<i32>} : memref<2x40x128xf32, #tpu.memory_space<vmem>>, vector<1x1x16xf32>,
        %parallel_loop3A_499 = vector.shape_cast %parallel_loop3A_498 : vector<1x1x16xf32> to vector<16xf32>
        %parallel_loop3A_500 = vector.shape_cast %parallel_loop3A_493 : vector<16xf32> to vector<1x1x16xf32>
        tpu.vector_store %arg11[%parallel_loop3A_495, %parallel_loop3A_496, %parallel_loop3A_497], %parallel_loop3A_500 {strides = array<i32>} : memref<2x40x128xf32, #tpu.memory_space<vmem>>, vector<1x1x16xf32>,
        %parallel_loop3A_501 = arith.constant 0 : i32
        %parallel_loop3A_502 = arith.index_cast %parallel_loop3A_501 : i32 to index
        %parallel_loop3A_503 = arith.index_cast %parallel_loop3A_408 : i32 to index
        %parallel_loop3A_504 = arith.constant 64 : index
        %parallel_loop3A_505 = tpu.vector_load %arg9[%parallel_loop3A_502, %parallel_loop3A_503, %parallel_loop3A_504] {strides = array<i32>} : memref<2x40x128xf32, #tpu.memory_space<vmem>>, vector<1x1x16xf32>,
        %parallel_loop3A_506 = vector.shape_cast %parallel_loop3A_505 : vector<1x1x16xf32> to vector<16xf32>
        %parallel_loop3A_507 = arith.constant 0 : i32
        %parallel_loop3A_508 = arith.index_cast %parallel_loop3A_507 : i32 to index
        %parallel_loop3A_509 = arith.index_cast %parallel_loop3A_408 : i32 to index
        %parallel_loop3A_510 = arith.constant 64 : index
        %parallel_loop3A_511 = tpu.vector_load %arg10[%parallel_loop3A_508, %parallel_loop3A_509, %parallel_loop3A_510] {strides = array<i32>} : memref<2x40x128xf32, #tpu.memory_space<vmem>>, vector<1x1x16xf32>,
        %parallel_loop3A_512 = vector.shape_cast %parallel_loop3A_511 : vector<1x1x16xf32> to vector<16xf32>
        %parallel_loop3A_513 = arith.addf %parallel_loop3A_506, %parallel_loop3A_512 : vector<16xf32>
        %parallel_loop3A_514 = arith.constant 0.000000e+00 : f32
        %parallel_loop3A_515 = vector.broadcast %parallel_loop3A_514 : f32 to vector<16xf32>
        %parallel_loop3A_516 = arith.maximumf %parallel_loop3A_513, %parallel_loop3A_515 : vector<16xf32>
        %parallel_loop3A_517 = arith.constant 0 : i32
        %parallel_loop3A_518 = arith.index_cast %parallel_loop3A_517 : i32 to index
        %parallel_loop3A_519 = arith.index_cast %parallel_loop3A_408 : i32 to index
        %parallel_loop3A_520 = arith.constant 64 : index
        %parallel_loop3A_521 = tpu.vector_load %arg11[%parallel_loop3A_518, %parallel_loop3A_519, %parallel_loop3A_520] {strides = array<i32>} : memref<2x40x128xf32, #tpu.memory_space<vmem>>, vector<1x1x16xf32>,
        %parallel_loop3A_522 = vector.shape_cast %parallel_loop3A_521 : vector<1x1x16xf32> to vector<16xf32>
        %parallel_loop3A_523 = vector.shape_cast %parallel_loop3A_516 : vector<16xf32> to vector<1x1x16xf32>
        tpu.vector_store %arg11[%parallel_loop3A_518, %parallel_loop3A_519, %parallel_loop3A_520], %parallel_loop3A_523 {strides = array<i32>} : memref<2x40x128xf32, #tpu.memory_space<vmem>>, vector<1x1x16xf32>,
        %parallel_loop3A_524 = arith.constant 0 : i32
        %parallel_loop3A_525 = arith.index_cast %parallel_loop3A_524 : i32 to index
        %parallel_loop3A_526 = arith.index_cast %parallel_loop3A_408 : i32 to index
        %parallel_loop3A_527 = arith.constant 80 : index
        %parallel_loop3A_528 = tpu.vector_load %arg9[%parallel_loop3A_525, %parallel_loop3A_526, %parallel_loop3A_527] {strides = array<i32>} : memref<2x40x128xf32, #tpu.memory_space<vmem>>, vector<1x1x16xf32>,
        %parallel_loop3A_529 = vector.shape_cast %parallel_loop3A_528 : vector<1x1x16xf32> to vector<16xf32>
        %parallel_loop3A_530 = arith.constant 0 : i32
        %parallel_loop3A_531 = arith.index_cast %parallel_loop3A_530 : i32 to index
        %parallel_loop3A_532 = arith.index_cast %parallel_loop3A_408 : i32 to index
        %parallel_loop3A_533 = arith.constant 80 : index
        %parallel_loop3A_534 = tpu.vector_load %arg10[%parallel_loop3A_531, %parallel_loop3A_532, %parallel_loop3A_533] {strides = array<i32>} : memref<2x40x128xf32, #tpu.memory_space<vmem>>, vector<1x1x16xf32>,
        %parallel_loop3A_535 = vector.shape_cast %parallel_loop3A_534 : vector<1x1x16xf32> to vector<16xf32>
        %parallel_loop3A_536 = arith.addf %parallel_loop3A_529, %parallel_loop3A_535 : vector<16xf32>
        %parallel_loop3A_537 = arith.constant 0.000000e+00 : f32
        %parallel_loop3A_538 = vector.broadcast %parallel_loop3A_537 : f32 to vector<16xf32>
        %parallel_loop3A_539 = arith.maximumf %parallel_loop3A_536, %parallel_loop3A_538 : vector<16xf32>
        %parallel_loop3A_540 = arith.constant 0 : i32
        %parallel_loop3A_541 = arith.index_cast %parallel_loop3A_540 : i32 to index
        %parallel_loop3A_542 = arith.index_cast %parallel_loop3A_408 : i32 to index
        %parallel_loop3A_543 = arith.constant 80 : index
        %parallel_loop3A_544 = tpu.vector_load %arg11[%parallel_loop3A_541, %parallel_loop3A_542, %parallel_loop3A_543] {strides = array<i32>} : memref<2x40x128xf32, #tpu.memory_space<vmem>>, vector<1x1x16xf32>,
        %parallel_loop3A_545 = vector.shape_cast %parallel_loop3A_544 : vector<1x1x16xf32> to vector<16xf32>
        %parallel_loop3A_546 = vector.shape_cast %parallel_loop3A_539 : vector<16xf32> to vector<1x1x16xf32>
        tpu.vector_store %arg11[%parallel_loop3A_541, %parallel_loop3A_542, %parallel_loop3A_543], %parallel_loop3A_546 {strides = array<i32>} : memref<2x40x128xf32, #tpu.memory_space<vmem>>, vector<1x1x16xf32>,
        %parallel_loop3A_547 = arith.constant 0 : i32
        %parallel_loop3A_548 = arith.index_cast %parallel_loop3A_547 : i32 to index
        %parallel_loop3A_549 = arith.index_cast %parallel_loop3A_408 : i32 to index
        %parallel_loop3A_550 = arith.constant 96 : index
        %parallel_loop3A_551 = tpu.vector_load %arg9[%parallel_loop3A_548, %parallel_loop3A_549, %parallel_loop3A_550] {strides = array<i32>} : memref<2x40x128xf32, #tpu.memory_space<vmem>>, vector<1x1x16xf32>,
        %parallel_loop3A_552 = vector.shape_cast %parallel_loop3A_551 : vector<1x1x16xf32> to vector<16xf32>
        %parallel_loop3A_553 = arith.constant 0 : i32
        %parallel_loop3A_554 = arith.index_cast %parallel_loop3A_553 : i32 to index
        %parallel_loop3A_555 = arith.index_cast %parallel_loop3A_408 : i32 to index
        %parallel_loop3A_556 = arith.constant 96 : index
        %parallel_loop3A_557 = tpu.vector_load %arg10[%parallel_loop3A_554, %parallel_loop3A_555, %parallel_loop3A_556] {strides = array<i32>} : memref<2x40x128xf32, #tpu.memory_space<vmem>>, vector<1x1x16xf32>,
        %parallel_loop3A_558 = vector.shape_cast %parallel_loop3A_557 : vector<1x1x16xf32> to vector<16xf32>
        %parallel_loop3A_559 = arith.addf %parallel_loop3A_552, %parallel_loop3A_558 : vector<16xf32>
        %parallel_loop3A_560 = arith.constant 0.000000e+00 : f32
        %parallel_loop3A_561 = vector.broadcast %parallel_loop3A_560 : f32 to vector<16xf32>
        %parallel_loop3A_562 = arith.maximumf %parallel_loop3A_559, %parallel_loop3A_561 : vector<16xf32>
        %parallel_loop3A_563 = arith.constant 0 : i32
        %parallel_loop3A_564 = arith.index_cast %parallel_loop3A_563 : i32 to index
        %parallel_loop3A_565 = arith.index_cast %parallel_loop3A_408 : i32 to index
        %parallel_loop3A_566 = arith.constant 96 : index
        %parallel_loop3A_567 = tpu.vector_load %arg11[%parallel_loop3A_564, %parallel_loop3A_565, %parallel_loop3A_566] {strides = array<i32>} : memref<2x40x128xf32, #tpu.memory_space<vmem>>, vector<1x1x16xf32>,
        %parallel_loop3A_568 = vector.shape_cast %parallel_loop3A_567 : vector<1x1x16xf32> to vector<16xf32>
        %parallel_loop3A_569 = vector.shape_cast %parallel_loop3A_562 : vector<16xf32> to vector<1x1x16xf32>
        tpu.vector_store %arg11[%parallel_loop3A_564, %parallel_loop3A_565, %parallel_loop3A_566], %parallel_loop3A_569 {strides = array<i32>} : memref<2x40x128xf32, #tpu.memory_space<vmem>>, vector<1x1x16xf32>,
      } {sc.loop_unroll_factor = 1 : i64, sc.parallel_access}
      %dma_start3A_283 = arith.constant 0 : i32
      %dma_start3A_284 = arith.constant 0 : i32
      %dma_start3A_285 = arith.constant 0 : i32
      %dma_start3A_286 = arith.constant 0 : i32
      %dma_start3A_287 = tpu.memref_slice %arg11[%dma_start3A_283, %dma_start3A_285, %dma_start3A_286] : memref<2x40x128xf32, #tpu.memory_space<vmem>> -> memref<1x40x128xf32, #tpu.memory_space<vmem>>
      %dma_start3A_288 = tpu.memref_squeeze %dma_start3A_287 : memref<1x40x128xf32, #tpu.memory_space<vmem>> -> memref<40x128xf32, #tpu.memory_space<vmem>>
      %dma_start3A_289 = arith.constant 0 : i32
      %dma_start3A_290 = tpu.memref_slice %arg8[%dma_start3A_284, %dma_start3A_289] : memref<2x40xi32, #tpu.memory_space<vmem>> -> memref<1x40xi32, #tpu.memory_space<vmem>>
      %dma_start3A_291 = tpu.memref_squeeze %dma_start3A_290 : memref<1x40xi32, #tpu.memory_space<vmem>> -> memref<40xi32, #tpu.memory_space<vmem>>
      %dma_start3A_292 = arith.constant 0 : i32
      %dma_start3A_293 = arith.constant 0 : i32
      %dma_start3A_294 = tpu.memref_slice %arg12[%dma_start3A_292, %dma_start3A_293] : memref<10240x128xf32, #tpu.memory_space<vmem_shared>> -> memref<10240x128xf32, #tpu.memory_space<vmem_shared>>
      tpu.enqueue_indirect_dma source(%dma_start3A_288 : memref<40x128xf32, #tpu.memory_space<vmem>>) target(%dma_start3A_294 : memref<10240x128xf32, #tpu.memory_space<vmem_shared>>) offsets(%dma_start3A_291 : memref<40xi32, #tpu.memory_space<vmem>>) semaphore(%arg19 : memref<!tpu.dma_semaphore, #tpu.memory_space<semaphore_mem>>) {add = true}
      %add3A_295 = arith.constant 2 : i32
      %add3A_296 = arith.addi %add3A_203, %add3A_295 : i32
      %lt3A = arith.constant 250 : i32
      %lt3A_297 = arith.cmpi slt, %add3A_296, %lt3A : i32
      %convert_element_type3A_298 = arith.extui %lt3A_297 : i1 to i32
      %cond3A_299 = arith.constant 0 : i32
      %cond3A_300 = arith.cmpi ne, %convert_element_type3A_298, %cond3A_299 : i32
      scf.if %cond3A_300 {
        %add3A_408 = arith.constant 2 : i32
        %add3A_409 = arith.addi %add3A_203, %add3A_408 : i32
        %mul3A_410 = arith.constant 40 : i32
        %mul3A_411 = arith.muli %add3A_409, %mul3A_410 : i32
        %add3A_412 = arith.constant 0 : i32
        %add3A_413 = arith.addi %mul3A_411, %add3A_412 : i32
        %get3A_414 = arith.index_cast %add3A_413 : i32 to index
        %get3A_415 = tpu.vector_load %arg6[%get3A_414] {strides = array<i32>} : memref<10112xi32, #tpu.memory_space<vmem>>, vector<16xi32>,
        %get3A_416 = vector.shape_cast %get3A_415 : vector<16xi32> to vector<16xi32>
        %and3A_417 = arith.constant 16383 : i32
        %and3A_418 = vector.broadcast %and3A_417 : i32 to vector<16xi32>
        %and3A_419 = arith.andi %get3A_416, %and3A_418 : vector<16xi32>
        %swap3A_420 = arith.constant 0 : i32
        %swap3A_421 = arith.index_cast %swap3A_420 : i32 to index
        %swap3A_422 = arith.constant 0 : index
        %swap3A_423 = tpu.vector_load %arg7[%swap3A_421, %swap3A_422] {strides = array<i32>} : memref<2x40xi32, #tpu.memory_space<vmem>>, vector<1x16xi32>,
        %swap3A_424 = vector.shape_cast %swap3A_423 : vector<1x16xi32> to vector<16xi32>
        %swap3A_425 = vector.shape_cast %and3A_419 : vector<16xi32> to vector<1x16xi32>
        tpu.vector_store %arg7[%swap3A_421, %swap3A_422], %swap3A_425 {strides = array<i32>} : memref<2x40xi32, #tpu.memory_space<vmem>>, vector<1x16xi32>,
        %mul3A_426 = arith.constant 40 : i32
        %mul3A_427 = arith.muli %add3A_409, %mul3A_426 : i32
        %add3A_428 = arith.constant 16 : i32
        %add3A_429 = arith.addi %mul3A_427, %add3A_428 : i32
        %get3A_430 = arith.index_cast %add3A_429 : i32 to index
        %get3A_431 = tpu.vector_load %arg6[%get3A_430] {strides = array<i32>} : memref<10112xi32, #tpu.memory_space<vmem>>, vector<16xi32>,
        %get3A_432 = vector.shape_cast %get3A_431 : vector<16xi32> to vector<16xi32>
        %and3A_433 = arith.constant 16383 : i32
        %and3A_434 = vector.broadcast %and3A_433 : i32 to vector<16xi32>
        %and3A_435 = arith.andi %get3A_432, %and3A_434 : vector<16xi32>
        %swap3A_436 = arith.constant 0 : i32
        %swap3A_437 = arith.index_cast %swap3A_436 : i32 to index
        %swap3A_438 = arith.constant 16 : index
        %swap3A_439 = tpu.vector_load %arg7[%swap3A_437, %swap3A_438] {strides = array<i32>} : memref<2x40xi32, #tpu.memory_space<vmem>>, vector<1x16xi32>,
        %swap3A_440 = vector.shape_cast %swap3A_439 : vector<1x16xi32> to vector<16xi32>
        %swap3A_441 = vector.shape_cast %and3A_435 : vector<16xi32> to vector<1x16xi32>
        tpu.vector_store %arg7[%swap3A_437, %swap3A_438], %swap3A_441 {strides = array<i32>} : memref<2x40xi32, #tpu.memory_space<vmem>>, vector<1x16xi32>,
        %mul3A_442 = arith.constant 40 : i32
        %mul3A_443 = arith.muli %add3A_409, %mul3A_442 : i32
        %add3A_444 = arith.constant 24 : i32
        %add3A_445 = arith.addi %mul3A_443, %add3A_444 : i32
        %get3A_446 = arith.index_cast %add3A_445 : i32 to index
        %get3A_447 = tpu.vector_load %arg6[%get3A_446] {strides = array<i32>} : memref<10112xi32, #tpu.memory_space<vmem>>, vector<16xi32>,
        %get3A_448 = vector.shape_cast %get3A_447 : vector<16xi32> to vector<16xi32>
        %and3A_449 = arith.constant 16383 : i32
        %and3A_450 = vector.broadcast %and3A_449 : i32 to vector<16xi32>
        %and3A_451 = arith.andi %get3A_448, %and3A_450 : vector<16xi32>
        %swap3A_452 = arith.constant 0 : i32
        %swap3A_453 = arith.index_cast %swap3A_452 : i32 to index
        %swap3A_454 = arith.constant 24 : index
        %swap3A_455 = tpu.vector_load %arg7[%swap3A_453, %swap3A_454] {strides = array<i32>} : memref<2x40xi32, #tpu.memory_space<vmem>>, vector<1x16xi32>,
        %swap3A_456 = vector.shape_cast %swap3A_455 : vector<1x16xi32> to vector<16xi32>
        %swap3A_457 = vector.shape_cast %and3A_451 : vector<16xi32> to vector<1x16xi32>
        tpu.vector_store %arg7[%swap3A_453, %swap3A_454], %swap3A_457 {strides = array<i32>} : memref<2x40xi32, #tpu.memory_space<vmem>>, vector<1x16xi32>,
        %add3A_458 = arith.constant 2 : i32
        %add3A_459 = arith.addi %add3A_203, %add3A_458 : i32
        %mul3A_460 = arith.constant 40 : i32
        %mul3A_461 = arith.muli %add3A_459, %mul3A_460 : i32
        %add3A_462 = arith.addi %mul3A_2, %mul3A_461 : i32
        %dma_start3A_463 = arith.constant 0 : i32
        %dma_start3A_464 = arith.constant 0 : i32
        %dma_start3A_465 = arith.constant 0 : i32
        %dma_start3A_466 = tpu.memref_slice %arg10[%dma_start3A_463, %dma_start3A_464, %dma_start3A_465] : memref<2x40x128xf32, #tpu.memory_space<vmem>> -> memref<1x40x128xf32, #tpu.memory_space<vmem>>
        %dma_start3A_467 = tpu.memref_squeeze %dma_start3A_466 : memref<1x40x128xf32, #tpu.memory_space<vmem>> -> memref<40x128xf32, #tpu.memory_space<vmem>>
        %dma_start3A_468 = arith.constant 0 : i32
        %dma_start3A_469 = tpu.memref_slice %arg4[%add3A_462, %dma_start3A_468] : memref<320000x128xf32, #tpu.memory_space<hbm>> -> memref<40x128xf32, #tpu.memory_space<hbm>>
        %dma_start3A_470 = arith.constant 0 : i32
        %dma_start3A_471 = arith.constant 0 : i32
        %dma_start3A_472 = tpu.memref_slice %arg10[%dma_start3A_463, %dma_start3A_470, %dma_start3A_471] : memref<2x40x128xf32, #tpu.memory_space<vmem>> -> memref<1x40x128xf32, #tpu.memory_space<vmem>>
        %dma_start3A_473 = tpu.memref_squeeze %dma_start3A_472 : memref<1x40x128xf32, #tpu.memory_space<vmem>> -> memref<40x128xf32, #tpu.memory_space<vmem>>
        %dma_start3A_474 = arith.constant 0 : i32
        %dma_start3A_475 = tpu.memref_slice %arg4[%add3A_462, %dma_start3A_474] : memref<320000x128xf32, #tpu.memory_space<hbm>> -> memref<40x128xf32, #tpu.memory_space<hbm>>
        tpu.enqueue_dma source(%dma_start3A_475 : memref<40x128xf32, #tpu.memory_space<hbm>>) target(%dma_start3A_473 : memref<40x128xf32, #tpu.memory_space<vmem>>) target_semaphore(%arg17 : memref<!tpu.dma_semaphore, #tpu.memory_space<semaphore_mem>>)
        %dma_start3A_476 = arith.constant 0 : i32
        %dma_start3A_477 = arith.constant 0 : i32
        %dma_start3A_478 = arith.constant 0 : i32
        %dma_start3A_479 = arith.constant 0 : i32
        %dma_start3A_480 = tpu.memref_slice %arg9[%dma_start3A_477, %dma_start3A_478, %dma_start3A_479] : memref<2x40x128xf32, #tpu.memory_space<vmem>> -> memref<1x40x128xf32, #tpu.memory_space<vmem>>
        %dma_start3A_481 = tpu.memref_squeeze %dma_start3A_480 : memref<1x40x128xf32, #tpu.memory_space<vmem>> -> memref<40x128xf32, #tpu.memory_space<vmem>>
        %dma_start3A_482 = arith.constant 0 : i32
        %dma_start3A_483 = tpu.memref_slice %arg7[%dma_start3A_476, %dma_start3A_482] : memref<2x40xi32, #tpu.memory_space<vmem>> -> memref<1x40xi32, #tpu.memory_space<vmem>>
        %dma_start3A_484 = tpu.memref_squeeze %dma_start3A_483 : memref<1x40xi32, #tpu.memory_space<vmem>> -> memref<40xi32, #tpu.memory_space<vmem>>
        %dma_start3A_485 = arith.constant 0 : i32
        %dma_start3A_486 = arith.constant 0 : i32
        %dma_start3A_487 = tpu.memref_slice %arg2[%dma_start3A_485, %dma_start3A_486] : memref<10000x128xf32, #tpu.memory_space<hbm>> -> memref<10000x128xf32, #tpu.memory_space<hbm>>
        tpu.enqueue_indirect_dma source(%dma_start3A_487 : memref<10000x128xf32, #tpu.memory_space<hbm>>) target(%dma_start3A_481 : memref<40x128xf32, #tpu.memory_space<vmem>>) offsets(%dma_start3A_484 : memref<40xi32, #tpu.memory_space<vmem>>) semaphore(%arg15 : memref<!tpu.dma_semaphore, #tpu.memory_space<semaphore_mem>>)
      } else {
      }
      %mul3A_301 = arith.constant 2 : i32
      %mul3A_302 = arith.muli %mul3A_301, %add3A_199 : i32
      %add3A_303 = arith.constant 1 : i32
      %add3A_304 = arith.addi %mul3A_302, %add3A_303 : i32
      %mul3A_305 = arith.constant 40 : i32
      %mul3A_306 = arith.muli %add3A_304, %mul3A_305 : i32
      %add3A_307 = arith.addi %mul3A_2, %mul3A_306 : i32
      %dma_wait3A_308 = arith.constant 1 : i32
      %dma_wait3A_309 = arith.constant 0 : i32
      %dma_wait3A_310 = arith.constant 0 : i32
      %dma_wait3A_311 = tpu.memref_slice %arg10[%dma_wait3A_308, %dma_wait3A_309, %dma_wait3A_310] : memref<2x40x128xf32, #tpu.memory_space<vmem>> -> memref<1x40x128xf32, #tpu.memory_space<vmem>>
      %dma_wait3A_312 = tpu.memref_squeeze %dma_wait3A_311 : memref<1x40x128xf32, #tpu.memory_space<vmem>> -> memref<40x128xf32, #tpu.memory_space<vmem>>
      %dma_wait3A_313 = arith.constant 0 : i32
      %dma_wait3A_314 = tpu.memref_slice %arg4[%add3A_307, %dma_wait3A_313] : memref<320000x128xf32, #tpu.memory_space<hbm>> -> memref<40x128xf32, #tpu.memory_space<hbm>>
      %dma_wait3A_315 = arith.constant 0 : i32
      %dma_wait3A_316 = arith.constant 0 : i32
      %dma_wait3A_317 = tpu.memref_slice %arg10[%dma_wait3A_308, %dma_wait3A_315, %dma_wait3A_316] : memref<2x40x128xf32, #tpu.memory_space<vmem>> -> memref<1x40x128xf32, #tpu.memory_space<vmem>>
      %dma_wait3A_318 = tpu.memref_squeeze %dma_wait3A_317 : memref<1x40x128xf32, #tpu.memory_space<vmem>> -> memref<40x128xf32, #tpu.memory_space<vmem>>
      %dma_wait3A_319 = arith.constant 0 : i32
      %dma_wait3A_320 = tpu.memref_slice %arg4[%add3A_307, %dma_wait3A_319] : memref<320000x128xf32, #tpu.memory_space<hbm>> -> memref<40x128xf32, #tpu.memory_space<hbm>>
      tpu.wait_dma2 semaphore(%arg18 : memref<!tpu.dma_semaphore, #tpu.memory_space<semaphore_mem>>) src(%dma_wait3A_320 : memref<40x128xf32, #tpu.memory_space<hbm>>) dst(%dma_wait3A_318 : memref<40x128xf32, #tpu.memory_space<vmem>>)
      %dma_wait3A_321 = arith.constant 1 : i32
      %dma_wait3A_322 = arith.constant 1 : i32
      %dma_wait3A_323 = arith.constant 0 : i32
      %dma_wait3A_324 = arith.constant 0 : i32
      %dma_wait3A_325 = tpu.memref_slice %arg9[%dma_wait3A_322, %dma_wait3A_323, %dma_wait3A_324] : memref<2x40x128xf32, #tpu.memory_space<vmem>> -> memref<1x40x128xf32, #tpu.memory_space<vmem>>
      %dma_wait3A_326 = tpu.memref_squeeze %dma_wait3A_325 : memref<1x40x128xf32, #tpu.memory_space<vmem>> -> memref<40x128xf32, #tpu.memory_space<vmem>>
      %dma_wait3A_327 = arith.constant 0 : i32
      %dma_wait3A_328 = tpu.memref_slice %arg7[%dma_wait3A_321, %dma_wait3A_327] : memref<2x40xi32, #tpu.memory_space<vmem>> -> memref<1x40xi32, #tpu.memory_space<vmem>>
      %dma_wait3A_329 = tpu.memref_squeeze %dma_wait3A_328 : memref<1x40xi32, #tpu.memory_space<vmem>> -> memref<40xi32, #tpu.memory_space<vmem>>
      %dma_wait3A_330 = arith.constant 0 : i32
      %dma_wait3A_331 = arith.constant 0 : i32
      %dma_wait3A_332 = tpu.memref_slice %arg2[%dma_wait3A_330, %dma_wait3A_331] : memref<10000x128xf32, #tpu.memory_space<hbm>> -> memref<10000x128xf32, #tpu.memory_space<hbm>>
      tpu.wait_indirect_dma semaphore(%arg16 : memref<!tpu.dma_semaphore, #tpu.memory_space<semaphore_mem>>) src(%dma_wait3A_332 : memref<10000x128xf32, #tpu.memory_space<hbm>>) dst(%dma_wait3A_326 : memref<40x128xf32, #tpu.memory_space<vmem>>)
      %gt3A_333 = arith.constant 0 : i32
      %gt3A_334 = arith.cmpi sgt, %add3A_199, %gt3A_333 : i32
      %convert_element_type3A_335 = arith.extui %gt3A_334 : i1 to i32
      %cond3A_336 = arith.constant 0 : i32
      %cond3A_337 = arith.cmpi ne, %convert_element_type3A_335, %cond3A_336 : i32
      scf.if %cond3A_337 {
        %sub3A = arith.constant 2 : i32
        %sub3A_408 = arith.subi %add3A_304, %sub3A : i32
        %dma_wait3A_409 = arith.constant 1 : i32
        %dma_wait3A_410 = arith.constant 1 : i32
        %dma_wait3A_411 = arith.constant 0 : i32
        %dma_wait3A_412 = arith.constant 0 : i32
        %dma_wait3A_413 = tpu.memref_slice %arg11[%dma_wait3A_409, %dma_wait3A_411, %dma_wait3A_412] : memref<2x40x128xf32, #tpu.memory_space<vmem>> -> memref<1x40x128xf32, #tpu.memory_space<vmem>>
        %dma_wait3A_414 = tpu.memref_squeeze %dma_wait3A_413 : memref<1x40x128xf32, #tpu.memory_space<vmem>> -> memref<40x128xf32, #tpu.memory_space<vmem>>
        %dma_wait3A_415 = arith.constant 0 : i32
        %dma_wait3A_416 = tpu.memref_slice %arg8[%dma_wait3A_410, %dma_wait3A_415] : memref<2x40xi32, #tpu.memory_space<vmem>> -> memref<1x40xi32, #tpu.memory_space<vmem>>
        %dma_wait3A_417 = tpu.memref_squeeze %dma_wait3A_416 : memref<1x40xi32, #tpu.memory_space<vmem>> -> memref<40xi32, #tpu.memory_space<vmem>>
        %dma_wait3A_418 = arith.constant 0 : i32
        %dma_wait3A_419 = arith.constant 0 : i32
        %dma_wait3A_420 = tpu.memref_slice %arg12[%dma_wait3A_418, %dma_wait3A_419] : memref<10240x128xf32, #tpu.memory_space<vmem_shared>> -> memref<10240x128xf32, #tpu.memory_space<vmem_shared>>
        tpu.wait_indirect_dma semaphore(%arg20 : memref<!tpu.dma_semaphore, #tpu.memory_space<semaphore_mem>>) src(%dma_wait3A_414 : memref<40x128xf32, #tpu.memory_space<vmem>>) dst(%dma_wait3A_420 : memref<10240x128xf32, #tpu.memory_space<vmem_shared>>)
      } else {
      }
      %mul3A_338 = arith.constant 40 : i32
      %mul3A_339 = arith.muli %add3A_304, %mul3A_338 : i32
      %add3A_340 = arith.constant 0 : i32
      %add3A_341 = arith.addi %mul3A_339, %add3A_340 : i32
      %get3A_342 = arith.index_cast %add3A_341 : i32 to index
      %get3A_343 = tpu.vector_load %arg6[%get3A_342] {strides = array<i32>} : memref<10112xi32, #tpu.memory_space<vmem>>, vector<16xi32>,
      %get3A_344 = vector.shape_cast %get3A_343 : vector<16xi32> to vector<16xi32>
      %shift_right_logical3A_345 = arith.constant 14 : i32
      %shift_right_logical3A_346 = vector.broadcast %shift_right_logical3A_345 : i32 to vector<16xi32>
      %shift_right_logical3A_347 = arith.shrui %get3A_344, %shift_right_logical3A_346 : vector<16xi32>
      %swap3A_348 = arith.constant 1 : i32
      %swap3A_349 = arith.index_cast %swap3A_348 : i32 to index
      %swap3A_350 = arith.constant 0 : index
      %swap3A_351 = tpu.vector_load %arg8[%swap3A_349, %swap3A_350] {strides = array<i32>} : memref<2x40xi32, #tpu.memory_space<vmem>>, vector<1x16xi32>,
      %swap3A_352 = vector.shape_cast %swap3A_351 : vector<1x16xi32> to vector<16xi32>
      %swap3A_353 = vector.shape_cast %shift_right_logical3A_347 : vector<16xi32> to vector<1x16xi32>
      tpu.vector_store %arg8[%swap3A_349, %swap3A_350], %swap3A_353 {strides = array<i32>} : memref<2x40xi32, #tpu.memory_space<vmem>>, vector<1x16xi32>,
      %mul3A_354 = arith.constant 40 : i32
      %mul3A_355 = arith.muli %add3A_304, %mul3A_354 : i32
      %add3A_356 = arith.constant 16 : i32
      %add3A_357 = arith.addi %mul3A_355, %add3A_356 : i32
      %get3A_358 = arith.index_cast %add3A_357 : i32 to index
      %get3A_359 = tpu.vector_load %arg6[%get3A_358] {strides = array<i32>} : memref<10112xi32, #tpu.memory_space<vmem>>, vector<16xi32>,
      %get3A_360 = vector.shape_cast %get3A_359 : vector<16xi32> to vector<16xi32>
      %shift_right_logical3A_361 = arith.constant 14 : i32
      %shift_right_logical3A_362 = vector.broadcast %shift_right_logical3A_361 : i32 to vector<16xi32>
      %shift_right_logical3A_363 = arith.shrui %get3A_360, %shift_right_logical3A_362 : vector<16xi32>
      %swap3A_364 = arith.constant 1 : i32
      %swap3A_365 = arith.index_cast %swap3A_364 : i32 to index
      %swap3A_366 = arith.constant 16 : index
      %swap3A_367 = tpu.vector_load %arg8[%swap3A_365, %swap3A_366] {strides = array<i32>} : memref<2x40xi32, #tpu.memory_space<vmem>>, vector<1x16xi32>,
      %swap3A_368 = vector.shape_cast %swap3A_367 : vector<1x16xi32> to vector<16xi32>
      %swap3A_369 = vector.shape_cast %shift_right_logical3A_363 : vector<16xi32> to vector<1x16xi32>
      tpu.vector_store %arg8[%swap3A_365, %swap3A_366], %swap3A_369 {strides = array<i32>} : memref<2x40xi32, #tpu.memory_space<vmem>>, vector<1x16xi32>,
      %mul3A_370 = arith.constant 40 : i32
      %mul3A_371 = arith.muli %add3A_304, %mul3A_370 : i32
      %add3A_372 = arith.constant 24 : i32
      %add3A_373 = arith.addi %mul3A_371, %add3A_372 : i32
      %get3A_374 = arith.index_cast %add3A_373 : i32 to index
      %get3A_375 = tpu.vector_load %arg6[%get3A_374] {strides = array<i32>} : memref<10112xi32, #tpu.memory_space<vmem>>, vector<16xi32>,
      %get3A_376 = vector.shape_cast %get3A_375 : vector<16xi32> to vector<16xi32>
      %shift_right_logical3A_377 = arith.constant 14 : i32
      %shift_right_logical3A_378 = vector.broadcast %shift_right_logical3A_377 : i32 to vector<16xi32>
      %shift_right_logical3A_379 = arith.shrui %get3A_376, %shift_right_logical3A_378 : vector<16xi32>
      %swap3A_380 = arith.constant 1 : i32
      %swap3A_381 = arith.index_cast %swap3A_380 : i32 to index
      %swap3A_382 = arith.constant 24 : index
      %swap3A_383 = tpu.vector_load %arg8[%swap3A_381, %swap3A_382] {strides = array<i32>} : memref<2x40xi32, #tpu.memory_space<vmem>>, vector<1x16xi32>,
      %swap3A_384 = vector.shape_cast %swap3A_383 : vector<1x16xi32> to vector<16xi32>
      %swap3A_385 = vector.shape_cast %shift_right_logical3A_379 : vector<16xi32> to vector<1x16xi32>
      tpu.vector_store %arg8[%swap3A_381, %swap3A_382], %swap3A_385 {strides = array<i32>} : memref<2x40xi32, #tpu.memory_space<vmem>>, vector<1x16xi32>,
      %parallel_loop3A_386 = arith.constant 0 : i32
      %parallel_loop3A_387 = arith.constant 40 : i32
      %parallel_loop3A_388 = arith.constant 1 : i32
      scf.for %parallel_loop3A_408 = %parallel_loop3A_386 to %parallel_loop3A_387 step %parallel_loop3A_388  : i32 {
        %parallel_loop3A_409 = arith.constant 1 : i32
        %parallel_loop3A_410 = arith.index_cast %parallel_loop3A_409 : i32 to index
        %parallel_loop3A_411 = arith.index_cast %parallel_loop3A_408 : i32 to index
        %parallel_loop3A_412 = arith.constant 0 : index
        %parallel_loop3A_413 = tpu.vector_load %arg9[%parallel_loop3A_410, %parallel_loop3A_411, %parallel_loop3A_412] {strides = array<i32>} : memref<2x40x128xf32, #tpu.memory_space<vmem>>, vector<1x1x16xf32>,
        %parallel_loop3A_414 = vector.shape_cast %parallel_loop3A_413 : vector<1x1x16xf32> to vector<16xf32>
        %parallel_loop3A_415 = arith.constant 1 : i32
        %parallel_loop3A_416 = arith.index_cast %parallel_loop3A_415 : i32 to index
        %parallel_loop3A_417 = arith.index_cast %parallel_loop3A_408 : i32 to index
        %parallel_loop3A_418 = arith.constant 0 : index
        %parallel_loop3A_419 = tpu.vector_load %arg10[%parallel_loop3A_416, %parallel_loop3A_417, %parallel_loop3A_418] {strides = array<i32>} : memref<2x40x128xf32, #tpu.memory_space<vmem>>, vector<1x1x16xf32>,
        %parallel_loop3A_420 = vector.shape_cast %parallel_loop3A_419 : vector<1x1x16xf32> to vector<16xf32>
        %parallel_loop3A_421 = arith.addf %parallel_loop3A_414, %parallel_loop3A_420 : vector<16xf32>
        %parallel_loop3A_422 = arith.constant 0.000000e+00 : f32
        %parallel_loop3A_423 = vector.broadcast %parallel_loop3A_422 : f32 to vector<16xf32>
        %parallel_loop3A_424 = arith.maximumf %parallel_loop3A_421, %parallel_loop3A_423 : vector<16xf32>
        %parallel_loop3A_425 = arith.constant 1 : i32
        %parallel_loop3A_426 = arith.index_cast %parallel_loop3A_425 : i32 to index
        %parallel_loop3A_427 = arith.index_cast %parallel_loop3A_408 : i32 to index
        %parallel_loop3A_428 = arith.constant 0 : index
        %parallel_loop3A_429 = tpu.vector_load %arg11[%parallel_loop3A_426, %parallel_loop3A_427, %parallel_loop3A_428] {strides = array<i32>} : memref<2x40x128xf32, #tpu.memory_space<vmem>>, vector<1x1x16xf32>,
        %parallel_loop3A_430 = vector.shape_cast %parallel_loop3A_429 : vector<1x1x16xf32> to vector<16xf32>
        %parallel_loop3A_431 = vector.shape_cast %parallel_loop3A_424 : vector<16xf32> to vector<1x1x16xf32>
        tpu.vector_store %arg11[%parallel_loop3A_426, %parallel_loop3A_427, %parallel_loop3A_428], %parallel_loop3A_431 {strides = array<i32>} : memref<2x40x128xf32, #tpu.memory_space<vmem>>, vector<1x1x16xf32>,
        %parallel_loop3A_432 = arith.constant 1 : i32
        %parallel_loop3A_433 = arith.index_cast %parallel_loop3A_432 : i32 to index
        %parallel_loop3A_434 = arith.index_cast %parallel_loop3A_408 : i32 to index
        %parallel_loop3A_435 = arith.constant 16 : index
        %parallel_loop3A_436 = tpu.vector_load %arg9[%parallel_loop3A_433, %parallel_loop3A_434, %parallel_loop3A_435] {strides = array<i32>} : memref<2x40x128xf32, #tpu.memory_space<vmem>>, vector<1x1x16xf32>,
        %parallel_loop3A_437 = vector.shape_cast %parallel_loop3A_436 : vector<1x1x16xf32> to vector<16xf32>
        %parallel_loop3A_438 = arith.constant 1 : i32
        %parallel_loop3A_439 = arith.index_cast %parallel_loop3A_438 : i32 to index
        %parallel_loop3A_440 = arith.index_cast %parallel_loop3A_408 : i32 to index
        %parallel_loop3A_441 = arith.constant 16 : index
        %parallel_loop3A_442 = tpu.vector_load %arg10[%parallel_loop3A_439, %parallel_loop3A_440, %parallel_loop3A_441] {strides = array<i32>} : memref<2x40x128xf32, #tpu.memory_space<vmem>>, vector<1x1x16xf32>,
        %parallel_loop3A_443 = vector.shape_cast %parallel_loop3A_442 : vector<1x1x16xf32> to vector<16xf32>
        %parallel_loop3A_444 = arith.addf %parallel_loop3A_437, %parallel_loop3A_443 : vector<16xf32>
        %parallel_loop3A_445 = arith.constant 0.000000e+00 : f32
        %parallel_loop3A_446 = vector.broadcast %parallel_loop3A_445 : f32 to vector<16xf32>
        %parallel_loop3A_447 = arith.maximumf %parallel_loop3A_444, %parallel_loop3A_446 : vector<16xf32>
        %parallel_loop3A_448 = arith.constant 1 : i32
        %parallel_loop3A_449 = arith.index_cast %parallel_loop3A_448 : i32 to index
        %parallel_loop3A_450 = arith.index_cast %parallel_loop3A_408 : i32 to index
        %parallel_loop3A_451 = arith.constant 16 : index
        %parallel_loop3A_452 = tpu.vector_load %arg11[%parallel_loop3A_449, %parallel_loop3A_450, %parallel_loop3A_451] {strides = array<i32>} : memref<2x40x128xf32, #tpu.memory_space<vmem>>, vector<1x1x16xf32>,
        %parallel_loop3A_453 = vector.shape_cast %parallel_loop3A_452 : vector<1x1x16xf32> to vector<16xf32>
        %parallel_loop3A_454 = vector.shape_cast %parallel_loop3A_447 : vector<16xf32> to vector<1x1x16xf32>
        tpu.vector_store %arg11[%parallel_loop3A_449, %parallel_loop3A_450, %parallel_loop3A_451], %parallel_loop3A_454 {strides = array<i32>} : memref<2x40x128xf32, #tpu.memory_space<vmem>>, vector<1x1x16xf32>,
        %parallel_loop3A_455 = arith.constant 1 : i32
        %parallel_loop3A_456 = arith.index_cast %parallel_loop3A_455 : i32 to index
        %parallel_loop3A_457 = arith.index_cast %parallel_loop3A_408 : i32 to index
        %parallel_loop3A_458 = arith.constant 32 : index
        %parallel_loop3A_459 = tpu.vector_load %arg9[%parallel_loop3A_456, %parallel_loop3A_457, %parallel_loop3A_458] {strides = array<i32>} : memref<2x40x128xf32, #tpu.memory_space<vmem>>, vector<1x1x16xf32>,
        %parallel_loop3A_460 = vector.shape_cast %parallel_loop3A_459 : vector<1x1x16xf32> to vector<16xf32>
        %parallel_loop3A_461 = arith.constant 1 : i32
        %parallel_loop3A_462 = arith.index_cast %parallel_loop3A_461 : i32 to index
        %parallel_loop3A_463 = arith.index_cast %parallel_loop3A_408 : i32 to index
        %parallel_loop3A_464 = arith.constant 32 : index
        %parallel_loop3A_465 = tpu.vector_load %arg10[%parallel_loop3A_462, %parallel_loop3A_463, %parallel_loop3A_464] {strides = array<i32>} : memref<2x40x128xf32, #tpu.memory_space<vmem>>, vector<1x1x16xf32>,
        %parallel_loop3A_466 = vector.shape_cast %parallel_loop3A_465 : vector<1x1x16xf32> to vector<16xf32>
        %parallel_loop3A_467 = arith.addf %parallel_loop3A_460, %parallel_loop3A_466 : vector<16xf32>
        %parallel_loop3A_468 = arith.constant 0.000000e+00 : f32
        %parallel_loop3A_469 = vector.broadcast %parallel_loop3A_468 : f32 to vector<16xf32>
        %parallel_loop3A_470 = arith.maximumf %parallel_loop3A_467, %parallel_loop3A_469 : vector<16xf32>
        %parallel_loop3A_471 = arith.constant 1 : i32
        %parallel_loop3A_472 = arith.index_cast %parallel_loop3A_471 : i32 to index
        %parallel_loop3A_473 = arith.index_cast %parallel_loop3A_408 : i32 to index
        %parallel_loop3A_474 = arith.constant 32 : index
        %parallel_loop3A_475 = tpu.vector_load %arg11[%parallel_loop3A_472, %parallel_loop3A_473, %parallel_loop3A_474] {strides = array<i32>} : memref<2x40x128xf32, #tpu.memory_space<vmem>>, vector<1x1x16xf32>,
        %parallel_loop3A_476 = vector.shape_cast %parallel_loop3A_475 : vector<1x1x16xf32> to vector<16xf32>
        %parallel_loop3A_477 = vector.shape_cast %parallel_loop3A_470 : vector<16xf32> to vector<1x1x16xf32>
        tpu.vector_store %arg11[%parallel_loop3A_472, %parallel_loop3A_473, %parallel_loop3A_474], %parallel_loop3A_477 {strides = array<i32>} : memref<2x40x128xf32, #tpu.memory_space<vmem>>, vector<1x1x16xf32>,
        %parallel_loop3A_478 = arith.constant 1 : i32
        %parallel_loop3A_479 = arith.index_cast %parallel_loop3A_478 : i32 to index
        %parallel_loop3A_480 = arith.index_cast %parallel_loop3A_408 : i32 to index
        %parallel_loop3A_481 = arith.constant 48 : index
        %parallel_loop3A_482 = tpu.vector_load %arg9[%parallel_loop3A_479, %parallel_loop3A_480, %parallel_loop3A_481] {strides = array<i32>} : memref<2x40x128xf32, #tpu.memory_space<vmem>>, vector<1x1x16xf32>,
        %parallel_loop3A_483 = vector.shape_cast %parallel_loop3A_482 : vector<1x1x16xf32> to vector<16xf32>
        %parallel_loop3A_484 = arith.constant 1 : i32
        %parallel_loop3A_485 = arith.index_cast %parallel_loop3A_484 : i32 to index
        %parallel_loop3A_486 = arith.index_cast %parallel_loop3A_408 : i32 to index
        %parallel_loop3A_487 = arith.constant 48 : index
        %parallel_loop3A_488 = tpu.vector_load %arg10[%parallel_loop3A_485, %parallel_loop3A_486, %parallel_loop3A_487] {strides = array<i32>} : memref<2x40x128xf32, #tpu.memory_space<vmem>>, vector<1x1x16xf32>,
        %parallel_loop3A_489 = vector.shape_cast %parallel_loop3A_488 : vector<1x1x16xf32> to vector<16xf32>
        %parallel_loop3A_490 = arith.addf %parallel_loop3A_483, %parallel_loop3A_489 : vector<16xf32>
        %parallel_loop3A_491 = arith.constant 0.000000e+00 : f32
        %parallel_loop3A_492 = vector.broadcast %parallel_loop3A_491 : f32 to vector<16xf32>
        %parallel_loop3A_493 = arith.maximumf %parallel_loop3A_490, %parallel_loop3A_492 : vector<16xf32>
        %parallel_loop3A_494 = arith.constant 1 : i32
        %parallel_loop3A_495 = arith.index_cast %parallel_loop3A_494 : i32 to index
        %parallel_loop3A_496 = arith.index_cast %parallel_loop3A_408 : i32 to index
        %parallel_loop3A_497 = arith.constant 48 : index
        %parallel_loop3A_498 = tpu.vector_load %arg11[%parallel_loop3A_495, %parallel_loop3A_496, %parallel_loop3A_497] {strides = array<i32>} : memref<2x40x128xf32, #tpu.memory_space<vmem>>, vector<1x1x16xf32>,
        %parallel_loop3A_499 = vector.shape_cast %parallel_loop3A_498 : vector<1x1x16xf32> to vector<16xf32>
        %parallel_loop3A_500 = vector.shape_cast %parallel_loop3A_493 : vector<16xf32> to vector<1x1x16xf32>
        tpu.vector_store %arg11[%parallel_loop3A_495, %parallel_loop3A_496, %parallel_loop3A_497], %parallel_loop3A_500 {strides = array<i32>} : memref<2x40x128xf32, #tpu.memory_space<vmem>>, vector<1x1x16xf32>,
        %parallel_loop3A_501 = arith.constant 1 : i32
        %parallel_loop3A_502 = arith.index_cast %parallel_loop3A_501 : i32 to index
        %parallel_loop3A_503 = arith.index_cast %parallel_loop3A_408 : i32 to index
        %parallel_loop3A_504 = arith.constant 64 : index
        %parallel_loop3A_505 = tpu.vector_load %arg9[%parallel_loop3A_502, %parallel_loop3A_503, %parallel_loop3A_504] {strides = array<i32>} : memref<2x40x128xf32, #tpu.memory_space<vmem>>, vector<1x1x16xf32>,
        %parallel_loop3A_506 = vector.shape_cast %parallel_loop3A_505 : vector<1x1x16xf32> to vector<16xf32>
        %parallel_loop3A_507 = arith.constant 1 : i32
        %parallel_loop3A_508 = arith.index_cast %parallel_loop3A_507 : i32 to index
        %parallel_loop3A_509 = arith.index_cast %parallel_loop3A_408 : i32 to index
        %parallel_loop3A_510 = arith.constant 64 : index
        %parallel_loop3A_511 = tpu.vector_load %arg10[%parallel_loop3A_508, %parallel_loop3A_509, %parallel_loop3A_510] {strides = array<i32>} : memref<2x40x128xf32, #tpu.memory_space<vmem>>, vector<1x1x16xf32>,
        %parallel_loop3A_512 = vector.shape_cast %parallel_loop3A_511 : vector<1x1x16xf32> to vector<16xf32>
        %parallel_loop3A_513 = arith.addf %parallel_loop3A_506, %parallel_loop3A_512 : vector<16xf32>
        %parallel_loop3A_514 = arith.constant 0.000000e+00 : f32
        %parallel_loop3A_515 = vector.broadcast %parallel_loop3A_514 : f32 to vector<16xf32>
        %parallel_loop3A_516 = arith.maximumf %parallel_loop3A_513, %parallel_loop3A_515 : vector<16xf32>
        %parallel_loop3A_517 = arith.constant 1 : i32
        %parallel_loop3A_518 = arith.index_cast %parallel_loop3A_517 : i32 to index
        %parallel_loop3A_519 = arith.index_cast %parallel_loop3A_408 : i32 to index
        %parallel_loop3A_520 = arith.constant 64 : index
        %parallel_loop3A_521 = tpu.vector_load %arg11[%parallel_loop3A_518, %parallel_loop3A_519, %parallel_loop3A_520] {strides = array<i32>} : memref<2x40x128xf32, #tpu.memory_space<vmem>>, vector<1x1x16xf32>,
        %parallel_loop3A_522 = vector.shape_cast %parallel_loop3A_521 : vector<1x1x16xf32> to vector<16xf32>
        %parallel_loop3A_523 = vector.shape_cast %parallel_loop3A_516 : vector<16xf32> to vector<1x1x16xf32>
        tpu.vector_store %arg11[%parallel_loop3A_518, %parallel_loop3A_519, %parallel_loop3A_520], %parallel_loop3A_523 {strides = array<i32>} : memref<2x40x128xf32, #tpu.memory_space<vmem>>, vector<1x1x16xf32>,
        %parallel_loop3A_524 = arith.constant 1 : i32
        %parallel_loop3A_525 = arith.index_cast %parallel_loop3A_524 : i32 to index
        %parallel_loop3A_526 = arith.index_cast %parallel_loop3A_408 : i32 to index
        %parallel_loop3A_527 = arith.constant 80 : index
        %parallel_loop3A_528 = tpu.vector_load %arg9[%parallel_loop3A_525, %parallel_loop3A_526, %parallel_loop3A_527] {strides = array<i32>} : memref<2x40x128xf32, #tpu.memory_space<vmem>>, vector<1x1x16xf32>,
        %parallel_loop3A_529 = vector.shape_cast %parallel_loop3A_528 : vector<1x1x16xf32> to vector<16xf32>
        %parallel_loop3A_530 = arith.constant 1 : i32
        %parallel_loop3A_531 = arith.index_cast %parallel_loop3A_530 : i32 to index
        %parallel_loop3A_532 = arith.index_cast %parallel_loop3A_408 : i32 to index
        %parallel_loop3A_533 = arith.constant 80 : index
        %parallel_loop3A_534 = tpu.vector_load %arg10[%parallel_loop3A_531, %parallel_loop3A_532, %parallel_loop3A_533] {strides = array<i32>} : memref<2x40x128xf32, #tpu.memory_space<vmem>>, vector<1x1x16xf32>,
        %parallel_loop3A_535 = vector.shape_cast %parallel_loop3A_534 : vector<1x1x16xf32> to vector<16xf32>
        %parallel_loop3A_536 = arith.addf %parallel_loop3A_529, %parallel_loop3A_535 : vector<16xf32>
        %parallel_loop3A_537 = arith.constant 0.000000e+00 : f32
        %parallel_loop3A_538 = vector.broadcast %parallel_loop3A_537 : f32 to vector<16xf32>
        %parallel_loop3A_539 = arith.maximumf %parallel_loop3A_536, %parallel_loop3A_538 : vector<16xf32>
        %parallel_loop3A_540 = arith.constant 1 : i32
        %parallel_loop3A_541 = arith.index_cast %parallel_loop3A_540 : i32 to index
        %parallel_loop3A_542 = arith.index_cast %parallel_loop3A_408 : i32 to index
        %parallel_loop3A_543 = arith.constant 80 : index
        %parallel_loop3A_544 = tpu.vector_load %arg11[%parallel_loop3A_541, %parallel_loop3A_542, %parallel_loop3A_543] {strides = array<i32>} : memref<2x40x128xf32, #tpu.memory_space<vmem>>, vector<1x1x16xf32>,
        %parallel_loop3A_545 = vector.shape_cast %parallel_loop3A_544 : vector<1x1x16xf32> to vector<16xf32>
        %parallel_loop3A_546 = vector.shape_cast %parallel_loop3A_539 : vector<16xf32> to vector<1x1x16xf32>
        tpu.vector_store %arg11[%parallel_loop3A_541, %parallel_loop3A_542, %parallel_loop3A_543], %parallel_loop3A_546 {strides = array<i32>} : memref<2x40x128xf32, #tpu.memory_space<vmem>>, vector<1x1x16xf32>,
        %parallel_loop3A_547 = arith.constant 1 : i32
        %parallel_loop3A_548 = arith.index_cast %parallel_loop3A_547 : i32 to index
        %parallel_loop3A_549 = arith.index_cast %parallel_loop3A_408 : i32 to index
        %parallel_loop3A_550 = arith.constant 96 : index
        %parallel_loop3A_551 = tpu.vector_load %arg9[%parallel_loop3A_548, %parallel_loop3A_549, %parallel_loop3A_550] {strides = array<i32>} : memref<2x40x128xf32, #tpu.memory_space<vmem>>, vector<1x1x16xf32>,
        %parallel_loop3A_552 = vector.shape_cast %parallel_loop3A_551 : vector<1x1x16xf32> to vector<16xf32>
        %parallel_loop3A_553 = arith.constant 1 : i32
        %parallel_loop3A_554 = arith.index_cast %parallel_loop3A_553 : i32 to index
        %parallel_loop3A_555 = arith.index_cast %parallel_loop3A_408 : i32 to index
        %parallel_loop3A_556 = arith.constant 96 : index
        %parallel_loop3A_557 = tpu.vector_load %arg10[%parallel_loop3A_554, %parallel_loop3A_555, %parallel_loop3A_556] {strides = array<i32>} : memref<2x40x128xf32, #tpu.memory_space<vmem>>, vector<1x1x16xf32>,
        %parallel_loop3A_558 = vector.shape_cast %parallel_loop3A_557 : vector<1x1x16xf32> to vector<16xf32>
        %parallel_loop3A_559 = arith.addf %parallel_loop3A_552, %parallel_loop3A_558 : vector<16xf32>
        %parallel_loop3A_560 = arith.constant 0.000000e+00 : f32
        %parallel_loop3A_561 = vector.broadcast %parallel_loop3A_560 : f32 to vector<16xf32>
        %parallel_loop3A_562 = arith.maximumf %parallel_loop3A_559, %parallel_loop3A_561 : vector<16xf32>
        %parallel_loop3A_563 = arith.constant 1 : i32
        %parallel_loop3A_564 = arith.index_cast %parallel_loop3A_563 : i32 to index
        %parallel_loop3A_565 = arith.index_cast %parallel_loop3A_408 : i32 to index
        %parallel_loop3A_566 = arith.constant 96 : index
        %parallel_loop3A_567 = tpu.vector_load %arg11[%parallel_loop3A_564, %parallel_loop3A_565, %parallel_loop3A_566] {strides = array<i32>} : memref<2x40x128xf32, #tpu.memory_space<vmem>>, vector<1x1x16xf32>,
        %parallel_loop3A_568 = vector.shape_cast %parallel_loop3A_567 : vector<1x1x16xf32> to vector<16xf32>
        %parallel_loop3A_569 = vector.shape_cast %parallel_loop3A_562 : vector<16xf32> to vector<1x1x16xf32>
        tpu.vector_store %arg11[%parallel_loop3A_564, %parallel_loop3A_565, %parallel_loop3A_566], %parallel_loop3A_569 {strides = array<i32>} : memref<2x40x128xf32, #tpu.memory_space<vmem>>, vector<1x1x16xf32>,
      } {sc.loop_unroll_factor = 1 : i64, sc.parallel_access}
      %dma_start3A_389 = arith.constant 1 : i32
      %dma_start3A_390 = arith.constant 1 : i32
      %dma_start3A_391 = arith.constant 0 : i32
      %dma_start3A_392 = arith.constant 0 : i32
      %dma_start3A_393 = tpu.memref_slice %arg11[%dma_start3A_389, %dma_start3A_391, %dma_start3A_392] : memref<2x40x128xf32, #tpu.memory_space<vmem>> -> memref<1x40x128xf32, #tpu.memory_space<vmem>>
      %dma_start3A_394 = tpu.memref_squeeze %dma_start3A_393 : memref<1x40x128xf32, #tpu.memory_space<vmem>> -> memref<40x128xf32, #tpu.memory_space<vmem>>
      %dma_start3A_395 = arith.constant 0 : i32
      %dma_start3A_396 = tpu.memref_slice %arg8[%dma_start3A_390, %dma_start3A_395] : memref<2x40xi32, #tpu.memory_space<vmem>> -> memref<1x40xi32, #tpu.memory_space<vmem>>
      %dma_start3A_397 = tpu.memref_squeeze %dma_start3A_396 : memref<1x40xi32, #tpu.memory_space<vmem>> -> memref<40xi32, #tpu.memory_space<vmem>>
      %dma_start3A_398 = arith.constant 0 : i32
      %dma_start3A_399 = arith.constant 0 : i32
      %dma_start3A_400 = tpu.memref_slice %arg12[%dma_start3A_398, %dma_start3A_399] : memref<10240x128xf32, #tpu.memory_space<vmem_shared>> -> memref<10240x128xf32, #tpu.memory_space<vmem_shared>>
      tpu.enqueue_indirect_dma source(%dma_start3A_394 : memref<40x128xf32, #tpu.memory_space<vmem>>) target(%dma_start3A_400 : memref<10240x128xf32, #tpu.memory_space<vmem_shared>>) offsets(%dma_start3A_397 : memref<40xi32, #tpu.memory_space<vmem>>) semaphore(%arg20 : memref<!tpu.dma_semaphore, #tpu.memory_space<semaphore_mem>>) {add = true}
      %add3A_401 = arith.constant 2 : i32
      %add3A_402 = arith.addi %add3A_304, %add3A_401 : i32
      %lt3A_403 = arith.constant 250 : i32
      %lt3A_404 = arith.cmpi slt, %add3A_402, %lt3A_403 : i32
      %convert_element_type3A_405 = arith.extui %lt3A_404 : i1 to i32
      %cond3A_406 = arith.constant 0 : i32
      %cond3A_407 = arith.cmpi ne, %convert_element_type3A_405, %cond3A_406 : i32
      scf.if %cond3A_407 {
        %add3A_408 = arith.constant 2 : i32
        %add3A_409 = arith.addi %add3A_304, %add3A_408 : i32
        %mul3A_410 = arith.constant 40 : i32
        %mul3A_411 = arith.muli %add3A_409, %mul3A_410 : i32
        %add3A_412 = arith.constant 0 : i32
        %add3A_413 = arith.addi %mul3A_411, %add3A_412 : i32
        %get3A_414 = arith.index_cast %add3A_413 : i32 to index
        %get3A_415 = tpu.vector_load %arg6[%get3A_414] {strides = array<i32>} : memref<10112xi32, #tpu.memory_space<vmem>>, vector<16xi32>,
        %get3A_416 = vector.shape_cast %get3A_415 : vector<16xi32> to vector<16xi32>
        %and3A_417 = arith.constant 16383 : i32
        %and3A_418 = vector.broadcast %and3A_417 : i32 to vector<16xi32>
        %and3A_419 = arith.andi %get3A_416, %and3A_418 : vector<16xi32>
        %swap3A_420 = arith.constant 1 : i32
        %swap3A_421 = arith.index_cast %swap3A_420 : i32 to index
        %swap3A_422 = arith.constant 0 : index
        %swap3A_423 = tpu.vector_load %arg7[%swap3A_421, %swap3A_422] {strides = array<i32>} : memref<2x40xi32, #tpu.memory_space<vmem>>, vector<1x16xi32>,
        %swap3A_424 = vector.shape_cast %swap3A_423 : vector<1x16xi32> to vector<16xi32>
        %swap3A_425 = vector.shape_cast %and3A_419 : vector<16xi32> to vector<1x16xi32>
        tpu.vector_store %arg7[%swap3A_421, %swap3A_422], %swap3A_425 {strides = array<i32>} : memref<2x40xi32, #tpu.memory_space<vmem>>, vector<1x16xi32>,
        %mul3A_426 = arith.constant 40 : i32
        %mul3A_427 = arith.muli %add3A_409, %mul3A_426 : i32
        %add3A_428 = arith.constant 16 : i32
        %add3A_429 = arith.addi %mul3A_427, %add3A_428 : i32
        %get3A_430 = arith.index_cast %add3A_429 : i32 to index
        %get3A_431 = tpu.vector_load %arg6[%get3A_430] {strides = array<i32>} : memref<10112xi32, #tpu.memory_space<vmem>>, vector<16xi32>,
        %get3A_432 = vector.shape_cast %get3A_431 : vector<16xi32> to vector<16xi32>
        %and3A_433 = arith.constant 16383 : i32
        %and3A_434 = vector.broadcast %and3A_433 : i32 to vector<16xi32>
        %and3A_435 = arith.andi %get3A_432, %and3A_434 : vector<16xi32>
        %swap3A_436 = arith.constant 1 : i32
        %swap3A_437 = arith.index_cast %swap3A_436 : i32 to index
        %swap3A_438 = arith.constant 16 : index
        %swap3A_439 = tpu.vector_load %arg7[%swap3A_437, %swap3A_438] {strides = array<i32>} : memref<2x40xi32, #tpu.memory_space<vmem>>, vector<1x16xi32>,
        %swap3A_440 = vector.shape_cast %swap3A_439 : vector<1x16xi32> to vector<16xi32>
        %swap3A_441 = vector.shape_cast %and3A_435 : vector<16xi32> to vector<1x16xi32>
        tpu.vector_store %arg7[%swap3A_437, %swap3A_438], %swap3A_441 {strides = array<i32>} : memref<2x40xi32, #tpu.memory_space<vmem>>, vector<1x16xi32>,
        %mul3A_442 = arith.constant 40 : i32
        %mul3A_443 = arith.muli %add3A_409, %mul3A_442 : i32
        %add3A_444 = arith.constant 24 : i32
        %add3A_445 = arith.addi %mul3A_443, %add3A_444 : i32
        %get3A_446 = arith.index_cast %add3A_445 : i32 to index
        %get3A_447 = tpu.vector_load %arg6[%get3A_446] {strides = array<i32>} : memref<10112xi32, #tpu.memory_space<vmem>>, vector<16xi32>,
        %get3A_448 = vector.shape_cast %get3A_447 : vector<16xi32> to vector<16xi32>
        %and3A_449 = arith.constant 16383 : i32
        %and3A_450 = vector.broadcast %and3A_449 : i32 to vector<16xi32>
        %and3A_451 = arith.andi %get3A_448, %and3A_450 : vector<16xi32>
        %swap3A_452 = arith.constant 1 : i32
        %swap3A_453 = arith.index_cast %swap3A_452 : i32 to index
        %swap3A_454 = arith.constant 24 : index
        %swap3A_455 = tpu.vector_load %arg7[%swap3A_453, %swap3A_454] {strides = array<i32>} : memref<2x40xi32, #tpu.memory_space<vmem>>, vector<1x16xi32>,
        %swap3A_456 = vector.shape_cast %swap3A_455 : vector<1x16xi32> to vector<16xi32>
        %swap3A_457 = vector.shape_cast %and3A_451 : vector<16xi32> to vector<1x16xi32>
        tpu.vector_store %arg7[%swap3A_453, %swap3A_454], %swap3A_457 {strides = array<i32>} : memref<2x40xi32, #tpu.memory_space<vmem>>, vector<1x16xi32>,
        %add3A_458 = arith.constant 2 : i32
        %add3A_459 = arith.addi %add3A_304, %add3A_458 : i32
        %mul3A_460 = arith.constant 40 : i32
        %mul3A_461 = arith.muli %add3A_459, %mul3A_460 : i32
        %add3A_462 = arith.addi %mul3A_2, %mul3A_461 : i32
        %dma_start3A_463 = arith.constant 1 : i32
        %dma_start3A_464 = arith.constant 0 : i32
        %dma_start3A_465 = arith.constant 0 : i32
        %dma_start3A_466 = tpu.memref_slice %arg10[%dma_start3A_463, %dma_start3A_464, %dma_start3A_465] : memref<2x40x128xf32, #tpu.memory_space<vmem>> -> memref<1x40x128xf32, #tpu.memory_space<vmem>>
        %dma_start3A_467 = tpu.memref_squeeze %dma_start3A_466 : memref<1x40x128xf32, #tpu.memory_space<vmem>> -> memref<40x128xf32, #tpu.memory_space<vmem>>
        %dma_start3A_468 = arith.constant 0 : i32
        %dma_start3A_469 = tpu.memref_slice %arg4[%add3A_462, %dma_start3A_468] : memref<320000x128xf32, #tpu.memory_space<hbm>> -> memref<40x128xf32, #tpu.memory_space<hbm>>
        %dma_start3A_470 = arith.constant 0 : i32
        %dma_start3A_471 = arith.constant 0 : i32
        %dma_start3A_472 = tpu.memref_slice %arg10[%dma_start3A_463, %dma_start3A_470, %dma_start3A_471] : memref<2x40x128xf32, #tpu.memory_space<vmem>> -> memref<1x40x128xf32, #tpu.memory_space<vmem>>
        %dma_start3A_473 = tpu.memref_squeeze %dma_start3A_472 : memref<1x40x128xf32, #tpu.memory_space<vmem>> -> memref<40x128xf32, #tpu.memory_space<vmem>>
        %dma_start3A_474 = arith.constant 0 : i32
        %dma_start3A_475 = tpu.memref_slice %arg4[%add3A_462, %dma_start3A_474] : memref<320000x128xf32, #tpu.memory_space<hbm>> -> memref<40x128xf32, #tpu.memory_space<hbm>>
        tpu.enqueue_dma source(%dma_start3A_475 : memref<40x128xf32, #tpu.memory_space<hbm>>) target(%dma_start3A_473 : memref<40x128xf32, #tpu.memory_space<vmem>>) target_semaphore(%arg18 : memref<!tpu.dma_semaphore, #tpu.memory_space<semaphore_mem>>)
        %dma_start3A_476 = arith.constant 1 : i32
        %dma_start3A_477 = arith.constant 1 : i32
        %dma_start3A_478 = arith.constant 0 : i32
        %dma_start3A_479 = arith.constant 0 : i32
        %dma_start3A_480 = tpu.memref_slice %arg9[%dma_start3A_477, %dma_start3A_478, %dma_start3A_479] : memref<2x40x128xf32, #tpu.memory_space<vmem>> -> memref<1x40x128xf32, #tpu.memory_space<vmem>>
        %dma_start3A_481 = tpu.memref_squeeze %dma_start3A_480 : memref<1x40x128xf32, #tpu.memory_space<vmem>> -> memref<40x128xf32, #tpu.memory_space<vmem>>
        %dma_start3A_482 = arith.constant 0 : i32
        %dma_start3A_483 = tpu.memref_slice %arg7[%dma_start3A_476, %dma_start3A_482] : memref<2x40xi32, #tpu.memory_space<vmem>> -> memref<1x40xi32, #tpu.memory_space<vmem>>
        %dma_start3A_484 = tpu.memref_squeeze %dma_start3A_483 : memref<1x40xi32, #tpu.memory_space<vmem>> -> memref<40xi32, #tpu.memory_space<vmem>>
        %dma_start3A_485 = arith.constant 0 : i32
        %dma_start3A_486 = arith.constant 0 : i32
        %dma_start3A_487 = tpu.memref_slice %arg2[%dma_start3A_485, %dma_start3A_486] : memref<10000x128xf32, #tpu.memory_space<hbm>> -> memref<10000x128xf32, #tpu.memory_space<hbm>>
        tpu.enqueue_indirect_dma source(%dma_start3A_487 : memref<10000x128xf32, #tpu.memory_space<hbm>>) target(%dma_start3A_481 : memref<40x128xf32, #tpu.memory_space<vmem>>) offsets(%dma_start3A_484 : memref<40xi32, #tpu.memory_space<vmem>>) semaphore(%arg16 : memref<!tpu.dma_semaphore, #tpu.memory_space<semaphore_mem>>)
      } else {
      }
    }
    %scan3A_159 = arith.constant 125 : i32
    %dma_wait3A_160 = arith.constant 0 : i32
    %dma_wait3A_161 = arith.constant 0 : i32
    %dma_wait3A_162 = arith.constant 0 : i32
    %dma_wait3A_163 = arith.constant 0 : i32
    %dma_wait3A_164 = tpu.memref_slice %arg11[%dma_wait3A_160, %dma_wait3A_162, %dma_wait3A_163] : memref<2x40x128xf32, #tpu.memory_space<vmem>> -> memref<1x40x128xf32, #tpu.memory_space<vmem>>
    %dma_wait3A_165 = tpu.memref_squeeze %dma_wait3A_164 : memref<1x40x128xf32, #tpu.memory_space<vmem>> -> memref<40x128xf32, #tpu.memory_space<vmem>>
    %dma_wait3A_166 = arith.constant 0 : i32
    %dma_wait3A_167 = tpu.memref_slice %arg8[%dma_wait3A_161, %dma_wait3A_166] : memref<2x40xi32, #tpu.memory_space<vmem>> -> memref<1x40xi32, #tpu.memory_space<vmem>>
    %dma_wait3A_168 = tpu.memref_squeeze %dma_wait3A_167 : memref<1x40xi32, #tpu.memory_space<vmem>> -> memref<40xi32, #tpu.memory_space<vmem>>
    %dma_wait3A_169 = arith.constant 0 : i32
    %dma_wait3A_170 = arith.constant 0 : i32
    %dma_wait3A_171 = tpu.memref_slice %arg12[%dma_wait3A_169, %dma_wait3A_170] : memref<10240x128xf32, #tpu.memory_space<vmem_shared>> -> memref<10240x128xf32, #tpu.memory_space<vmem_shared>>
    tpu.wait_indirect_dma semaphore(%arg19 : memref<!tpu.dma_semaphore, #tpu.memory_space<semaphore_mem>>) src(%dma_wait3A_165 : memref<40x128xf32, #tpu.memory_space<vmem>>) dst(%dma_wait3A_171 : memref<10240x128xf32, #tpu.memory_space<vmem_shared>>)
    %dma_wait3A_172 = arith.constant 1 : i32
    %dma_wait3A_173 = arith.constant 1 : i32
    %dma_wait3A_174 = arith.constant 0 : i32
    %dma_wait3A_175 = arith.constant 0 : i32
    %dma_wait3A_176 = tpu.memref_slice %arg11[%dma_wait3A_172, %dma_wait3A_174, %dma_wait3A_175] : memref<2x40x128xf32, #tpu.memory_space<vmem>> -> memref<1x40x128xf32, #tpu.memory_space<vmem>>
    %dma_wait3A_177 = tpu.memref_squeeze %dma_wait3A_176 : memref<1x40x128xf32, #tpu.memory_space<vmem>> -> memref<40x128xf32, #tpu.memory_space<vmem>>
    %dma_wait3A_178 = arith.constant 0 : i32
    %dma_wait3A_179 = tpu.memref_slice %arg8[%dma_wait3A_173, %dma_wait3A_178] : memref<2x40xi32, #tpu.memory_space<vmem>> -> memref<1x40xi32, #tpu.memory_space<vmem>>
    %dma_wait3A_180 = tpu.memref_squeeze %dma_wait3A_179 : memref<1x40xi32, #tpu.memory_space<vmem>> -> memref<40xi32, #tpu.memory_space<vmem>>
    %dma_wait3A_181 = arith.constant 0 : i32
    %dma_wait3A_182 = arith.constant 0 : i32
    %dma_wait3A_183 = tpu.memref_slice %arg12[%dma_wait3A_181, %dma_wait3A_182] : memref<10240x128xf32, #tpu.memory_space<vmem_shared>> -> memref<10240x128xf32, #tpu.memory_space<vmem_shared>>
    tpu.wait_indirect_dma semaphore(%arg20 : memref<!tpu.dma_semaphore, #tpu.memory_space<semaphore_mem>>) src(%dma_wait3A_177 : memref<40x128xf32, #tpu.memory_space<vmem>>) dst(%dma_wait3A_183 : memref<10240x128xf32, #tpu.memory_space<vmem_shared>>)
    %barrier3A_184 = arith.constant 0 : index
    tpu.barrier barrier_id(%barrier3A_184)
    %scan3A_185 = arith.constant 0 : i32
    %scan3A_186 = arith.constant 4 : i32
    %scan3A_187 = arith.addi %scan3A_185, %scan3A_186 : i32
    %scan3A_188 = arith.constant 1 : i32
    scf.for %scan3A_195 = %scan3A_185 to %scan3A_187 step %scan3A_188  : i32 {
      %mul3A_196 = arith.constant 1 : i32
      %mul3A_197 = arith.muli %scan3A_195, %mul3A_196 : i32
      %add3A_198 = arith.constant 0 : i32
      %add3A_199 = arith.addi %add3A_198, %mul3A_197 : i32
      %mul3A_200 = arith.constant 640 : i32
      %mul3A_201 = arith.muli %arg1, %mul3A_200 : i32
      %mul3A_202 = arith.constant 160 : i32
      %mul3A_203 = arith.muli %add3A_199, %mul3A_202 : i32
      %add3A_204 = arith.addi %mul3A_201, %mul3A_203 : i32
      %dma_start3A_205 = arith.constant 0 : i32
      %dma_start3A_206 = tpu.memref_slice %arg5[%arg0, %add3A_204, %dma_start3A_205] : memref<2x10240x128xf32, #tpu.memory_space<hbm>> -> memref<1x160x128xf32, #tpu.memory_space<hbm>>
      %dma_start3A_207 = tpu.memref_squeeze %dma_start3A_206 : memref<1x160x128xf32, #tpu.memory_space<hbm>> -> memref<160x128xf32, #tpu.memory_space<hbm>>
      %dma_start3A_208 = arith.constant 0 : i32
      %dma_start3A_209 = tpu.memref_slice %arg12[%add3A_204, %dma_start3A_208] : memref<10240x128xf32, #tpu.memory_space<vmem_shared>> -> memref<160x128xf32, #tpu.memory_space<vmem_shared>>
      tpu.enqueue_dma source(%dma_start3A_209 : memref<160x128xf32, #tpu.memory_space<vmem_shared>>) target(%dma_start3A_207 : memref<160x128xf32, #tpu.memory_space<hbm>>) target_semaphore(%arg13 : memref<!tpu.dma_semaphore, #tpu.memory_space<semaphore_mem>>)
    }
    %scan3A_189 = arith.constant 4 : i32
    %scan3A_190 = arith.constant 0 : i32
    %scan3A_191 = arith.constant 4 : i32
    %scan3A_192 = arith.addi %scan3A_190, %scan3A_191 : i32
    %scan3A_193 = arith.constant 1 : i32
    scf.for %scan3A_195 = %scan3A_190 to %scan3A_192 step %scan3A_193  : i32 {
      %mul3A_196 = arith.constant 1 : i32
      %mul3A_197 = arith.muli %scan3A_195, %mul3A_196 : i32
      %add3A_198 = arith.constant 0 : i32
      %add3A_199 = arith.addi %add3A_198, %mul3A_197 : i32
      %mul3A_200 = arith.constant 640 : i32
      %mul3A_201 = arith.muli %arg1, %mul3A_200 : i32
      %mul3A_202 = arith.constant 160 : i32
      %mul3A_203 = arith.muli %add3A_199, %mul3A_202 : i32
      %add3A_204 = arith.addi %mul3A_201, %mul3A_203 : i32
      %dma_wait3A_205 = arith.constant 0 : i32
      %dma_wait3A_206 = tpu.memref_slice %arg5[%arg0, %add3A_204, %dma_wait3A_205] : memref<2x10240x128xf32, #tpu.memory_space<hbm>> -> memref<1x160x128xf32, #tpu.memory_space<hbm>>
      %dma_wait3A_207 = tpu.memref_squeeze %dma_wait3A_206 : memref<1x160x128xf32, #tpu.memory_space<hbm>> -> memref<160x128xf32, #tpu.memory_space<hbm>>
      %dma_wait3A_208 = arith.constant 0 : i32
      %dma_wait3A_209 = tpu.memref_slice %arg12[%add3A_204, %dma_wait3A_208] : memref<10240x128xf32, #tpu.memory_space<vmem_shared>> -> memref<160x128xf32, #tpu.memory_space<vmem_shared>>
      tpu.wait_dma2 semaphore(%arg13 : memref<!tpu.dma_semaphore, #tpu.memory_space<semaphore_mem>>) src(%dma_wait3A_209 : memref<160x128xf32, #tpu.memory_space<vmem_shared>>) dst(%dma_wait3A_207 : memref<160x128xf32, #tpu.memory_space<hbm>>)
    }
    %scan3A_194 = arith.constant 4 : i32
    return
  }
}

#map = affine_map<(d0, d1) -> (0, 0)>
#map1 = affine_map<(d0, d1) -> (0, 0, 0)>
module attributes {stable_mosaic.version = 14 : i64} {
  func.func @k(%arg0: i32, %arg1: i32, %arg2: memref<10000x128xf32, #tpu.memory_space<hbm>>, %arg3: memref<32x10112xi32, #tpu.memory_space<hbm>>, %arg4: memref<320000x128xf32, #tpu.memory_space<hbm>>, %arg5: memref<2x10240x128xf32, #tpu.memory_space<hbm>>, %arg6: memref<10112xi32, #tpu.memory_space<vmem>>, %arg7: memref<2x40xi32, #tpu.memory_space<vmem>>, %arg8: memref<2x40xi32, #tpu.memory_space<vmem>>, %arg9: memref<2x40x128xf32, #tpu.memory_space<vmem>>, %arg10: memref<2x40x128xf32, #tpu.memory_space<vmem>>, %arg11: memref<2x40x128xf32, #tpu.memory_space<vmem>>, %arg12: memref<10240x128xf32, #tpu.memory_space<vmem_shared>>, %arg13: memref<!tpu.dma_semaphore, #tpu.memory_space<semaphore_mem>>, %arg14: memref<!tpu.dma_semaphore, #tpu.memory_space<semaphore_mem>>, %arg15: memref<!tpu.dma_semaphore, #tpu.memory_space<semaphore_mem>>, %arg16: memref<!tpu.dma_semaphore, #tpu.memory_space<semaphore_mem>>, %arg17: memref<!tpu.dma_semaphore, #tpu.memory_space<semaphore_mem>>, %arg18: memref<!tpu.dma_semaphore, #tpu.memory_space<semaphore_mem>>, %arg19: memref<!tpu.dma_semaphore, #tpu.memory_space<semaphore_mem>>, %arg20: memref<!tpu.dma_semaphore, #tpu.memory_space<semaphore_mem>>) attributes {dimension_semantics = [#tpu.dimension_semantics<core_parallel>, #tpu.dimension_semantics<subcore_parallel>], iteration_bounds = array<i64: 2, 16>, scalar_prefetch = 0 : i64, scratch_operands = 15 : i64, tpu.core_type = #tpu.core_type<sc_vector_subcore>, window_params = [{transform_indices = #map}, {transform_indices = #map}, {transform_indices = #map}, {transform_indices = #map1}]} {
    %mul3A = arith.constant 2 : i32
    %mul3A_0 = arith.muli %arg1, %mul3A : i32
    %add3A = arith.addi %mul3A_0, %arg0 : i32
    %mul3A_1 = arith.constant 10000 : i32
    %mul3A_2 = arith.muli %add3A, %mul3A_1 : i32
    %dma_start3A = arith.constant 0 : i32
    %dma_start3A_3 = tpu.memref_slice %arg3[%add3A, %dma_start3A] : memref<32x10112xi32, #tpu.memory_space<hbm>> -> memref<1x10112xi32, #tpu.memory_space<hbm>>
    %dma_start3A_4 = tpu.memref_squeeze %dma_start3A_3 : memref<1x10112xi32, #tpu.memory_space<hbm>> -> memref<10112xi32, #tpu.memory_space<hbm>>
    %dma_start3A_5 = arith.constant 0 : i32
    %dma_start3A_6 = tpu.memref_slice %arg3[%add3A, %dma_start3A_5] : memref<32x10112xi32, #tpu.memory_space<hbm>> -> memref<1x10112xi32, #tpu.memory_space<hbm>>
    %dma_start3A_7 = tpu.memref_squeeze %dma_start3A_6 : memref<1x10112xi32, #tpu.memory_space<hbm>> -> memref<10112xi32, #tpu.memory_space<hbm>>
    tpu.enqueue_dma source(%dma_start3A_7 : memref<10112xi32, #tpu.memory_space<hbm>>) target(%arg6 : memref<10112xi32, #tpu.memory_space<vmem>>) target_semaphore(%arg13 : memref<!tpu.dma_semaphore, #tpu.memory_space<semaphore_mem>>)
    %scan3A = arith.constant 0 : i32
    %scan3A_8 = arith.constant 40 : i32
    %scan3A_9 = arith.addi %scan3A, %scan3A_8 : i32
    %scan3A_10 = arith.constant 1 : i32
    scf.for %scan3A_195 = %scan3A to %scan3A_9 step %scan3A_10  : i32 {
      %mul3A_196 = arith.constant 1 : i32
      %mul3A_197 = arith.muli %scan3A_195, %mul3A_196 : i32
      %add3A_198 = arith.constant 0 : i32
      %add3A_199 = arith.addi %add3A_198, %mul3A_197 : i32
      %broadcast_in_dim3A = arith.constant 0.000000e+00 : f32
      %broadcast_in_dim3A_200 = vector.broadcast %broadcast_in_dim3A : f32 to vector<16xf32>
      %swap3A_201 = arith.constant 0 : i32
      %swap3A_202 = arith.index_cast %swap3A_201 : i32 to index
      %swap3A_203 = arith.index_cast %add3A_199 : i32 to index
      %swap3A_204 = arith.constant 0 : index
      %swap3A_205 = tpu.vector_load %arg11[%swap3A_202, %swap3A_203, %swap3A_204] {strides = array<i32>} : memref<2x40x128xf32, #tpu.memory_space<vmem>>, vector<1x1x16xf32>,
      %swap3A_206 = vector.shape_cast %swap3A_205 : vector<1x1x16xf32> to vector<16xf32>
      %swap3A_207 = vector.shape_cast %broadcast_in_dim3A_200 : vector<16xf32> to vector<1x1x16xf32>
      tpu.vector_store %arg11[%swap3A_202, %swap3A_203, %swap3A_204], %swap3A_207 {strides = array<i32>} : memref<2x40x128xf32, #tpu.memory_space<vmem>>, vector<1x1x16xf32>,
      %broadcast_in_dim3A_208 = arith.constant 0.000000e+00 : f32
      %broadcast_in_dim3A_209 = vector.broadcast %broadcast_in_dim3A_208 : f32 to vector<16xf32>
      %swap3A_210 = arith.constant 0 : i32
      %swap3A_211 = arith.index_cast %swap3A_210 : i32 to index
      %swap3A_212 = arith.index_cast %add3A_199 : i32 to index
      %swap3A_213 = arith.constant 16 : index
      %swap3A_214 = tpu.vector_load %arg11[%swap3A_211, %swap3A_212, %swap3A_213] {strides = array<i32>} : memref<2x40x128xf32, #tpu.memory_space<vmem>>, vector<1x1x16xf32>,
      %swap3A_215 = vector.shape_cast %swap3A_214 : vector<1x1x16xf32> to vector<16xf32>
      %swap3A_216 = vector.shape_cast %broadcast_in_dim3A_209 : vector<16xf32> to vector<1x1x16xf32>
      tpu.vector_store %arg11[%swap3A_211, %swap3A_212, %swap3A_213], %swap3A_216 {strides = array<i32>} : memref<2x40x128xf32, #tpu.memory_space<vmem>>, vector<1x1x16xf32>,
      %broadcast_in_dim3A_217 = arith.constant 0.000000e+00 : f32
      %broadcast_in_dim3A_218 = vector.broadcast %broadcast_in_dim3A_217 : f32 to vector<16xf32>
      %swap3A_219 = arith.constant 0 : i32
      %swap3A_220 = arith.index_cast %swap3A_219 : i32 to index
      %swap3A_221 = arith.index_cast %add3A_199 : i32 to index
      %swap3A_222 = arith.constant 32 : index
      %swap3A_223 = tpu.vector_load %arg11[%swap3A_220, %swap3A_221, %swap3A_222] {strides = array<i32>} : memref<2x40x128xf32, #tpu.memory_space<vmem>>, vector<1x1x16xf32>,
      %swap3A_224 = vector.shape_cast %swap3A_223 : vector<1x1x16xf32> to vector<16xf32>
      %swap3A_225 = vector.shape_cast %broadcast_in_dim3A_218 : vector<16xf32> to vector<1x1x16xf32>
      tpu.vector_store %arg11[%swap3A_220, %swap3A_221, %swap3A_222], %swap3A_225 {strides = array<i32>} : memref<2x40x128xf32, #tpu.memory_space<vmem>>, vector<1x1x16xf32>,
      %broadcast_in_dim3A_226 = arith.constant 0.000000e+00 : f32
      %broadcast_in_dim3A_227 = vector.broadcast %broadcast_in_dim3A_226 : f32 to vector<16xf32>
      %swap3A_228 = arith.constant 0 : i32
      %swap3A_229 = arith.index_cast %swap3A_228 : i32 to index
      %swap3A_230 = arith.index_cast %add3A_199 : i32 to index
      %swap3A_231 = arith.constant 48 : index
      %swap3A_232 = tpu.vector_load %arg11[%swap3A_229, %swap3A_230, %swap3A_231] {strides = array<i32>} : memref<2x40x128xf32, #tpu.memory_space<vmem>>, vector<1x1x16xf32>,
      %swap3A_233 = vector.shape_cast %swap3A_232 : vector<1x1x16xf32> to vector<16xf32>
      %swap3A_234 = vector.shape_cast %broadcast_in_dim3A_227 : vector<16xf32> to vector<1x1x16xf32>
      tpu.vector_store %arg11[%swap3A_229, %swap3A_230, %swap3A_231], %swap3A_234 {strides = array<i32>} : memref<2x40x128xf32, #tpu.memory_space<vmem>>, vector<1x1x16xf32>,
      %broadcast_in_dim3A_235 = arith.constant 0.000000e+00 : f32
      %broadcast_in_dim3A_236 = vector.broadcast %broadcast_in_dim3A_235 : f32 to vector<16xf32>
      %swap3A_237 = arith.constant 0 : i32
      %swap3A_238 = arith.index_cast %swap3A_237 : i32 to index
      %swap3A_239 = arith.index_cast %add3A_199 : i32 to index
      %swap3A_240 = arith.constant 64 : index
      %swap3A_241 = tpu.vector_load %arg11[%swap3A_238, %swap3A_239, %swap3A_240] {strides = array<i32>} : memref<2x40x128xf32, #tpu.memory_space<vmem>>, vector<1x1x16xf32>,
      %swap3A_242 = vector.shape_cast %swap3A_241 : vector<1x1x16xf32> to vector<16xf32>
      %swap3A_243 = vector.shape_cast %broadcast_in_dim3A_236 : vector<16xf32> to vector<1x1x16xf32>
      tpu.vector_store %arg11[%swap3A_238, %swap3A_239, %swap3A_240], %swap3A_243 {strides = array<i32>} : memref<2x40x128xf32, #tpu.memory_space<vmem>>, vector<1x1x16xf32>,
      %broadcast_in_dim3A_244 = arith.constant 0.000000e+00 : f32
      %broadcast_in_dim3A_245 = vector.broadcast %broadcast_in_dim3A_244 : f32 to vector<16xf32>
      %swap3A_246 = arith.constant 0 : i32
      %swap3A_247 = arith.index_cast %swap3A_246 : i32 to index
      %swap3A_248 = arith.index_cast %add3A_199 : i32 to index
      %swap3A_249 = arith.constant 80 : index
      %swap3A_250 = tpu.vector_load %arg11[%swap3A_247, %swap3A_248, %swap3A_249] {strides = array<i32>} : memref<2x40x128xf32, #tpu.memory_space<vmem>>, vector<1x1x16xf32>,
      %swap3A_251 = vector.shape_cast %swap3A_250 : vector<1x1x16xf32> to vector<16xf32>
      %swap3A_252 = vector.shape_cast %broadcast_in_dim3A_245 : vector<16xf32> to vector<1x1x16xf32>
      tpu.vector_store %arg11[%swap3A_247, %swap3A_248, %swap3A_249], %swap3A_252 {strides = array<i32>} : memref<2x40x128xf32, #tpu.memory_space<vmem>>, vector<1x1x16xf32>,
      %broadcast_in_dim3A_253 = arith.constant 0.000000e+00 : f32
      %broadcast_in_dim3A_254 = vector.broadcast %broadcast_in_dim3A_253 : f32 to vector<16xf32>
      %swap3A_255 = arith.constant 0 : i32
      %swap3A_256 = arith.index_cast %swap3A_255 : i32 to index
      %swap3A_257 = arith.index_cast %add3A_199 : i32 to index
      %swap3A_258 = arith.constant 96 : index
      %swap3A_259 = tpu.vector_load %arg11[%swap3A_256, %swap3A_257, %swap3A_258] {strides = array<i32>} : memref<2x40x128xf32, #tpu.memory_space<vmem>>, vector<1x1x16xf32>,
      %swap3A_260 = vector.shape_cast %swap3A_259 : vector<1x1x16xf32> to vector<16xf32>
      %swap3A_261 = vector.shape_cast %broadcast_in_dim3A_254 : vector<16xf32> to vector<1x1x16xf32>
      tpu.vector_store %arg11[%swap3A_256, %swap3A_257, %swap3A_258], %swap3A_261 {strides = array<i32>} : memref<2x40x128xf32, #tpu.memory_space<vmem>>, vector<1x1x16xf32>,
      %broadcast_in_dim3A_262 = arith.constant 0.000000e+00 : f32
      %broadcast_in_dim3A_263 = vector.broadcast %broadcast_in_dim3A_262 : f32 to vector<16xf32>
      %swap3A_264 = arith.constant 0 : i32
      %swap3A_265 = arith.index_cast %swap3A_264 : i32 to index
      %swap3A_266 = arith.index_cast %add3A_199 : i32 to index
      %swap3A_267 = arith.constant 112 : index
      %swap3A_268 = tpu.vector_load %arg11[%swap3A_265, %swap3A_266, %swap3A_267] {strides = array<i32>} : memref<2x40x128xf32, #tpu.memory_space<vmem>>, vector<1x1x16xf32>,
      %swap3A_269 = vector.shape_cast %swap3A_268 : vector<1x1x16xf32> to vector<16xf32>
      %swap3A_270 = vector.shape_cast %broadcast_in_dim3A_263 : vector<16xf32> to vector<1x1x16xf32>
      tpu.vector_store %arg11[%swap3A_265, %swap3A_266, %swap3A_267], %swap3A_270 {strides = array<i32>} : memref<2x40x128xf32, #tpu.memory_space<vmem>>, vector<1x1x16xf32>,
    }
    %scan3A_11 = arith.constant 40 : i32
    %scan3A_12 = arith.constant 0 : i32
    %scan3A_13 = arith.constant 40 : i32
    %scan3A_14 = arith.addi %scan3A_12, %scan3A_13 : i32
    %scan3A_15 = arith.constant 1 : i32
    scf.for %scan3A_195 = %scan3A_12 to %scan3A_14 step %scan3A_15  : i32 {
      %mul3A_196 = arith.constant 1 : i32
      %mul3A_197 = arith.muli %scan3A_195, %mul3A_196 : i32
      %add3A_198 = arith.constant 0 : i32
      %add3A_199 = arith.addi %add3A_198, %mul3A_197 : i32
      %broadcast_in_dim3A = arith.constant 0.000000e+00 : f32
      %broadcast_in_dim3A_200 = vector.broadcast %broadcast_in_dim3A : f32 to vector<16xf32>
      %swap3A_201 = arith.constant 1 : i32
      %swap3A_202 = arith.index_cast %swap3A_201 : i32 to index
      %swap3A_203 = arith.index_cast %add3A_199 : i32 to index
      %swap3A_204 = arith.constant 0 : index
      %swap3A_205 = tpu.vector_load %arg11[%swap3A_202, %swap3A_203, %swap3A_204] {strides = array<i32>} : memref<2x40x128xf32, #tpu.memory_space<vmem>>, vector<1x1x16xf32>,
      %swap3A_206 = vector.shape_cast %swap3A_205 : vector<1x1x16xf32> to vector<16xf32>
      %swap3A_207 = vector.shape_cast %broadcast_in_dim3A_200 : vector<16xf32> to vector<1x1x16xf32>
      tpu.vector_store %arg11[%swap3A_202, %swap3A_203, %swap3A_204], %swap3A_207 {strides = array<i32>} : memref<2x40x128xf32, #tpu.memory_space<vmem>>, vector<1x1x16xf32>,
      %broadcast_in_dim3A_208 = arith.constant 0.000000e+00 : f32
      %broadcast_in_dim3A_209 = vector.broadcast %broadcast_in_dim3A_208 : f32 to vector<16xf32>
      %swap3A_210 = arith.constant 1 : i32
      %swap3A_211 = arith.index_cast %swap3A_210 : i32 to index
      %swap3A_212 = arith.index_cast %add3A_199 : i32 to index
      %swap3A_213 = arith.constant 16 : index
      %swap3A_214 = tpu.vector_load %arg11[%swap3A_211, %swap3A_212, %swap3A_213] {strides = array<i32>} : memref<2x40x128xf32, #tpu.memory_space<vmem>>, vector<1x1x16xf32>,
      %swap3A_215 = vector.shape_cast %swap3A_214 : vector<1x1x16xf32> to vector<16xf32>
      %swap3A_216 = vector.shape_cast %broadcast_in_dim3A_209 : vector<16xf32> to vector<1x1x16xf32>
      tpu.vector_store %arg11[%swap3A_211, %swap3A_212, %swap3A_213], %swap3A_216 {strides = array<i32>} : memref<2x40x128xf32, #tpu.memory_space<vmem>>, vector<1x1x16xf32>,
      %broadcast_in_dim3A_217 = arith.constant 0.000000e+00 : f32
      %broadcast_in_dim3A_218 = vector.broadcast %broadcast_in_dim3A_217 : f32 to vector<16xf32>
      %swap3A_219 = arith.constant 1 : i32
      %swap3A_220 = arith.index_cast %swap3A_219 : i32 to index
      %swap3A_221 = arith.index_cast %add3A_199 : i32 to index
      %swap3A_222 = arith.constant 32 : index
      %swap3A_223 = tpu.vector_load %arg11[%swap3A_220, %swap3A_221, %swap3A_222] {strides = array<i32>} : memref<2x40x128xf32, #tpu.memory_space<vmem>>, vector<1x1x16xf32>,
      %swap3A_224 = vector.shape_cast %swap3A_223 : vector<1x1x16xf32> to vector<16xf32>
      %swap3A_225 = vector.shape_cast %broadcast_in_dim3A_218 : vector<16xf32> to vector<1x1x16xf32>
      tpu.vector_store %arg11[%swap3A_220, %swap3A_221, %swap3A_222], %swap3A_225 {strides = array<i32>} : memref<2x40x128xf32, #tpu.memory_space<vmem>>, vector<1x1x16xf32>,
      %broadcast_in_dim3A_226 = arith.constant 0.000000e+00 : f32
      %broadcast_in_dim3A_227 = vector.broadcast %broadcast_in_dim3A_226 : f32 to vector<16xf32>
      %swap3A_228 = arith.constant 1 : i32
      %swap3A_229 = arith.index_cast %swap3A_228 : i32 to index
      %swap3A_230 = arith.index_cast %add3A_199 : i32 to index
      %swap3A_231 = arith.constant 48 : index
      %swap3A_232 = tpu.vector_load %arg11[%swap3A_229, %swap3A_230, %swap3A_231] {strides = array<i32>} : memref<2x40x128xf32, #tpu.memory_space<vmem>>, vector<1x1x16xf32>,
      %swap3A_233 = vector.shape_cast %swap3A_232 : vector<1x1x16xf32> to vector<16xf32>
      %swap3A_234 = vector.shape_cast %broadcast_in_dim3A_227 : vector<16xf32> to vector<1x1x16xf32>
      tpu.vector_store %arg11[%swap3A_229, %swap3A_230, %swap3A_231], %swap3A_234 {strides = array<i32>} : memref<2x40x128xf32, #tpu.memory_space<vmem>>, vector<1x1x16xf32>,
      %broadcast_in_dim3A_235 = arith.constant 0.000000e+00 : f32
      %broadcast_in_dim3A_236 = vector.broadcast %broadcast_in_dim3A_235 : f32 to vector<16xf32>
      %swap3A_237 = arith.constant 1 : i32
      %swap3A_238 = arith.index_cast %swap3A_237 : i32 to index
      %swap3A_239 = arith.index_cast %add3A_199 : i32 to index
      %swap3A_240 = arith.constant 64 : index
      %swap3A_241 = tpu.vector_load %arg11[%swap3A_238, %swap3A_239, %swap3A_240] {strides = array<i32>} : memref<2x40x128xf32, #tpu.memory_space<vmem>>, vector<1x1x16xf32>,
      %swap3A_242 = vector.shape_cast %swap3A_241 : vector<1x1x16xf32> to vector<16xf32>
      %swap3A_243 = vector.shape_cast %broadcast_in_dim3A_236 : vector<16xf32> to vector<1x1x16xf32>
      tpu.vector_store %arg11[%swap3A_238, %swap3A_239, %swap3A_240], %swap3A_243 {strides = array<i32>} : memref<2x40x128xf32, #tpu.memory_space<vmem>>, vector<1x1x16xf32>,
      %broadcast_in_dim3A_244 = arith.constant 0.000000e+00 : f32
      %broadcast_in_dim3A_245 = vector.broadcast %broadcast_in_dim3A_244 : f32 to vector<16xf32>
      %swap3A_246 = arith.constant 1 : i32
      %swap3A_247 = arith.index_cast %swap3A_246 : i32 to index
      %swap3A_248 = arith.index_cast %add3A_199 : i32 to index
      %swap3A_249 = arith.constant 80 : index
      %swap3A_250 = tpu.vector_load %arg11[%swap3A_247, %swap3A_248, %swap3A_249] {strides = array<i32>} : memref<2x40x128xf32, #tpu.memory_space<vmem>>, vector<1x1x16xf32>,
      %swap3A_251 = vector.shape_cast %swap3A_250 : vector<1x1x16xf32> to vector<16xf32>
      %swap3A_252 = vector.shape_cast %broadcast_in_dim3A_245 : vector<16xf32> to vector<1x1x16xf32>
      tpu.vector_store %arg11[%swap3A_247, %swap3A_248, %swap3A_249], %swap3A_252 {strides = array<i32>} : memref<2x40x128xf32, #tpu.memory_space<vmem>>, vector<1x1x16xf32>,
      %broadcast_in_dim3A_253 = arith.constant 0.000000e+00 : f32
      %broadcast_in_dim3A_254 = vector.broadcast %broadcast_in_dim3A_253 : f32 to vector<16xf32>
      %swap3A_255 = arith.constant 1 : i32
      %swap3A_256 = arith.index_cast %swap3A_255 : i32 to index
      %swap3A_257 = arith.index_cast %add3A_199 : i32 to index
      %swap3A_258 = arith.constant 96 : index
      %swap3A_259 = tpu.vector_load %arg11[%swap3A_256, %swap3A_257, %swap3A_258] {strides = array<i32>} : memref<2x40x128xf32, #tpu.memory_space<vmem>>, vector<1x1x16xf32>,
      %swap3A_260 = vector.shape_cast %swap3A_259 : vector<1x1x16xf32> to vector<16xf32>
      %swap3A_261 = vector.shape_cast %broadcast_in_dim3A_254 : vector<16xf32> to vector<1x1x16xf32>
      tpu.vector_store %arg11[%swap3A_256, %swap3A_257, %swap3A_258], %swap3A_261 {strides = array<i32>} : memref<2x40x128xf32, #tpu.memory_space<vmem>>, vector<1x1x16xf32>,
      %broadcast_in_dim3A_262 = arith.constant 0.000000e+00 : f32
      %broadcast_in_dim3A_263 = vector.broadcast %broadcast_in_dim3A_262 : f32 to vector<16xf32>
      %swap3A_264 = arith.constant 1 : i32
      %swap3A_265 = arith.index_cast %swap3A_264 : i32 to index
      %swap3A_266 = arith.index_cast %add3A_199 : i32 to index
      %swap3A_267 = arith.constant 112 : index
      %swap3A_268 = tpu.vector_load %arg11[%swap3A_265, %swap3A_266, %swap3A_267] {strides = array<i32>} : memref<2x40x128xf32, #tpu.memory_space<vmem>>, vector<1x1x16xf32>,
      %swap3A_269 = vector.shape_cast %swap3A_268 : vector<1x1x16xf32> to vector<16xf32>
      %swap3A_270 = vector.shape_cast %broadcast_in_dim3A_263 : vector<16xf32> to vector<1x1x16xf32>
      tpu.vector_store %arg11[%swap3A_265, %swap3A_266, %swap3A_267], %swap3A_270 {strides = array<i32>} : memref<2x40x128xf32, #tpu.memory_space<vmem>>, vector<1x1x16xf32>,
    }
    %scan3A_16 = arith.constant 40 : i32
    %scan3A_17 = arith.constant 0 : i32
    %scan3A_18 = arith.constant 16 : i32
    %scan3A_19 = arith.addi %scan3A_17, %scan3A_18 : i32
    %scan3A_20 = arith.constant 1 : i32
    scf.for %scan3A_195 = %scan3A_17 to %scan3A_19 step %scan3A_20  : i32 {
      %mul3A_196 = arith.constant 1 : i32
      %mul3A_197 = arith.muli %scan3A_195, %mul3A_196 : i32
      %add3A_198 = arith.constant 0 : i32
      %add3A_199 = arith.addi %add3A_198, %mul3A_197 : i32
      %mul3A_200 = arith.constant 640 : i32
      %mul3A_201 = arith.muli %arg1, %mul3A_200 : i32
      %mul3A_202 = arith.constant 40 : i32
      %mul3A_203 = arith.muli %add3A_199, %mul3A_202 : i32
      %add3A_204 = arith.addi %mul3A_201, %mul3A_203 : i32
      %dma_start3A_205 = arith.constant 0 : i32
      %dma_start3A_206 = arith.constant 0 : i32
      %dma_start3A_207 = arith.constant 0 : i32
      %dma_start3A_208 = tpu.memref_slice %arg11[%dma_start3A_205, %dma_start3A_206, %dma_start3A_207] : memref<2x40x128xf32, #tpu.memory_space<vmem>> -> memref<1x40x128xf32, #tpu.memory_space<vmem>>
      %dma_start3A_209 = tpu.memref_squeeze %dma_start3A_208 : memref<1x40x128xf32, #tpu.memory_space<vmem>> -> memref<40x128xf32, #tpu.memory_space<vmem>>
      %dma_start3A_210 = arith.constant 0 : i32
      %dma_start3A_211 = tpu.memref_slice %arg12[%add3A_204, %dma_start3A_210] : memref<10240x128xf32, #tpu.memory_space<vmem_shared>> -> memref<40x128xf32, #tpu.memory_space<vmem_shared>>
      %dma_start3A_212 = arith.constant 0 : i32
      %dma_start3A_213 = tpu.memref_slice %arg12[%add3A_204, %dma_start3A_212] : memref<10240x128xf32, #tpu.memory_space<vmem_shared>> -> memref<40x128xf32, #tpu.memory_space<vmem_shared>>
      %dma_start3A_214 = arith.constant 0 : i32
      %dma_start3A_215 = arith.constant 0 : i32
      %dma_start3A_216 = tpu.memref_slice %arg11[%dma_start3A_205, %dma_start3A_214, %dma_start3A_215] : memref<2x40x128xf32, #tpu.memory_space<vmem>> -> memref<1x40x128xf32, #tpu.memory_space<vmem>>
      %dma_start3A_217 = tpu.memref_squeeze %dma_start3A_216 : memref<1x40x128xf32, #tpu.memory_space<vmem>> -> memref<40x128xf32, #tpu.memory_space<vmem>>
      tpu.enqueue_dma source(%dma_start3A_217 : memref<40x128xf32, #tpu.memory_space<vmem>>) target(%dma_start3A_213 : memref<40x128xf32, #tpu.memory_space<vmem_shared>>) target_semaphore(%arg14 : memref<!tpu.dma_semaphore, #tpu.memory_space<semaphore_mem>>)
    }
    %scan3A_21 = arith.constant 16 : i32
    %dma_wait3A = arith.constant 0 : i32
    %dma_wait3A_22 = tpu.memref_slice %arg3[%add3A, %dma_wait3A] : memref<32x10112xi32, #tpu.memory_space<hbm>> -> memref<1x10112xi32, #tpu.memory_space<hbm>>
    %dma_wait3A_23 = tpu.memref_squeeze %dma_wait3A_22 : memref<1x10112xi32, #tpu.memory_space<hbm>> -> memref<10112xi32, #tpu.memory_space<hbm>>
    %dma_wait3A_24 = arith.constant 0 : i32
    %dma_wait3A_25 = tpu.memref_slice %arg3[%add3A, %dma_wait3A_24] : memref<32x10112xi32, #tpu.memory_space<hbm>> -> memref<1x10112xi32, #tpu.memory_space<hbm>>
    %dma_wait3A_26 = tpu.memref_squeeze %dma_wait3A_25 : memref<1x10112xi32, #tpu.memory_space<hbm>> -> memref<10112xi32, #tpu.memory_space<hbm>>
    tpu.wait_dma2 semaphore(%arg13 : memref<!tpu.dma_semaphore, #tpu.memory_space<semaphore_mem>>) src(%dma_wait3A_26 : memref<10112xi32, #tpu.memory_space<hbm>>) dst(%arg6 : memref<10112xi32, #tpu.memory_space<vmem>>)
    %scan3A_27 = arith.constant 0 : i32
    %scan3A_28 = arith.constant 16 : i32
    %scan3A_29 = arith.addi %scan3A_27, %scan3A_28 : i32
    %scan3A_30 = arith.constant 1 : i32
    scf.for %scan3A_195 = %scan3A_27 to %scan3A_29 step %scan3A_30  : i32 {
      %mul3A_196 = arith.constant 1 : i32
      %mul3A_197 = arith.muli %scan3A_195, %mul3A_196 : i32
      %add3A_198 = arith.constant 0 : i32
      %add3A_199 = arith.addi %add3A_198, %mul3A_197 : i32
      %mul3A_200 = arith.constant 640 : i32
      %mul3A_201 = arith.muli %arg1, %mul3A_200 : i32
      %mul3A_202 = arith.constant 40 : i32
      %mul3A_203 = arith.muli %add3A_199, %mul3A_202 : i32
      %add3A_204 = arith.addi %mul3A_201, %mul3A_203 : i32
      %dma_wait3A_205 = arith.constant 0 : i32
      %dma_wait3A_206 = arith.constant 0 : i32
      %dma_wait3A_207 = arith.constant 0 : i32
      %dma_wait3A_208 = tpu.memref_slice %arg11[%dma_wait3A_205, %dma_wait3A_206, %dma_wait3A_207] : memref<2x40x128xf32, #tpu.memory_space<vmem>> -> memref<1x40x128xf32, #tpu.memory_space<vmem>>
      %dma_wait3A_209 = tpu.memref_squeeze %dma_wait3A_208 : memref<1x40x128xf32, #tpu.memory_space<vmem>> -> memref<40x128xf32, #tpu.memory_space<vmem>>
      %dma_wait3A_210 = arith.constant 0 : i32
      %dma_wait3A_211 = tpu.memref_slice %arg12[%add3A_204, %dma_wait3A_210] : memref<10240x128xf32, #tpu.memory_space<vmem_shared>> -> memref<40x128xf32, #tpu.memory_space<vmem_shared>>
      %dma_wait3A_212 = arith.constant 0 : i32
      %dma_wait3A_213 = tpu.memref_slice %arg12[%add3A_204, %dma_wait3A_212] : memref<10240x128xf32, #tpu.memory_space<vmem_shared>> -> memref<40x128xf32, #tpu.memory_space<vmem_shared>>
      %dma_wait3A_214 = arith.constant 0 : i32
      %dma_wait3A_215 = arith.constant 0 : i32
      %dma_wait3A_216 = tpu.memref_slice %arg11[%dma_wait3A_205, %dma_wait3A_214, %dma_wait3A_215] : memref<2x40x128xf32, #tpu.memory_space<vmem>> -> memref<1x40x128xf32, #tpu.memory_space<vmem>>
      %dma_wait3A_217 = tpu.memref_squeeze %dma_wait3A_216 : memref<1x40x128xf32, #tpu.memory_space<vmem>> -> memref<40x128xf32, #tpu.memory_space<vmem>>
      tpu.wait_dma2 semaphore(%arg14 : memref<!tpu.dma_semaphore, #tpu.memory_space<semaphore_mem>>) src(%dma_wait3A_217 : memref<40x128xf32, #tpu.memory_space<vmem>>) dst(%dma_wait3A_213 : memref<40x128xf32, #tpu.memory_space<vmem_shared>>)
    }
    %scan3A_31 = arith.constant 16 : i32
    %get3A = arith.constant 0 : index
    %get3A_32 = tpu.vector_load %arg6[%get3A] {strides = array<i32>} : memref<10112xi32, #tpu.memory_space<vmem>>, vector<16xi32>,
    %get3A_33 = vector.shape_cast %get3A_32 : vector<16xi32> to vector<16xi32>
    %and3A = arith.constant 16383 : i32
    %and3A_34 = vector.broadcast %and3A : i32 to vector<16xi32>
    %and3A_35 = arith.andi %get3A_33, %and3A_34 : vector<16xi32>
    %swap3A = arith.constant 0 : i32
    %swap3A_36 = arith.index_cast %swap3A : i32 to index
    %swap3A_37 = arith.constant 0 : index
    %swap3A_38 = tpu.vector_load %arg7[%swap3A_36, %swap3A_37] {strides = array<i32>} : memref<2x40xi32, #tpu.memory_space<vmem>>, vector<1x16xi32>,
    %swap3A_39 = vector.shape_cast %swap3A_38 : vector<1x16xi32> to vector<16xi32>
    %swap3A_40 = vector.shape_cast %and3A_35 : vector<16xi32> to vector<1x16xi32>
    tpu.vector_store %arg7[%swap3A_36, %swap3A_37], %swap3A_40 {strides = array<i32>} : memref<2x40xi32, #tpu.memory_space<vmem>>, vector<1x16xi32>,
    %get3A_41 = arith.constant 16 : index
    %get3A_42 = tpu.vector_load %arg6[%get3A_41] {strides = array<i32>} : memref<10112xi32, #tpu.memory_space<vmem>>, vector<16xi32>,
    %get3A_43 = vector.shape_cast %get3A_42 : vector<16xi32> to vector<16xi32>
    %and3A_44 = arith.constant 16383 : i32
    %and3A_45 = vector.broadcast %and3A_44 : i32 to vector<16xi32>
    %and3A_46 = arith.andi %get3A_43, %and3A_45 : vector<16xi32>
    %swap3A_47 = arith.constant 0 : i32
    %swap3A_48 = arith.index_cast %swap3A_47 : i32 to index
    %swap3A_49 = arith.constant 16 : index
    %swap3A_50 = tpu.vector_load %arg7[%swap3A_48, %swap3A_49] {strides = array<i32>} : memref<2x40xi32, #tpu.memory_space<vmem>>, vector<1x16xi32>,
    %swap3A_51 = vector.shape_cast %swap3A_50 : vector<1x16xi32> to vector<16xi32>
    %swap3A_52 = vector.shape_cast %and3A_46 : vector<16xi32> to vector<1x16xi32>
    tpu.vector_store %arg7[%swap3A_48, %swap3A_49], %swap3A_52 {strides = array<i32>} : memref<2x40xi32, #tpu.memory_space<vmem>>, vector<1x16xi32>,
    %get3A_53 = arith.constant 24 : index
    %get3A_54 = tpu.vector_load %arg6[%get3A_53] {strides = array<i32>} : memref<10112xi32, #tpu.memory_space<vmem>>, vector<16xi32>,
    %get3A_55 = vector.shape_cast %get3A_54 : vector<16xi32> to vector<16xi32>
    %and3A_56 = arith.constant 16383 : i32
    %and3A_57 = vector.broadcast %and3A_56 : i32 to vector<16xi32>
    %and3A_58 = arith.andi %get3A_55, %and3A_57 : vector<16xi32>
    %swap3A_59 = arith.constant 0 : i32
    %swap3A_60 = arith.index_cast %swap3A_59 : i32 to index
    %swap3A_61 = arith.constant 24 : index
    %swap3A_62 = tpu.vector_load %arg7[%swap3A_60, %swap3A_61] {strides = array<i32>} : memref<2x40xi32, #tpu.memory_space<vmem>>, vector<1x16xi32>,
    %swap3A_63 = vector.shape_cast %swap3A_62 : vector<1x16xi32> to vector<16xi32>
    %swap3A_64 = vector.shape_cast %and3A_58 : vector<16xi32> to vector<1x16xi32>
    tpu.vector_store %arg7[%swap3A_60, %swap3A_61], %swap3A_64 {strides = array<i32>} : memref<2x40xi32, #tpu.memory_space<vmem>>, vector<1x16xi32>,
    %get3A_65 = arith.constant 40 : index
    %get3A_66 = tpu.vector_load %arg6[%get3A_65] {strides = array<i32>} : memref<10112xi32, #tpu.memory_space<vmem>>, vector<16xi32>,
    %get3A_67 = vector.shape_cast %get3A_66 : vector<16xi32> to vector<16xi32>
    %and3A_68 = arith.constant 16383 : i32
    %and3A_69 = vector.broadcast %and3A_68 : i32 to vector<16xi32>
    %and3A_70 = arith.andi %get3A_67, %and3A_69 : vector<16xi32>
    %swap3A_71 = arith.constant 1 : i32
    %swap3A_72 = arith.index_cast %swap3A_71 : i32 to index
    %swap3A_73 = arith.constant 0 : index
    %swap3A_74 = tpu.vector_load %arg7[%swap3A_72, %swap3A_73] {strides = array<i32>} : memref<2x40xi32, #tpu.memory_space<vmem>>, vector<1x16xi32>,
    %swap3A_75 = vector.shape_cast %swap3A_74 : vector<1x16xi32> to vector<16xi32>
    %swap3A_76 = vector.shape_cast %and3A_70 : vector<16xi32> to vector<1x16xi32>
    tpu.vector_store %arg7[%swap3A_72, %swap3A_73], %swap3A_76 {strides = array<i32>} : memref<2x40xi32, #tpu.memory_space<vmem>>, vector<1x16xi32>,
    %get3A_77 = arith.constant 56 : index
    %get3A_78 = tpu.vector_load %arg6[%get3A_77] {strides = array<i32>} : memref<10112xi32, #tpu.memory_space<vmem>>, vector<16xi32>,
    %get3A_79 = vector.shape_cast %get3A_78 : vector<16xi32> to vector<16xi32>
    %and3A_80 = arith.constant 16383 : i32
    %and3A_81 = vector.broadcast %and3A_80 : i32 to vector<16xi32>
    %and3A_82 = arith.andi %get3A_79, %and3A_81 : vector<16xi32>
    %swap3A_83 = arith.constant 1 : i32
    %swap3A_84 = arith.index_cast %swap3A_83 : i32 to index
    %swap3A_85 = arith.constant 16 : index
    %swap3A_86 = tpu.vector_load %arg7[%swap3A_84, %swap3A_85] {strides = array<i32>} : memref<2x40xi32, #tpu.memory_space<vmem>>, vector<1x16xi32>,
    %swap3A_87 = vector.shape_cast %swap3A_86 : vector<1x16xi32> to vector<16xi32>
    %swap3A_88 = vector.shape_cast %and3A_82 : vector<16xi32> to vector<1x16xi32>
    tpu.vector_store %arg7[%swap3A_84, %swap3A_85], %swap3A_88 {strides = array<i32>} : memref<2x40xi32, #tpu.memory_space<vmem>>, vector<1x16xi32>,
    %get3A_89 = arith.constant 64 : index
    %get3A_90 = tpu.vector_load %arg6[%get3A_89] {strides = array<i32>} : memref<10112xi32, #tpu.memory_space<vmem>>, vector<16xi32>,
    %get3A_91 = vector.shape_cast %get3A_90 : vector<16xi32> to vector<16xi32>
    %and3A_92 = arith.constant 16383 : i32
    %and3A_93 = vector.broadcast %and3A_92 : i32 to vector<16xi32>
    %and3A_94 = arith.andi %get3A_91, %and3A_93 : vector<16xi32>
    %swap3A_95 = arith.constant 1 : i32
    %swap3A_96 = arith.index_cast %swap3A_95 : i32 to index
    %swap3A_97 = arith.constant 24 : index
    %swap3A_98 = tpu.vector_load %arg7[%swap3A_96, %swap3A_97] {strides = array<i32>} : memref<2x40xi32, #tpu.memory_space<vmem>>, vector<1x16xi32>,
    %swap3A_99 = vector.shape_cast %swap3A_98 : vector<1x16xi32> to vector<16xi32>
    %swap3A_100 = vector.shape_cast %and3A_94 : vector<16xi32> to vector<1x16xi32>
    tpu.vector_store %arg7[%swap3A_96, %swap3A_97], %swap3A_100 {strides = array<i32>} : memref<2x40xi32, #tpu.memory_space<vmem>>, vector<1x16xi32>,
    %barrier3A = arith.constant 0 : index
    tpu.barrier barrier_id(%barrier3A)
    %add3A_101 = arith.constant 0 : i32
    %add3A_102 = arith.addi %mul3A_2, %add3A_101 : i32
    %dma_start3A_103 = arith.constant 0 : i32
    %dma_start3A_104 = arith.constant 0 : i32
    %dma_start3A_105 = arith.constant 0 : i32
    %dma_start3A_106 = tpu.memref_slice %arg10[%dma_start3A_103, %dma_start3A_104, %dma_start3A_105] : memref<2x40x128xf32, #tpu.memory_space<vmem>> -> memref<1x40x128xf32, #tpu.memory_space<vmem>>
    %dma_start3A_107 = tpu.memref_squeeze %dma_start3A_106 : memref<1x40x128xf32, #tpu.memory_space<vmem>> -> memref<40x128xf32, #tpu.memory_space<vmem>>
    %dma_start3A_108 = arith.constant 0 : i32
    %dma_start3A_109 = tpu.memref_slice %arg4[%add3A_102, %dma_start3A_108] : memref<320000x128xf32, #tpu.memory_space<hbm>> -> memref<40x128xf32, #tpu.memory_space<hbm>>
    %dma_start3A_110 = arith.constant 0 : i32
    %dma_start3A_111 = arith.constant 0 : i32
    %dma_start3A_112 = tpu.memref_slice %arg10[%dma_start3A_103, %dma_start3A_110, %dma_start3A_111] : memref<2x40x128xf32, #tpu.memory_space<vmem>> -> memref<1x40x128xf32, #tpu.memory_space<vmem>>
    %dma_start3A_113 = tpu.memref_squeeze %dma_start3A_112 : memref<1x40x128xf32, #tpu.memory_space<vmem>> -> memref<40x128xf32, #tpu.memory_space<vmem>>
    %dma_start3A_114 = arith.constant 0 : i32
    %dma_start3A_115 = tpu.memref_slice %arg4[%add3A_102, %dma_start3A_114] : memref<320000x128xf32, #tpu.memory_space<hbm>> -> memref<40x128xf32, #tpu.memory_space<hbm>>
    tpu.enqueue_dma source(%dma_start3A_115 : memref<40x128xf32, #tpu.memory_space<hbm>>) target(%dma_start3A_113 : memref<40x128xf32, #tpu.memory_space<vmem>>) target_semaphore(%arg17 : memref<!tpu.dma_semaphore, #tpu.memory_space<semaphore_mem>>)
    %dma_start3A_116 = arith.constant 0 : i32
    %dma_start3A_117 = arith.constant 0 : i32
    %dma_start3A_118 = arith.constant 0 : i32
    %dma_start3A_119 = arith.constant 0 : i32
    %dma_start3A_120 = tpu.memref_slice %arg9[%dma_start3A_117, %dma_start3A_118, %dma_start3A_119] : memref<2x40x128xf32, #tpu.memory_space<vmem>> -> memref<1x40x128xf32, #tpu.memory_space<vmem>>
    %dma_start3A_121 = tpu.memref_squeeze %dma_start3A_120 : memref<1x40x128xf32, #tpu.memory_space<vmem>> -> memref<40x128xf32, #tpu.memory_space<vmem>>
    %dma_start3A_122 = arith.constant 0 : i32
    %dma_start3A_123 = tpu.memref_slice %arg7[%dma_start3A_116, %dma_start3A_122] : memref<2x40xi32, #tpu.memory_space<vmem>> -> memref<1x40xi32, #tpu.memory_space<vmem>>
    %dma_start3A_124 = tpu.memref_squeeze %dma_start3A_123 : memref<1x40xi32, #tpu.memory_space<vmem>> -> memref<40xi32, #tpu.memory_space<vmem>>
    %dma_start3A_125 = arith.constant 0 : i32
    %dma_start3A_126 = arith.constant 0 : i32
    %dma_start3A_127 = tpu.memref_slice %arg2[%dma_start3A_125, %dma_start3A_126] : memref<10000x128xf32, #tpu.memory_space<hbm>> -> memref<10000x128xf32, #tpu.memory_space<hbm>>
    tpu.enqueue_indirect_dma source(%dma_start3A_127 : memref<10000x128xf32, #tpu.memory_space<hbm>>) target(%dma_start3A_121 : memref<40x128xf32, #tpu.memory_space<vmem>>) offsets(%dma_start3A_124 : memref<40xi32, #tpu.memory_space<vmem>>) semaphore(%arg15 : memref<!tpu.dma_semaphore, #tpu.memory_space<semaphore_mem>>)
    %add3A_128 = arith.constant 40 : i32
    %add3A_129 = arith.addi %mul3A_2, %add3A_128 : i32
    %dma_start3A_130 = arith.constant 1 : i32
    %dma_start3A_131 = arith.constant 0 : i32
    %dma_start3A_132 = arith.constant 0 : i32
    %dma_start3A_133 = tpu.memref_slice %arg10[%dma_start3A_130, %dma_start3A_131, %dma_start3A_132] : memref<2x40x128xf32, #tpu.memory_space<vmem>> -> memref<1x40x128xf32, #tpu.memory_space<vmem>>
    %dma_start3A_134 = tpu.memref_squeeze %dma_start3A_133 : memref<1x40x128xf32, #tpu.memory_space<vmem>> -> memref<40x128xf32, #tpu.memory_space<vmem>>
    %dma_start3A_135 = arith.constant 0 : i32
    %dma_start3A_136 = tpu.memref_slice %arg4[%add3A_129, %dma_start3A_135] : memref<320000x128xf32, #tpu.memory_space<hbm>> -> memref<40x128xf32, #tpu.memory_space<hbm>>
    %dma_start3A_137 = arith.constant 0 : i32
    %dma_start3A_138 = arith.constant 0 : i32
    %dma_start3A_139 = tpu.memref_slice %arg10[%dma_start3A_130, %dma_start3A_137, %dma_start3A_138] : memref<2x40x128xf32, #tpu.memory_space<vmem>> -> memref<1x40x128xf32, #tpu.memory_space<vmem>>
    %dma_start3A_140 = tpu.memref_squeeze %dma_start3A_139 : memref<1x40x128xf32, #tpu.memory_space<vmem>> -> memref<40x128xf32, #tpu.memory_space<vmem>>
    %dma_start3A_141 = arith.constant 0 : i32
    %dma_start3A_142 = tpu.memref_slice %arg4[%add3A_129, %dma_start3A_141] : memref<320000x128xf32, #tpu.memory_space<hbm>> -> memref<40x128xf32, #tpu.memory_space<hbm>>
    tpu.enqueue_dma source(%dma_start3A_142 : memref<40x128xf32, #tpu.memory_space<hbm>>) target(%dma_start3A_140 : memref<40x128xf32, #tpu.memory_space<vmem>>) target_semaphore(%arg18 : memref<!tpu.dma_semaphore, #tpu.memory_space<semaphore_mem>>)
    %dma_start3A_143 = arith.constant 1 : i32
    %dma_start3A_144 = arith.constant 1 : i32
    %dma_start3A_145 = arith.constant 0 : i32
    %dma_start3A_146 = arith.constant 0 : i32
    %dma_start3A_147 = tpu.memref_slice %arg9[%dma_start3A_144, %dma_start3A_145, %dma_start3A_146] : memref<2x40x128xf32, #tpu.memory_space<vmem>> -> memref<1x40x128xf32, #tpu.memory_space<vmem>>
    %dma_start3A_148 = tpu.memref_squeeze %dma_start3A_147 : memref<1x40x128xf32, #tpu.memory_space<vmem>> -> memref<40x128xf32, #tpu.memory_space<vmem>>
    %dma_start3A_149 = arith.constant 0 : i32
    %dma_start3A_150 = tpu.memref_slice %arg7[%dma_start3A_143, %dma_start3A_149] : memref<2x40xi32, #tpu.memory_space<vmem>> -> memref<1x40xi32, #tpu.memory_space<vmem>>
    %dma_start3A_151 = tpu.memref_squeeze %dma_start3A_150 : memref<1x40xi32, #tpu.memory_space<vmem>> -> memref<40xi32, #tpu.memory_space<vmem>>
    %dma_start3A_152 = arith.constant 0 : i32
    %dma_start3A_153 = arith.constant 0 : i32
    %dma_start3A_154 = tpu.memref_slice %arg2[%dma_start3A_152, %dma_start3A_153] : memref<10000x128xf32, #tpu.memory_space<hbm>> -> memref<10000x128xf32, #tpu.memory_space<hbm>>
    tpu.enqueue_indirect_dma source(%dma_start3A_154 : memref<10000x128xf32, #tpu.memory_space<hbm>>) target(%dma_start3A_148 : memref<40x128xf32, #tpu.memory_space<vmem>>) offsets(%dma_start3A_151 : memref<40xi32, #tpu.memory_space<vmem>>) semaphore(%arg16 : memref<!tpu.dma_semaphore, #tpu.memory_space<semaphore_mem>>)
    %scan3A_155 = arith.constant 0 : i32
    %scan3A_156 = arith.constant 125 : i32
    %scan3A_157 = arith.addi %scan3A_155, %scan3A_156 : i32
    %scan3A_158 = arith.constant 1 : i32
    scf.for %scan3A_195 = %scan3A_155 to %scan3A_157 step %scan3A_158  : i32 {
      %mul3A_196 = arith.constant 1 : i32
      %mul3A_197 = arith.muli %scan3A_195, %mul3A_196 : i32
      %add3A_198 = arith.constant 0 : i32
      %add3A_199 = arith.addi %add3A_198, %mul3A_197 : i32
      %mul3A_200 = arith.constant 2 : i32
      %mul3A_201 = arith.muli %mul3A_200, %add3A_199 : i32
      %add3A_202 = arith.constant 0 : i32
      %add3A_203 = arith.addi %mul3A_201, %add3A_202 : i32
      %mul3A_204 = arith.constant 40 : i32
      %mul3A_205 = arith.muli %add3A_203, %mul3A_204 : i32
      %add3A_206 = arith.addi %mul3A_2, %mul3A_205 : i32
      %dma_wait3A_207 = arith.constant 0 : i32
      %dma_wait3A_208 = arith.constant 0 : i32
      %dma_wait3A_209 = arith.constant 0 : i32
      %dma_wait3A_210 = tpu.memref_slice %arg10[%dma_wait3A_207, %dma_wait3A_208, %dma_wait3A_209] : memref<2x40x128xf32, #tpu.memory_space<vmem>> -> memref<1x40x128xf32, #tpu.memory_space<vmem>>
      %dma_wait3A_211 = tpu.memref_squeeze %dma_wait3A_210 : memref<1x40x128xf32, #tpu.memory_space<vmem>> -> memref<40x128xf32, #tpu.memory_space<vmem>>
      %dma_wait3A_212 = arith.constant 0 : i32
      %dma_wait3A_213 = tpu.memref_slice %arg4[%add3A_206, %dma_wait3A_212] : memref<320000x128xf32, #tpu.memory_space<hbm>> -> memref<40x128xf32, #tpu.memory_space<hbm>>
      %dma_wait3A_214 = arith.constant 0 : i32
      %dma_wait3A_215 = arith.constant 0 : i32
      %dma_wait3A_216 = tpu.memref_slice %arg10[%dma_wait3A_207, %dma_wait3A_214, %dma_wait3A_215] : memref<2x40x128xf32, #tpu.memory_space<vmem>> -> memref<1x40x128xf32, #tpu.memory_space<vmem>>
      %dma_wait3A_217 = tpu.memref_squeeze %dma_wait3A_216 : memref<1x40x128xf32, #tpu.memory_space<vmem>> -> memref<40x128xf32, #tpu.memory_space<vmem>>
      %dma_wait3A_218 = arith.constant 0 : i32
      %dma_wait3A_219 = tpu.memref_slice %arg4[%add3A_206, %dma_wait3A_218] : memref<320000x128xf32, #tpu.memory_space<hbm>> -> memref<40x128xf32, #tpu.memory_space<hbm>>
      tpu.wait_dma2 semaphore(%arg17 : memref<!tpu.dma_semaphore, #tpu.memory_space<semaphore_mem>>) src(%dma_wait3A_219 : memref<40x128xf32, #tpu.memory_space<hbm>>) dst(%dma_wait3A_217 : memref<40x128xf32, #tpu.memory_space<vmem>>)
      %dma_wait3A_220 = arith.constant 0 : i32
      %dma_wait3A_221 = arith.constant 0 : i32
      %dma_wait3A_222 = arith.constant 0 : i32
      %dma_wait3A_223 = arith.constant 0 : i32
      %dma_wait3A_224 = tpu.memref_slice %arg9[%dma_wait3A_221, %dma_wait3A_222, %dma_wait3A_223] : memref<2x40x128xf32, #tpu.memory_space<vmem>> -> memref<1x40x128xf32, #tpu.memory_space<vmem>>
      %dma_wait3A_225 = tpu.memref_squeeze %dma_wait3A_224 : memref<1x40x128xf32, #tpu.memory_space<vmem>> -> memref<40x128xf32, #tpu.memory_space<vmem>>
      %dma_wait3A_226 = arith.constant 0 : i32
      %dma_wait3A_227 = tpu.memref_slice %arg7[%dma_wait3A_220, %dma_wait3A_226] : memref<2x40xi32, #tpu.memory_space<vmem>> -> memref<1x40xi32, #tpu.memory_space<vmem>>
      %dma_wait3A_228 = tpu.memref_squeeze %dma_wait3A_227 : memref<1x40xi32, #tpu.memory_space<vmem>> -> memref<40xi32, #tpu.memory_space<vmem>>
      %dma_wait3A_229 = arith.constant 0 : i32
      %dma_wait3A_230 = arith.constant 0 : i32
      %dma_wait3A_231 = tpu.memref_slice %arg2[%dma_wait3A_229, %dma_wait3A_230] : memref<10000x128xf32, #tpu.memory_space<hbm>> -> memref<10000x128xf32, #tpu.memory_space<hbm>>
      tpu.wait_indirect_dma semaphore(%arg15 : memref<!tpu.dma_semaphore, #tpu.memory_space<semaphore_mem>>) src(%dma_wait3A_231 : memref<10000x128xf32, #tpu.memory_space<hbm>>) dst(%dma_wait3A_225 : memref<40x128xf32, #tpu.memory_space<vmem>>)
      %gt3A = arith.constant 0 : i32
      %gt3A_232 = arith.cmpi sgt, %add3A_199, %gt3A : i32
      %convert_element_type3A = arith.extui %gt3A_232 : i1 to i32
      %cond3A = arith.constant 0 : i32
      %cond3A_233 = arith.cmpi ne, %convert_element_type3A, %cond3A : i32
      scf.if %cond3A_233 {
        %sub3A = arith.constant 2 : i32
        %sub3A_408 = arith.subi %add3A_203, %sub3A : i32
        %dma_wait3A_409 = arith.constant 0 : i32
        %dma_wait3A_410 = arith.constant 0 : i32
        %dma_wait3A_411 = arith.constant 0 : i32
        %dma_wait3A_412 = arith.constant 0 : i32
        %dma_wait3A_413 = tpu.memref_slice %arg11[%dma_wait3A_409, %dma_wait3A_411, %dma_wait3A_412] : memref<2x40x128xf32, #tpu.memory_space<vmem>> -> memref<1x40x128xf32, #tpu.memory_space<vmem>>
        %dma_wait3A_414 = tpu.memref_squeeze %dma_wait3A_413 : memref<1x40x128xf32, #tpu.memory_space<vmem>> -> memref<40x128xf32, #tpu.memory_space<vmem>>
        %dma_wait3A_415 = arith.constant 0 : i32
        %dma_wait3A_416 = tpu.memref_slice %arg8[%dma_wait3A_410, %dma_wait3A_415] : memref<2x40xi32, #tpu.memory_space<vmem>> -> memref<1x40xi32, #tpu.memory_space<vmem>>
        %dma_wait3A_417 = tpu.memref_squeeze %dma_wait3A_416 : memref<1x40xi32, #tpu.memory_space<vmem>> -> memref<40xi32, #tpu.memory_space<vmem>>
        %dma_wait3A_418 = arith.constant 0 : i32
        %dma_wait3A_419 = arith.constant 0 : i32
        %dma_wait3A_420 = tpu.memref_slice %arg12[%dma_wait3A_418, %dma_wait3A_419] : memref<10240x128xf32, #tpu.memory_space<vmem_shared>> -> memref<10240x128xf32, #tpu.memory_space<vmem_shared>>
        tpu.wait_indirect_dma semaphore(%arg19 : memref<!tpu.dma_semaphore, #tpu.memory_space<semaphore_mem>>) src(%dma_wait3A_414 : memref<40x128xf32, #tpu.memory_space<vmem>>) dst(%dma_wait3A_420 : memref<10240x128xf32, #tpu.memory_space<vmem_shared>>)
      } else {
      }
      %mul3A_234 = arith.constant 40 : i32
      %mul3A_235 = arith.muli %add3A_203, %mul3A_234 : i32
      %add3A_236 = arith.constant 0 : i32
      %add3A_237 = arith.addi %mul3A_235, %add3A_236 : i32
      %get3A_238 = arith.index_cast %add3A_237 : i32 to index
      %get3A_239 = tpu.vector_load %arg6[%get3A_238] {strides = array<i32>} : memref<10112xi32, #tpu.memory_space<vmem>>, vector<16xi32>,
      %get3A_240 = vector.shape_cast %get3A_239 : vector<16xi32> to vector<16xi32>
      %shift_right_logical3A = arith.constant 14 : i32
      %shift_right_logical3A_241 = vector.broadcast %shift_right_logical3A : i32 to vector<16xi32>
      %shift_right_logical3A_242 = arith.shrui %get3A_240, %shift_right_logical3A_241 : vector<16xi32>
      %swap3A_243 = arith.constant 0 : i32
      %swap3A_244 = arith.index_cast %swap3A_243 : i32 to index
      %swap3A_245 = arith.constant 0 : index
      %swap3A_246 = tpu.vector_load %arg8[%swap3A_244, %swap3A_245] {strides = array<i32>} : memref<2x40xi32, #tpu.memory_space<vmem>>, vector<1x16xi32>,
      %swap3A_247 = vector.shape_cast %swap3A_246 : vector<1x16xi32> to vector<16xi32>
      %swap3A_248 = vector.shape_cast %shift_right_logical3A_242 : vector<16xi32> to vector<1x16xi32>
      tpu.vector_store %arg8[%swap3A_244, %swap3A_245], %swap3A_248 {strides = array<i32>} : memref<2x40xi32, #tpu.memory_space<vmem>>, vector<1x16xi32>,
      %mul3A_249 = arith.constant 40 : i32
      %mul3A_250 = arith.muli %add3A_203, %mul3A_249 : i32
      %add3A_251 = arith.constant 16 : i32
      %add3A_252 = arith.addi %mul3A_250, %add3A_251 : i32
      %get3A_253 = arith.index_cast %add3A_252 : i32 to index
      %get3A_254 = tpu.vector_load %arg6[%get3A_253] {strides = array<i32>} : memref<10112xi32, #tpu.memory_space<vmem>>, vector<16xi32>,
      %get3A_255 = vector.shape_cast %get3A_254 : vector<16xi32> to vector<16xi32>
      %shift_right_logical3A_256 = arith.constant 14 : i32
      %shift_right_logical3A_257 = vector.broadcast %shift_right_logical3A_256 : i32 to vector<16xi32>
      %shift_right_logical3A_258 = arith.shrui %get3A_255, %shift_right_logical3A_257 : vector<16xi32>
      %swap3A_259 = arith.constant 0 : i32
      %swap3A_260 = arith.index_cast %swap3A_259 : i32 to index
      %swap3A_261 = arith.constant 16 : index
      %swap3A_262 = tpu.vector_load %arg8[%swap3A_260, %swap3A_261] {strides = array<i32>} : memref<2x40xi32, #tpu.memory_space<vmem>>, vector<1x16xi32>,
      %swap3A_263 = vector.shape_cast %swap3A_262 : vector<1x16xi32> to vector<16xi32>
      %swap3A_264 = vector.shape_cast %shift_right_logical3A_258 : vector<16xi32> to vector<1x16xi32>
      tpu.vector_store %arg8[%swap3A_260, %swap3A_261], %swap3A_264 {strides = array<i32>} : memref<2x40xi32, #tpu.memory_space<vmem>>, vector<1x16xi32>,
      %mul3A_265 = arith.constant 40 : i32
      %mul3A_266 = arith.muli %add3A_203, %mul3A_265 : i32
      %add3A_267 = arith.constant 24 : i32
      %add3A_268 = arith.addi %mul3A_266, %add3A_267 : i32
      %get3A_269 = arith.index_cast %add3A_268 : i32 to index
      %get3A_270 = tpu.vector_load %arg6[%get3A_269] {strides = array<i32>} : memref<10112xi32, #tpu.memory_space<vmem>>, vector<16xi32>,
      %get3A_271 = vector.shape_cast %get3A_270 : vector<16xi32> to vector<16xi32>
      %shift_right_logical3A_272 = arith.constant 14 : i32
      %shift_right_logical3A_273 = vector.broadcast %shift_right_logical3A_272 : i32 to vector<16xi32>
      %shift_right_logical3A_274 = arith.shrui %get3A_271, %shift_right_logical3A_273 : vector<16xi32>
      %swap3A_275 = arith.constant 0 : i32
      %swap3A_276 = arith.index_cast %swap3A_275 : i32 to index
      %swap3A_277 = arith.constant 24 : index
      %swap3A_278 = tpu.vector_load %arg8[%swap3A_276, %swap3A_277] {strides = array<i32>} : memref<2x40xi32, #tpu.memory_space<vmem>>, vector<1x16xi32>,
      %swap3A_279 = vector.shape_cast %swap3A_278 : vector<1x16xi32> to vector<16xi32>
      %swap3A_280 = vector.shape_cast %shift_right_logical3A_274 : vector<16xi32> to vector<1x16xi32>
      tpu.vector_store %arg8[%swap3A_276, %swap3A_277], %swap3A_280 {strides = array<i32>} : memref<2x40xi32, #tpu.memory_space<vmem>>, vector<1x16xi32>,
      %parallel_loop3A = arith.constant 0 : i32
      %parallel_loop3A_281 = arith.constant 40 : i32
      %parallel_loop3A_282 = arith.constant 1 : i32
      scf.for %parallel_loop3A_408 = %parallel_loop3A to %parallel_loop3A_281 step %parallel_loop3A_282  : i32 {
        %parallel_loop3A_409 = arith.constant 0 : i32
        %parallel_loop3A_410 = arith.index_cast %parallel_loop3A_409 : i32 to index
        %parallel_loop3A_411 = arith.index_cast %parallel_loop3A_408 : i32 to index
        %parallel_loop3A_412 = arith.constant 0 : index
        %parallel_loop3A_413 = tpu.vector_load %arg9[%parallel_loop3A_410, %parallel_loop3A_411, %parallel_loop3A_412] {strides = array<i32>} : memref<2x40x128xf32, #tpu.memory_space<vmem>>, vector<1x1x16xf32>,
        %parallel_loop3A_414 = vector.shape_cast %parallel_loop3A_413 : vector<1x1x16xf32> to vector<16xf32>
        %parallel_loop3A_415 = arith.constant 0 : i32
        %parallel_loop3A_416 = arith.index_cast %parallel_loop3A_415 : i32 to index
        %parallel_loop3A_417 = arith.index_cast %parallel_loop3A_408 : i32 to index
        %parallel_loop3A_418 = arith.constant 0 : index
        %parallel_loop3A_419 = tpu.vector_load %arg10[%parallel_loop3A_416, %parallel_loop3A_417, %parallel_loop3A_418] {strides = array<i32>} : memref<2x40x128xf32, #tpu.memory_space<vmem>>, vector<1x1x16xf32>,
        %parallel_loop3A_420 = vector.shape_cast %parallel_loop3A_419 : vector<1x1x16xf32> to vector<16xf32>
        %parallel_loop3A_421 = arith.addf %parallel_loop3A_414, %parallel_loop3A_420 : vector<16xf32>
        %parallel_loop3A_422 = arith.constant 0.000000e+00 : f32
        %parallel_loop3A_423 = vector.broadcast %parallel_loop3A_422 : f32 to vector<16xf32>
        %parallel_loop3A_424 = arith.maximumf %parallel_loop3A_421, %parallel_loop3A_423 : vector<16xf32>
        %parallel_loop3A_425 = arith.constant 0 : i32
        %parallel_loop3A_426 = arith.index_cast %parallel_loop3A_425 : i32 to index
        %parallel_loop3A_427 = arith.index_cast %parallel_loop3A_408 : i32 to index
        %parallel_loop3A_428 = arith.constant 0 : index
        %parallel_loop3A_429 = tpu.vector_load %arg11[%parallel_loop3A_426, %parallel_loop3A_427, %parallel_loop3A_428] {strides = array<i32>} : memref<2x40x128xf32, #tpu.memory_space<vmem>>, vector<1x1x16xf32>,
        %parallel_loop3A_430 = vector.shape_cast %parallel_loop3A_429 : vector<1x1x16xf32> to vector<16xf32>
        %parallel_loop3A_431 = vector.shape_cast %parallel_loop3A_424 : vector<16xf32> to vector<1x1x16xf32>
        tpu.vector_store %arg11[%parallel_loop3A_426, %parallel_loop3A_427, %parallel_loop3A_428], %parallel_loop3A_431 {strides = array<i32>} : memref<2x40x128xf32, #tpu.memory_space<vmem>>, vector<1x1x16xf32>,
        %parallel_loop3A_432 = arith.constant 0 : i32
        %parallel_loop3A_433 = arith.index_cast %parallel_loop3A_432 : i32 to index
        %parallel_loop3A_434 = arith.index_cast %parallel_loop3A_408 : i32 to index
        %parallel_loop3A_435 = arith.constant 16 : index
        %parallel_loop3A_436 = tpu.vector_load %arg9[%parallel_loop3A_433, %parallel_loop3A_434, %parallel_loop3A_435] {strides = array<i32>} : memref<2x40x128xf32, #tpu.memory_space<vmem>>, vector<1x1x16xf32>,
        %parallel_loop3A_437 = vector.shape_cast %parallel_loop3A_436 : vector<1x1x16xf32> to vector<16xf32>
        %parallel_loop3A_438 = arith.constant 0 : i32
        %parallel_loop3A_439 = arith.index_cast %parallel_loop3A_438 : i32 to index
        %parallel_loop3A_440 = arith.index_cast %parallel_loop3A_408 : i32 to index
        %parallel_loop3A_441 = arith.constant 16 : index
        %parallel_loop3A_442 = tpu.vector_load %arg10[%parallel_loop3A_439, %parallel_loop3A_440, %parallel_loop3A_441] {strides = array<i32>} : memref<2x40x128xf32, #tpu.memory_space<vmem>>, vector<1x1x16xf32>,
        %parallel_loop3A_443 = vector.shape_cast %parallel_loop3A_442 : vector<1x1x16xf32> to vector<16xf32>
        %parallel_loop3A_444 = arith.addf %parallel_loop3A_437, %parallel_loop3A_443 : vector<16xf32>
        %parallel_loop3A_445 = arith.constant 0.000000e+00 : f32
        %parallel_loop3A_446 = vector.broadcast %parallel_loop3A_445 : f32 to vector<16xf32>
        %parallel_loop3A_447 = arith.maximumf %parallel_loop3A_444, %parallel_loop3A_446 : vector<16xf32>
        %parallel_loop3A_448 = arith.constant 0 : i32
        %parallel_loop3A_449 = arith.index_cast %parallel_loop3A_448 : i32 to index
        %parallel_loop3A_450 = arith.index_cast %parallel_loop3A_408 : i32 to index
        %parallel_loop3A_451 = arith.constant 16 : index
        %parallel_loop3A_452 = tpu.vector_load %arg11[%parallel_loop3A_449, %parallel_loop3A_450, %parallel_loop3A_451] {strides = array<i32>} : memref<2x40x128xf32, #tpu.memory_space<vmem>>, vector<1x1x16xf32>,
        %parallel_loop3A_453 = vector.shape_cast %parallel_loop3A_452 : vector<1x1x16xf32> to vector<16xf32>
        %parallel_loop3A_454 = vector.shape_cast %parallel_loop3A_447 : vector<16xf32> to vector<1x1x16xf32>
        tpu.vector_store %arg11[%parallel_loop3A_449, %parallel_loop3A_450, %parallel_loop3A_451], %parallel_loop3A_454 {strides = array<i32>} : memref<2x40x128xf32, #tpu.memory_space<vmem>>, vector<1x1x16xf32>,
        %parallel_loop3A_455 = arith.constant 0 : i32
        %parallel_loop3A_456 = arith.index_cast %parallel_loop3A_455 : i32 to index
        %parallel_loop3A_457 = arith.index_cast %parallel_loop3A_408 : i32 to index
        %parallel_loop3A_458 = arith.constant 32 : index
        %parallel_loop3A_459 = tpu.vector_load %arg9[%parallel_loop3A_456, %parallel_loop3A_457, %parallel_loop3A_458] {strides = array<i32>} : memref<2x40x128xf32, #tpu.memory_space<vmem>>, vector<1x1x16xf32>,
        %parallel_loop3A_460 = vector.shape_cast %parallel_loop3A_459 : vector<1x1x16xf32> to vector<16xf32>
        %parallel_loop3A_461 = arith.constant 0 : i32
        %parallel_loop3A_462 = arith.index_cast %parallel_loop3A_461 : i32 to index
        %parallel_loop3A_463 = arith.index_cast %parallel_loop3A_408 : i32 to index
        %parallel_loop3A_464 = arith.constant 32 : index
        %parallel_loop3A_465 = tpu.vector_load %arg10[%parallel_loop3A_462, %parallel_loop3A_463, %parallel_loop3A_464] {strides = array<i32>} : memref<2x40x128xf32, #tpu.memory_space<vmem>>, vector<1x1x16xf32>,
        %parallel_loop3A_466 = vector.shape_cast %parallel_loop3A_465 : vector<1x1x16xf32> to vector<16xf32>
        %parallel_loop3A_467 = arith.addf %parallel_loop3A_460, %parallel_loop3A_466 : vector<16xf32>
        %parallel_loop3A_468 = arith.constant 0.000000e+00 : f32
        %parallel_loop3A_469 = vector.broadcast %parallel_loop3A_468 : f32 to vector<16xf32>
        %parallel_loop3A_470 = arith.maximumf %parallel_loop3A_467, %parallel_loop3A_469 : vector<16xf32>
        %parallel_loop3A_471 = arith.constant 0 : i32
        %parallel_loop3A_472 = arith.index_cast %parallel_loop3A_471 : i32 to index
        %parallel_loop3A_473 = arith.index_cast %parallel_loop3A_408 : i32 to index
        %parallel_loop3A_474 = arith.constant 32 : index
        %parallel_loop3A_475 = tpu.vector_load %arg11[%parallel_loop3A_472, %parallel_loop3A_473, %parallel_loop3A_474] {strides = array<i32>} : memref<2x40x128xf32, #tpu.memory_space<vmem>>, vector<1x1x16xf32>,
        %parallel_loop3A_476 = vector.shape_cast %parallel_loop3A_475 : vector<1x1x16xf32> to vector<16xf32>
        %parallel_loop3A_477 = vector.shape_cast %parallel_loop3A_470 : vector<16xf32> to vector<1x1x16xf32>
        tpu.vector_store %arg11[%parallel_loop3A_472, %parallel_loop3A_473, %parallel_loop3A_474], %parallel_loop3A_477 {strides = array<i32>} : memref<2x40x128xf32, #tpu.memory_space<vmem>>, vector<1x1x16xf32>,
        %parallel_loop3A_478 = arith.constant 0 : i32
        %parallel_loop3A_479 = arith.index_cast %parallel_loop3A_478 : i32 to index
        %parallel_loop3A_480 = arith.index_cast %parallel_loop3A_408 : i32 to index
        %parallel_loop3A_481 = arith.constant 48 : index
        %parallel_loop3A_482 = tpu.vector_load %arg9[%parallel_loop3A_479, %parallel_loop3A_480, %parallel_loop3A_481] {strides = array<i32>} : memref<2x40x128xf32, #tpu.memory_space<vmem>>, vector<1x1x16xf32>,
        %parallel_loop3A_483 = vector.shape_cast %parallel_loop3A_482 : vector<1x1x16xf32> to vector<16xf32>
        %parallel_loop3A_484 = arith.constant 0 : i32
        %parallel_loop3A_485 = arith.index_cast %parallel_loop3A_484 : i32 to index
        %parallel_loop3A_486 = arith.index_cast %parallel_loop3A_408 : i32 to index
        %parallel_loop3A_487 = arith.constant 48 : index
        %parallel_loop3A_488 = tpu.vector_load %arg10[%parallel_loop3A_485, %parallel_loop3A_486, %parallel_loop3A_487] {strides = array<i32>} : memref<2x40x128xf32, #tpu.memory_space<vmem>>, vector<1x1x16xf32>,
        %parallel_loop3A_489 = vector.shape_cast %parallel_loop3A_488 : vector<1x1x16xf32> to vector<16xf32>
        %parallel_loop3A_490 = arith.addf %parallel_loop3A_483, %parallel_loop3A_489 : vector<16xf32>
        %parallel_loop3A_491 = arith.constant 0.000000e+00 : f32
        %parallel_loop3A_492 = vector.broadcast %parallel_loop3A_491 : f32 to vector<16xf32>
        %parallel_loop3A_493 = arith.maximumf %parallel_loop3A_490, %parallel_loop3A_492 : vector<16xf32>
        %parallel_loop3A_494 = arith.constant 0 : i32
        %parallel_loop3A_495 = arith.index_cast %parallel_loop3A_494 : i32 to index
        %parallel_loop3A_496 = arith.index_cast %parallel_loop3A_408 : i32 to index
        %parallel_loop3A_497 = arith.constant 48 : index
        %parallel_loop3A_498 = tpu.vector_load %arg11[%parallel_loop3A_495, %parallel_loop3A_496, %parallel_loop3A_497] {strides = array<i32>} : memref<2x40x128xf32, #tpu.memory_space<vmem>>, vector<1x1x16xf32>,
        %parallel_loop3A_499 = vector.shape_cast %parallel_loop3A_498 : vector<1x1x16xf32> to vector<16xf32>
        %parallel_loop3A_500 = vector.shape_cast %parallel_loop3A_493 : vector<16xf32> to vector<1x1x16xf32>
        tpu.vector_store %arg11[%parallel_loop3A_495, %parallel_loop3A_496, %parallel_loop3A_497], %parallel_loop3A_500 {strides = array<i32>} : memref<2x40x128xf32, #tpu.memory_space<vmem>>, vector<1x1x16xf32>,
        %parallel_loop3A_501 = arith.constant 0 : i32
        %parallel_loop3A_502 = arith.index_cast %parallel_loop3A_501 : i32 to index
        %parallel_loop3A_503 = arith.index_cast %parallel_loop3A_408 : i32 to index
        %parallel_loop3A_504 = arith.constant 64 : index
        %parallel_loop3A_505 = tpu.vector_load %arg9[%parallel_loop3A_502, %parallel_loop3A_503, %parallel_loop3A_504] {strides = array<i32>} : memref<2x40x128xf32, #tpu.memory_space<vmem>>, vector<1x1x16xf32>,
        %parallel_loop3A_506 = vector.shape_cast %parallel_loop3A_505 : vector<1x1x16xf32> to vector<16xf32>
        %parallel_loop3A_507 = arith.constant 0 : i32
        %parallel_loop3A_508 = arith.index_cast %parallel_loop3A_507 : i32 to index
        %parallel_loop3A_509 = arith.index_cast %parallel_loop3A_408 : i32 to index
        %parallel_loop3A_510 = arith.constant 64 : index
        %parallel_loop3A_511 = tpu.vector_load %arg10[%parallel_loop3A_508, %parallel_loop3A_509, %parallel_loop3A_510] {strides = array<i32>} : memref<2x40x128xf32, #tpu.memory_space<vmem>>, vector<1x1x16xf32>,
        %parallel_loop3A_512 = vector.shape_cast %parallel_loop3A_511 : vector<1x1x16xf32> to vector<16xf32>
        %parallel_loop3A_513 = arith.addf %parallel_loop3A_506, %parallel_loop3A_512 : vector<16xf32>
        %parallel_loop3A_514 = arith.constant 0.000000e+00 : f32
        %parallel_loop3A_515 = vector.broadcast %parallel_loop3A_514 : f32 to vector<16xf32>
        %parallel_loop3A_516 = arith.maximumf %parallel_loop3A_513, %parallel_loop3A_515 : vector<16xf32>
        %parallel_loop3A_517 = arith.constant 0 : i32
        %parallel_loop3A_518 = arith.index_cast %parallel_loop3A_517 : i32 to index
        %parallel_loop3A_519 = arith.index_cast %parallel_loop3A_408 : i32 to index
        %parallel_loop3A_520 = arith.constant 64 : index
        %parallel_loop3A_521 = tpu.vector_load %arg11[%parallel_loop3A_518, %parallel_loop3A_519, %parallel_loop3A_520] {strides = array<i32>} : memref<2x40x128xf32, #tpu.memory_space<vmem>>, vector<1x1x16xf32>,
        %parallel_loop3A_522 = vector.shape_cast %parallel_loop3A_521 : vector<1x1x16xf32> to vector<16xf32>
        %parallel_loop3A_523 = vector.shape_cast %parallel_loop3A_516 : vector<16xf32> to vector<1x1x16xf32>
        tpu.vector_store %arg11[%parallel_loop3A_518, %parallel_loop3A_519, %parallel_loop3A_520], %parallel_loop3A_523 {strides = array<i32>} : memref<2x40x128xf32, #tpu.memory_space<vmem>>, vector<1x1x16xf32>,
        %parallel_loop3A_524 = arith.constant 0 : i32
        %parallel_loop3A_525 = arith.index_cast %parallel_loop3A_524 : i32 to index
        %parallel_loop3A_526 = arith.index_cast %parallel_loop3A_408 : i32 to index
        %parallel_loop3A_527 = arith.constant 80 : index
        %parallel_loop3A_528 = tpu.vector_load %arg9[%parallel_loop3A_525, %parallel_loop3A_526, %parallel_loop3A_527] {strides = array<i32>} : memref<2x40x128xf32, #tpu.memory_space<vmem>>, vector<1x1x16xf32>,
        %parallel_loop3A_529 = vector.shape_cast %parallel_loop3A_528 : vector<1x1x16xf32> to vector<16xf32>
        %parallel_loop3A_530 = arith.constant 0 : i32
        %parallel_loop3A_531 = arith.index_cast %parallel_loop3A_530 : i32 to index
        %parallel_loop3A_532 = arith.index_cast %parallel_loop3A_408 : i32 to index
        %parallel_loop3A_533 = arith.constant 80 : index
        %parallel_loop3A_534 = tpu.vector_load %arg10[%parallel_loop3A_531, %parallel_loop3A_532, %parallel_loop3A_533] {strides = array<i32>} : memref<2x40x128xf32, #tpu.memory_space<vmem>>, vector<1x1x16xf32>,
        %parallel_loop3A_535 = vector.shape_cast %parallel_loop3A_534 : vector<1x1x16xf32> to vector<16xf32>
        %parallel_loop3A_536 = arith.addf %parallel_loop3A_529, %parallel_loop3A_535 : vector<16xf32>
        %parallel_loop3A_537 = arith.constant 0.000000e+00 : f32
        %parallel_loop3A_538 = vector.broadcast %parallel_loop3A_537 : f32 to vector<16xf32>
        %parallel_loop3A_539 = arith.maximumf %parallel_loop3A_536, %parallel_loop3A_538 : vector<16xf32>
        %parallel_loop3A_540 = arith.constant 0 : i32
        %parallel_loop3A_541 = arith.index_cast %parallel_loop3A_540 : i32 to index
        %parallel_loop3A_542 = arith.index_cast %parallel_loop3A_408 : i32 to index
        %parallel_loop3A_543 = arith.constant 80 : index
        %parallel_loop3A_544 = tpu.vector_load %arg11[%parallel_loop3A_541, %parallel_loop3A_542, %parallel_loop3A_543] {strides = array<i32>} : memref<2x40x128xf32, #tpu.memory_space<vmem>>, vector<1x1x16xf32>,
        %parallel_loop3A_545 = vector.shape_cast %parallel_loop3A_544 : vector<1x1x16xf32> to vector<16xf32>
        %parallel_loop3A_546 = vector.shape_cast %parallel_loop3A_539 : vector<16xf32> to vector<1x1x16xf32>
        tpu.vector_store %arg11[%parallel_loop3A_541, %parallel_loop3A_542, %parallel_loop3A_543], %parallel_loop3A_546 {strides = array<i32>} : memref<2x40x128xf32, #tpu.memory_space<vmem>>, vector<1x1x16xf32>,
        %parallel_loop3A_547 = arith.constant 0 : i32
        %parallel_loop3A_548 = arith.index_cast %parallel_loop3A_547 : i32 to index
        %parallel_loop3A_549 = arith.index_cast %parallel_loop3A_408 : i32 to index
        %parallel_loop3A_550 = arith.constant 96 : index
        %parallel_loop3A_551 = tpu.vector_load %arg9[%parallel_loop3A_548, %parallel_loop3A_549, %parallel_loop3A_550] {strides = array<i32>} : memref<2x40x128xf32, #tpu.memory_space<vmem>>, vector<1x1x16xf32>,
        %parallel_loop3A_552 = vector.shape_cast %parallel_loop3A_551 : vector<1x1x16xf32> to vector<16xf32>
        %parallel_loop3A_553 = arith.constant 0 : i32
        %parallel_loop3A_554 = arith.index_cast %parallel_loop3A_553 : i32 to index
        %parallel_loop3A_555 = arith.index_cast %parallel_loop3A_408 : i32 to index
        %parallel_loop3A_556 = arith.constant 96 : index
        %parallel_loop3A_557 = tpu.vector_load %arg10[%parallel_loop3A_554, %parallel_loop3A_555, %parallel_loop3A_556] {strides = array<i32>} : memref<2x40x128xf32, #tpu.memory_space<vmem>>, vector<1x1x16xf32>,
        %parallel_loop3A_558 = vector.shape_cast %parallel_loop3A_557 : vector<1x1x16xf32> to vector<16xf32>
        %parallel_loop3A_559 = arith.addf %parallel_loop3A_552, %parallel_loop3A_558 : vector<16xf32>
        %parallel_loop3A_560 = arith.constant 0.000000e+00 : f32
        %parallel_loop3A_561 = vector.broadcast %parallel_loop3A_560 : f32 to vector<16xf32>
        %parallel_loop3A_562 = arith.maximumf %parallel_loop3A_559, %parallel_loop3A_561 : vector<16xf32>
        %parallel_loop3A_563 = arith.constant 0 : i32
        %parallel_loop3A_564 = arith.index_cast %parallel_loop3A_563 : i32 to index
        %parallel_loop3A_565 = arith.index_cast %parallel_loop3A_408 : i32 to index
        %parallel_loop3A_566 = arith.constant 96 : index
        %parallel_loop3A_567 = tpu.vector_load %arg11[%parallel_loop3A_564, %parallel_loop3A_565, %parallel_loop3A_566] {strides = array<i32>} : memref<2x40x128xf32, #tpu.memory_space<vmem>>, vector<1x1x16xf32>,
        %parallel_loop3A_568 = vector.shape_cast %parallel_loop3A_567 : vector<1x1x16xf32> to vector<16xf32>
        %parallel_loop3A_569 = vector.shape_cast %parallel_loop3A_562 : vector<16xf32> to vector<1x1x16xf32>
        tpu.vector_store %arg11[%parallel_loop3A_564, %parallel_loop3A_565, %parallel_loop3A_566], %parallel_loop3A_569 {strides = array<i32>} : memref<2x40x128xf32, #tpu.memory_space<vmem>>, vector<1x1x16xf32>,
      } {sc.loop_unroll_factor = 1 : i64, sc.parallel_access}
      %dma_start3A_283 = arith.constant 0 : i32
      %dma_start3A_284 = arith.constant 0 : i32
      %dma_start3A_285 = arith.constant 0 : i32
      %dma_start3A_286 = arith.constant 0 : i32
      %dma_start3A_287 = tpu.memref_slice %arg11[%dma_start3A_283, %dma_start3A_285, %dma_start3A_286] : memref<2x40x128xf32, #tpu.memory_space<vmem>> -> memref<1x40x128xf32, #tpu.memory_space<vmem>>
      %dma_start3A_288 = tpu.memref_squeeze %dma_start3A_287 : memref<1x40x128xf32, #tpu.memory_space<vmem>> -> memref<40x128xf32, #tpu.memory_space<vmem>>
      %dma_start3A_289 = arith.constant 0 : i32
      %dma_start3A_290 = tpu.memref_slice %arg8[%dma_start3A_284, %dma_start3A_289] : memref<2x40xi32, #tpu.memory_space<vmem>> -> memref<1x40xi32, #tpu.memory_space<vmem>>
      %dma_start3A_291 = tpu.memref_squeeze %dma_start3A_290 : memref<1x40xi32, #tpu.memory_space<vmem>> -> memref<40xi32, #tpu.memory_space<vmem>>
      %dma_start3A_292 = arith.constant 0 : i32
      %dma_start3A_293 = arith.constant 0 : i32
      %dma_start3A_294 = tpu.memref_slice %arg12[%dma_start3A_292, %dma_start3A_293] : memref<10240x128xf32, #tpu.memory_space<vmem_shared>> -> memref<10240x128xf32, #tpu.memory_space<vmem_shared>>
      tpu.enqueue_indirect_dma source(%dma_start3A_288 : memref<40x128xf32, #tpu.memory_space<vmem>>) target(%dma_start3A_294 : memref<10240x128xf32, #tpu.memory_space<vmem_shared>>) offsets(%dma_start3A_291 : memref<40xi32, #tpu.memory_space<vmem>>) semaphore(%arg19 : memref<!tpu.dma_semaphore, #tpu.memory_space<semaphore_mem>>) {add = true}
      %add3A_295 = arith.constant 2 : i32
      %add3A_296 = arith.addi %add3A_203, %add3A_295 : i32
      %lt3A = arith.constant 250 : i32
      %lt3A_297 = arith.cmpi slt, %add3A_296, %lt3A : i32
      %convert_element_type3A_298 = arith.extui %lt3A_297 : i1 to i32
      %cond3A_299 = arith.constant 0 : i32
      %cond3A_300 = arith.cmpi ne, %convert_element_type3A_298, %cond3A_299 : i32
      scf.if %cond3A_300 {
        %add3A_408 = arith.constant 2 : i32
        %add3A_409 = arith.addi %add3A_203, %add3A_408 : i32
        %mul3A_410 = arith.constant 40 : i32
        %mul3A_411 = arith.muli %add3A_409, %mul3A_410 : i32
        %add3A_412 = arith.constant 0 : i32
        %add3A_413 = arith.addi %mul3A_411, %add3A_412 : i32
        %get3A_414 = arith.index_cast %add3A_413 : i32 to index
        %get3A_415 = tpu.vector_load %arg6[%get3A_414] {strides = array<i32>} : memref<10112xi32, #tpu.memory_space<vmem>>, vector<16xi32>,
        %get3A_416 = vector.shape_cast %get3A_415 : vector<16xi32> to vector<16xi32>
        %and3A_417 = arith.constant 16383 : i32
        %and3A_418 = vector.broadcast %and3A_417 : i32 to vector<16xi32>
        %and3A_419 = arith.andi %get3A_416, %and3A_418 : vector<16xi32>
        %swap3A_420 = arith.constant 0 : i32
        %swap3A_421 = arith.index_cast %swap3A_420 : i32 to index
        %swap3A_422 = arith.constant 0 : index
        %swap3A_423 = tpu.vector_load %arg7[%swap3A_421, %swap3A_422] {strides = array<i32>} : memref<2x40xi32, #tpu.memory_space<vmem>>, vector<1x16xi32>,
        %swap3A_424 = vector.shape_cast %swap3A_423 : vector<1x16xi32> to vector<16xi32>
        %swap3A_425 = vector.shape_cast %and3A_419 : vector<16xi32> to vector<1x16xi32>
        tpu.vector_store %arg7[%swap3A_421, %swap3A_422], %swap3A_425 {strides = array<i32>} : memref<2x40xi32, #tpu.memory_space<vmem>>, vector<1x16xi32>,
        %mul3A_426 = arith.constant 40 : i32
        %mul3A_427 = arith.muli %add3A_409, %mul3A_426 : i32
        %add3A_428 = arith.constant 16 : i32
        %add3A_429 = arith.addi %mul3A_427, %add3A_428 : i32
        %get3A_430 = arith.index_cast %add3A_429 : i32 to index
        %get3A_431 = tpu.vector_load %arg6[%get3A_430] {strides = array<i32>} : memref<10112xi32, #tpu.memory_space<vmem>>, vector<16xi32>,
        %get3A_432 = vector.shape_cast %get3A_431 : vector<16xi32> to vector<16xi32>
        %and3A_433 = arith.constant 16383 : i32
        %and3A_434 = vector.broadcast %and3A_433 : i32 to vector<16xi32>
        %and3A_435 = arith.andi %get3A_432, %and3A_434 : vector<16xi32>
        %swap3A_436 = arith.constant 0 : i32
        %swap3A_437 = arith.index_cast %swap3A_436 : i32 to index
        %swap3A_438 = arith.constant 16 : index
        %swap3A_439 = tpu.vector_load %arg7[%swap3A_437, %swap3A_438] {strides = array<i32>} : memref<2x40xi32, #tpu.memory_space<vmem>>, vector<1x16xi32>,
        %swap3A_440 = vector.shape_cast %swap3A_439 : vector<1x16xi32> to vector<16xi32>
        %swap3A_441 = vector.shape_cast %and3A_435 : vector<16xi32> to vector<1x16xi32>
        tpu.vector_store %arg7[%swap3A_437, %swap3A_438], %swap3A_441 {strides = array<i32>} : memref<2x40xi32, #tpu.memory_space<vmem>>, vector<1x16xi32>,
        %mul3A_442 = arith.constant 40 : i32
        %mul3A_443 = arith.muli %add3A_409, %mul3A_442 : i32
        %add3A_444 = arith.constant 24 : i32
        %add3A_445 = arith.addi %mul3A_443, %add3A_444 : i32
        %get3A_446 = arith.index_cast %add3A_445 : i32 to index
        %get3A_447 = tpu.vector_load %arg6[%get3A_446] {strides = array<i32>} : memref<10112xi32, #tpu.memory_space<vmem>>, vector<16xi32>,
        %get3A_448 = vector.shape_cast %get3A_447 : vector<16xi32> to vector<16xi32>
        %and3A_449 = arith.constant 16383 : i32
        %and3A_450 = vector.broadcast %and3A_449 : i32 to vector<16xi32>
        %and3A_451 = arith.andi %get3A_448, %and3A_450 : vector<16xi32>
        %swap3A_452 = arith.constant 0 : i32
        %swap3A_453 = arith.index_cast %swap3A_452 : i32 to index
        %swap3A_454 = arith.constant 24 : index
        %swap3A_455 = tpu.vector_load %arg7[%swap3A_453, %swap3A_454] {strides = array<i32>} : memref<2x40xi32, #tpu.memory_space<vmem>>, vector<1x16xi32>,
        %swap3A_456 = vector.shape_cast %swap3A_455 : vector<1x16xi32> to vector<16xi32>
        %swap3A_457 = vector.shape_cast %and3A_451 : vector<16xi32> to vector<1x16xi32>
        tpu.vector_store %arg7[%swap3A_453, %swap3A_454], %swap3A_457 {strides = array<i32>} : memref<2x40xi32, #tpu.memory_space<vmem>>, vector<1x16xi32>,
        %add3A_458 = arith.constant 2 : i32
        %add3A_459 = arith.addi %add3A_203, %add3A_458 : i32
        %mul3A_460 = arith.constant 40 : i32
        %mul3A_461 = arith.muli %add3A_459, %mul3A_460 : i32
        %add3A_462 = arith.addi %mul3A_2, %mul3A_461 : i32
        %dma_start3A_463 = arith.constant 0 : i32
        %dma_start3A_464 = arith.constant 0 : i32
        %dma_start3A_465 = arith.constant 0 : i32
        %dma_start3A_466 = tpu.memref_slice %arg10[%dma_start3A_463, %dma_start3A_464, %dma_start3A_465] : memref<2x40x128xf32, #tpu.memory_space<vmem>> -> memref<1x40x128xf32, #tpu.memory_space<vmem>>
        %dma_start3A_467 = tpu.memref_squeeze %dma_start3A_466 : memref<1x40x128xf32, #tpu.memory_space<vmem>> -> memref<40x128xf32, #tpu.memory_space<vmem>>
        %dma_start3A_468 = arith.constant 0 : i32
        %dma_start3A_469 = tpu.memref_slice %arg4[%add3A_462, %dma_start3A_468] : memref<320000x128xf32, #tpu.memory_space<hbm>> -> memref<40x128xf32, #tpu.memory_space<hbm>>
        %dma_start3A_470 = arith.constant 0 : i32
        %dma_start3A_471 = arith.constant 0 : i32
        %dma_start3A_472 = tpu.memref_slice %arg10[%dma_start3A_463, %dma_start3A_470, %dma_start3A_471] : memref<2x40x128xf32, #tpu.memory_space<vmem>> -> memref<1x40x128xf32, #tpu.memory_space<vmem>>
        %dma_start3A_473 = tpu.memref_squeeze %dma_start3A_472 : memref<1x40x128xf32, #tpu.memory_space<vmem>> -> memref<40x128xf32, #tpu.memory_space<vmem>>
        %dma_start3A_474 = arith.constant 0 : i32
        %dma_start3A_475 = tpu.memref_slice %arg4[%add3A_462, %dma_start3A_474] : memref<320000x128xf32, #tpu.memory_space<hbm>> -> memref<40x128xf32, #tpu.memory_space<hbm>>
        tpu.enqueue_dma source(%dma_start3A_475 : memref<40x128xf32, #tpu.memory_space<hbm>>) target(%dma_start3A_473 : memref<40x128xf32, #tpu.memory_space<vmem>>) target_semaphore(%arg17 : memref<!tpu.dma_semaphore, #tpu.memory_space<semaphore_mem>>)
        %dma_start3A_476 = arith.constant 0 : i32
        %dma_start3A_477 = arith.constant 0 : i32
        %dma_start3A_478 = arith.constant 0 : i32
        %dma_start3A_479 = arith.constant 0 : i32
        %dma_start3A_480 = tpu.memref_slice %arg9[%dma_start3A_477, %dma_start3A_478, %dma_start3A_479] : memref<2x40x128xf32, #tpu.memory_space<vmem>> -> memref<1x40x128xf32, #tpu.memory_space<vmem>>
        %dma_start3A_481 = tpu.memref_squeeze %dma_start3A_480 : memref<1x40x128xf32, #tpu.memory_space<vmem>> -> memref<40x128xf32, #tpu.memory_space<vmem>>
        %dma_start3A_482 = arith.constant 0 : i32
        %dma_start3A_483 = tpu.memref_slice %arg7[%dma_start3A_476, %dma_start3A_482] : memref<2x40xi32, #tpu.memory_space<vmem>> -> memref<1x40xi32, #tpu.memory_space<vmem>>
        %dma_start3A_484 = tpu.memref_squeeze %dma_start3A_483 : memref<1x40xi32, #tpu.memory_space<vmem>> -> memref<40xi32, #tpu.memory_space<vmem>>
        %dma_start3A_485 = arith.constant 0 : i32
        %dma_start3A_486 = arith.constant 0 : i32
        %dma_start3A_487 = tpu.memref_slice %arg2[%dma_start3A_485, %dma_start3A_486] : memref<10000x128xf32, #tpu.memory_space<hbm>> -> memref<10000x128xf32, #tpu.memory_space<hbm>>
        tpu.enqueue_indirect_dma source(%dma_start3A_487 : memref<10000x128xf32, #tpu.memory_space<hbm>>) target(%dma_start3A_481 : memref<40x128xf32, #tpu.memory_space<vmem>>) offsets(%dma_start3A_484 : memref<40xi32, #tpu.memory_space<vmem>>) semaphore(%arg15 : memref<!tpu.dma_semaphore, #tpu.memory_space<semaphore_mem>>)
      } else {
      }
      %mul3A_301 = arith.constant 2 : i32
      %mul3A_302 = arith.muli %mul3A_301, %add3A_199 : i32
      %add3A_303 = arith.constant 1 : i32
      %add3A_304 = arith.addi %mul3A_302, %add3A_303 : i32
      %mul3A_305 = arith.constant 40 : i32
      %mul3A_306 = arith.muli %add3A_304, %mul3A_305 : i32
      %add3A_307 = arith.addi %mul3A_2, %mul3A_306 : i32
      %dma_wait3A_308 = arith.constant 1 : i32
      %dma_wait3A_309 = arith.constant 0 : i32
      %dma_wait3A_310 = arith.constant 0 : i32
      %dma_wait3A_311 = tpu.memref_slice %arg10[%dma_wait3A_308, %dma_wait3A_309, %dma_wait3A_310] : memref<2x40x128xf32, #tpu.memory_space<vmem>> -> memref<1x40x128xf32, #tpu.memory_space<vmem>>
      %dma_wait3A_312 = tpu.memref_squeeze %dma_wait3A_311 : memref<1x40x128xf32, #tpu.memory_space<vmem>> -> memref<40x128xf32, #tpu.memory_space<vmem>>
      %dma_wait3A_313 = arith.constant 0 : i32
      %dma_wait3A_314 = tpu.memref_slice %arg4[%add3A_307, %dma_wait3A_313] : memref<320000x128xf32, #tpu.memory_space<hbm>> -> memref<40x128xf32, #tpu.memory_space<hbm>>
      %dma_wait3A_315 = arith.constant 0 : i32
      %dma_wait3A_316 = arith.constant 0 : i32
      %dma_wait3A_317 = tpu.memref_slice %arg10[%dma_wait3A_308, %dma_wait3A_315, %dma_wait3A_316] : memref<2x40x128xf32, #tpu.memory_space<vmem>> -> memref<1x40x128xf32, #tpu.memory_space<vmem>>
      %dma_wait3A_318 = tpu.memref_squeeze %dma_wait3A_317 : memref<1x40x128xf32, #tpu.memory_space<vmem>> -> memref<40x128xf32, #tpu.memory_space<vmem>>
      %dma_wait3A_319 = arith.constant 0 : i32
      %dma_wait3A_320 = tpu.memref_slice %arg4[%add3A_307, %dma_wait3A_319] : memref<320000x128xf32, #tpu.memory_space<hbm>> -> memref<40x128xf32, #tpu.memory_space<hbm>>
      tpu.wait_dma2 semaphore(%arg18 : memref<!tpu.dma_semaphore, #tpu.memory_space<semaphore_mem>>) src(%dma_wait3A_320 : memref<40x128xf32, #tpu.memory_space<hbm>>) dst(%dma_wait3A_318 : memref<40x128xf32, #tpu.memory_space<vmem>>)
      %dma_wait3A_321 = arith.constant 1 : i32
      %dma_wait3A_322 = arith.constant 1 : i32
      %dma_wait3A_323 = arith.constant 0 : i32
      %dma_wait3A_324 = arith.constant 0 : i32
      %dma_wait3A_325 = tpu.memref_slice %arg9[%dma_wait3A_322, %dma_wait3A_323, %dma_wait3A_324] : memref<2x40x128xf32, #tpu.memory_space<vmem>> -> memref<1x40x128xf32, #tpu.memory_space<vmem>>
      %dma_wait3A_326 = tpu.memref_squeeze %dma_wait3A_325 : memref<1x40x128xf32, #tpu.memory_space<vmem>> -> memref<40x128xf32, #tpu.memory_space<vmem>>
      %dma_wait3A_327 = arith.constant 0 : i32
      %dma_wait3A_328 = tpu.memref_slice %arg7[%dma_wait3A_321, %dma_wait3A_327] : memref<2x40xi32, #tpu.memory_space<vmem>> -> memref<1x40xi32, #tpu.memory_space<vmem>>
      %dma_wait3A_329 = tpu.memref_squeeze %dma_wait3A_328 : memref<1x40xi32, #tpu.memory_space<vmem>> -> memref<40xi32, #tpu.memory_space<vmem>>
      %dma_wait3A_330 = arith.constant 0 : i32
      %dma_wait3A_331 = arith.constant 0 : i32
      %dma_wait3A_332 = tpu.memref_slice %arg2[%dma_wait3A_330, %dma_wait3A_331] : memref<10000x128xf32, #tpu.memory_space<hbm>> -> memref<10000x128xf32, #tpu.memory_space<hbm>>
      tpu.wait_indirect_dma semaphore(%arg16 : memref<!tpu.dma_semaphore, #tpu.memory_space<semaphore_mem>>) src(%dma_wait3A_332 : memref<10000x128xf32, #tpu.memory_space<hbm>>) dst(%dma_wait3A_326 : memref<40x128xf32, #tpu.memory_space<vmem>>)
      %gt3A_333 = arith.constant 0 : i32
      %gt3A_334 = arith.cmpi sgt, %add3A_199, %gt3A_333 : i32
      %convert_element_type3A_335 = arith.extui %gt3A_334 : i1 to i32
      %cond3A_336 = arith.constant 0 : i32
      %cond3A_337 = arith.cmpi ne, %convert_element_type3A_335, %cond3A_336 : i32
      scf.if %cond3A_337 {
        %sub3A = arith.constant 2 : i32
        %sub3A_408 = arith.subi %add3A_304, %sub3A : i32
        %dma_wait3A_409 = arith.constant 1 : i32
        %dma_wait3A_410 = arith.constant 1 : i32
        %dma_wait3A_411 = arith.constant 0 : i32
        %dma_wait3A_412 = arith.constant 0 : i32
        %dma_wait3A_413 = tpu.memref_slice %arg11[%dma_wait3A_409, %dma_wait3A_411, %dma_wait3A_412] : memref<2x40x128xf32, #tpu.memory_space<vmem>> -> memref<1x40x128xf32, #tpu.memory_space<vmem>>
        %dma_wait3A_414 = tpu.memref_squeeze %dma_wait3A_413 : memref<1x40x128xf32, #tpu.memory_space<vmem>> -> memref<40x128xf32, #tpu.memory_space<vmem>>
        %dma_wait3A_415 = arith.constant 0 : i32
        %dma_wait3A_416 = tpu.memref_slice %arg8[%dma_wait3A_410, %dma_wait3A_415] : memref<2x40xi32, #tpu.memory_space<vmem>> -> memref<1x40xi32, #tpu.memory_space<vmem>>
        %dma_wait3A_417 = tpu.memref_squeeze %dma_wait3A_416 : memref<1x40xi32, #tpu.memory_space<vmem>> -> memref<40xi32, #tpu.memory_space<vmem>>
        %dma_wait3A_418 = arith.constant 0 : i32
        %dma_wait3A_419 = arith.constant 0 : i32
        %dma_wait3A_420 = tpu.memref_slice %arg12[%dma_wait3A_418, %dma_wait3A_419] : memref<10240x128xf32, #tpu.memory_space<vmem_shared>> -> memref<10240x128xf32, #tpu.memory_space<vmem_shared>>
        tpu.wait_indirect_dma semaphore(%arg20 : memref<!tpu.dma_semaphore, #tpu.memory_space<semaphore_mem>>) src(%dma_wait3A_414 : memref<40x128xf32, #tpu.memory_space<vmem>>) dst(%dma_wait3A_420 : memref<10240x128xf32, #tpu.memory_space<vmem_shared>>)
      } else {
      }
      %mul3A_338 = arith.constant 40 : i32
      %mul3A_339 = arith.muli %add3A_304, %mul3A_338 : i32
      %add3A_340 = arith.constant 0 : i32
      %add3A_341 = arith.addi %mul3A_339, %add3A_340 : i32
      %get3A_342 = arith.index_cast %add3A_341 : i32 to index
      %get3A_343 = tpu.vector_load %arg6[%get3A_342] {strides = array<i32>} : memref<10112xi32, #tpu.memory_space<vmem>>, vector<16xi32>,
      %get3A_344 = vector.shape_cast %get3A_343 : vector<16xi32> to vector<16xi32>
      %shift_right_logical3A_345 = arith.constant 14 : i32
      %shift_right_logical3A_346 = vector.broadcast %shift_right_logical3A_345 : i32 to vector<16xi32>
      %shift_right_logical3A_347 = arith.shrui %get3A_344, %shift_right_logical3A_346 : vector<16xi32>
      %swap3A_348 = arith.constant 1 : i32
      %swap3A_349 = arith.index_cast %swap3A_348 : i32 to index
      %swap3A_350 = arith.constant 0 : index
      %swap3A_351 = tpu.vector_load %arg8[%swap3A_349, %swap3A_350] {strides = array<i32>} : memref<2x40xi32, #tpu.memory_space<vmem>>, vector<1x16xi32>,
      %swap3A_352 = vector.shape_cast %swap3A_351 : vector<1x16xi32> to vector<16xi32>
      %swap3A_353 = vector.shape_cast %shift_right_logical3A_347 : vector<16xi32> to vector<1x16xi32>
      tpu.vector_store %arg8[%swap3A_349, %swap3A_350], %swap3A_353 {strides = array<i32>} : memref<2x40xi32, #tpu.memory_space<vmem>>, vector<1x16xi32>,
      %mul3A_354 = arith.constant 40 : i32
      %mul3A_355 = arith.muli %add3A_304, %mul3A_354 : i32
      %add3A_356 = arith.constant 16 : i32
      %add3A_357 = arith.addi %mul3A_355, %add3A_356 : i32
      %get3A_358 = arith.index_cast %add3A_357 : i32 to index
      %get3A_359 = tpu.vector_load %arg6[%get3A_358] {strides = array<i32>} : memref<10112xi32, #tpu.memory_space<vmem>>, vector<16xi32>,
      %get3A_360 = vector.shape_cast %get3A_359 : vector<16xi32> to vector<16xi32>
      %shift_right_logical3A_361 = arith.constant 14 : i32
      %shift_right_logical3A_362 = vector.broadcast %shift_right_logical3A_361 : i32 to vector<16xi32>
      %shift_right_logical3A_363 = arith.shrui %get3A_360, %shift_right_logical3A_362 : vector<16xi32>
      %swap3A_364 = arith.constant 1 : i32
      %swap3A_365 = arith.index_cast %swap3A_364 : i32 to index
      %swap3A_366 = arith.constant 16 : index
      %swap3A_367 = tpu.vector_load %arg8[%swap3A_365, %swap3A_366] {strides = array<i32>} : memref<2x40xi32, #tpu.memory_space<vmem>>, vector<1x16xi32>,
      %swap3A_368 = vector.shape_cast %swap3A_367 : vector<1x16xi32> to vector<16xi32>
      %swap3A_369 = vector.shape_cast %shift_right_logical3A_363 : vector<16xi32> to vector<1x16xi32>
      tpu.vector_store %arg8[%swap3A_365, %swap3A_366], %swap3A_369 {strides = array<i32>} : memref<2x40xi32, #tpu.memory_space<vmem>>, vector<1x16xi32>,
      %mul3A_370 = arith.constant 40 : i32
      %mul3A_371 = arith.muli %add3A_304, %mul3A_370 : i32
      %add3A_372 = arith.constant 24 : i32
      %add3A_373 = arith.addi %mul3A_371, %add3A_372 : i32
      %get3A_374 = arith.index_cast %add3A_373 : i32 to index
      %get3A_375 = tpu.vector_load %arg6[%get3A_374] {strides = array<i32>} : memref<10112xi32, #tpu.memory_space<vmem>>, vector<16xi32>,
      %get3A_376 = vector.shape_cast %get3A_375 : vector<16xi32> to vector<16xi32>
      %shift_right_logical3A_377 = arith.constant 14 : i32
      %shift_right_logical3A_378 = vector.broadcast %shift_right_logical3A_377 : i32 to vector<16xi32>
      %shift_right_logical3A_379 = arith.shrui %get3A_376, %shift_right_logical3A_378 : vector<16xi32>
      %swap3A_380 = arith.constant 1 : i32
      %swap3A_381 = arith.index_cast %swap3A_380 : i32 to index
      %swap3A_382 = arith.constant 24 : index
      %swap3A_383 = tpu.vector_load %arg8[%swap3A_381, %swap3A_382] {strides = array<i32>} : memref<2x40xi32, #tpu.memory_space<vmem>>, vector<1x16xi32>,
      %swap3A_384 = vector.shape_cast %swap3A_383 : vector<1x16xi32> to vector<16xi32>
      %swap3A_385 = vector.shape_cast %shift_right_logical3A_379 : vector<16xi32> to vector<1x16xi32>
      tpu.vector_store %arg8[%swap3A_381, %swap3A_382], %swap3A_385 {strides = array<i32>} : memref<2x40xi32, #tpu.memory_space<vmem>>, vector<1x16xi32>,
      %parallel_loop3A_386 = arith.constant 0 : i32
      %parallel_loop3A_387 = arith.constant 40 : i32
      %parallel_loop3A_388 = arith.constant 1 : i32
      scf.for %parallel_loop3A_408 = %parallel_loop3A_386 to %parallel_loop3A_387 step %parallel_loop3A_388  : i32 {
        %parallel_loop3A_409 = arith.constant 1 : i32
        %parallel_loop3A_410 = arith.index_cast %parallel_loop3A_409 : i32 to index
        %parallel_loop3A_411 = arith.index_cast %parallel_loop3A_408 : i32 to index
        %parallel_loop3A_412 = arith.constant 0 : index
        %parallel_loop3A_413 = tpu.vector_load %arg9[%parallel_loop3A_410, %parallel_loop3A_411, %parallel_loop3A_412] {strides = array<i32>} : memref<2x40x128xf32, #tpu.memory_space<vmem>>, vector<1x1x16xf32>,
        %parallel_loop3A_414 = vector.shape_cast %parallel_loop3A_413 : vector<1x1x16xf32> to vector<16xf32>
        %parallel_loop3A_415 = arith.constant 1 : i32
        %parallel_loop3A_416 = arith.index_cast %parallel_loop3A_415 : i32 to index
        %parallel_loop3A_417 = arith.index_cast %parallel_loop3A_408 : i32 to index
        %parallel_loop3A_418 = arith.constant 0 : index
        %parallel_loop3A_419 = tpu.vector_load %arg10[%parallel_loop3A_416, %parallel_loop3A_417, %parallel_loop3A_418] {strides = array<i32>} : memref<2x40x128xf32, #tpu.memory_space<vmem>>, vector<1x1x16xf32>,
        %parallel_loop3A_420 = vector.shape_cast %parallel_loop3A_419 : vector<1x1x16xf32> to vector<16xf32>
        %parallel_loop3A_421 = arith.addf %parallel_loop3A_414, %parallel_loop3A_420 : vector<16xf32>
        %parallel_loop3A_422 = arith.constant 0.000000e+00 : f32
        %parallel_loop3A_423 = vector.broadcast %parallel_loop3A_422 : f32 to vector<16xf32>
        %parallel_loop3A_424 = arith.maximumf %parallel_loop3A_421, %parallel_loop3A_423 : vector<16xf32>
        %parallel_loop3A_425 = arith.constant 1 : i32
        %parallel_loop3A_426 = arith.index_cast %parallel_loop3A_425 : i32 to index
        %parallel_loop3A_427 = arith.index_cast %parallel_loop3A_408 : i32 to index
        %parallel_loop3A_428 = arith.constant 0 : index
        %parallel_loop3A_429 = tpu.vector_load %arg11[%parallel_loop3A_426, %parallel_loop3A_427, %parallel_loop3A_428] {strides = array<i32>} : memref<2x40x128xf32, #tpu.memory_space<vmem>>, vector<1x1x16xf32>,
        %parallel_loop3A_430 = vector.shape_cast %parallel_loop3A_429 : vector<1x1x16xf32> to vector<16xf32>
        %parallel_loop3A_431 = vector.shape_cast %parallel_loop3A_424 : vector<16xf32> to vector<1x1x16xf32>
        tpu.vector_store %arg11[%parallel_loop3A_426, %parallel_loop3A_427, %parallel_loop3A_428], %parallel_loop3A_431 {strides = array<i32>} : memref<2x40x128xf32, #tpu.memory_space<vmem>>, vector<1x1x16xf32>,
        %parallel_loop3A_432 = arith.constant 1 : i32
        %parallel_loop3A_433 = arith.index_cast %parallel_loop3A_432 : i32 to index
        %parallel_loop3A_434 = arith.index_cast %parallel_loop3A_408 : i32 to index
        %parallel_loop3A_435 = arith.constant 16 : index
        %parallel_loop3A_436 = tpu.vector_load %arg9[%parallel_loop3A_433, %parallel_loop3A_434, %parallel_loop3A_435] {strides = array<i32>} : memref<2x40x128xf32, #tpu.memory_space<vmem>>, vector<1x1x16xf32>,
        %parallel_loop3A_437 = vector.shape_cast %parallel_loop3A_436 : vector<1x1x16xf32> to vector<16xf32>
        %parallel_loop3A_438 = arith.constant 1 : i32
        %parallel_loop3A_439 = arith.index_cast %parallel_loop3A_438 : i32 to index
        %parallel_loop3A_440 = arith.index_cast %parallel_loop3A_408 : i32 to index
        %parallel_loop3A_441 = arith.constant 16 : index
        %parallel_loop3A_442 = tpu.vector_load %arg10[%parallel_loop3A_439, %parallel_loop3A_440, %parallel_loop3A_441] {strides = array<i32>} : memref<2x40x128xf32, #tpu.memory_space<vmem>>, vector<1x1x16xf32>,
        %parallel_loop3A_443 = vector.shape_cast %parallel_loop3A_442 : vector<1x1x16xf32> to vector<16xf32>
        %parallel_loop3A_444 = arith.addf %parallel_loop3A_437, %parallel_loop3A_443 : vector<16xf32>
        %parallel_loop3A_445 = arith.constant 0.000000e+00 : f32
        %parallel_loop3A_446 = vector.broadcast %parallel_loop3A_445 : f32 to vector<16xf32>
        %parallel_loop3A_447 = arith.maximumf %parallel_loop3A_444, %parallel_loop3A_446 : vector<16xf32>
        %parallel_loop3A_448 = arith.constant 1 : i32
        %parallel_loop3A_449 = arith.index_cast %parallel_loop3A_448 : i32 to index
        %parallel_loop3A_450 = arith.index_cast %parallel_loop3A_408 : i32 to index
        %parallel_loop3A_451 = arith.constant 16 : index
        %parallel_loop3A_452 = tpu.vector_load %arg11[%parallel_loop3A_449, %parallel_loop3A_450, %parallel_loop3A_451] {strides = array<i32>} : memref<2x40x128xf32, #tpu.memory_space<vmem>>, vector<1x1x16xf32>,
        %parallel_loop3A_453 = vector.shape_cast %parallel_loop3A_452 : vector<1x1x16xf32> to vector<16xf32>
        %parallel_loop3A_454 = vector.shape_cast %parallel_loop3A_447 : vector<16xf32> to vector<1x1x16xf32>
        tpu.vector_store %arg11[%parallel_loop3A_449, %parallel_loop3A_450, %parallel_loop3A_451], %parallel_loop3A_454 {strides = array<i32>} : memref<2x40x128xf32, #tpu.memory_space<vmem>>, vector<1x1x16xf32>,
        %parallel_loop3A_455 = arith.constant 1 : i32
        %parallel_loop3A_456 = arith.index_cast %parallel_loop3A_455 : i32 to index
        %parallel_loop3A_457 = arith.index_cast %parallel_loop3A_408 : i32 to index
        %parallel_loop3A_458 = arith.constant 32 : index
        %parallel_loop3A_459 = tpu.vector_load %arg9[%parallel_loop3A_456, %parallel_loop3A_457, %parallel_loop3A_458] {strides = array<i32>} : memref<2x40x128xf32, #tpu.memory_space<vmem>>, vector<1x1x16xf32>,
        %parallel_loop3A_460 = vector.shape_cast %parallel_loop3A_459 : vector<1x1x16xf32> to vector<16xf32>
        %parallel_loop3A_461 = arith.constant 1 : i32
        %parallel_loop3A_462 = arith.index_cast %parallel_loop3A_461 : i32 to index
        %parallel_loop3A_463 = arith.index_cast %parallel_loop3A_408 : i32 to index
        %parallel_loop3A_464 = arith.constant 32 : index
        %parallel_loop3A_465 = tpu.vector_load %arg10[%parallel_loop3A_462, %parallel_loop3A_463, %parallel_loop3A_464] {strides = array<i32>} : memref<2x40x128xf32, #tpu.memory_space<vmem>>, vector<1x1x16xf32>,
        %parallel_loop3A_466 = vector.shape_cast %parallel_loop3A_465 : vector<1x1x16xf32> to vector<16xf32>
        %parallel_loop3A_467 = arith.addf %parallel_loop3A_460, %parallel_loop3A_466 : vector<16xf32>
        %parallel_loop3A_468 = arith.constant 0.000000e+00 : f32
        %parallel_loop3A_469 = vector.broadcast %parallel_loop3A_468 : f32 to vector<16xf32>
        %parallel_loop3A_470 = arith.maximumf %parallel_loop3A_467, %parallel_loop3A_469 : vector<16xf32>
        %parallel_loop3A_471 = arith.constant 1 : i32
        %parallel_loop3A_472 = arith.index_cast %parallel_loop3A_471 : i32 to index
        %parallel_loop3A_473 = arith.index_cast %parallel_loop3A_408 : i32 to index
        %parallel_loop3A_474 = arith.constant 32 : index
        %parallel_loop3A_475 = tpu.vector_load %arg11[%parallel_loop3A_472, %parallel_loop3A_473, %parallel_loop3A_474] {strides = array<i32>} : memref<2x40x128xf32, #tpu.memory_space<vmem>>, vector<1x1x16xf32>,
        %parallel_loop3A_476 = vector.shape_cast %parallel_loop3A_475 : vector<1x1x16xf32> to vector<16xf32>
        %parallel_loop3A_477 = vector.shape_cast %parallel_loop3A_470 : vector<16xf32> to vector<1x1x16xf32>
        tpu.vector_store %arg11[%parallel_loop3A_472, %parallel_loop3A_473, %parallel_loop3A_474], %parallel_loop3A_477 {strides = array<i32>} : memref<2x40x128xf32, #tpu.memory_space<vmem>>, vector<1x1x16xf32>,
        %parallel_loop3A_478 = arith.constant 1 : i32
        %parallel_loop3A_479 = arith.index_cast %parallel_loop3A_478 : i32 to index
        %parallel_loop3A_480 = arith.index_cast %parallel_loop3A_408 : i32 to index
        %parallel_loop3A_481 = arith.constant 48 : index
        %parallel_loop3A_482 = tpu.vector_load %arg9[%parallel_loop3A_479, %parallel_loop3A_480, %parallel_loop3A_481] {strides = array<i32>} : memref<2x40x128xf32, #tpu.memory_space<vmem>>, vector<1x1x16xf32>,
        %parallel_loop3A_483 = vector.shape_cast %parallel_loop3A_482 : vector<1x1x16xf32> to vector<16xf32>
        %parallel_loop3A_484 = arith.constant 1 : i32
        %parallel_loop3A_485 = arith.index_cast %parallel_loop3A_484 : i32 to index
        %parallel_loop3A_486 = arith.index_cast %parallel_loop3A_408 : i32 to index
        %parallel_loop3A_487 = arith.constant 48 : index
        %parallel_loop3A_488 = tpu.vector_load %arg10[%parallel_loop3A_485, %parallel_loop3A_486, %parallel_loop3A_487] {strides = array<i32>} : memref<2x40x128xf32, #tpu.memory_space<vmem>>, vector<1x1x16xf32>,
        %parallel_loop3A_489 = vector.shape_cast %parallel_loop3A_488 : vector<1x1x16xf32> to vector<16xf32>
        %parallel_loop3A_490 = arith.addf %parallel_loop3A_483, %parallel_loop3A_489 : vector<16xf32>
        %parallel_loop3A_491 = arith.constant 0.000000e+00 : f32
        %parallel_loop3A_492 = vector.broadcast %parallel_loop3A_491 : f32 to vector<16xf32>
        %parallel_loop3A_493 = arith.maximumf %parallel_loop3A_490, %parallel_loop3A_492 : vector<16xf32>
        %parallel_loop3A_494 = arith.constant 1 : i32
        %parallel_loop3A_495 = arith.index_cast %parallel_loop3A_494 : i32 to index
        %parallel_loop3A_496 = arith.index_cast %parallel_loop3A_408 : i32 to index
        %parallel_loop3A_497 = arith.constant 48 : index
        %parallel_loop3A_498 = tpu.vector_load %arg11[%parallel_loop3A_495, %parallel_loop3A_496, %parallel_loop3A_497] {strides = array<i32>} : memref<2x40x128xf32, #tpu.memory_space<vmem>>, vector<1x1x16xf32>,
        %parallel_loop3A_499 = vector.shape_cast %parallel_loop3A_498 : vector<1x1x16xf32> to vector<16xf32>
        %parallel_loop3A_500 = vector.shape_cast %parallel_loop3A_493 : vector<16xf32> to vector<1x1x16xf32>
        tpu.vector_store %arg11[%parallel_loop3A_495, %parallel_loop3A_496, %parallel_loop3A_497], %parallel_loop3A_500 {strides = array<i32>} : memref<2x40x128xf32, #tpu.memory_space<vmem>>, vector<1x1x16xf32>,
        %parallel_loop3A_501 = arith.constant 1 : i32
        %parallel_loop3A_502 = arith.index_cast %parallel_loop3A_501 : i32 to index
        %parallel_loop3A_503 = arith.index_cast %parallel_loop3A_408 : i32 to index
        %parallel_loop3A_504 = arith.constant 64 : index
        %parallel_loop3A_505 = tpu.vector_load %arg9[%parallel_loop3A_502, %parallel_loop3A_503, %parallel_loop3A_504] {strides = array<i32>} : memref<2x40x128xf32, #tpu.memory_space<vmem>>, vector<1x1x16xf32>,
        %parallel_loop3A_506 = vector.shape_cast %parallel_loop3A_505 : vector<1x1x16xf32> to vector<16xf32>
        %parallel_loop3A_507 = arith.constant 1 : i32
        %parallel_loop3A_508 = arith.index_cast %parallel_loop3A_507 : i32 to index
        %parallel_loop3A_509 = arith.index_cast %parallel_loop3A_408 : i32 to index
        %parallel_loop3A_510 = arith.constant 64 : index
        %parallel_loop3A_511 = tpu.vector_load %arg10[%parallel_loop3A_508, %parallel_loop3A_509, %parallel_loop3A_510] {strides = array<i32>} : memref<2x40x128xf32, #tpu.memory_space<vmem>>, vector<1x1x16xf32>,
        %parallel_loop3A_512 = vector.shape_cast %parallel_loop3A_511 : vector<1x1x16xf32> to vector<16xf32>
        %parallel_loop3A_513 = arith.addf %parallel_loop3A_506, %parallel_loop3A_512 : vector<16xf32>
        %parallel_loop3A_514 = arith.constant 0.000000e+00 : f32
        %parallel_loop3A_515 = vector.broadcast %parallel_loop3A_514 : f32 to vector<16xf32>
        %parallel_loop3A_516 = arith.maximumf %parallel_loop3A_513, %parallel_loop3A_515 : vector<16xf32>
        %parallel_loop3A_517 = arith.constant 1 : i32
        %parallel_loop3A_518 = arith.index_cast %parallel_loop3A_517 : i32 to index
        %parallel_loop3A_519 = arith.index_cast %parallel_loop3A_408 : i32 to index
        %parallel_loop3A_520 = arith.constant 64 : index
        %parallel_loop3A_521 = tpu.vector_load %arg11[%parallel_loop3A_518, %parallel_loop3A_519, %parallel_loop3A_520] {strides = array<i32>} : memref<2x40x128xf32, #tpu.memory_space<vmem>>, vector<1x1x16xf32>,
        %parallel_loop3A_522 = vector.shape_cast %parallel_loop3A_521 : vector<1x1x16xf32> to vector<16xf32>
        %parallel_loop3A_523 = vector.shape_cast %parallel_loop3A_516 : vector<16xf32> to vector<1x1x16xf32>
        tpu.vector_store %arg11[%parallel_loop3A_518, %parallel_loop3A_519, %parallel_loop3A_520], %parallel_loop3A_523 {strides = array<i32>} : memref<2x40x128xf32, #tpu.memory_space<vmem>>, vector<1x1x16xf32>,
        %parallel_loop3A_524 = arith.constant 1 : i32
        %parallel_loop3A_525 = arith.index_cast %parallel_loop3A_524 : i32 to index
        %parallel_loop3A_526 = arith.index_cast %parallel_loop3A_408 : i32 to index
        %parallel_loop3A_527 = arith.constant 80 : index
        %parallel_loop3A_528 = tpu.vector_load %arg9[%parallel_loop3A_525, %parallel_loop3A_526, %parallel_loop3A_527] {strides = array<i32>} : memref<2x40x128xf32, #tpu.memory_space<vmem>>, vector<1x1x16xf32>,
        %parallel_loop3A_529 = vector.shape_cast %parallel_loop3A_528 : vector<1x1x16xf32> to vector<16xf32>
        %parallel_loop3A_530 = arith.constant 1 : i32
        %parallel_loop3A_531 = arith.index_cast %parallel_loop3A_530 : i32 to index
        %parallel_loop3A_532 = arith.index_cast %parallel_loop3A_408 : i32 to index
        %parallel_loop3A_533 = arith.constant 80 : index
        %parallel_loop3A_534 = tpu.vector_load %arg10[%parallel_loop3A_531, %parallel_loop3A_532, %parallel_loop3A_533] {strides = array<i32>} : memref<2x40x128xf32, #tpu.memory_space<vmem>>, vector<1x1x16xf32>,
        %parallel_loop3A_535 = vector.shape_cast %parallel_loop3A_534 : vector<1x1x16xf32> to vector<16xf32>
        %parallel_loop3A_536 = arith.addf %parallel_loop3A_529, %parallel_loop3A_535 : vector<16xf32>
        %parallel_loop3A_537 = arith.constant 0.000000e+00 : f32
        %parallel_loop3A_538 = vector.broadcast %parallel_loop3A_537 : f32 to vector<16xf32>
        %parallel_loop3A_539 = arith.maximumf %parallel_loop3A_536, %parallel_loop3A_538 : vector<16xf32>
        %parallel_loop3A_540 = arith.constant 1 : i32
        %parallel_loop3A_541 = arith.index_cast %parallel_loop3A_540 : i32 to index
        %parallel_loop3A_542 = arith.index_cast %parallel_loop3A_408 : i32 to index
        %parallel_loop3A_543 = arith.constant 80 : index
        %parallel_loop3A_544 = tpu.vector_load %arg11[%parallel_loop3A_541, %parallel_loop3A_542, %parallel_loop3A_543] {strides = array<i32>} : memref<2x40x128xf32, #tpu.memory_space<vmem>>, vector<1x1x16xf32>,
        %parallel_loop3A_545 = vector.shape_cast %parallel_loop3A_544 : vector<1x1x16xf32> to vector<16xf32>
        %parallel_loop3A_546 = vector.shape_cast %parallel_loop3A_539 : vector<16xf32> to vector<1x1x16xf32>
        tpu.vector_store %arg11[%parallel_loop3A_541, %parallel_loop3A_542, %parallel_loop3A_543], %parallel_loop3A_546 {strides = array<i32>} : memref<2x40x128xf32, #tpu.memory_space<vmem>>, vector<1x1x16xf32>,
        %parallel_loop3A_547 = arith.constant 1 : i32
        %parallel_loop3A_548 = arith.index_cast %parallel_loop3A_547 : i32 to index
        %parallel_loop3A_549 = arith.index_cast %parallel_loop3A_408 : i32 to index
        %parallel_loop3A_550 = arith.constant 96 : index
        %parallel_loop3A_551 = tpu.vector_load %arg9[%parallel_loop3A_548, %parallel_loop3A_549, %parallel_loop3A_550] {strides = array<i32>} : memref<2x40x128xf32, #tpu.memory_space<vmem>>, vector<1x1x16xf32>,
        %parallel_loop3A_552 = vector.shape_cast %parallel_loop3A_551 : vector<1x1x16xf32> to vector<16xf32>
        %parallel_loop3A_553 = arith.constant 1 : i32
        %parallel_loop3A_554 = arith.index_cast %parallel_loop3A_553 : i32 to index
        %parallel_loop3A_555 = arith.index_cast %parallel_loop3A_408 : i32 to index
        %parallel_loop3A_556 = arith.constant 96 : index
        %parallel_loop3A_557 = tpu.vector_load %arg10[%parallel_loop3A_554, %parallel_loop3A_555, %parallel_loop3A_556] {strides = array<i32>} : memref<2x40x128xf32, #tpu.memory_space<vmem>>, vector<1x1x16xf32>,
        %parallel_loop3A_558 = vector.shape_cast %parallel_loop3A_557 : vector<1x1x16xf32> to vector<16xf32>
        %parallel_loop3A_559 = arith.addf %parallel_loop3A_552, %parallel_loop3A_558 : vector<16xf32>
        %parallel_loop3A_560 = arith.constant 0.000000e+00 : f32
        %parallel_loop3A_561 = vector.broadcast %parallel_loop3A_560 : f32 to vector<16xf32>
        %parallel_loop3A_562 = arith.maximumf %parallel_loop3A_559, %parallel_loop3A_561 : vector<16xf32>
        %parallel_loop3A_563 = arith.constant 1 : i32
        %parallel_loop3A_564 = arith.index_cast %parallel_loop3A_563 : i32 to index
        %parallel_loop3A_565 = arith.index_cast %parallel_loop3A_408 : i32 to index
        %parallel_loop3A_566 = arith.constant 96 : index
        %parallel_loop3A_567 = tpu.vector_load %arg11[%parallel_loop3A_564, %parallel_loop3A_565, %parallel_loop3A_566] {strides = array<i32>} : memref<2x40x128xf32, #tpu.memory_space<vmem>>, vector<1x1x16xf32>,
        %parallel_loop3A_568 = vector.shape_cast %parallel_loop3A_567 : vector<1x1x16xf32> to vector<16xf32>
        %parallel_loop3A_569 = vector.shape_cast %parallel_loop3A_562 : vector<16xf32> to vector<1x1x16xf32>
        tpu.vector_store %arg11[%parallel_loop3A_564, %parallel_loop3A_565, %parallel_loop3A_566], %parallel_loop3A_569 {strides = array<i32>} : memref<2x40x128xf32, #tpu.memory_space<vmem>>, vector<1x1x16xf32>,
      } {sc.loop_unroll_factor = 1 : i64, sc.parallel_access}
      %dma_start3A_389 = arith.constant 1 : i32
      %dma_start3A_390 = arith.constant 1 : i32
      %dma_start3A_391 = arith.constant 0 : i32
      %dma_start3A_392 = arith.constant 0 : i32
      %dma_start3A_393 = tpu.memref_slice %arg11[%dma_start3A_389, %dma_start3A_391, %dma_start3A_392] : memref<2x40x128xf32, #tpu.memory_space<vmem>> -> memref<1x40x128xf32, #tpu.memory_space<vmem>>
      %dma_start3A_394 = tpu.memref_squeeze %dma_start3A_393 : memref<1x40x128xf32, #tpu.memory_space<vmem>> -> memref<40x128xf32, #tpu.memory_space<vmem>>
      %dma_start3A_395 = arith.constant 0 : i32
      %dma_start3A_396 = tpu.memref_slice %arg8[%dma_start3A_390, %dma_start3A_395] : memref<2x40xi32, #tpu.memory_space<vmem>> -> memref<1x40xi32, #tpu.memory_space<vmem>>
      %dma_start3A_397 = tpu.memref_squeeze %dma_start3A_396 : memref<1x40xi32, #tpu.memory_space<vmem>> -> memref<40xi32, #tpu.memory_space<vmem>>
      %dma_start3A_398 = arith.constant 0 : i32
      %dma_start3A_399 = arith.constant 0 : i32
      %dma_start3A_400 = tpu.memref_slice %arg12[%dma_start3A_398, %dma_start3A_399] : memref<10240x128xf32, #tpu.memory_space<vmem_shared>> -> memref<10240x128xf32, #tpu.memory_space<vmem_shared>>
      tpu.enqueue_indirect_dma source(%dma_start3A_394 : memref<40x128xf32, #tpu.memory_space<vmem>>) target(%dma_start3A_400 : memref<10240x128xf32, #tpu.memory_space<vmem_shared>>) offsets(%dma_start3A_397 : memref<40xi32, #tpu.memory_space<vmem>>) semaphore(%arg20 : memref<!tpu.dma_semaphore, #tpu.memory_space<semaphore_mem>>) {add = true}
      %add3A_401 = arith.constant 2 : i32
      %add3A_402 = arith.addi %add3A_304, %add3A_401 : i32
      %lt3A_403 = arith.constant 250 : i32
      %lt3A_404 = arith.cmpi slt, %add3A_402, %lt3A_403 : i32
      %convert_element_type3A_405 = arith.extui %lt3A_404 : i1 to i32
      %cond3A_406 = arith.constant 0 : i32
      %cond3A_407 = arith.cmpi ne, %convert_element_type3A_405, %cond3A_406 : i32
      scf.if %cond3A_407 {
        %add3A_408 = arith.constant 2 : i32
        %add3A_409 = arith.addi %add3A_304, %add3A_408 : i32
        %mul3A_410 = arith.constant 40 : i32
        %mul3A_411 = arith.muli %add3A_409, %mul3A_410 : i32
        %add3A_412 = arith.constant 0 : i32
        %add3A_413 = arith.addi %mul3A_411, %add3A_412 : i32
        %get3A_414 = arith.index_cast %add3A_413 : i32 to index
        %get3A_415 = tpu.vector_load %arg6[%get3A_414] {strides = array<i32>} : memref<10112xi32, #tpu.memory_space<vmem>>, vector<16xi32>,
        %get3A_416 = vector.shape_cast %get3A_415 : vector<16xi32> to vector<16xi32>
        %and3A_417 = arith.constant 16383 : i32
        %and3A_418 = vector.broadcast %and3A_417 : i32 to vector<16xi32>
        %and3A_419 = arith.andi %get3A_416, %and3A_418 : vector<16xi32>
        %swap3A_420 = arith.constant 1 : i32
        %swap3A_421 = arith.index_cast %swap3A_420 : i32 to index
        %swap3A_422 = arith.constant 0 : index
        %swap3A_423 = tpu.vector_load %arg7[%swap3A_421, %swap3A_422] {strides = array<i32>} : memref<2x40xi32, #tpu.memory_space<vmem>>, vector<1x16xi32>,
        %swap3A_424 = vector.shape_cast %swap3A_423 : vector<1x16xi32> to vector<16xi32>
        %swap3A_425 = vector.shape_cast %and3A_419 : vector<16xi32> to vector<1x16xi32>
        tpu.vector_store %arg7[%swap3A_421, %swap3A_422], %swap3A_425 {strides = array<i32>} : memref<2x40xi32, #tpu.memory_space<vmem>>, vector<1x16xi32>,
        %mul3A_426 = arith.constant 40 : i32
        %mul3A_427 = arith.muli %add3A_409, %mul3A_426 : i32
        %add3A_428 = arith.constant 16 : i32
        %add3A_429 = arith.addi %mul3A_427, %add3A_428 : i32
        %get3A_430 = arith.index_cast %add3A_429 : i32 to index
        %get3A_431 = tpu.vector_load %arg6[%get3A_430] {strides = array<i32>} : memref<10112xi32, #tpu.memory_space<vmem>>, vector<16xi32>,
        %get3A_432 = vector.shape_cast %get3A_431 : vector<16xi32> to vector<16xi32>
        %and3A_433 = arith.constant 16383 : i32
        %and3A_434 = vector.broadcast %and3A_433 : i32 to vector<16xi32>
        %and3A_435 = arith.andi %get3A_432, %and3A_434 : vector<16xi32>
        %swap3A_436 = arith.constant 1 : i32
        %swap3A_437 = arith.index_cast %swap3A_436 : i32 to index
        %swap3A_438 = arith.constant 16 : index
        %swap3A_439 = tpu.vector_load %arg7[%swap3A_437, %swap3A_438] {strides = array<i32>} : memref<2x40xi32, #tpu.memory_space<vmem>>, vector<1x16xi32>,
        %swap3A_440 = vector.shape_cast %swap3A_439 : vector<1x16xi32> to vector<16xi32>
        %swap3A_441 = vector.shape_cast %and3A_435 : vector<16xi32> to vector<1x16xi32>
        tpu.vector_store %arg7[%swap3A_437, %swap3A_438], %swap3A_441 {strides = array<i32>} : memref<2x40xi32, #tpu.memory_space<vmem>>, vector<1x16xi32>,
        %mul3A_442 = arith.constant 40 : i32
        %mul3A_443 = arith.muli %add3A_409, %mul3A_442 : i32
        %add3A_444 = arith.constant 24 : i32
        %add3A_445 = arith.addi %mul3A_443, %add3A_444 : i32
        %get3A_446 = arith.index_cast %add3A_445 : i32 to index
        %get3A_447 = tpu.vector_load %arg6[%get3A_446] {strides = array<i32>} : memref<10112xi32, #tpu.memory_space<vmem>>, vector<16xi32>,
        %get3A_448 = vector.shape_cast %get3A_447 : vector<16xi32> to vector<16xi32>
        %and3A_449 = arith.constant 16383 : i32
        %and3A_450 = vector.broadcast %and3A_449 : i32 to vector<16xi32>
        %and3A_451 = arith.andi %get3A_448, %and3A_450 : vector<16xi32>
        %swap3A_452 = arith.constant 1 : i32
        %swap3A_453 = arith.index_cast %swap3A_452 : i32 to index
        %swap3A_454 = arith.constant 24 : index
        %swap3A_455 = tpu.vector_load %arg7[%swap3A_453, %swap3A_454] {strides = array<i32>} : memref<2x40xi32, #tpu.memory_space<vmem>>, vector<1x16xi32>,
        %swap3A_456 = vector.shape_cast %swap3A_455 : vector<1x16xi32> to vector<16xi32>
        %swap3A_457 = vector.shape_cast %and3A_451 : vector<16xi32> to vector<1x16xi32>
        tpu.vector_store %arg7[%swap3A_453, %swap3A_454], %swap3A_457 {strides = array<i32>} : memref<2x40xi32, #tpu.memory_space<vmem>>, vector<1x16xi32>,
        %add3A_458 = arith.constant 2 : i32
        %add3A_459 = arith.addi %add3A_304, %add3A_458 : i32
        %mul3A_460 = arith.constant 40 : i32
        %mul3A_461 = arith.muli %add3A_459, %mul3A_460 : i32
        %add3A_462 = arith.addi %mul3A_2, %mul3A_461 : i32
        %dma_start3A_463 = arith.constant 1 : i32
        %dma_start3A_464 = arith.constant 0 : i32
        %dma_start3A_465 = arith.constant 0 : i32
        %dma_start3A_466 = tpu.memref_slice %arg10[%dma_start3A_463, %dma_start3A_464, %dma_start3A_465] : memref<2x40x128xf32, #tpu.memory_space<vmem>> -> memref<1x40x128xf32, #tpu.memory_space<vmem>>
        %dma_start3A_467 = tpu.memref_squeeze %dma_start3A_466 : memref<1x40x128xf32, #tpu.memory_space<vmem>> -> memref<40x128xf32, #tpu.memory_space<vmem>>
        %dma_start3A_468 = arith.constant 0 : i32
        %dma_start3A_469 = tpu.memref_slice %arg4[%add3A_462, %dma_start3A_468] : memref<320000x128xf32, #tpu.memory_space<hbm>> -> memref<40x128xf32, #tpu.memory_space<hbm>>
        %dma_start3A_470 = arith.constant 0 : i32
        %dma_start3A_471 = arith.constant 0 : i32
        %dma_start3A_472 = tpu.memref_slice %arg10[%dma_start3A_463, %dma_start3A_470, %dma_start3A_471] : memref<2x40x128xf32, #tpu.memory_space<vmem>> -> memref<1x40x128xf32, #tpu.memory_space<vmem>>
        %dma_start3A_473 = tpu.memref_squeeze %dma_start3A_472 : memref<1x40x128xf32, #tpu.memory_space<vmem>> -> memref<40x128xf32, #tpu.memory_space<vmem>>
        %dma_start3A_474 = arith.constant 0 : i32
        %dma_start3A_475 = tpu.memref_slice %arg4[%add3A_462, %dma_start3A_474] : memref<320000x128xf32, #tpu.memory_space<hbm>> -> memref<40x128xf32, #tpu.memory_space<hbm>>
        tpu.enqueue_dma source(%dma_start3A_475 : memref<40x128xf32, #tpu.memory_space<hbm>>) target(%dma_start3A_473 : memref<40x128xf32, #tpu.memory_space<vmem>>) target_semaphore(%arg18 : memref<!tpu.dma_semaphore, #tpu.memory_space<semaphore_mem>>)
        %dma_start3A_476 = arith.constant 1 : i32
        %dma_start3A_477 = arith.constant 1 : i32
        %dma_start3A_478 = arith.constant 0 : i32
        %dma_start3A_479 = arith.constant 0 : i32
        %dma_start3A_480 = tpu.memref_slice %arg9[%dma_start3A_477, %dma_start3A_478, %dma_start3A_479] : memref<2x40x128xf32, #tpu.memory_space<vmem>> -> memref<1x40x128xf32, #tpu.memory_space<vmem>>
        %dma_start3A_481 = tpu.memref_squeeze %dma_start3A_480 : memref<1x40x128xf32, #tpu.memory_space<vmem>> -> memref<40x128xf32, #tpu.memory_space<vmem>>
        %dma_start3A_482 = arith.constant 0 : i32
        %dma_start3A_483 = tpu.memref_slice %arg7[%dma_start3A_476, %dma_start3A_482] : memref<2x40xi32, #tpu.memory_space<vmem>> -> memref<1x40xi32, #tpu.memory_space<vmem>>
        %dma_start3A_484 = tpu.memref_squeeze %dma_start3A_483 : memref<1x40xi32, #tpu.memory_space<vmem>> -> memref<40xi32, #tpu.memory_space<vmem>>
        %dma_start3A_485 = arith.constant 0 : i32
        %dma_start3A_486 = arith.constant 0 : i32
        %dma_start3A_487 = tpu.memref_slice %arg2[%dma_start3A_485, %dma_start3A_486] : memref<10000x128xf32, #tpu.memory_space<hbm>> -> memref<10000x128xf32, #tpu.memory_space<hbm>>
        tpu.enqueue_indirect_dma source(%dma_start3A_487 : memref<10000x128xf32, #tpu.memory_space<hbm>>) target(%dma_start3A_481 : memref<40x128xf32, #tpu.memory_space<vmem>>) offsets(%dma_start3A_484 : memref<40xi32, #tpu.memory_space<vmem>>) semaphore(%arg16 : memref<!tpu.dma_semaphore, #tpu.memory_space<semaphore_mem>>)
      } else {
      }
    }
    %scan3A_159 = arith.constant 125 : i32
    %dma_wait3A_160 = arith.constant 0 : i32
    %dma_wait3A_161 = arith.constant 0 : i32
    %dma_wait3A_162 = arith.constant 0 : i32
    %dma_wait3A_163 = arith.constant 0 : i32
    %dma_wait3A_164 = tpu.memref_slice %arg11[%dma_wait3A_160, %dma_wait3A_162, %dma_wait3A_163] : memref<2x40x128xf32, #tpu.memory_space<vmem>> -> memref<1x40x128xf32, #tpu.memory_space<vmem>>
    %dma_wait3A_165 = tpu.memref_squeeze %dma_wait3A_164 : memref<1x40x128xf32, #tpu.memory_space<vmem>> -> memref<40x128xf32, #tpu.memory_space<vmem>>
    %dma_wait3A_166 = arith.constant 0 : i32
    %dma_wait3A_167 = tpu.memref_slice %arg8[%dma_wait3A_161, %dma_wait3A_166] : memref<2x40xi32, #tpu.memory_space<vmem>> -> memref<1x40xi32, #tpu.memory_space<vmem>>
    %dma_wait3A_168 = tpu.memref_squeeze %dma_wait3A_167 : memref<1x40xi32, #tpu.memory_space<vmem>> -> memref<40xi32, #tpu.memory_space<vmem>>
    %dma_wait3A_169 = arith.constant 0 : i32
    %dma_wait3A_170 = arith.constant 0 : i32
    %dma_wait3A_171 = tpu.memref_slice %arg12[%dma_wait3A_169, %dma_wait3A_170] : memref<10240x128xf32, #tpu.memory_space<vmem_shared>> -> memref<10240x128xf32, #tpu.memory_space<vmem_shared>>
    tpu.wait_indirect_dma semaphore(%arg19 : memref<!tpu.dma_semaphore, #tpu.memory_space<semaphore_mem>>) src(%dma_wait3A_165 : memref<40x128xf32, #tpu.memory_space<vmem>>) dst(%dma_wait3A_171 : memref<10240x128xf32, #tpu.memory_space<vmem_shared>>)
    %dma_wait3A_172 = arith.constant 1 : i32
    %dma_wait3A_173 = arith.constant 1 : i32
    %dma_wait3A_174 = arith.constant 0 : i32
    %dma_wait3A_175 = arith.constant 0 : i32
    %dma_wait3A_176 = tpu.memref_slice %arg11[%dma_wait3A_172, %dma_wait3A_174, %dma_wait3A_175] : memref<2x40x128xf32, #tpu.memory_space<vmem>> -> memref<1x40x128xf32, #tpu.memory_space<vmem>>
    %dma_wait3A_177 = tpu.memref_squeeze %dma_wait3A_176 : memref<1x40x128xf32, #tpu.memory_space<vmem>> -> memref<40x128xf32, #tpu.memory_space<vmem>>
    %dma_wait3A_178 = arith.constant 0 : i32
    %dma_wait3A_179 = tpu.memref_slice %arg8[%dma_wait3A_173, %dma_wait3A_178] : memref<2x40xi32, #tpu.memory_space<vmem>> -> memref<1x40xi32, #tpu.memory_space<vmem>>
    %dma_wait3A_180 = tpu.memref_squeeze %dma_wait3A_179 : memref<1x40xi32, #tpu.memory_space<vmem>> -> memref<40xi32, #tpu.memory_space<vmem>>
    %dma_wait3A_181 = arith.constant 0 : i32
    %dma_wait3A_182 = arith.constant 0 : i32
    %dma_wait3A_183 = tpu.memref_slice %arg12[%dma_wait3A_181, %dma_wait3A_182] : memref<10240x128xf32, #tpu.memory_space<vmem_shared>> -> memref<10240x128xf32, #tpu.memory_space<vmem_shared>>
    tpu.wait_indirect_dma semaphore(%arg20 : memref<!tpu.dma_semaphore, #tpu.memory_space<semaphore_mem>>) src(%dma_wait3A_177 : memref<40x128xf32, #tpu.memory_space<vmem>>) dst(%dma_wait3A_183 : memref<10240x128xf32, #tpu.memory_space<vmem_shared>>)
    %barrier3A_184 = arith.constant 0 : index
    tpu.barrier barrier_id(%barrier3A_184)
    %scan3A_185 = arith.constant 0 : i32
    %scan3A_186 = arith.constant 4 : i32
    %scan3A_187 = arith.addi %scan3A_185, %scan3A_186 : i32
    %scan3A_188 = arith.constant 1 : i32
    scf.for %scan3A_195 = %scan3A_185 to %scan3A_187 step %scan3A_188  : i32 {
      %mul3A_196 = arith.constant 1 : i32
      %mul3A_197 = arith.muli %scan3A_195, %mul3A_196 : i32
      %add3A_198 = arith.constant 0 : i32
      %add3A_199 = arith.addi %add3A_198, %mul3A_197 : i32
      %mul3A_200 = arith.constant 640 : i32
      %mul3A_201 = arith.muli %arg1, %mul3A_200 : i32
      %mul3A_202 = arith.constant 160 : i32
      %mul3A_203 = arith.muli %add3A_199, %mul3A_202 : i32
      %add3A_204 = arith.addi %mul3A_201, %mul3A_203 : i32
      %dma_start3A_205 = arith.constant 0 : i32
      %dma_start3A_206 = tpu.memref_slice %arg5[%arg0, %add3A_204, %dma_start3A_205] : memref<2x10240x128xf32, #tpu.memory_space<hbm>> -> memref<1x160x128xf32, #tpu.memory_space<hbm>>
      %dma_start3A_207 = tpu.memref_squeeze %dma_start3A_206 : memref<1x160x128xf32, #tpu.memory_space<hbm>> -> memref<160x128xf32, #tpu.memory_space<hbm>>
      %dma_start3A_208 = arith.constant 0 : i32
      %dma_start3A_209 = tpu.memref_slice %arg12[%add3A_204, %dma_start3A_208] : memref<10240x128xf32, #tpu.memory_space<vmem_shared>> -> memref<160x128xf32, #tpu.memory_space<vmem_shared>>
      tpu.enqueue_dma source(%dma_start3A_209 : memref<160x128xf32, #tpu.memory_space<vmem_shared>>) target(%dma_start3A_207 : memref<160x128xf32, #tpu.memory_space<hbm>>) target_semaphore(%arg13 : memref<!tpu.dma_semaphore, #tpu.memory_space<semaphore_mem>>)
    }
    %scan3A_189 = arith.constant 4 : i32
    %scan3A_190 = arith.constant 0 : i32
    %scan3A_191 = arith.constant 4 : i32
    %scan3A_192 = arith.addi %scan3A_190, %scan3A_191 : i32
    %scan3A_193 = arith.constant 1 : i32
    scf.for %scan3A_195 = %scan3A_190 to %scan3A_192 step %scan3A_193  : i32 {
      %mul3A_196 = arith.constant 1 : i32
      %mul3A_197 = arith.muli %scan3A_195, %mul3A_196 : i32
      %add3A_198 = arith.constant 0 : i32
      %add3A_199 = arith.addi %add3A_198, %mul3A_197 : i32
      %mul3A_200 = arith.constant 640 : i32
      %mul3A_201 = arith.muli %arg1, %mul3A_200 : i32
      %mul3A_202 = arith.constant 160 : i32
      %mul3A_203 = arith.muli %add3A_199, %mul3A_202 : i32
      %add3A_204 = arith.addi %mul3A_201, %mul3A_203 : i32
      %dma_wait3A_205 = arith.constant 0 : i32
      %dma_wait3A_206 = tpu.memref_slice %arg5[%arg0, %add3A_204, %dma_wait3A_205] : memref<2x10240x128xf32, #tpu.memory_space<hbm>> -> memref<1x160x128xf32, #tpu.memory_space<hbm>>
      %dma_wait3A_207 = tpu.memref_squeeze %dma_wait3A_206 : memref<1x160x128xf32, #tpu.memory_space<hbm>> -> memref<160x128xf32, #tpu.memory_space<hbm>>
      %dma_wait3A_208 = arith.constant 0 : i32
      %dma_wait3A_209 = tpu.memref_slice %arg12[%add3A_204, %dma_wait3A_208] : memref<10240x128xf32, #tpu.memory_space<vmem_shared>> -> memref<160x128xf32, #tpu.memory_space<vmem_shared>>
      tpu.wait_dma2 semaphore(%arg13 : memref<!tpu.dma_semaphore, #tpu.memory_space<semaphore_mem>>) src(%dma_wait3A_209 : memref<160x128xf32, #tpu.memory_space<vmem_shared>>) dst(%dma_wait3A_207 : memref<160x128xf32, #tpu.memory_space<hbm>>)
    }
    %scan3A_194 = arith.constant 4 : i32
    return
  }
}

module attributes {stable_mosaic.version = 14 : i64} {
  func.func @body(%arg0: i32, %arg1: memref<4000x16xf32, #tpu.memory_space<vmem>>, %arg2: memref<16x128xf32, #tpu.memory_space<vmem>>, %arg3: memref<1x128xf32, #tpu.memory_space<vmem>>, %arg4: memref<4000x128xf32, #tpu.memory_space<vmem>>) attributes {dimension_semantics = [#tpu.dimension_semantics<parallel>], iteration_bounds = array<i64: 80>, scalar_prefetch = 0 : i64, scratch_operands = 0 : i64, tpu.core_type = #tpu.core_type<tc>, window_params = [{transform_indices = @transform_0, window_bounds = array<i64: 4000, 16>}, {pipeline_mode = #tpu.pipeline_mode<synchronous>, transform_indices = @transform_1, window_bounds = array<i64: 16, 128>}, {pipeline_mode = #tpu.pipeline_mode<synchronous>, transform_indices = @transform_2, window_bounds = array<i64: 1, 128>}, {transform_indices = @transform_3, window_bounds = array<i64: 4000, 128>}]} {
    %get3A = arith.constant 0 : index
    %get3A_0 = arith.constant 0 : index
    %get3A_1 = vector.load %arg1[%get3A, %get3A_0] : memref<4000x16xf32, #tpu.memory_space<vmem>>, vector<4000x16xf32>
    %get3A_2 = arith.constant 0 : index
    %get3A_3 = arith.constant 0 : index
    %get3A_4 = vector.load %arg2[%get3A_2, %get3A_3] : memref<16x128xf32, #tpu.memory_space<vmem>>, vector<16x128xf32>
    %dot_general3A = arith.constant dense<0.000000e+00> : vector<4000x128xf32>
    %dot_general3A_5 = tpu.matmul %get3A_1, %get3A_4, %dot_general3A {dimension_numbers = #tpu.dot_dimension_numbers<[1], [0], [0], [1], [0, 0, 1, 1], [], []>, transpose_lhs_hint = false} : vector<4000x16xf32>, vector<16x128xf32>, vector<4000x128xf32> -> vector<4000x128xf32>
    %get3A_6 = arith.constant 0 : index
    %get3A_7 = arith.constant 0 : index
    %get3A_8 = vector.load %arg3[%get3A_6, %get3A_7] : memref<1x128xf32, #tpu.memory_space<vmem>>, vector<1x128xf32>
    %add3A = vector.broadcast %get3A_8 : vector<1x128xf32> to vector<4000x128xf32>
    %add3A_9 = arith.addf %dot_general3A_5, %add3A : vector<4000x128xf32>
    %swap3A = arith.constant 0 : index
    %swap3A_10 = arith.constant 0 : index
    %swap3A_11 = vector.load %arg4[%swap3A, %swap3A_10] : memref<4000x128xf32, #tpu.memory_space<vmem>>, vector<4000x128xf32>
    tpu.vector_store %arg4[%swap3A, %swap3A_10], %add3A_9 {strides = array<i32>} : memref<4000x128xf32, #tpu.memory_space<vmem>>, vector<4000x128xf32>,
    return
  }
  func.func @transform_0(%arg0: i32) -> (i32, i32) {
    %c0_i32 = arith.constant 0 : i32
    %c0_i32_0 = arith.constant 0 : i32
    return %arg0, %c0_i32 : i32, i32
  }
  func.func @transform_1(%arg0: i32) -> (i32, i32) {
    %c0_i32 = arith.constant 0 : i32
    %c0_i32_0 = arith.constant 0 : i32
    %c0_i32_1 = arith.constant 0 : i32
    return %c0_i32, %c0_i32_0 : i32, i32
  }
  func.func @transform_2(%arg0: i32) -> (i32, i32) {
    %c0_i32 = arith.constant 0 : i32
    %c0_i32_0 = arith.constant 0 : i32
    %c0_i32_1 = arith.constant 0 : i32
    return %c0_i32, %c0_i32_0 : i32, i32
  }
  func.func @transform_3(%arg0: i32) -> (i32, i32) {
    %c0_i32 = arith.constant 0 : i32
    %c0_i32_0 = arith.constant 0 : i32
    return %arg0, %c0_i32 : i32, i32
  }
}

module attributes {stable_mosaic.version = 14 : i64} {
  func.func @body(%arg0: i32, %arg1: memref<2000x128xf32, #tpu.memory_space<vmem>>, %arg2: memref<128x128xf32, #tpu.memory_space<vmem>>, %arg3: memref<1x128xf32, #tpu.memory_space<vmem>>, %arg4: memref<2000x128xf32, #tpu.memory_space<vmem>>) attributes {dimension_semantics = [#tpu.dimension_semantics<parallel>], iteration_bounds = array<i64: 5>, scalar_prefetch = 0 : i64, scratch_operands = 0 : i64, tpu.core_type = #tpu.core_type<tc>, window_params = [{transform_indices = @transform_0, window_bounds = array<i64: 2000, 128>}, {pipeline_mode = #tpu.pipeline_mode<synchronous>, transform_indices = @transform_1, window_bounds = array<i64: 128, 128>}, {pipeline_mode = #tpu.pipeline_mode<synchronous>, transform_indices = @transform_2, window_bounds = array<i64: 1, 128>}, {transform_indices = @transform_3, window_bounds = array<i64: 2000, 128>}]} {
    %get3A = arith.constant 0 : index
    %get3A_0 = arith.constant 0 : index
    %get3A_1 = vector.load %arg1[%get3A, %get3A_0] : memref<2000x128xf32, #tpu.memory_space<vmem>>, vector<2000x128xf32>
    %get3A_2 = arith.constant 0 : index
    %get3A_3 = arith.constant 0 : index
    %get3A_4 = vector.load %arg2[%get3A_2, %get3A_3] : memref<128x128xf32, #tpu.memory_space<vmem>>, vector<128x128xf32>
    %dot_general3A = arith.constant dense<0.000000e+00> : vector<2000x128xf32>
    %dot_general3A_5 = tpu.matmul %get3A_1, %get3A_4, %dot_general3A {dimension_numbers = #tpu.dot_dimension_numbers<[1], [0], [0], [1], [0, 0, 1, 1], [], []>, transpose_lhs_hint = false} : vector<2000x128xf32>, vector<128x128xf32>, vector<2000x128xf32> -> vector<2000x128xf32>
    %get3A_6 = arith.constant 0 : index
    %get3A_7 = arith.constant 0 : index
    %get3A_8 = vector.load %arg3[%get3A_6, %get3A_7] : memref<1x128xf32, #tpu.memory_space<vmem>>, vector<1x128xf32>
    %add3A = vector.broadcast %get3A_8 : vector<1x128xf32> to vector<2000x128xf32>
    %add3A_9 = arith.addf %dot_general3A_5, %add3A : vector<2000x128xf32>
    %swap3A = arith.constant 0 : index
    %swap3A_10 = arith.constant 0 : index
    %swap3A_11 = vector.load %arg4[%swap3A, %swap3A_10] : memref<2000x128xf32, #tpu.memory_space<vmem>>, vector<2000x128xf32>
    tpu.vector_store %arg4[%swap3A, %swap3A_10], %add3A_9 {strides = array<i32>} : memref<2000x128xf32, #tpu.memory_space<vmem>>, vector<2000x128xf32>,
    return
  }
  func.func @transform_0(%arg0: i32) -> (i32, i32) {
    %c0_i32 = arith.constant 0 : i32
    %c0_i32_0 = arith.constant 0 : i32
    return %arg0, %c0_i32 : i32, i32
  }
  func.func @transform_1(%arg0: i32) -> (i32, i32) {
    %c0_i32 = arith.constant 0 : i32
    %c0_i32_0 = arith.constant 0 : i32
    %c0_i32_1 = arith.constant 0 : i32
    return %c0_i32, %c0_i32_0 : i32, i32
  }
  func.func @transform_2(%arg0: i32) -> (i32, i32) {
    %c0_i32 = arith.constant 0 : i32
    %c0_i32_0 = arith.constant 0 : i32
    %c0_i32_1 = arith.constant 0 : i32
    return %c0_i32, %c0_i32_0 : i32, i32
  }
  func.func @transform_3(%arg0: i32) -> (i32, i32) {
    %c0_i32 = arith.constant 0 : i32
    %c0_i32_0 = arith.constant 0 : i32
    return %arg0, %c0_i32 : i32, i32
  }
}

module attributes {stable_mosaic.version = 14 : i64} {
  func.func @body(%arg0: i32, %arg1: memref<2000x128xf32, #tpu.memory_space<vmem>>, %arg2: memref<2x2000x128xf32, #tpu.memory_space<vmem>>, %arg3: memref<128x128xf32, #tpu.memory_space<vmem>>, %arg4: memref<1x128xf32, #tpu.memory_space<vmem>>, %arg5: memref<128x128xf32, #tpu.memory_space<vmem>>, %arg6: memref<1x128xf32, #tpu.memory_space<vmem>>, %arg7: memref<1x128xf32, #tpu.memory_space<vmem>>, %arg8: memref<1x128xf32, #tpu.memory_space<vmem>>, %arg9: memref<1x128xf32, #tpu.memory_space<vmem>>, %arg10: memref<1x128xf32, #tpu.memory_space<vmem>>, %arg11: memref<2000x128xf32, #tpu.memory_space<vmem>>) attributes {dimension_semantics = [#tpu.dimension_semantics<parallel>], iteration_bounds = array<i64: 5>, scalar_prefetch = 0 : i64, scratch_operands = 0 : i64, tpu.core_type = #tpu.core_type<tc>, window_params = [{transform_indices = @transform_0, window_bounds = array<i64: 2000, 128>}, {transform_indices = @transform_1, window_bounds = array<i64: 2, 2000, 128>}, {pipeline_mode = #tpu.pipeline_mode<synchronous>, transform_indices = @transform_2, window_bounds = array<i64: 128, 128>}, {pipeline_mode = #tpu.pipeline_mode<synchronous>, transform_indices = @transform_3, window_bounds = array<i64: 1, 128>}, {pipeline_mode = #tpu.pipeline_mode<synchronous>, transform_indices = @transform_4, window_bounds = array<i64: 128, 128>}, {pipeline_mode = #tpu.pipeline_mode<synchronous>, transform_indices = @transform_5, window_bounds = array<i64: 1, 128>}, {pipeline_mode = #tpu.pipeline_mode<synchronous>, transform_indices = @transform_6, window_bounds = array<i64: 1, 128>}, {pipeline_mode = #tpu.pipeline_mode<synchronous>, transform_indices = @transform_7, window_bounds = array<i64: 1, 128>}, {pipeline_mode = #tpu.pipeline_mode<synchronous>, transform_indices = @transform_8, window_bounds = array<i64: 1, 128>}, {pipeline_mode = #tpu.pipeline_mode<synchronous>, transform_indices = @transform_9, window_bounds = array<i64: 1, 128>}, {transform_indices = @transform_10, window_bounds = array<i64: 2000, 128>}]} {
    %get3A = arith.constant 0 : index
    %get3A_0 = arith.constant 0 : index
    %get3A_1 = vector.load %arg1[%get3A, %get3A_0] : memref<2000x128xf32, #tpu.memory_space<vmem>>, vector<2000x128xf32>
    %get3A_2 = arith.constant 0 : index
    %get3A_3 = arith.constant 0 : index
    %get3A_4 = arith.constant 0 : index
    %get3A_5 = vector.load %arg2[%get3A_2, %get3A_3, %get3A_4] : memref<2x2000x128xf32, #tpu.memory_space<vmem>>, vector<1x2000x128xf32>
    %get3A_6 = vector.shape_cast %get3A_5 : vector<1x2000x128xf32> to vector<2000x128xf32>
    %get3A_7 = arith.constant 1 : index
    %get3A_8 = arith.constant 0 : index
    %get3A_9 = arith.constant 0 : index
    %get3A_10 = vector.load %arg2[%get3A_7, %get3A_8, %get3A_9] : memref<2x2000x128xf32, #tpu.memory_space<vmem>>, vector<1x2000x128xf32>
    %get3A_11 = vector.shape_cast %get3A_10 : vector<1x2000x128xf32> to vector<2000x128xf32>
    %add3A = arith.addf %get3A_6, %get3A_11 : vector<2000x128xf32>
    %get3A_12 = arith.constant 0 : index
    %get3A_13 = arith.constant 0 : index
    %get3A_14 = vector.load %arg3[%get3A_12, %get3A_13] : memref<128x128xf32, #tpu.memory_space<vmem>>, vector<128x128xf32>
    %get3A_15 = arith.constant 0 : index
    %get3A_16 = arith.constant 0 : index
    %get3A_17 = vector.load %arg4[%get3A_15, %get3A_16] : memref<1x128xf32, #tpu.memory_space<vmem>>, vector<1x128xf32>
    %get3A_18 = arith.constant 0 : index
    %get3A_19 = arith.constant 0 : index
    %get3A_20 = vector.load %arg5[%get3A_18, %get3A_19] : memref<128x128xf32, #tpu.memory_space<vmem>>, vector<128x128xf32>
    %get3A_21 = arith.constant 0 : index
    %get3A_22 = arith.constant 0 : index
    %get3A_23 = vector.load %arg6[%get3A_21, %get3A_22] : memref<1x128xf32, #tpu.memory_space<vmem>>, vector<1x128xf32>
    %get3A_24 = arith.constant 0 : index
    %get3A_25 = arith.constant 0 : index
    %get3A_26 = vector.load %arg7[%get3A_24, %get3A_25] : memref<1x128xf32, #tpu.memory_space<vmem>>, vector<1x128xf32>
    %get3A_27 = arith.constant 0 : index
    %get3A_28 = arith.constant 0 : index
    %get3A_29 = vector.load %arg8[%get3A_27, %get3A_28] : memref<1x128xf32, #tpu.memory_space<vmem>>, vector<1x128xf32>
    %get3A_30 = arith.constant 0 : index
    %get3A_31 = arith.constant 0 : index
    %get3A_32 = vector.load %arg9[%get3A_30, %get3A_31] : memref<1x128xf32, #tpu.memory_space<vmem>>, vector<1x128xf32>
    %get3A_33 = arith.constant 0 : index
    %get3A_34 = arith.constant 0 : index
    %get3A_35 = vector.load %arg10[%get3A_33, %get3A_34] : memref<1x128xf32, #tpu.memory_space<vmem>>, vector<1x128xf32>
    %add3A_36 = arith.addf %get3A_1, %add3A : vector<2000x128xf32>
    %dot_general3A = arith.constant dense<0.000000e+00> : vector<2000x128xf32>
    %dot_general3A_37 = tpu.matmul %add3A_36, %get3A_14, %dot_general3A {dimension_numbers = #tpu.dot_dimension_numbers<[1], [0], [0], [1], [0, 0, 1, 1], [], []>, transpose_lhs_hint = false} : vector<2000x128xf32>, vector<128x128xf32>, vector<2000x128xf32> -> vector<2000x128xf32>
    %add3A_38 = vector.broadcast %get3A_17 : vector<1x128xf32> to vector<2000x128xf32>
    %add3A_39 = arith.addf %dot_general3A_37, %add3A_38 : vector<2000x128xf32>
    %max3A = arith.constant 0.000000e+00 : f32
    %max3A_40 = vector.broadcast %max3A : f32 to vector<2000x128xf32>
    %max3A_41 = arith.maximumf %add3A_39, %max3A_40 : vector<2000x128xf32>
    %dot_general3A_42 = arith.constant dense<0.000000e+00> : vector<2000x128xf32>
    %dot_general3A_43 = tpu.matmul %max3A_41, %get3A_20, %dot_general3A_42 {dimension_numbers = #tpu.dot_dimension_numbers<[1], [0], [0], [1], [0, 0, 1, 1], [], []>, transpose_lhs_hint = false} : vector<2000x128xf32>, vector<128x128xf32>, vector<2000x128xf32> -> vector<2000x128xf32>
    %add3A_44 = vector.broadcast %get3A_23 : vector<1x128xf32> to vector<2000x128xf32>
    %add3A_45 = arith.addf %dot_general3A_43, %add3A_44 : vector<2000x128xf32>
    %sub3A = vector.broadcast %get3A_32 : vector<1x128xf32> to vector<2000x128xf32>
    %sub3A_46 = arith.subf %add3A_45, %sub3A : vector<2000x128xf32>
    %add3A_47 = arith.constant 9.99999974E-6 : f32
    %add3A_48 = vector.broadcast %add3A_47 : f32 to vector<1x128xf32>
    %add3A_49 = arith.addf %get3A_35, %add3A_48 : vector<1x128xf32>
    %rsqrt3A = math.rsqrt %add3A_49 : vector<1x128xf32>
    %mul3A = vector.broadcast %rsqrt3A : vector<1x128xf32> to vector<2000x128xf32>
    %mul3A_50 = arith.mulf %sub3A_46, %mul3A : vector<2000x128xf32>
    %mul3A_51 = vector.broadcast %get3A_26 : vector<1x128xf32> to vector<2000x128xf32>
    %mul3A_52 = arith.mulf %mul3A_50, %mul3A_51 : vector<2000x128xf32>
    %add3A_53 = vector.broadcast %get3A_29 : vector<1x128xf32> to vector<2000x128xf32>
    %add3A_54 = arith.addf %mul3A_52, %add3A_53 : vector<2000x128xf32>
    %max3A_55 = arith.constant 0.000000e+00 : f32
    %max3A_56 = vector.broadcast %max3A_55 : f32 to vector<2000x128xf32>
    %max3A_57 = arith.maximumf %add3A_54, %max3A_56 : vector<2000x128xf32>
    %add3A_58 = arith.addf %get3A_1, %max3A_57 : vector<2000x128xf32>
    %mul3A_59 = arith.constant 5.000000e-01 : f32
    %mul3A_60 = vector.broadcast %mul3A_59 : f32 to vector<2000x128xf32>
    %mul3A_61 = arith.mulf %add3A_58, %mul3A_60 : vector<2000x128xf32>
    %swap3A = arith.constant 0 : index
    %swap3A_62 = arith.constant 0 : index
    %swap3A_63 = vector.load %arg11[%swap3A, %swap3A_62] : memref<2000x128xf32, #tpu.memory_space<vmem>>, vector<2000x128xf32>
    tpu.vector_store %arg11[%swap3A, %swap3A_62], %mul3A_61 {strides = array<i32>} : memref<2000x128xf32, #tpu.memory_space<vmem>>, vector<2000x128xf32>,
    return
  }
  func.func @transform_0(%arg0: i32) -> (i32, i32) {
    %c0_i32 = arith.constant 0 : i32
    %c0_i32_0 = arith.constant 0 : i32
    return %arg0, %c0_i32 : i32, i32
  }
  func.func @transform_1(%arg0: i32) -> (i32, i32, i32) {
    %c0_i32 = arith.constant 0 : i32
    %c0_i32_0 = arith.constant 0 : i32
    %c0_i32_1 = arith.constant 0 : i32
    return %c0_i32, %arg0, %c0_i32_0 : i32, i32, i32
  }
  func.func @transform_2(%arg0: i32) -> (i32, i32) {
    %c0_i32 = arith.constant 0 : i32
    %c0_i32_0 = arith.constant 0 : i32
    %c0_i32_1 = arith.constant 0 : i32
    return %c0_i32, %c0_i32_0 : i32, i32
  }
  func.func @transform_3(%arg0: i32) -> (i32, i32) {
    %c0_i32 = arith.constant 0 : i32
    %c0_i32_0 = arith.constant 0 : i32
    %c0_i32_1 = arith.constant 0 : i32
    return %c0_i32, %c0_i32_0 : i32, i32
  }
  func.func @transform_4(%arg0: i32) -> (i32, i32) {
    %c0_i32 = arith.constant 0 : i32
    %c0_i32_0 = arith.constant 0 : i32
    %c0_i32_1 = arith.constant 0 : i32
    return %c0_i32, %c0_i32_0 : i32, i32
  }
  func.func @transform_5(%arg0: i32) -> (i32, i32) {
    %c0_i32 = arith.constant 0 : i32
    %c0_i32_0 = arith.constant 0 : i32
    %c0_i32_1 = arith.constant 0 : i32
    return %c0_i32, %c0_i32_0 : i32, i32
  }
  func.func @transform_6(%arg0: i32) -> (i32, i32) {
    %c0_i32 = arith.constant 0 : i32
    %c0_i32_0 = arith.constant 0 : i32
    %c0_i32_1 = arith.constant 0 : i32
    return %c0_i32, %c0_i32_0 : i32, i32
  }
  func.func @transform_7(%arg0: i32) -> (i32, i32) {
    %c0_i32 = arith.constant 0 : i32
    %c0_i32_0 = arith.constant 0 : i32
    %c0_i32_1 = arith.constant 0 : i32
    return %c0_i32, %c0_i32_0 : i32, i32
  }
  func.func @transform_8(%arg0: i32) -> (i32, i32) {
    %c0_i32 = arith.constant 0 : i32
    %c0_i32_0 = arith.constant 0 : i32
    %c0_i32_1 = arith.constant 0 : i32
    return %c0_i32, %c0_i32_0 : i32, i32
  }
  func.func @transform_9(%arg0: i32) -> (i32, i32) {
    %c0_i32 = arith.constant 0 : i32
    %c0_i32_0 = arith.constant 0 : i32
    %c0_i32_1 = arith.constant 0 : i32
    return %c0_i32, %c0_i32_0 : i32, i32
  }
  func.func @transform_10(%arg0: i32) -> (i32, i32) {
    %c0_i32 = arith.constant 0 : i32
    %c0_i32_0 = arith.constant 0 : i32
    return %arg0, %c0_i32 : i32, i32
  }
}

module attributes {stable_mosaic.version = 14 : i64} {
  func.func @body(%arg0: i32, %arg1: memref<2000x128xf32, #tpu.memory_space<vmem>>, %arg2: memref<2x2000x128xf32, #tpu.memory_space<vmem>>, %arg3: memref<128x128xf32, #tpu.memory_space<vmem>>, %arg4: memref<1x128xf32, #tpu.memory_space<vmem>>, %arg5: memref<128x128xf32, #tpu.memory_space<vmem>>, %arg6: memref<1x128xf32, #tpu.memory_space<vmem>>, %arg7: memref<1x128xf32, #tpu.memory_space<vmem>>, %arg8: memref<1x128xf32, #tpu.memory_space<vmem>>, %arg9: memref<1x128xf32, #tpu.memory_space<vmem>>, %arg10: memref<1x128xf32, #tpu.memory_space<vmem>>, %arg11: memref<128x64xf32, #tpu.memory_space<vmem>>, %arg12: memref<1x64xf32, #tpu.memory_space<vmem>>, %arg13: memref<64x32xf32, #tpu.memory_space<vmem>>, %arg14: memref<1x32xf32, #tpu.memory_space<vmem>>, %arg15: memref<32x8xf32, #tpu.memory_space<vmem>>, %arg16: memref<1x8xf32, #tpu.memory_space<vmem>>, %arg17: memref<2000x8xf32, #tpu.memory_space<vmem>>) attributes {dimension_semantics = [#tpu.dimension_semantics<parallel>], iteration_bounds = array<i64: 5>, scalar_prefetch = 0 : i64, scratch_operands = 0 : i64, tpu.core_type = #tpu.core_type<tc>, window_params = [{transform_indices = @transform_0, window_bounds = array<i64: 2000, 128>}, {transform_indices = @transform_1, window_bounds = array<i64: 2, 2000, 128>}, {pipeline_mode = #tpu.pipeline_mode<synchronous>, transform_indices = @transform_2, window_bounds = array<i64: 128, 128>}, {pipeline_mode = #tpu.pipeline_mode<synchronous>, transform_indices = @transform_3, window_bounds = array<i64: 1, 128>}, {pipeline_mode = #tpu.pipeline_mode<synchronous>, transform_indices = @transform_4, window_bounds = array<i64: 128, 128>}, {pipeline_mode = #tpu.pipeline_mode<synchronous>, transform_indices = @transform_5, window_bounds = array<i64: 1, 128>}, {pipeline_mode = #tpu.pipeline_mode<synchronous>, transform_indices = @transform_6, window_bounds = array<i64: 1, 128>}, {pipeline_mode = #tpu.pipeline_mode<synchronous>, transform_indices = @transform_7, window_bounds = array<i64: 1, 128>}, {pipeline_mode = #tpu.pipeline_mode<synchronous>, transform_indices = @transform_8, window_bounds = array<i64: 1, 128>}, {pipeline_mode = #tpu.pipeline_mode<synchronous>, transform_indices = @transform_9, window_bounds = array<i64: 1, 128>}, {pipeline_mode = #tpu.pipeline_mode<synchronous>, transform_indices = @transform_10, window_bounds = array<i64: 128, 64>}, {pipeline_mode = #tpu.pipeline_mode<synchronous>, transform_indices = @transform_11, window_bounds = array<i64: 1, 64>}, {pipeline_mode = #tpu.pipeline_mode<synchronous>, transform_indices = @transform_12, window_bounds = array<i64: 64, 32>}, {pipeline_mode = #tpu.pipeline_mode<synchronous>, transform_indices = @transform_13, window_bounds = array<i64: 1, 32>}, {pipeline_mode = #tpu.pipeline_mode<synchronous>, transform_indices = @transform_14, window_bounds = array<i64: 32, 8>}, {pipeline_mode = #tpu.pipeline_mode<synchronous>, transform_indices = @transform_15, window_bounds = array<i64: 1, 8>}, {transform_indices = @transform_16, window_bounds = array<i64: 2000, 8>}]} {
    %get3A = arith.constant 0 : index
    %get3A_0 = arith.constant 0 : index
    %get3A_1 = vector.load %arg1[%get3A, %get3A_0] : memref<2000x128xf32, #tpu.memory_space<vmem>>, vector<2000x128xf32>
    %get3A_2 = arith.constant 0 : index
    %get3A_3 = arith.constant 0 : index
    %get3A_4 = arith.constant 0 : index
    %get3A_5 = vector.load %arg2[%get3A_2, %get3A_3, %get3A_4] : memref<2x2000x128xf32, #tpu.memory_space<vmem>>, vector<1x2000x128xf32>
    %get3A_6 = vector.shape_cast %get3A_5 : vector<1x2000x128xf32> to vector<2000x128xf32>
    %get3A_7 = arith.constant 1 : index
    %get3A_8 = arith.constant 0 : index
    %get3A_9 = arith.constant 0 : index
    %get3A_10 = vector.load %arg2[%get3A_7, %get3A_8, %get3A_9] : memref<2x2000x128xf32, #tpu.memory_space<vmem>>, vector<1x2000x128xf32>
    %get3A_11 = vector.shape_cast %get3A_10 : vector<1x2000x128xf32> to vector<2000x128xf32>
    %add3A = arith.addf %get3A_6, %get3A_11 : vector<2000x128xf32>
    %get3A_12 = arith.constant 0 : index
    %get3A_13 = arith.constant 0 : index
    %get3A_14 = vector.load %arg3[%get3A_12, %get3A_13] : memref<128x128xf32, #tpu.memory_space<vmem>>, vector<128x128xf32>
    %get3A_15 = arith.constant 0 : index
    %get3A_16 = arith.constant 0 : index
    %get3A_17 = vector.load %arg4[%get3A_15, %get3A_16] : memref<1x128xf32, #tpu.memory_space<vmem>>, vector<1x128xf32>
    %get3A_18 = arith.constant 0 : index
    %get3A_19 = arith.constant 0 : index
    %get3A_20 = vector.load %arg5[%get3A_18, %get3A_19] : memref<128x128xf32, #tpu.memory_space<vmem>>, vector<128x128xf32>
    %get3A_21 = arith.constant 0 : index
    %get3A_22 = arith.constant 0 : index
    %get3A_23 = vector.load %arg6[%get3A_21, %get3A_22] : memref<1x128xf32, #tpu.memory_space<vmem>>, vector<1x128xf32>
    %get3A_24 = arith.constant 0 : index
    %get3A_25 = arith.constant 0 : index
    %get3A_26 = vector.load %arg7[%get3A_24, %get3A_25] : memref<1x128xf32, #tpu.memory_space<vmem>>, vector<1x128xf32>
    %get3A_27 = arith.constant 0 : index
    %get3A_28 = arith.constant 0 : index
    %get3A_29 = vector.load %arg8[%get3A_27, %get3A_28] : memref<1x128xf32, #tpu.memory_space<vmem>>, vector<1x128xf32>
    %get3A_30 = arith.constant 0 : index
    %get3A_31 = arith.constant 0 : index
    %get3A_32 = vector.load %arg9[%get3A_30, %get3A_31] : memref<1x128xf32, #tpu.memory_space<vmem>>, vector<1x128xf32>
    %get3A_33 = arith.constant 0 : index
    %get3A_34 = arith.constant 0 : index
    %get3A_35 = vector.load %arg10[%get3A_33, %get3A_34] : memref<1x128xf32, #tpu.memory_space<vmem>>, vector<1x128xf32>
    %add3A_36 = arith.addf %get3A_1, %add3A : vector<2000x128xf32>
    %dot_general3A = arith.constant dense<0.000000e+00> : vector<2000x128xf32>
    %dot_general3A_37 = tpu.matmul %add3A_36, %get3A_14, %dot_general3A {dimension_numbers = #tpu.dot_dimension_numbers<[1], [0], [0], [1], [0, 0, 1, 1], [], []>, transpose_lhs_hint = false} : vector<2000x128xf32>, vector<128x128xf32>, vector<2000x128xf32> -> vector<2000x128xf32>
    %add3A_38 = vector.broadcast %get3A_17 : vector<1x128xf32> to vector<2000x128xf32>
    %add3A_39 = arith.addf %dot_general3A_37, %add3A_38 : vector<2000x128xf32>
    %max3A = arith.constant 0.000000e+00 : f32
    %max3A_40 = vector.broadcast %max3A : f32 to vector<2000x128xf32>
    %max3A_41 = arith.maximumf %add3A_39, %max3A_40 : vector<2000x128xf32>
    %dot_general3A_42 = arith.constant dense<0.000000e+00> : vector<2000x128xf32>
    %dot_general3A_43 = tpu.matmul %max3A_41, %get3A_20, %dot_general3A_42 {dimension_numbers = #tpu.dot_dimension_numbers<[1], [0], [0], [1], [0, 0, 1, 1], [], []>, transpose_lhs_hint = false} : vector<2000x128xf32>, vector<128x128xf32>, vector<2000x128xf32> -> vector<2000x128xf32>
    %add3A_44 = vector.broadcast %get3A_23 : vector<1x128xf32> to vector<2000x128xf32>
    %add3A_45 = arith.addf %dot_general3A_43, %add3A_44 : vector<2000x128xf32>
    %sub3A = vector.broadcast %get3A_32 : vector<1x128xf32> to vector<2000x128xf32>
    %sub3A_46 = arith.subf %add3A_45, %sub3A : vector<2000x128xf32>
    %add3A_47 = arith.constant 9.99999974E-6 : f32
    %add3A_48 = vector.broadcast %add3A_47 : f32 to vector<1x128xf32>
    %add3A_49 = arith.addf %get3A_35, %add3A_48 : vector<1x128xf32>
    %rsqrt3A = math.rsqrt %add3A_49 : vector<1x128xf32>
    %mul3A = vector.broadcast %rsqrt3A : vector<1x128xf32> to vector<2000x128xf32>
    %mul3A_50 = arith.mulf %sub3A_46, %mul3A : vector<2000x128xf32>
    %mul3A_51 = vector.broadcast %get3A_26 : vector<1x128xf32> to vector<2000x128xf32>
    %mul3A_52 = arith.mulf %mul3A_50, %mul3A_51 : vector<2000x128xf32>
    %add3A_53 = vector.broadcast %get3A_29 : vector<1x128xf32> to vector<2000x128xf32>
    %add3A_54 = arith.addf %mul3A_52, %add3A_53 : vector<2000x128xf32>
    %max3A_55 = arith.constant 0.000000e+00 : f32
    %max3A_56 = vector.broadcast %max3A_55 : f32 to vector<2000x128xf32>
    %max3A_57 = arith.maximumf %add3A_54, %max3A_56 : vector<2000x128xf32>
    %add3A_58 = arith.addf %get3A_1, %max3A_57 : vector<2000x128xf32>
    %mul3A_59 = arith.constant 5.000000e-01 : f32
    %mul3A_60 = vector.broadcast %mul3A_59 : f32 to vector<2000x128xf32>
    %mul3A_61 = arith.mulf %add3A_58, %mul3A_60 : vector<2000x128xf32>
    %get3A_62 = arith.constant 0 : index
    %get3A_63 = arith.constant 0 : index
    %get3A_64 = vector.load %arg11[%get3A_62, %get3A_63] : memref<128x64xf32, #tpu.memory_space<vmem>>, vector<128x64xf32>
    %dot_general3A_65 = arith.constant dense<0.000000e+00> : vector<2000x64xf32>
    %dot_general3A_66 = tpu.matmul %mul3A_61, %get3A_64, %dot_general3A_65 {dimension_numbers = #tpu.dot_dimension_numbers<[1], [0], [0], [1], [0, 0, 1, 1], [], []>, transpose_lhs_hint = false} : vector<2000x128xf32>, vector<128x64xf32>, vector<2000x64xf32> -> vector<2000x64xf32>
    %get3A_67 = arith.constant 0 : index
    %get3A_68 = arith.constant 0 : index
    %get3A_69 = vector.load %arg12[%get3A_67, %get3A_68] : memref<1x64xf32, #tpu.memory_space<vmem>>, vector<1x64xf32>
    %add3A_70 = vector.broadcast %get3A_69 : vector<1x64xf32> to vector<2000x64xf32>
    %add3A_71 = arith.addf %dot_general3A_66, %add3A_70 : vector<2000x64xf32>
    %max3A_72 = arith.constant 0.000000e+00 : f32
    %max3A_73 = vector.broadcast %max3A_72 : f32 to vector<2000x64xf32>
    %max3A_74 = arith.maximumf %add3A_71, %max3A_73 : vector<2000x64xf32>
    %get3A_75 = arith.constant 0 : index
    %get3A_76 = arith.constant 0 : index
    %get3A_77 = vector.load %arg13[%get3A_75, %get3A_76] : memref<64x32xf32, #tpu.memory_space<vmem>>, vector<64x32xf32>
    %dot_general3A_78 = arith.constant dense<0.000000e+00> : vector<2000x32xf32>
    %dot_general3A_79 = tpu.matmul %max3A_74, %get3A_77, %dot_general3A_78 {dimension_numbers = #tpu.dot_dimension_numbers<[1], [0], [0], [1], [0, 0, 1, 1], [], []>, transpose_lhs_hint = false} : vector<2000x64xf32>, vector<64x32xf32>, vector<2000x32xf32> -> vector<2000x32xf32>
    %get3A_80 = arith.constant 0 : index
    %get3A_81 = arith.constant 0 : index
    %get3A_82 = vector.load %arg14[%get3A_80, %get3A_81] : memref<1x32xf32, #tpu.memory_space<vmem>>, vector<1x32xf32>
    %add3A_83 = vector.broadcast %get3A_82 : vector<1x32xf32> to vector<2000x32xf32>
    %add3A_84 = arith.addf %dot_general3A_79, %add3A_83 : vector<2000x32xf32>
    %max3A_85 = arith.constant 0.000000e+00 : f32
    %max3A_86 = vector.broadcast %max3A_85 : f32 to vector<2000x32xf32>
    %max3A_87 = arith.maximumf %add3A_84, %max3A_86 : vector<2000x32xf32>
    %get3A_88 = arith.constant 0 : index
    %get3A_89 = arith.constant 0 : index
    %get3A_90 = vector.load %arg15[%get3A_88, %get3A_89] : memref<32x8xf32, #tpu.memory_space<vmem>>, vector<32x8xf32>
    %dot_general3A_91 = arith.constant dense<0.000000e+00> : vector<2000x8xf32>
    %dot_general3A_92 = tpu.matmul %max3A_87, %get3A_90, %dot_general3A_91 {dimension_numbers = #tpu.dot_dimension_numbers<[1], [0], [0], [1], [0, 0, 1, 1], [], []>, transpose_lhs_hint = false} : vector<2000x32xf32>, vector<32x8xf32>, vector<2000x8xf32> -> vector<2000x8xf32>
    %get3A_93 = arith.constant 0 : index
    %get3A_94 = arith.constant 0 : index
    %get3A_95 = vector.load %arg16[%get3A_93, %get3A_94] : memref<1x8xf32, #tpu.memory_space<vmem>>, vector<1x8xf32>
    %add3A_96 = vector.broadcast %get3A_95 : vector<1x8xf32> to vector<2000x8xf32>
    %add3A_97 = arith.addf %dot_general3A_92, %add3A_96 : vector<2000x8xf32>
    %swap3A = arith.constant 0 : index
    %swap3A_98 = arith.constant 0 : index
    %swap3A_99 = vector.load %arg17[%swap3A, %swap3A_98] : memref<2000x8xf32, #tpu.memory_space<vmem>>, vector<2000x8xf32>
    tpu.vector_store %arg17[%swap3A, %swap3A_98], %add3A_97 {strides = array<i32>} : memref<2000x8xf32, #tpu.memory_space<vmem>>, vector<2000x8xf32>,
    return
  }
  func.func @transform_0(%arg0: i32) -> (i32, i32) {
    %c0_i32 = arith.constant 0 : i32
    %c0_i32_0 = arith.constant 0 : i32
    return %arg0, %c0_i32 : i32, i32
  }
  func.func @transform_1(%arg0: i32) -> (i32, i32, i32) {
    %c0_i32 = arith.constant 0 : i32
    %c0_i32_0 = arith.constant 0 : i32
    %c0_i32_1 = arith.constant 0 : i32
    return %c0_i32, %arg0, %c0_i32_0 : i32, i32, i32
  }
  func.func @transform_2(%arg0: i32) -> (i32, i32) {
    %c0_i32 = arith.constant 0 : i32
    %c0_i32_0 = arith.constant 0 : i32
    %c0_i32_1 = arith.constant 0 : i32
    return %c0_i32, %c0_i32_0 : i32, i32
  }
  func.func @transform_3(%arg0: i32) -> (i32, i32) {
    %c0_i32 = arith.constant 0 : i32
    %c0_i32_0 = arith.constant 0 : i32
    %c0_i32_1 = arith.constant 0 : i32
    return %c0_i32, %c0_i32_0 : i32, i32
  }
  func.func @transform_4(%arg0: i32) -> (i32, i32) {
    %c0_i32 = arith.constant 0 : i32
    %c0_i32_0 = arith.constant 0 : i32
    %c0_i32_1 = arith.constant 0 : i32
    return %c0_i32, %c0_i32_0 : i32, i32
  }
  func.func @transform_5(%arg0: i32) -> (i32, i32) {
    %c0_i32 = arith.constant 0 : i32
    %c0_i32_0 = arith.constant 0 : i32
    %c0_i32_1 = arith.constant 0 : i32
    return %c0_i32, %c0_i32_0 : i32, i32
  }
  func.func @transform_6(%arg0: i32) -> (i32, i32) {
    %c0_i32 = arith.constant 0 : i32
    %c0_i32_0 = arith.constant 0 : i32
    %c0_i32_1 = arith.constant 0 : i32
    return %c0_i32, %c0_i32_0 : i32, i32
  }
  func.func @transform_7(%arg0: i32) -> (i32, i32) {
    %c0_i32 = arith.constant 0 : i32
    %c0_i32_0 = arith.constant 0 : i32
    %c0_i32_1 = arith.constant 0 : i32
    return %c0_i32, %c0_i32_0 : i32, i32
  }
  func.func @transform_8(%arg0: i32) -> (i32, i32) {
    %c0_i32 = arith.constant 0 : i32
    %c0_i32_0 = arith.constant 0 : i32
    %c0_i32_1 = arith.constant 0 : i32
    return %c0_i32, %c0_i32_0 : i32, i32
  }
  func.func @transform_9(%arg0: i32) -> (i32, i32) {
    %c0_i32 = arith.constant 0 : i32
    %c0_i32_0 = arith.constant 0 : i32
    %c0_i32_1 = arith.constant 0 : i32
    return %c0_i32, %c0_i32_0 : i32, i32
  }
  func.func @transform_10(%arg0: i32) -> (i32, i32) {
    %c0_i32 = arith.constant 0 : i32
    %c0_i32_0 = arith.constant 0 : i32
    %c0_i32_1 = arith.constant 0 : i32
    return %c0_i32, %c0_i32_0 : i32, i32
  }
  func.func @transform_11(%arg0: i32) -> (i32, i32) {
    %c0_i32 = arith.constant 0 : i32
    %c0_i32_0 = arith.constant 0 : i32
    %c0_i32_1 = arith.constant 0 : i32
    return %c0_i32, %c0_i32_0 : i32, i32
  }
  func.func @transform_12(%arg0: i32) -> (i32, i32) {
    %c0_i32 = arith.constant 0 : i32
    %c0_i32_0 = arith.constant 0 : i32
    %c0_i32_1 = arith.constant 0 : i32
    return %c0_i32, %c0_i32_0 : i32, i32
  }
  func.func @transform_13(%arg0: i32) -> (i32, i32) {
    %c0_i32 = arith.constant 0 : i32
    %c0_i32_0 = arith.constant 0 : i32
    %c0_i32_1 = arith.constant 0 : i32
    return %c0_i32, %c0_i32_0 : i32, i32
  }
  func.func @transform_14(%arg0: i32) -> (i32, i32) {
    %c0_i32 = arith.constant 0 : i32
    %c0_i32_0 = arith.constant 0 : i32
    %c0_i32_1 = arith.constant 0 : i32
    return %c0_i32, %c0_i32_0 : i32, i32
  }
  func.func @transform_15(%arg0: i32) -> (i32, i32) {
    %c0_i32 = arith.constant 0 : i32
    %c0_i32_0 = arith.constant 0 : i32
    %c0_i32_1 = arith.constant 0 : i32
    return %c0_i32, %c0_i32_0 : i32, i32
  }
  func.func @transform_16(%arg0: i32) -> (i32, i32) {
    %c0_i32 = arith.constant 0 : i32
    %c0_i32_0 = arith.constant 0 : i32
    return %arg0, %c0_i32 : i32, i32
  }
}

</mosaic_0001>

<sc_bundles>
// kernel: kernel.11.cloned.1.call-start
scs
__scs_entry_jumppad:
0x0: {  	(pc) =	sbr.rel $0x88, $3  }
0x1: {  	(tag) =	ssettag $0x0;
	lr =	simm.s32 $0x1  }
0x2: {  	[smem:$0x3F8C] =	sst lr;
	_ =	strace $0xD0000000  }
0x3: {  	_ = 	snop  }
0x4: {  	_ = 	snop  }
0x5: {  	_ = 	snop  }
0x6: {  	_ = 	snop  }
0x7: {  	_ = 	snop  }
__scs_overlays_trampoline_lowered:
0x8: {  	[smem:$0x3F9B] =	sst s0  }
0x9: {  	[smem:$0x3F9C] =	sst s1  }
0xa: {  	[smem:$0x3F9D] =	sst s2  }
0xb: {  	[smem:$0x3F9E] =	sst s3  }
0xc: {  	[smem:$0x3F9F] =	sst s4  }
0xd: {  	[smem:$0x3FA0] =	sst s5  }
0xe: {  	[smem:$0x3FA1] =	sst s6  }
0xf: {  	[smem:$0x3FA2] =	sst s7  }
0x10: {  	[smem:$0x3FA3] =	sst s8  }
0x11: {  	[smem:$0x3FA4] =	sst s9;
	s0 =	simm.s32 @!p0 $0x0  }
0x12: {  	s1 =	sld [smem:$0x3F8A];
	s0 =	simm.s32 @p0 $0x1  }
0x13: {  	[smem:$0x3FA5] =	sst s0;
	s0 =	simm.s32 @!p1 $0x0  }
0x14: {  	s2 =	sld [smem:$0x3F89];
	s0 =	simm.s32 @p1 $0x1  }
0x15: {  	[smem:$0x3FA6] =	sst s0;
	s0 =	simm.s32 @!p2 $0x0  }
0x16: {  	s3 =	sld [smem:$0x3FDB];
	s0 =	simm.s32 @p2 $0x1  }
0x17: {  	s4 =	simm.s32 $0x1BF5;
	[smem:$0x3FA8] =	sst s0  }
0x18: {  	s0 =	sld [smem:$0x3F8B];
	_ =	swait.ge [sflag:s4], $0x0  }
0x19: {  	s7 =	sld [smem:$0x3F8C]  }
0x1a: {  	s8 =	sadd.s32 $0xFFFFE003, lr  }
0x1b: {  	s9 =	sadd.s32 $0xFFFFFEF7, lr;
	s5 =	simm.s32 $0xFFFFFFFF;
	p2 =	slt.u32 s8, $0xFFFFF086  }
0x1c: {  	p1 =	slt.u32 s9, $0xF7A;
	s5 =	simm.s32 @!p2 $0x0  }
0x1d: {  	s5 =	simm.s32 @p1 $0x1;
	p0 =	seq.s32 s7, s2  }
0x1e: {  	s7 =	smul.u32 @!p0 $0xF7A, s2;
	p2 =	seq.s32 @!p0 s5, $0x0  }
0x1f: {  	s9 =	smul.u32 $0xF7A, s1;
	s8 =	simm.s32 @!p0 $0x1BF5;
	p2 =	por !p2, p0  }
0x20: {  	[sflag:s8] =	ssyncset.s32 @!p0 $0xFFFFF086;
	s6 =	sadd.s32 @!p0 s3, s7;
	s7 =	simm.s32 @!p0 $0x108  }
0x21: {  	s3 =	sadd.s32 s3, s9;
	s6 =	sadd.s32 @!p0 $0x88, s6;
	s7 =	simm.s32 @p2 $0x1082  }
0x22: {  	[simem:s7], [sflag:s8] =	dma.local @!p0 [hbm:s6], $0xF7A  }
0x23: {  	s9 =	sor.u32 $0xD0000000, s2;
	s6 =	simm.s32 $0x108;
	_ =	swait.ge @!p0 [sflag:s8], $0x0  }
0x24: {  	s3 =	sadd.s32 $0x88, s3;
	s6 =	simm.s32 @!p1 $0x1082;
	[sflag:s4] =	ssyncset.s32 $0xFFFFF086  }
0x25: {  	[simem:s6], [sflag:s4] =	dma.local [hbm:s3], $0xF7A  }
0x26: {  	[smem:$0x3F8C] =	sst s1;
	(tag) =	ssettag s2;
	_ =	strace s9  }
0x27: {  	s1 =	sld [smem:$0x3F9C]  }
0x28: {  	s2 =	sld [smem:$0x3F9D]  }
0x29: {  	s4 =	sld [smem:$0x3F9F]  }
0x2a: {  	p0 =	seq.s32 s5, $0x0;
	s5 =	sld [smem:$0x3FA0]  }
0x2b: {  	s6 =	sld [smem:$0x3FA1]  }
0x2c: {  	s7 =	sld [smem:$0x3FA2]  }
0x2d: {  	s3 =	simm.s32 $0x108;
	s8 =	sld [smem:$0x3FA3]  }
0x2e: {  	s3 =	simm.s32 @!p0 $0x1082;
	s9 =	sld [smem:$0x3FA4]  }
0x2f: {  	lr =	sadd.s32 s0, s3;
	s0 =	sld [smem:$0x3F9B]  }
0x30: {  	s3 =	sld [smem:$0x3F9E]  }
0x31: {  	[smem:$0x3FA7] =	sst s10  }
0x32: {  	s10 =	sld [smem:$0x3FA5];
	_ =	sdelay $0x3  }
0x33: {  	p0 =	seq.s32 s10, $0x1;
	s10 =	sld [smem:$0x3FA7];
	_ =	sdelay $0x3  }
0x34: {  	[smem:$0x3FA7] =	sst s10  }
0x35: {  	s10 =	sld [smem:$0x3FA6];
	_ =	sdelay $0x3  }
0x36: {  	p1 =	seq.s32 s10, $0x1;
	s10 =	sld [smem:$0x3FA7];
	_ =	sdelay $0x3  }
0x37: {  	[smem:$0x3FA7] =	sst s10  }
0x38: {  	s10 =	sld [smem:$0x3FA8]  }
0x39: {  	_ = 	snop;
	(pc) =	sbr.ind lr, $3  }
0x3a: {  	_ = 	snop  }
0x3b: {  	_ = 	snop  }
0x3c: {  	p2 =	seq.s32 s10, $0x1;
	s10 =	sld [smem:$0x3FA7]  }
0x3d: {  	_ =	shalt  }
0x3e: {  	_ =	shalt  }
0x3f: {  	_ =	shalt  }
0x40: {  	_ =	shalt  }
0x41: {  	_ =	shalt  }
0x42: {  	_ =	shalt  }
0x43: {  	_ =	shalt  }
0x44: {  	_ =	shalt  }
0x45: {  	_ =	shalt  }
0x46: {  	_ =	shalt  }
0x47: {  	_ =	shalt  }
0x48: {  	_ =	shalt  }
0x49: {  	_ =	shalt  }
0x4a: {  	_ =	shalt  }
0x4b: {  	_ =	shalt  }
0x4c: {  	_ =	shalt  }
0x4d: {  	_ =	shalt  }
0x4e: {  	_ =	shalt  }
0x4f: {  	_ =	shalt  }
0x50: {  	_ =	shalt  }
0x51: {  	_ =	shalt  }
0x52: {  	_ =	shalt  }
0x53: {  	_ =	shalt  }
0x54: {  	_ =	shalt  }
0x55: {  	_ =	shalt  }
0x56: {  	_ =	shalt  }
0x57: {  	_ =	shalt  }
0x58: {  	_ =	shalt  }
0x59: {  	_ =	shalt  }
0x5a: {  	_ =	shalt  }
0x5b: {  	_ =	shalt  }
0x5c: {  	_ =	shalt  }
0x5d: {  	_ =	shalt  }
0x5e: {  	_ =	shalt  }
0x5f: {  	_ =	shalt  }
0x60: {  	_ =	shalt  }
0x61: {  	_ =	shalt  }
0x62: {  	_ =	shalt  }
0x63: {  	_ =	shalt  }
0x64: {  	_ =	shalt  }
0x65: {  	_ =	shalt  }
0x66: {  	_ =	shalt  }
0x67: {  	_ =	shalt  }
0x68: {  	_ =	shalt  }
0x69: {  	_ =	shalt  }
0x6a: {  	_ =	shalt  }
0x6b: {  	_ =	shalt  }
0x6c: {  	_ =	shalt  }
0x6d: {  	_ =	shalt  }
0x6e: {  	_ =	shalt  }
0x6f: {  	_ =	shalt  }
0x70: {  	_ =	shalt  }
0x71: {  	_ =	shalt  }
0x72: {  	_ =	shalt  }
0x73: {  	_ =	shalt  }
0x74: {  	_ =	shalt  }
0x75: {  	_ =	shalt  }
0x76: {  	_ =	shalt  }
0x77: {  	_ =	shalt  }
0x78: {  	_ =	shalt  }
0x79: {  	_ =	shalt  }
0x7a: {  	_ =	shalt  }
0x7b: {  	_ =	shalt  }
0x7c: {  	_ =	shalt  }
0x7d: {  	_ =	shalt  }
0x7e: {  	_ =	shalt  }
0x7f: {  	_ =	shalt  }
0x80: {  	_ =	shalt  }
0x81: {  	_ =	shalt  }
0x82: {  	_ =	shalt  }
0x83: {  	_ =	shalt  }
0x84: {  	_ =	shalt  }
0x85: {  	_ =	shalt  }
0x86: {  	_ =	shalt  }
0x87: {  	_ =	shalt  }
.Lfunc_end0:
.L_simem_size_0:
called_computation.1_lowered:
.L_overlay_start_0:
0x88: {  	s2 =	sld [smem:$0x3FD9]  }
0x89: {  	s3 =	sld [smem:$0x3FFE];
	_ =	sdelay $0x1  }
0x8a: {  	s1 =	srdreg.scid  }
0x8b: {  	s0 =	sand.u32 $0x1, s1  }
0x8c: {  	s16 =	sshll.u32 s0, $0xA;
	s2 =	sadd.s32 s3, s2  }
0x8d: {  	s2 =	sadd.s32 s2, s16  }
0x8e: {  	[smem:$0x3FB3] =	sst s2  }
0x8f: {  	_ = 	snop  }
0x90: {  	(tm) =	ssettm $0x1  }
0x91: {  	s17 =	sld [smem:$0x3FFB];
	_ =	sdelay $0x3  }
0x92: {  	_ =	strace s17  }
0x93: {  	s2 =	sld [smem:$0x3FFC];
	_ =	sdelay $0x3  }
0x94: {  	_ =	strace s2  }
0x95: {  	s2 =	sld [smem:$0x3FFD];
	_ =	sdelay $0x3  }
0x96: {  	_ =	strace s2  }
0x97: {  	_ =	strace $0x8FFFFFFF  }
0x98: {  	s18 =	sld [smem:$0x3FDB];
	_ =	sdelay $0x1  }
0x99: {  	s19 =	simm.s32 $_scs_section_size  }
0x9a: {  	s4 =	simm.s32 $_size__tile_overlayer_lowered;
	s5 =	simm.s32 $_tile_overlayer_lowered  }
0x9b: {  	s22 =	simm.s32 $0x1BFF;
	s21 =	sshll.u32 s5, $0x1;
	s2 =	sadd.s32 s19, s18  }
0x9c: {  	s6 =	simm.s32 $0x0;
	s20 =	sshll.u32 s4, $0x1;
	s4 =	sadd.s32 s21, s2  }
0x9d: {  	[timem:s6], [sflag:s22] =	dma.local [hbm:s4], s20  }
0x9e: {  	_ =	swait.ge [sflag:s22], s20  }
0x9f: {  	s3 =	ssub.s32 $0x0, s20;
	[sflag:s22] =	ssyncset.done $0x0  }
0xa0: {  	[sflag:s22] =	ssyncadd.s32 s3;
	_ =	sdelay $0x1  }
0xa1: {  	s23 =	simm.s32 $0x1B8B  }
0xa2: {  	_ =	swait.ge [sflag:s23], $0x1  }
0xa3: {  	[sflag:s23] =	ssyncset.done $0x0  }
0xa4: {  	s25 =	simm.s32 $0x1B8E;
	s24 =	sld [smem:$0x3FFE];
	[sflag:s23] =	ssyncadd.s32 $0xFFFFFFFF  }
0xa5: {  	s26 =	simm.s32 $execute0_lowered;
	[smem:$0x3FD2] =	sst s25  }
0xa6: {  	s4 =	sshll.u32 s26, $0x1;
	_ =	strace $0x80000049;
	[dreg:$0x1] =	wrdreg $0xFFFFFFFF  }
0xa7: {  	s28 =	simm.s32 $_size_execute0_lowered;
	s2 =	sadd.s32 s2, s4;
	[dreg:$0x0] =	wrdreg $0x0  }
0xa8: {  	s4 =	sshll.u32 s28, $0x1;
	[dreg:$0x2] =	wrdreg s2  }
0xa9: {  	[dreg:$0x3] =	wrdreg s4  }
0xaa: {  	[dreg:$0x4] =	wrdreg $0xC0  }
0xab: {  	_ =	task [dreg:s6], $0x5FFFF  }
0xac: {  	[dreg:$0x1] =	wrdreg $0xFFFFFFFF  }
0xad: {  	[dreg:$0x0] =	wrdreg $0x60  }
0xae: {  	[dreg:$0x2] =	wrdreg s24  }
0xaf: {  	[dreg:$0x3] =	wrdreg $0xA1800  }
0xb0: {  	[dreg:$0x4] =	wrdreg $0x9  }
0xb1: {  	_ =	task.clear_ibuf [dreg:s6], $0x5FFFF;
	_ =	strace $0x90000049  }
0xb2: {  	s29 =	simm.s32 $0x9;
	_ =	strace $0x8000004B  }
0xb3: {  	_ =	swait.ge [sflag:s29], $0x1  }
0xb4: {  	[sflag:s29] =	ssyncadd.s32 $0xFFFFFFFF  }
0xb5: {  	_ =	strace $0x9000004B  }
0xb6: {  	_ =	sfence  }
0xb7: {  	s30 =	sld [smem:$0x0];
	_ =	sdelay $0x2  }
0xb8: {  	s31 =	sshll.u32 s1, $0xD;
	s1 =	sshrl.u32 s1, $0x2  }
0xb9: {  	s3 =	sand.u32 $0x4000, s31;
	s1 =	sadd.s32 s1, s30  }
0xba: {  	s0 =	sor.u32 s3, s0;
	s1 =	sshll.u32 s1, $0x11  }
0xbb: {  	s0 =	sor.u32 s1, s0  }
0xbc: {  	s0 =	sadd.s32 $0x8F2B, s0  }
0xbd: {  	[sflag:s0] =	ssyncadd.remote.s32 $0x1  }
0xbe: {  	_ =	sfence.sel $0xFFFF  }
0xbf: {  	[dreg:$0x0] =	wrdreg $0xFFFFFFFF;
	(pc) =	sbr.abs _section_cstart, $3  }
0xc0: {  	[dreg:$0x1] =	wrdreg $0xFFFFFFFF  }
0xc1: {  	_ =	task.clear_ibuf [dreg:s6], $0x2FFFF;
	_ =	strace $0x9FFFFFFF  }
0xc2: {  	(tm) =	ssettm $0x7FFFFFFF  }
0xc3: {  	_ =	shalt  }
tec
execute0_lowered:
.L_overlay_start_1:
0x0: {  	(tag) =	ssettag $0x1  }
0x1: {  	s0 =	srdreg.scid  }
0x2: {  	s13 =	stileid.u32;
	s6 =	rddreg [dreg:$0x0]  }
0x3: {  	s2 =	rddreg [dreg:$0x1];
	s0 =	sand.u32 $0x1, s0;
	s29 =	smul.u32 $0x50000, s13  }
0x4: {  	s1 =	sshll.u32 s13, $0x1;
	s3 =	sshrl.u32 s13, $0x2;
	s13 =	smul.u32 $0x14000, s13  }
0x5: {  	s12 =	sadd.s32 $0x2E000, s6;
	s1 =	sor.u32 s0, s1;
	s4 =	smul.u32 $0x13C00, s3  }
0x6: {  	s3 =	simm.s32 $0x0;
	s8 =	ssub.s32 $0x2, s0;
	s0 =	smul.u32 $0x140000, s0  }
0x7: {  	s5 =	sshll.u32 s1, $0x7;
	[smem:$0x7FF] =	sst s3;
	s9 =	smul.u32 $0x27100, s1  }
0x8: {  	s10 =	sshrl.u32 s8, $0x1;
	s11 =	smul.u32 $0x138800, s1;
	s18 =	sadd.s32 $0x5000, s13  }
0x9: {  	s22 =	sadd.s32 $0xA000, s13;
	s5 =	sand.u32 $0x380, s5;
	_ =	strace $0x8000004A  }
0xa: {  	s8 =	ssub.s32 s8, s10;
	s23 =	sadd.s32 s0, s13;
	s5 =	sor.u32 s4, s5  }
0xb: {  	s4 =	sadd.s32 $0x6E00, s6;
	s31 =	sshrl.u32 s11, $0x3;
	s11 =	sshrl.u32 s29, $0x2  }
0xc: {  	s14 =	smax.u32 s8, $0x1;
	s8 =	sadd.s32 s0, s22;
	s5 =	sshrl.u32 s5, $0x3  }
0xd: {  	s10 =	sadd.s32 s11, s2;
	[dreg:$0x6] =	wrdreg s14;
	s8 =	sshrl.u32 s8, $0x3  }
0xe: {  	s11 =	simm.s32 $0x2800;
	s14 =	simm.s32 $0x3;
	s15 =	sadd.s32 $0x1400, s10  }
0xf: {  	s7 =	sadd.s32 s5, s6;
	s16 =	sadd.s32 $0x2800, s10;
	[dreg:$0x7] =	wrdreg s15  }
0x10: {  	s5 =	sadd.s32 $0x4F2C00, s6;
	s17 =	sadd.s32 $0x3C00, s10;
	[dreg:$0x8] =	wrdreg s16  }
0x11: {  	s6 =	smul.u32 $0x2710, s1;
	s19 =	sadd.s32 $0x6400, s10;
	[dreg:$0x9] =	wrdreg s17  }
0x12: {  	s20 =	sadd.s32 $0x7800, s10;
	s21 =	sadd.s32 $0x8C00, s10;
	[dreg:$0xa] =	wrdreg s19  }
0x13: {  	s24 =	sadd.s32 s12, s8;
	s25 =	sadd.s32 $0xB400, s10;
	[dreg:$0xb] =	wrdreg s20  }
0x14: {  	s26 =	sadd.s32 $0xC800, s10;
	s28 =	sadd.s32 $0xDC00, s10;
	[dreg:$0xc] =	wrdreg s21  }
0x15: {  	s29 =	sadd.s32 $0x10400, s10;
	s8 =	simm.s32 $0x28;
	[dreg:$0xf] =	wrdreg s24  }
0x16: {  	s30 =	sadd.s32 $0x4E8E00, s7;
	s9 =	sadd.s32 s5, s9;
	[dreg:$0x11] =	wrdreg s25  }
0x17: {  	s1 =	sadd.s32 s5, s31;
	s15 =	sadd.s32 s18, s2;
	[dreg:$0x12] =	wrdreg s26  }
0x18: {  	s19 =	sadd.s32 s22, s2;
	s7 =	sadd.s32 s0, s18;
	[dreg:$0x13] =	wrdreg s28  }
0x19: {  	[dreg:$0x14] =	wrdreg s29;
	s31 =	sadd.s32 $0x12C00, s10;
	s16 =	simm.s32 $0x2880  }
0x1a: {  	s17 =	simm.s32 $0x6;
	s18 =	simm.s32 $0x4;
	s20 =	simm.s32 $0x2900  }
0x1b: {  	s21 =	simm.s32 $0x8D80;
	s22 =	simm.s32 $0x7;
	[dreg:$0x3] =	wrdreg s30  }
0x1c: {  	s24 =	simm.s32 $0x0;
	[dreg:$0x4] =	wrdreg s9;
	s1 =	sadd.s32 $0x280, s1  }
0x1d: {  	s9 =	sshrl.u32 s23, $0x3;
	s7 =	sshrl.u32 s7, $0x3;
	[dreg:$0x16] =	wrdreg s31  }
0x1e: {  	s30 =	sadd.s32 $0x11800, s10;
	s23 =	simm.s32 $0x8;
	[dreg:$0x5] =	wrdreg s1  }
0x1f: {  	s1 =	sadd.s32 $0xF000, s13;
	s9 =	sadd.s32 s12, s9;
	[dreg:$0x15] =	wrdreg s30  }
.Ltmp0:
0x20: {  	s7 =	sadd.s32 s12, s7;
	[dreg:$0xd] =	wrdreg s9;
	(pc) =	sbr.rel .LBB2_1-.Ltmp0, $4  }
0x21: {  	s13 =	simm.s32 $0x5;
	s0 =	sadd.s32 s0, s1;
	[dreg:$0xe] =	wrdreg s7  }
0x22: {  	s25 =	sadd.s32 s1, s2;
	s1 =	simm.s32 $0x7980;
	s0 =	sshrl.u32 s0, $0x3  }
0x23: {  	s7 =	simm.s32 $0x2;
	s9 =	simm.s32 $0x6580;
	s0 =	sadd.s32 s12, s0  }
0x24: {  	v0 =	vimm.f32 $0.0e+00;
	s12 =	simm.s32 $0x3D80;
	[dreg:$0x10] =	wrdreg s0;
	s0 =	simm.s32 $0x1  }
.LBB2_12:
0x25: {  	_ =	swait.ge [sflag:s22], $0x1400  }
0x26: {  	[sflag:s22] =	ssyncset.done $0x0  }
0x27: {  	[sflag:s22] =	ssyncadd.s32 $0xFFFFEC00  }
0x28: {  	_ =	swait.ge [sflag:s23], $0x1400  }
0x29: {  	[sflag:s23] =	ssyncset.done $0x0  }
0x2a: {  	s26 =	stileid.u32;
	[sflag:s23] =	ssyncadd.s32 $0xFFFFEC00  }
0x2b: {  	s26 =	sshll.u32 s26, $0x6;
	[bflag:$0x0] =	sbarrier.arrive $0xFFFF  }
0x2c: {  	s28 =	sshrl.u32 s10, $0x3;
	s26 =	sor.u32 $0x1C01, s26;
	s29 =	rddreg [dreg:$0xd]  }
0x2d: {  	[hbm:s29], [sflag:s26] =	dma.local [spmem:s28], $0xA00  }
0x2e: {  	s30 =	sshrl.u32 s15, $0x3;
	s29 =	rddreg [dreg:$0xe]  }
0x2f: {  	[hbm:s29], [sflag:s26] =	dma.local [spmem:s30], $0xA00  }
0x30: {  	s31 =	sshrl.u32 s19, $0x3;
	s29 =	rddreg [dreg:$0xf]  }
0x31: {  	[hbm:s29], [sflag:s26] =	dma.local [spmem:s31], $0xA00  }
0x32: {  	s30 =	sshrl.u32 s25, $0x3;
	s29 =	rddreg [dreg:$0x10]  }
0x33: {  	[hbm:s29], [sflag:s26] =	dma.local [spmem:s30], $0xA00  }
0x34: {  	_ =	swait.ge [sflag:s0], $0xA00  }
0x35: {  	[sflag:s0] =	ssyncset.done $0x0  }
0x36: {  	[sflag:s0] =	ssyncadd.s32 $0xFFFFF600  }
0x37: {  	_ =	swait.ge [sflag:s0], $0xA00  }
0x38: {  	[sflag:s0] =	ssyncset.done $0x0  }
0x39: {  	[sflag:s0] =	ssyncadd.s32 $0xFFFFF600  }
0x3a: {  	_ =	swait.ge [sflag:s0], $0xA00  }
0x3b: {  	[sflag:s0] =	ssyncset.done $0x0  }
0x3c: {  	[sflag:s0] =	ssyncadd.s32 $0xFFFFF600  }
0x3d: {  	_ =	swait.ge [sflag:s0], $0xA00  }
0x3e: {  	s24 =	sadd.s32 $0x1, s24;
	s31 =	rddreg [dreg:$0x6]  }
0x3f: {  	p0 =	sne.s32 s24, s31  }
.Ltmp1:
0x40: {  	_ = 	snop;
	(pc) =	sbr.rel @!p0 .LBB2_13-.Ltmp1, $3  }
0x41: {  	_ =	sdelay $0x1  }
0x42: {  	[sflag:s0] =	ssyncset.done $0x0  }
0x43: {  	[sflag:s0] =	ssyncadd.s32 $0xFFFFF600  }
.LBB2_1:
0x44: {  	s26 =	rddreg [dreg:$0x3];
	s28 =	simm.s32 $0x80;
	s29 =	simm.s32 $0x400  }
0x45: {  	[tilespmem:s3], [sflag:$0x1] =	stream.strided.gather [hbm4b:s26+s28], $0x2780, s29, s28, $0x38;
	[tilespmem:$0x1E180] =	vst v63  }
0x46: {  	s26 =	simm.s32 $0x0;
	s28 =	simm.s32 $0x200  }
.LBB2_2:
0x47: {  	p0 =	sne.s32 s28, $0x4E00;
	[tilespmem:s26+$0x79F0] =	vst v0  }
0x48: {  	[tilespmem:s26+$0x7980] =	vst v0  }
0x49: {  	[tilespmem:s26+$0x7990] =	vst v0  }
.Ltmp2:
0x4a: {  	[tilespmem:s26+$0x79A0] =	vst v0;
	(pc) =	sbr.rel @p0 .LBB2_2-.Ltmp2, $4  }
0x4b: {  	[tilespmem:s26+$0x79B0] =	vst v0  }
0x4c: {  	[tilespmem:s26+$0x79C0] =	vst v0  }
0x4d: {  	[tilespmem:s26+$0x79D0] =	vst v0  }
0x4e: {  	[tilespmem:s26+$0x79E0] =	vst v0;
	s26 =	sshra.s32 s28, $0x2;
	s28 =	sadd.s32 $0x200, s28  }
0x4f: {  	[tilespmem:s26+$0x79F0] =	vst v0  }
0x50: {  	[tilespmem:s26+$0x7980] =	vst v0  }
0x51: {  	[tilespmem:s26+$0x7990] =	vst v0  }
0x52: {  	[tilespmem:s26+$0x79A0] =	vst v0  }
0x53: {  	[tilespmem:s26+$0x79B0] =	vst v0  }
0x54: {  	[tilespmem:s26+$0x79C0] =	vst v0  }
0x55: {  	[tilespmem:s26+$0x79D0] =	vst v0  }
0x56: {  	[tilespmem:s26+$0x79E0] =	vst v0;
	s26 =	simm.s32 $0x0;
	s28 =	simm.s32 $0x200  }
.LBB2_4:
0x57: {  	p0 =	sne.s32 s28, $0x4E00;
	[tilespmem:s26+$0x8DF0] =	vst v0  }
0x58: {  	[tilespmem:s26+$0x8D80] =	vst v0  }
0x59: {  	[tilespmem:s26+$0x8D90] =	vst v0  }
.Ltmp3:
0x5a: {  	[tilespmem:s26+$0x8DA0] =	vst v0;
	(pc) =	sbr.rel @p0 .LBB2_4-.Ltmp3, $4  }
0x5b: {  	[tilespmem:s26+$0x8DB0] =	vst v0  }
0x5c: {  	[tilespmem:s26+$0x8DC0] =	vst v0  }
0x5d: {  	[tilespmem:s26+$0x8DD0] =	vst v0  }
0x5e: {  	[tilespmem:s26+$0x8DE0] =	vst v0;
	s26 =	sshra.s32 s28, $0x2;
	s28 =	sadd.s32 $0x200, s28  }
0x5f: {  	[tilespmem:s26+$0x8DF0] =	vst v0  }
0x60: {  	[tilespmem:s26+$0x8D80] =	vst v0  }
0x61: {  	[tilespmem:s26+$0x8D90] =	vst v0  }
0x62: {  	[tilespmem:s26+$0x8DA0] =	vst v0  }
0x63: {  	[tilespmem:s26+$0x8DB0] =	vst v0  }
0x64: {  	[tilespmem:s26+$0x8DC0] =	vst v0  }
0x65: {  	[tilespmem:s26+$0x8DD0] =	vst v0  }
0x66: {  	[tilespmem:s26+$0x8DE0] =	vst v0  }
0x67: {  	[spmem:s10] =	stream.linear.scatter [tilespmem:s1], [sflag:$0x2], $0x1400, $0x38;
	[tilespmem:$0x1E180] =	vst v63  }
0x68: {  	s31 =	rddreg [dreg:$0x7]  }
0x69: {  	[spmem:s31] =	stream.linear.scatter [tilespmem:s1], [sflag:$0x2], $0x1400, $0x38;
	[tilespmem:$0x1E180] =	vst v63  }
0x6a: {  	s28 =	rddreg [dreg:$0x8]  }
0x6b: {  	[spmem:s28] =	stream.linear.scatter [tilespmem:s1], [sflag:$0x2], $0x1400, $0x38;
	[tilespmem:$0x1E180] =	vst v63  }
0x6c: {  	s29 =	rddreg [dreg:$0x9]  }
0x6d: {  	[spmem:s29] =	stream.linear.scatter [tilespmem:s1], [sflag:$0x2], $0x1400, $0x38;
	[tilespmem:$0x1E180] =	vst v63  }
0x6e: {  	_ = 	snop  }
0x6f: {  	[spmem:s15] =	stream.linear.scatter [tilespmem:s1], [sflag:$0x2], $0x1400, $0x38;
	[tilespmem:$0x1E180] =	vst v63  }
0x70: {  	s30 =	rddreg [dreg:$0xa]  }
0x71: {  	[spmem:s30] =	stream.linear.scatter [tilespmem:s1], [sflag:$0x2], $0x1400, $0x38;
	[tilespmem:$0x1E180] =	vst v63  }
0x72: {  	s31 =	rddreg [dreg:$0xb]  }
0x73: {  	[spmem:s31] =	stream.linear.scatter [tilespmem:s1], [sflag:$0x2], $0x1400, $0x38;
	[tilespmem:$0x1E180] =	vst v63  }
0x74: {  	s28 =	rddreg [dreg:$0xc]  }
0x75: {  	[spmem:s28] =	stream.linear.scatter [tilespmem:s1], [sflag:$0x2], $0x1400, $0x38;
	[tilespmem:$0x1E180] =	vst v63  }
0x76: {  	_ = 	snop  }
0x77: {  	[spmem:s19] =	stream.linear.scatter [tilespmem:s1], [sflag:$0x2], $0x1400, $0x38;
	[tilespmem:$0x1E180] =	vst v63  }
0x78: {  	s29 =	rddreg [dreg:$0x11]  }
0x79: {  	[spmem:s29] =	stream.linear.scatter [tilespmem:s1], [sflag:$0x2], $0x1400, $0x38;
	[tilespmem:$0x1E180] =	vst v63  }
0x7a: {  	s30 =	rddreg [dreg:$0x12]  }
0x7b: {  	[spmem:s30] =	stream.linear.scatter [tilespmem:s1], [sflag:$0x2], $0x1400, $0x38;
	[tilespmem:$0x1E180] =	vst v63  }
0x7c: {  	s31 =	rddreg [dreg:$0x13]  }
0x7d: {  	[spmem:s31] =	stream.linear.scatter [tilespmem:s1], [sflag:$0x2], $0x1400, $0x38;
	[tilespmem:$0x1E180] =	vst v63  }
0x7e: {  	_ = 	snop  }
0x7f: {  	[spmem:s25] =	stream.linear.scatter [tilespmem:s1], [sflag:$0x2], $0x1400, $0x38;
	[tilespmem:$0x1E180] =	vst v63  }
0x80: {  	s28 =	rddreg [dreg:$0x14]  }
0x81: {  	[spmem:s28] =	stream.linear.scatter [tilespmem:s1], [sflag:$0x2], $0x1400, $0x38;
	[tilespmem:$0x1E180] =	vst v63  }
0x82: {  	s29 =	rddreg [dreg:$0x15]  }
0x83: {  	[spmem:s29] =	stream.linear.scatter [tilespmem:s1], [sflag:$0x2], $0x1400, $0x38;
	[tilespmem:$0x1E180] =	vst v63  }
0x84: {  	s30 =	rddreg [dreg:$0x16]  }
0x85: {  	[spmem:s30] =	stream.linear.scatter [tilespmem:s1], [sflag:$0x2], $0x1400, $0x38;
	[tilespmem:$0x1E180] =	vst v63  }
0x86: {  	_ =	swait.ge [sflag:s0], $0x2780  }
0x87: {  	[sflag:s0] =	ssyncset.done $0x0  }
0x88: {  	[sflag:s0] =	ssyncadd.s32 $0xFFFFD880  }
0x89: {  	_ =	swait.ge [sflag:s7], $0x1400  }
0x8a: {  	[sflag:s7] =	ssyncset.done $0x0  }
0x8b: {  	[sflag:s7] =	ssyncadd.s32 $0xFFFFEC00  }
0x8c: {  	_ =	swait.ge [sflag:s7], $0x1400  }
0x8d: {  	[sflag:s7] =	ssyncset.done $0x0  }
0x8e: {  	[sflag:s7] =	ssyncadd.s32 $0xFFFFEC00  }
0x8f: {  	_ =	swait.ge [sflag:s7], $0x1400  }
0x90: {  	[sflag:s7] =	ssyncset.done $0x0  }
0x91: {  	[sflag:s7] =	ssyncadd.s32 $0xFFFFEC00  }
0x92: {  	_ =	swait.ge [sflag:s7], $0x1400  }
0x93: {  	[sflag:s7] =	ssyncset.done $0x0  }
0x94: {  	[sflag:s7] =	ssyncadd.s32 $0xFFFFEC00  }
0x95: {  	_ =	swait.ge [sflag:s7], $0x1400  }
0x96: {  	[sflag:s7] =	ssyncset.done $0x0  }
0x97: {  	[sflag:s7] =	ssyncadd.s32 $0xFFFFEC00  }
0x98: {  	_ =	swait.ge [sflag:s7], $0x1400  }
0x99: {  	[sflag:s7] =	ssyncset.done $0x0  }
0x9a: {  	[sflag:s7] =	ssyncadd.s32 $0xFFFFEC00  }
0x9b: {  	_ =	swait.ge [sflag:s7], $0x1400  }
0x9c: {  	[sflag:s7] =	ssyncset.done $0x0  }
0x9d: {  	[sflag:s7] =	ssyncadd.s32 $0xFFFFEC00  }
0x9e: {  	_ =	swait.ge [sflag:s7], $0x1400  }
0x9f: {  	[sflag:s7] =	ssyncset.done $0x0  }
0xa0: {  	[sflag:s7] =	ssyncadd.s32 $0xFFFFEC00  }
0xa1: {  	_ =	swait.ge [sflag:s7], $0x1400  }
0xa2: {  	[sflag:s7] =	ssyncset.done $0x0  }
0xa3: {  	[sflag:s7] =	ssyncadd.s32 $0xFFFFEC00  }
0xa4: {  	_ =	swait.ge [sflag:s7], $0x1400  }
0xa5: {  	[sflag:s7] =	ssyncset.done $0x0  }
0xa6: {  	[sflag:s7] =	ssyncadd.s32 $0xFFFFEC00  }
0xa7: {  	_ =	swait.ge [sflag:s7], $0x1400  }
0xa8: {  	[sflag:s7] =	ssyncset.done $0x0  }
0xa9: {  	[sflag:s7] =	ssyncadd.s32 $0xFFFFEC00  }
0xaa: {  	_ =	swait.ge [sflag:s7], $0x1400  }
0xab: {  	[sflag:s7] =	ssyncset.done $0x0  }
0xac: {  	[sflag:s7] =	ssyncadd.s32 $0xFFFFEC00  }
0xad: {  	_ =	swait.ge [sflag:s7], $0x1400  }
0xae: {  	[sflag:s7] =	ssyncset.done $0x0  }
0xaf: {  	[sflag:s7] =	ssyncadd.s32 $0xFFFFEC00  }
0xb0: {  	_ =	swait.ge [sflag:s7], $0x1400  }
0xb1: {  	[sflag:s7] =	ssyncset.done $0x0  }
0xb2: {  	[sflag:s7] =	ssyncadd.s32 $0xFFFFEC00  }
0xb3: {  	_ =	swait.ge [sflag:s7], $0x1400  }
0xb4: {  	[sflag:s7] =	ssyncset.done $0x0  }
0xb5: {  	[sflag:s7] =	ssyncadd.s32 $0xFFFFEC00  }
0xb6: {  	_ =	swait.ge [sflag:s7], $0x1400  }
0xb7: {  	[sflag:s7] =	ssyncset.done $0x0  }
0xb8: {  	[sflag:s7] =	ssyncadd.s32 $0xFFFFEC00  }
0xb9: {  	v1 =	vld [tilespmem:$0x0]  }
0xba: {  	v2 =	vld [tilespmem:$0x10]  }
0xbb: {  	v3 =	vld [tilespmem:$0x18]  }
0xbc: {  	v4 =	vld [tilespmem:$0x28]  }
0xbd: {  	v5 =	vld [tilespmem:$0x38]  }
0xbe: {  	v6 =	vld [tilespmem:$0x40];
	v1 =	vand.u32 $0x3FFF, v1  }
0xbf: {  	[tilespmem:$0x2780] =	vst v1;
	v1 =	vand.u32 $0x3FFF, v2  }
0xc0: {  	[tilespmem:$0x2790] =	vst v1;
	v1 =	vand.u32 $0x3FFF, v3  }
0xc1: {  	[tilespmem:$0x2798] =	vst v1;
	v1 =	vand.u32 $0x3FFF, v4  }
0xc2: {  	[tilespmem:$0x2800] =	vst v1;
	v1 =	vand.u32 $0x3FFF, v5  }
0xc3: {  	[tilespmem:$0x2810] =	vst v1;
	v1 =	vand.u32 $0x3FFF, v6  }
0xc4: {  	[tilespmem:$0x2818] =	vst v1  }
0xc5: {  	[bflag:$0x0] =	sbarrier.arrive $0xFFFF  }
0xc6: {  	s26 =	simm.s32 $0x0;
	s29 =	simm.s32 $0x5180;
	s28 =	rddreg [dreg:$0x4]  }
0xc7: {  	[tilespmem:s29], [sflag:$0x5] =	stream.linear.gather [hbm4b:s28+s26], $0x1400, $0x38;
	[tilespmem:$0x1E180] =	vst v63  }
0xc8: {  	s31 =	simm.s32 $0x2780;
	s30 =	simm.s32 $0x2980  }
0xc9: {  	[tilespmem:s30], [sflag:$0x3] =	stream.indirect.gather [hbm4b:s4+s8], $0x80, s31, s8, $0xb8;
	[tilespmem:$0x1E180] =	vst v63  }
0xca: {  	s31 =	rddreg [dreg:$0x5]  }
0xcb: {  	[tilespmem:s9], [sflag:$0x6] =	stream.linear.gather [hbm4b:s31+s26], $0x1400, $0x38;
	[tilespmem:$0x1E180] =	vst v63  }
0xcc: {  	_ = 	snop  }
0xcd: {  	[tilespmem:s12], [sflag:$0x4] =	stream.indirect.gather [hbm4b:s4+s8], $0x80, s11, s8, $0xb8;
	[tilespmem:$0x1E180] =	vst v63  }
.LBB2_6:
0xce: {  	_ =	swait.ge [sflag:s13], $0x1400  }
0xcf: {  	[sflag:s13] =	ssyncset.done $0x0  }
0xd0: {  	[sflag:s13] =	ssyncadd.s32 $0xFFFFEC00  }
0xd1: {  	_ =	swait.ge [sflag:s14], $0x1400  }
0xd2: {  	p0 =	seq.s32 s26, $0x0;
	[sflag:s14] =	ssyncset.done $0x0  }
0xd3: {  	s29 =	simm.s32 @!p0 $0x7;
	[sflag:s14] =	ssyncadd.s32 $0xFFFFEC00  }
0xd4: {  	_ =	swait.ge @!p0 [sflag:s29], $0x1400  }
0xd5: {  	s28 =	smul.u32 $0x50, s26;
	[sflag:s29] =	ssyncset.done @!p0 $0x0  }
0xd6: {  	[sflag:s29] =	ssyncadd.s32 @!p0 $0xFFFFEC00  }
0xd7: {  	v1 =	vld [tilespmem:s28+$0x0];
	_ =	sdelay $0x4  }
0xd8: {  	v1 =	vshrl.u32 v1, $0xE  }
0xd9: {  	[tilespmem:$0x2880] =	vst v1  }
0xda: {  	v1 =	vld [tilespmem:s28+$0x10];
	_ =	sdelay $0x4  }
0xdb: {  	v1 =	vshrl.u32 v1, $0xE  }
0xdc: {  	[tilespmem:$0x2890] =	vst v1  }
0xdd: {  	v1 =	vld [tilespmem:s28+$0x18];
	_ =	sdelay $0x4  }
0xde: {  	v1 =	vshrl.u32 v1, $0xE  }
0xdf: {  	s29 =	simm.s32 $0x0;
	[tilespmem:$0x2898] =	vst v1  }
0xe0: {  	v1 =	vld [tilespmem:s29+$0x29E0]  }
0xe1: {  	v2 =	vld [tilespmem:s29+$0x51E0]  }
0xe2: {  	v3 =	vld [tilespmem:s29+$0x2980]  }
0xe3: {  	v4 =	vld [tilespmem:s29+$0x5180]  }
0xe4: {  	v5 =	vld [tilespmem:s29+$0x2990]  }
0xe5: {  	v6 =	vld [tilespmem:s29+$0x5190]  }
0xe6: {  	v7 =	vld [tilespmem:s29+$0x29A0]  }
0xe7: {  	v8 =	vld [tilespmem:s29+$0x51A0]  }
0xe8: {  	v9 =	vld [tilespmem:s29+$0x29B0];
	v1 =	vadd.f32 v2, v1  }
0xe9: {  	v10 =	vld [tilespmem:s29+$0x51B0];
	v2 =	vadd.f32 v4, v3  }
0xea: {  	v4 =	vadd.f32 v6, v5;
	v3 =	vld [tilespmem:s29+$0x51C0];
	v1 =	vmax.f32 v1, $0.0e+00  }
0xeb: {  	v2 =	vmax.f32 v2, $0.0e+00;
	[tilespmem:s29+$0x79E0] =	vst v1;
	v1 =	vld [tilespmem:s29+$0x29C0]  }
0xec: {  	v6 =	vadd.f32 v8, v7;
	v4 =	vmax.f32 v4, $0.0e+00;
	[tilespmem:s29+$0x7980] =	vst v2;
	v2 =	vld [tilespmem:s29+$0x29D0]  }
0xed: {  	s30 =	simm.s32 $0x80;
	[tilespmem:s29+$0x7990] =	vst v4;
	v4 =	vld [tilespmem:s29+$0x51D0]  }
0xee: {  	s31 =	simm.s32 $0x400;
	v5 =	vld [tilespmem:s30+$0x29E0];
	v7 =	vmax.f32 v6, $0.0e+00;
	v6 =	vadd.f32 v10, v9  }
.LBB2_7:
0xef: {  	p1 =	sne.s32 s31, $0x4E00;
	v8 =	vld [tilespmem:s30+$0x51E0];
	[tilespmem:s29+$0x79A0] =	vst v7  }
0xf0: {  	v7 =	vld [tilespmem:s30+$0x2980];
	v6 =	vmax.f32 v6, $0.0e+00;
	v1 =	vadd.f32 v3, v1  }
0xf1: {  	v3 =	vld [tilespmem:s30+$0x5180];
	[tilespmem:s29+$0x79B0] =	vst v6  }
0xf2: {  	v6 =	vld [tilespmem:s30+$0x2990];
	v1 =	vmax.f32 v1, $0.0e+00;
	v2 =	vadd.f32 v4, v2  }
0xf3: {  	v4 =	vld [tilespmem:s30+$0x5190];
	[tilespmem:s29+$0x79C0] =	vst v1  }
0xf4: {  	v9 =	vld [tilespmem:s30+$0x29A0];
	v1 =	vadd.f32 v8, v5;
	v2 =	vmax.f32 v2, $0.0e+00  }
0xf5: {  	v5 =	vld [tilespmem:s30+$0x51A0];
	[tilespmem:s29+$0x79D0] =	vst v2;
	s29 =	smov.u32 s30  }
0xf6: {  	v2 =	vadd.f32 v3, v7;
	v8 =	vld [tilespmem:s29+$0x29B0];
	v1 =	vmax.f32 v1, $0.0e+00  }
0xf7: {  	v10 =	vld [tilespmem:s29+$0x51B0];
	[tilespmem:s29+$0x79E0] =	vst v1  }
.Ltmp4:
0xf8: {  	v2 =	vmax.f32 v2, $0.0e+00;
	v4 =	vadd.f32 v4, v6;
	v1 =	vld [tilespmem:s29+$0x29C0];
	(pc) =	sbr.rel @p1 .LBB2_7-.Ltmp4, $4  }
0xf9: {  	[tilespmem:s29+$0x7980] =	vst v2;
	v3 =	vld [tilespmem:s29+$0x51C0]  }
0xfa: {  	v4 =	vmax.f32 v4, $0.0e+00;
	v6 =	vadd.f32 v5, v9;
	v2 =	vld [tilespmem:s29+$0x29D0]  }
0xfb: {  	s30 =	sshra.s32 s31, $0x2;
	[tilespmem:s29+$0x7990] =	vst v4;
	v4 =	vld [tilespmem:s29+$0x51D0]  }
0xfc: {  	s31 =	sadd.s32 $0x200, s31;
	v5 =	vld [tilespmem:s30+$0x29E0];
	v7 =	vmax.f32 v6, $0.0e+00;
	v6 =	vadd.f32 v10, v8  }
0xfd: {  	v8 =	vld [tilespmem:s30+$0x51E0]  }
0xfe: {  	v9 =	vld [tilespmem:s30+$0x2980]  }
0xff: {  	v10 =	vld [tilespmem:s30+$0x5180]  }
0x100: {  	v11 =	vld [tilespmem:s30+$0x2990]  }
0x101: {  	v12 =	vld [tilespmem:s30+$0x5190]  }
0x102: {  	v13 =	vld [tilespmem:s30+$0x29A0]  }
0x103: {  	v14 =	vld [tilespmem:s30+$0x29B0]  }
0x104: {  	v59 =	vld [tilespmem:s30+$0x51B0];
	v5 =	vadd.f32 v8, v5  }
0x105: {  	v60 =	vld [tilespmem:s30+$0x29C0];
	v9 =	vadd.f32 v10, v9  }
0x106: {  	v8 =	vld [tilespmem:s30+$0x51A0];
	v5 =	vmax.f32 v5, $0.0e+00  }
0x107: {  	v61 =	vld [tilespmem:s30+$0x29D0];
	[tilespmem:s30+$0x79E0] =	vst v5;
	v5 =	vmax.f32 v9, $0.0e+00  }
0x108: {  	v1 =	vadd.f32 v3, v1;
	[tilespmem:s30+$0x7980] =	vst v5;
	v5 =	vld [tilespmem:s30+$0x51C0]  }
0x109: {  	[tilespmem:s29+$0x79A0] =	vst v7;
	v3 =	vld [tilespmem:s30+$0x51D0];
	v2 =	vadd.f32 v4, v2;
	v4 =	vmax.f32 v6, $0.0e+00  }
0x10a: {  	v1 =	vmax.f32 v1, $0.0e+00;
	[tilespmem:s29+$0x79B0] =	vst v4;
	v11 =	vadd.f32 v12, v11  }
0x10b: {  	[tilespmem:s29+$0x79C0] =	vst v1;
	v1 =	vmax.f32 v2, $0.0e+00;
	v4 =	vadd.f32 v8, v13  }
0x10c: {  	v2 =	vadd.f32 v59, v14;
	[tilespmem:s29+$0x79D0] =	vst v1;
	v11 =	vmax.f32 v11, $0.0e+00  }
0x10d: {  	[tilespmem:s30+$0x7990] =	vst v11;
	v1 =	vmax.f32 v4, $0.0e+00;
	v4 =	vadd.f32 v5, v60  }
0x10e: {  	[tilespmem:s30+$0x79A0] =	vst v1;
	v1 =	vmax.f32 v2, $0.0e+00;
	v2 =	vadd.f32 v3, v61  }
0x10f: {  	[tilespmem:s30+$0x79B0] =	vst v1;
	v1 =	vmax.f32 v4, $0.0e+00  }
0x110: {  	[tilespmem:s30+$0x79C0] =	vst v1;
	v1 =	vmax.f32 v2, $0.0e+00  }
0x111: {  	p1 =	seq.s32 s26, $0x7C;
	[tilespmem:s30+$0x79D0] =	vst v1  }
0x112: {  	[spmem:s2] =	stream.indirect.scatter.add.f32 [tilespmem:s1], [sflag:$0x7], $0x80, s16, s8, $0xb8;
	[tilespmem:$0x1E180] =	vst v63  }
0x113: {  	v1 =	vld @!p1 [tilespmem:s28+$0x50];
	_ =	sdelay $0x4  }
0x114: {  	v1 =	vand.u32 @!p1 $0x3FFF, v1  }
0x115: {  	[tilespmem:$0x2780] =	vst @!p1 v1  }
0x116: {  	v1 =	vld @!p1 [tilespmem:s28+$0x60];
	_ =	sdelay $0x4  }
0x117: {  	v1 =	vand.u32 @!p1 $0x3FFF, v1  }
0x118: {  	[tilespmem:$0x2790] =	vst @!p1 v1  }
0x119: {  	v1 =	vld @!p1 [tilespmem:s28+$0x68];
	_ =	sdelay $0x2  }
0x11a: {  	s29 =	sadd.s32 @!p1 $0x50, s28  }
0x11b: {  	s29 =	sadd.s32 @!p1 s6, s29  }
0x11c: {  	s29 =	sshll.u32 @!p1 s29, $0x4;
	v1 =	vand.u32 @!p1 $0x3FFF, v1  }
0x11d: {  	s31 =	simm.s32 @!p1 $0x5180;
	s29 =	sadd.s32 @!p1 s5, s29;
	s30 =	simm.s32 @!p1 $0x0;
	[tilespmem:$0x2798] =	vst @!p1 v1  }
0x11e: {  	[tilespmem:s31], [sflag:$0x5] =	stream.linear.gather @!p1 [hbm4b:s29+s30], $0x1400, $0x38;
	[tilespmem:$0x1E180] =	vst v63  }
0x11f: {  	s29 =	simm.s32 @!p1 $0x28;
	s30 =	simm.s32 @!p1 $0x2780;
	s31 =	simm.s32 @!p1 $0x2980  }
0x120: {  	[tilespmem:s31], [sflag:$0x3] =	stream.indirect.gather @!p1 [hbm4b:s4+s29], $0x80, s30, s29, $0xb8;
	[tilespmem:$0x1E180] =	vst v63  }
0x121: {  	_ =	swait.ge [sflag:s17], $0x1400  }
0x122: {  	[sflag:s17] =	ssyncset.done $0x0  }
0x123: {  	[sflag:s17] =	ssyncadd.s32 $0xFFFFEC00  }
0x124: {  	_ =	swait.ge [sflag:s18], $0x1400  }
0x125: {  	[sflag:s18] =	ssyncset.done $0x0  }
0x126: {  	s29 =	simm.s32 @!p0 $0x8;
	[sflag:s18] =	ssyncadd.s32 $0xFFFFEC00  }
0x127: {  	_ =	swait.ge @!p0 [sflag:s29], $0x1400  }
0x128: {  	[sflag:s29] =	ssyncset.done @!p0 $0x0  }
0x129: {  	[sflag:s29] =	ssyncadd.s32 @!p0 $0xFFFFEC00  }
0x12a: {  	v1 =	vld [tilespmem:s28+$0x28];
	_ =	sdelay $0x4  }
0x12b: {  	v1 =	vshrl.u32 v1, $0xE  }
0x12c: {  	[tilespmem:$0x2900] =	vst v1  }
0x12d: {  	v1 =	vld [tilespmem:s28+$0x38];
	_ =	sdelay $0x4  }
0x12e: {  	v1 =	vshrl.u32 v1, $0xE  }
0x12f: {  	[tilespmem:$0x2910] =	vst v1  }
0x130: {  	v1 =	vld [tilespmem:s28+$0x40];
	_ =	sdelay $0x4  }
0x131: {  	v1 =	vshrl.u32 v1, $0xE  }
0x132: {  	s29 =	simm.s32 $0x0;
	[tilespmem:$0x2918] =	vst v1  }
0x133: {  	v1 =	vld [tilespmem:s29+$0x3DE0]  }
0x134: {  	v2 =	vld [tilespmem:s29+$0x65E0]  }
0x135: {  	v3 =	vld [tilespmem:s29+$0x3D80]  }
0x136: {  	v4 =	vld [tilespmem:s29+$0x6580]  }
0x137: {  	v5 =	vld [tilespmem:s29+$0x3D90]  }
0x138: {  	v6 =	vld [tilespmem:s29+$0x6590]  }
0x139: {  	v7 =	vld [tilespmem:s29+$0x3DA0]  }
0x13a: {  	v8 =	vld [tilespmem:s29+$0x65A0]  }
0x13b: {  	v62 =	vld [tilespmem:s29+$0x3DB0];
	v1 =	vadd.f32 v2, v1  }
0x13c: {  	v63 =	vld [tilespmem:s29+$0x65B0];
	v2 =	vadd.f32 v4, v3  }
0x13d: {  	v4 =	vadd.f32 v6, v5;
	v3 =	vld [tilespmem:s29+$0x65C0];
	v1 =	vmax.f32 v1, $0.0e+00  }
0x13e: {  	v2 =	vmax.f32 v2, $0.0e+00;
	[tilespmem:s29+$0x8DE0] =	vst v1;
	v1 =	vld [tilespmem:s29+$0x3DC0]  }
0x13f: {  	v6 =	vadd.f32 v8, v7;
	v4 =	vmax.f32 v4, $0.0e+00;
	[tilespmem:s29+$0x8D80] =	vst v2;
	v2 =	vld [tilespmem:s29+$0x3DD0]  }
0x140: {  	s30 =	simm.s32 $0x80;
	[tilespmem:s29+$0x8D90] =	vst v4;
	v4 =	vld [tilespmem:s29+$0x65D0]  }
0x141: {  	s31 =	simm.s32 $0x400;
	v5 =	vld [tilespmem:s30+$0x3DE0];
	v7 =	vmax.f32 v6, $0.0e+00;
	v6 =	vadd.f32 v63, v62  }
.LBB2_9:
0x142: {  	p0 =	sne.s32 s31, $0x4E00;
	v8 =	vld [tilespmem:s30+$0x65E0];
	[tilespmem:s29+$0x8DA0] =	vst v7  }
0x143: {  	v7 =	vld [tilespmem:s30+$0x3D80];
	v6 =	vmax.f32 v6, $0.0e+00;
	v1 =	vadd.f32 v3, v1  }
0x144: {  	v3 =	vld [tilespmem:s30+$0x6580];
	[tilespmem:s29+$0x8DB0] =	vst v6  }
0x145: {  	v6 =	vld [tilespmem:s30+$0x3D90];
	v1 =	vmax.f32 v1, $0.0e+00;
	v2 =	vadd.f32 v4, v2  }
0x146: {  	v4 =	vld [tilespmem:s30+$0x6590];
	[tilespmem:s29+$0x8DC0] =	vst v1  }
0x147: {  	v9 =	vld [tilespmem:s30+$0x3DA0];
	v1 =	vadd.f32 v8, v5;
	v2 =	vmax.f32 v2, $0.0e+00  }
0x148: {  	v5 =	vld [tilespmem:s30+$0x65A0];
	[tilespmem:s29+$0x8DD0] =	vst v2;
	s29 =	smov.u32 s30  }
0x149: {  	v2 =	vadd.f32 v3, v7;
	v8 =	vld [tilespmem:s29+$0x3DB0];
	v1 =	vmax.f32 v1, $0.0e+00  }
0x14a: {  	v10 =	vld [tilespmem:s29+$0x65B0];
	[tilespmem:s29+$0x8DE0] =	vst v1  }
.Ltmp5:
0x14b: {  	v2 =	vmax.f32 v2, $0.0e+00;
	v4 =	vadd.f32 v4, v6;
	v1 =	vld [tilespmem:s29+$0x3DC0];
	(pc) =	sbr.rel @p0 .LBB2_9-.Ltmp5, $4  }
0x14c: {  	[tilespmem:s29+$0x8D80] =	vst v2;
	v3 =	vld [tilespmem:s29+$0x65C0]  }
0x14d: {  	v4 =	vmax.f32 v4, $0.0e+00;
	v6 =	vadd.f32 v5, v9;
	v2 =	vld [tilespmem:s29+$0x3DD0]  }
0x14e: {  	s30 =	sshra.s32 s31, $0x2;
	[tilespmem:s29+$0x8D90] =	vst v4;
	v4 =	vld [tilespmem:s29+$0x65D0]  }
0x14f: {  	s31 =	sadd.s32 $0x200, s31;
	v5 =	vld [tilespmem:s30+$0x3DE0];
	v7 =	vmax.f32 v6, $0.0e+00;
	v6 =	vadd.f32 v10, v8  }
0x150: {  	v8 =	vld [tilespmem:s30+$0x65E0]  }
0x151: {  	v9 =	vld [tilespmem:s30+$0x3D80]  }
0x152: {  	v10 =	vld [tilespmem:s30+$0x6580]  }
0x153: {  	v11 =	vld [tilespmem:s30+$0x3D90]  }
0x154: {  	v12 =	vld [tilespmem:s30+$0x6590]  }
0x155: {  	v13 =	vld [tilespmem:s30+$0x3DA0]  }
0x156: {  	v55 =	vld [tilespmem:s30+$0x65A0]  }
0x157: {  	v14 =	vld [tilespmem:s30+$0x3DB0]  }
0x158: {  	v56 =	vld [tilespmem:s30+$0x65B0]  }
0x159: {  	v58 =	vld [tilespmem:s30+$0x3DC0];
	v1 =	vadd.f32 v3, v1  }
0x15a: {  	v59 =	vld [tilespmem:s30+$0x65C0];
	[tilespmem:s29+$0x8DA0] =	vst v7;
	v61 =	vmax.f32 v6, $0.0e+00;
	v2 =	vadd.f32 v4, v2  }
0x15b: {  	v60 =	vld [tilespmem:s30+$0x3DD0];
	[tilespmem:s29+$0x8DB0] =	vst v61;
	v1 =	vmax.f32 v1, $0.0e+00;
	v5 =	vadd.f32 v8, v5  }
0x15c: {  	v3 =	vld [tilespmem:s30+$0x65D0];
	[tilespmem:s29+$0x8DC0] =	vst v1;
	v9 =	vadd.f32 v10, v9;
	v1 =	vmax.f32 v2, $0.0e+00  }
0x15d: {  	v11 =	vadd.f32 v12, v11;
	[tilespmem:s29+$0x8DD0] =	vst v1;
	v5 =	vmax.f32 v5, $0.0e+00  }
0x15e: {  	v62 =	vadd.f32 v55, v13;
	v57 =	vmax.f32 v9, $0.0e+00;
	[tilespmem:s30+$0x8DE0] =	vst v5  }
0x15f: {  	v2 =	vadd.f32 v56, v14;
	v11 =	vmax.f32 v11, $0.0e+00;
	[tilespmem:s30+$0x8D80] =	vst v57  }
0x160: {  	v63 =	vadd.f32 v59, v58;
	v1 =	vmax.f32 v62, $0.0e+00;
	[tilespmem:s30+$0x8D90] =	vst v11  }
.Ltmp6:
0x161: {  	[tilespmem:s30+$0x8DA0] =	vst v1;
	v1 =	vmax.f32 v2, $0.0e+00;
	v2 =	vadd.f32 v3, v60;
	(pc) =	sbr.rel @p1 .LBB2_12-.Ltmp6, $4  }
0x162: {  	[tilespmem:s30+$0x8DB0] =	vst v1;
	v1 =	vmax.f32 v63, $0.0e+00  }
0x163: {  	[tilespmem:s30+$0x8DC0] =	vst v1;
	v1 =	vmax.f32 v2, $0.0e+00  }
0x164: {  	[tilespmem:s30+$0x8DD0] =	vst v1  }
0x165: {  	[spmem:s2] =	stream.indirect.scatter.add.f32 [tilespmem:s21], [sflag:$0x8], $0x80, s20, s8, $0xb8;
	[tilespmem:$0x1E180] =	vst v63  }
0x166: {  	v1 =	vld [tilespmem:s28+$0x78];
	_ =	sdelay $0x4  }
0x167: {  	v1 =	vand.u32 $0x3FFF, v1  }
0x168: {  	[tilespmem:$0x2800] =	vst v1  }
0x169: {  	v1 =	vld [tilespmem:s28+$0x88];
	_ =	sdelay $0x4  }
0x16a: {  	v1 =	vand.u32 $0x3FFF, v1  }
0x16b: {  	[tilespmem:$0x2810] =	vst v1  }
0x16c: {  	v1 =	vld [tilespmem:s28+$0x90];
	_ =	sdelay $0x2  }
0x16d: {  	s31 =	sadd.s32 $0x78, s28  }
0x16e: {  	s28 =	sadd.s32 s6, s31  }
.Ltmp7:
0x16f: {  	s28 =	sshll.u32 s28, $0x4;
	v1 =	vand.u32 $0x3FFF, v1;
	(pc) =	sbr.rel .LBB2_6-.Ltmp7, $4  }
0x170: {  	s28 =	sadd.s32 s5, s28;
	[tilespmem:$0x2818] =	vst v1  }
0x171: {  	[tilespmem:s9], [sflag:$0x6] =	stream.linear.gather [hbm4b:s28+s3], $0x1400, $0x38;
	[tilespmem:$0x1E180] =	vst v63  }
0x172: {  	s26 =	sadd.s32 $0x1, s26  }
0x173: {  	[tilespmem:s12], [sflag:$0x4] =	stream.indirect.gather [hbm4b:s4+s8], $0x80, s11, s8, $0xb8;
	[tilespmem:$0x1E180] =	vst v63  }
.LBB2_13:
0x174: {  	_ =	sfence.sel $0x180000  }
0x175: {  	[bflag:$0x0] =	sbarrier.arrive $0xFFFF  }
0x176: {  	_ =	strace $0x9000004A  }
0x177: {  	s0 =	stileid.u32;
	[bflag:$0x2] =	sbarrier.arrive $0xFFFF  }
0x178: {  	p0 =	sne.s32 s0, $0x0;
	s0 =	rddreg [dreg:$0x2]  }
0x179: {  	s0 =	sadd.s32 @!p0 $0x100000, s0  }
0x17a: {  	[sflag:s0] =	ssyncadd.tile.s32 @!p0 $0x1;
	_ =	shalt  }
.Lfunc_end2:
_tile_overlayer_lowered:
.L_overlay_start_2:
0x17b: {  	(tag) =	ssettag $0x2  }
0x17c: {  	s0 =	rddreg [dreg:$0x0];
	s2 =	stileid.u32  }
0x17d: {  	s1 =	rddreg [dreg:$0x1];
	p0 =	sne.s32 s2, $0x0  }
0x17e: {  	s3 =	rddreg [dreg:$0x2];
	[bflag:$0x3] =	sbarrier.arrive $0xFFFF;
	s2 =	simm.s32 @!p0 $0x1C09  }
0x17f: {  	[timem:s3], [sflag:s2] =	dma.local @!p0 [hbm:s0], s1  }
0x180: {  	s0 =	simm.s32 @!p0 $0x9  }
0x181: {  	_ =	swait.ge @!p0 [sflag:s0], s1  }
0x182: {  	s1 =	ssub.s32 @!p0 $0x0, s1;
	[sflag:s0] =	ssyncset.done @!p0 $0x0  }
0x183: {  	[sflag:s0] =	ssyncadd.s32 @!p0 s1  }
0x184: {  	[bflag:$0x3] =	sbarrier.arrive $0xFFFF  }
0x185: {  	_ =	shalt  }

// kernel: kernel.8.cloned.1.call-start
scs
__scs_entry_jumppad:
0x0: {  	(pc) =	sbr.rel $0x88, $3  }
0x1: {  	(tag) =	ssettag $0x0;
	lr =	simm.s32 $0x1  }
0x2: {  	[smem:$0x3F8C] =	sst lr;
	_ =	strace $0xD0000000  }
0x3: {  	_ = 	snop  }
0x4: {  	_ = 	snop  }
0x5: {  	_ = 	snop  }
0x6: {  	_ = 	snop  }
0x7: {  	_ = 	snop  }
__scs_overlays_trampoline_lowered:
0x8: {  	[smem:$0x3F9B] =	sst s0  }
0x9: {  	[smem:$0x3F9C] =	sst s1  }
0xa: {  	[smem:$0x3F9D] =	sst s2  }
0xb: {  	[smem:$0x3F9E] =	sst s3  }
0xc: {  	[smem:$0x3F9F] =	sst s4  }
0xd: {  	[smem:$0x3FA0] =	sst s5  }
0xe: {  	[smem:$0x3FA1] =	sst s6  }
0xf: {  	[smem:$0x3FA2] =	sst s7  }
0x10: {  	[smem:$0x3FA3] =	sst s8  }
0x11: {  	[smem:$0x3FA4] =	sst s9;
	s0 =	simm.s32 @!p0 $0x0  }
0x12: {  	s1 =	sld [smem:$0x3F8A];
	s0 =	simm.s32 @p0 $0x1  }
0x13: {  	[smem:$0x3FA5] =	sst s0;
	s0 =	simm.s32 @!p1 $0x0  }
0x14: {  	s2 =	sld [smem:$0x3F89];
	s0 =	simm.s32 @p1 $0x1  }
0x15: {  	[smem:$0x3FA6] =	sst s0;
	s0 =	simm.s32 @!p2 $0x0  }
0x16: {  	s3 =	sld [smem:$0x3FDB];
	s0 =	simm.s32 @p2 $0x1  }
0x17: {  	s4 =	simm.s32 $0x1BF5;
	[smem:$0x3FA8] =	sst s0  }
0x18: {  	s0 =	sld [smem:$0x3F8B];
	_ =	swait.ge [sflag:s4], $0x0  }
0x19: {  	s7 =	sld [smem:$0x3F8C]  }
0x1a: {  	s8 =	sadd.s32 $0xFFFFE003, lr  }
0x1b: {  	s9 =	sadd.s32 $0xFFFFFEF7, lr;
	s5 =	simm.s32 $0xFFFFFFFF;
	p2 =	slt.u32 s8, $0xFFFFF086  }
0x1c: {  	p1 =	slt.u32 s9, $0xF7A;
	s5 =	simm.s32 @!p2 $0x0  }
0x1d: {  	s5 =	simm.s32 @p1 $0x1;
	p0 =	seq.s32 s7, s2  }
0x1e: {  	s7 =	smul.u32 @!p0 $0xF7A, s2;
	p2 =	seq.s32 @!p0 s5, $0x0  }
0x1f: {  	s9 =	smul.u32 $0xF7A, s1;
	s8 =	simm.s32 @!p0 $0x1BF5;
	p2 =	por !p2, p0  }
0x20: {  	[sflag:s8] =	ssyncset.s32 @!p0 $0xFFFFF086;
	s6 =	sadd.s32 @!p0 s3, s7;
	s7 =	simm.s32 @!p0 $0x108  }
0x21: {  	s3 =	sadd.s32 s3, s9;
	s6 =	sadd.s32 @!p0 $0x88, s6;
	s7 =	simm.s32 @p2 $0x1082  }
0x22: {  	[simem:s7], [sflag:s8] =	dma.local @!p0 [hbm:s6], $0xF7A  }
0x23: {  	s9 =	sor.u32 $0xD0000000, s2;
	s6 =	simm.s32 $0x108;
	_ =	swait.ge @!p0 [sflag:s8], $0x0  }
0x24: {  	s3 =	sadd.s32 $0x88, s3;
	s6 =	simm.s32 @!p1 $0x1082;
	[sflag:s4] =	ssyncset.s32 $0xFFFFF086  }
0x25: {  	[simem:s6], [sflag:s4] =	dma.local [hbm:s3], $0xF7A  }
0x26: {  	[smem:$0x3F8C] =	sst s1;
	(tag) =	ssettag s2;
	_ =	strace s9  }
0x27: {  	s1 =	sld [smem:$0x3F9C]  }
0x28: {  	s2 =	sld [smem:$0x3F9D]  }
0x29: {  	s4 =	sld [smem:$0x3F9F]  }
0x2a: {  	p0 =	seq.s32 s5, $0x0;
	s5 =	sld [smem:$0x3FA0]  }
0x2b: {  	s6 =	sld [smem:$0x3FA1]  }
0x2c: {  	s7 =	sld [smem:$0x3FA2]  }
0x2d: {  	s3 =	simm.s32 $0x108;
	s8 =	sld [smem:$0x3FA3]  }
0x2e: {  	s3 =	simm.s32 @!p0 $0x1082;
	s9 =	sld [smem:$0x3FA4]  }
0x2f: {  	lr =	sadd.s32 s0, s3;
	s0 =	sld [smem:$0x3F9B]  }
0x30: {  	s3 =	sld [smem:$0x3F9E]  }
0x31: {  	[smem:$0x3FA7] =	sst s10  }
0x32: {  	s10 =	sld [smem:$0x3FA5];
	_ =	sdelay $0x3  }
0x33: {  	p0 =	seq.s32 s10, $0x1;
	s10 =	sld [smem:$0x3FA7];
	_ =	sdelay $0x3  }
0x34: {  	[smem:$0x3FA7] =	sst s10  }
0x35: {  	s10 =	sld [smem:$0x3FA6];
	_ =	sdelay $0x3  }
0x36: {  	p1 =	seq.s32 s10, $0x1;
	s10 =	sld [smem:$0x3FA7];
	_ =	sdelay $0x3  }
0x37: {  	[smem:$0x3FA7] =	sst s10  }
0x38: {  	s10 =	sld [smem:$0x3FA8]  }
0x39: {  	_ = 	snop;
	(pc) =	sbr.ind lr, $3  }
0x3a: {  	_ = 	snop  }
0x3b: {  	_ = 	snop  }
0x3c: {  	p2 =	seq.s32 s10, $0x1;
	s10 =	sld [smem:$0x3FA7]  }
0x3d: {  	_ =	shalt  }
0x3e: {  	_ =	shalt  }
0x3f: {  	_ =	shalt  }
0x40: {  	_ =	shalt  }
0x41: {  	_ =	shalt  }
0x42: {  	_ =	shalt  }
0x43: {  	_ =	shalt  }
0x44: {  	_ =	shalt  }
0x45: {  	_ =	shalt  }
0x46: {  	_ =	shalt  }
0x47: {  	_ =	shalt  }
0x48: {  	_ =	shalt  }
0x49: {  	_ =	shalt  }
0x4a: {  	_ =	shalt  }
0x4b: {  	_ =	shalt  }
0x4c: {  	_ =	shalt  }
0x4d: {  	_ =	shalt  }
0x4e: {  	_ =	shalt  }
0x4f: {  	_ =	shalt  }
0x50: {  	_ =	shalt  }
0x51: {  	_ =	shalt  }
0x52: {  	_ =	shalt  }
0x53: {  	_ =	shalt  }
0x54: {  	_ =	shalt  }
0x55: {  	_ =	shalt  }
0x56: {  	_ =	shalt  }
0x57: {  	_ =	shalt  }
0x58: {  	_ =	shalt  }
0x59: {  	_ =	shalt  }
0x5a: {  	_ =	shalt  }
0x5b: {  	_ =	shalt  }
0x5c: {  	_ =	shalt  }
0x5d: {  	_ =	shalt  }
0x5e: {  	_ =	shalt  }
0x5f: {  	_ =	shalt  }
0x60: {  	_ =	shalt  }
0x61: {  	_ =	shalt  }
0x62: {  	_ =	shalt  }
0x63: {  	_ =	shalt  }
0x64: {  	_ =	shalt  }
0x65: {  	_ =	shalt  }
0x66: {  	_ =	shalt  }
0x67: {  	_ =	shalt  }
0x68: {  	_ =	shalt  }
0x69: {  	_ =	shalt  }
0x6a: {  	_ =	shalt  }
0x6b: {  	_ =	shalt  }
0x6c: {  	_ =	shalt  }
0x6d: {  	_ =	shalt  }
0x6e: {  	_ =	shalt  }
0x6f: {  	_ =	shalt  }
0x70: {  	_ =	shalt  }
0x71: {  	_ =	shalt  }
0x72: {  	_ =	shalt  }
0x73: {  	_ =	shalt  }
0x74: {  	_ =	shalt  }
0x75: {  	_ =	shalt  }
0x76: {  	_ =	shalt  }
0x77: {  	_ =	shalt  }
0x78: {  	_ =	shalt  }
0x79: {  	_ =	shalt  }
0x7a: {  	_ =	shalt  }
0x7b: {  	_ =	shalt  }
0x7c: {  	_ =	shalt  }
0x7d: {  	_ =	shalt  }
0x7e: {  	_ =	shalt  }
0x7f: {  	_ =	shalt  }
0x80: {  	_ =	shalt  }
0x81: {  	_ =	shalt  }
0x82: {  	_ =	shalt  }
0x83: {  	_ =	shalt  }
0x84: {  	_ =	shalt  }
0x85: {  	_ =	shalt  }
0x86: {  	_ =	shalt  }
0x87: {  	_ =	shalt  }
.Lfunc_end0:
.L_simem_size_0:
called_computation_lowered:
.L_overlay_start_0:
0x88: {  	s2 =	sld [smem:$0x3FD9]  }
0x89: {  	s3 =	sld [smem:$0x3FFE];
	_ =	sdelay $0x1  }
0x8a: {  	s1 =	srdreg.scid  }
0x8b: {  	s0 =	sand.u32 $0x1, s1  }
0x8c: {  	s16 =	sshll.u32 s0, $0xA;
	s2 =	sadd.s32 s3, s2  }
0x8d: {  	s2 =	sadd.s32 s2, s16  }
0x8e: {  	[smem:$0x3FB3] =	sst s2  }
0x8f: {  	_ = 	snop  }
0x90: {  	(tm) =	ssettm $0x1  }
0x91: {  	s17 =	sld [smem:$0x3FFB];
	_ =	sdelay $0x3  }
0x92: {  	_ =	strace s17  }
0x93: {  	s2 =	sld [smem:$0x3FFC];
	_ =	sdelay $0x3  }
0x94: {  	_ =	strace s2  }
0x95: {  	s2 =	sld [smem:$0x3FFD];
	_ =	sdelay $0x3  }
0x96: {  	_ =	strace s2  }
0x97: {  	_ =	strace $0x8FFFFFFF  }
0x98: {  	s18 =	sld [smem:$0x3FDB];
	_ =	sdelay $0x1  }
0x99: {  	s19 =	simm.s32 $_scs_section_size  }
0x9a: {  	s4 =	simm.s32 $_size__tile_overlayer_lowered;
	s5 =	simm.s32 $_tile_overlayer_lowered  }
0x9b: {  	s22 =	simm.s32 $0x1BFF;
	s21 =	sshll.u32 s5, $0x1;
	s2 =	sadd.s32 s19, s18  }
0x9c: {  	s6 =	simm.s32 $0x0;
	s20 =	sshll.u32 s4, $0x1;
	s4 =	sadd.s32 s21, s2  }
0x9d: {  	[timem:s6], [sflag:s22] =	dma.local [hbm:s4], s20  }
0x9e: {  	_ =	swait.ge [sflag:s22], s20  }
0x9f: {  	s3 =	ssub.s32 $0x0, s20;
	[sflag:s22] =	ssyncset.done $0x0  }
0xa0: {  	[sflag:s22] =	ssyncadd.s32 s3;
	_ =	sdelay $0x1  }
0xa1: {  	s23 =	simm.s32 $0x1B8B  }
0xa2: {  	_ =	swait.ge [sflag:s23], $0x1  }
0xa3: {  	[sflag:s23] =	ssyncset.done $0x0  }
0xa4: {  	s25 =	simm.s32 $0x1B8E;
	s24 =	sld [smem:$0x3FFE];
	[sflag:s23] =	ssyncadd.s32 $0xFFFFFFFF  }
0xa5: {  	s26 =	simm.s32 $execute0_lowered;
	[smem:$0x3FD2] =	sst s25  }
0xa6: {  	s4 =	sshll.u32 s26, $0x1;
	_ =	strace $0x80000046;
	[dreg:$0x1] =	wrdreg $0xFFFFFFFF  }
0xa7: {  	s28 =	simm.s32 $_size_execute0_lowered;
	s2 =	sadd.s32 s2, s4;
	[dreg:$0x0] =	wrdreg $0x0  }
0xa8: {  	s4 =	sshll.u32 s28, $0x1;
	[dreg:$0x2] =	wrdreg s2  }
0xa9: {  	[dreg:$0x3] =	wrdreg s4  }
0xaa: {  	[dreg:$0x4] =	wrdreg $0xC0  }
0xab: {  	_ =	task [dreg:s6], $0x5FFFF  }
0xac: {  	[dreg:$0x1] =	wrdreg $0xFFFFFFFF  }
0xad: {  	[dreg:$0x0] =	wrdreg $0x60  }
0xae: {  	[dreg:$0x2] =	wrdreg s24  }
0xaf: {  	[dreg:$0x3] =	wrdreg $0xA1800  }
0xb0: {  	[dreg:$0x4] =	wrdreg $0x9  }
0xb1: {  	_ =	task.clear_ibuf [dreg:s6], $0x5FFFF;
	_ =	strace $0x90000046  }
0xb2: {  	s29 =	simm.s32 $0x9;
	_ =	strace $0x80000048  }
0xb3: {  	_ =	swait.ge [sflag:s29], $0x1  }
0xb4: {  	[sflag:s29] =	ssyncadd.s32 $0xFFFFFFFF  }
0xb5: {  	_ =	strace $0x90000048  }
0xb6: {  	_ =	sfence  }
0xb7: {  	s30 =	sld [smem:$0x0];
	_ =	sdelay $0x2  }
0xb8: {  	s31 =	sshll.u32 s1, $0xD;
	s1 =	sshrl.u32 s1, $0x2  }
0xb9: {  	s3 =	sand.u32 $0x4000, s31;
	s1 =	sadd.s32 s1, s30  }
0xba: {  	s0 =	sor.u32 s3, s0;
	s1 =	sshll.u32 s1, $0x11  }
0xbb: {  	s0 =	sor.u32 s1, s0  }
0xbc: {  	s0 =	sadd.s32 $0x8F2B, s0  }
0xbd: {  	[sflag:s0] =	ssyncadd.remote.s32 $0x1  }
0xbe: {  	_ =	sfence.sel $0xFFFF  }
0xbf: {  	[dreg:$0x0] =	wrdreg $0xFFFFFFFF;
	(pc) =	sbr.abs _section_cstart, $3  }
0xc0: {  	[dreg:$0x1] =	wrdreg $0xFFFFFFFF  }
0xc1: {  	_ =	task.clear_ibuf [dreg:s6], $0x2FFFF;
	_ =	strace $0x9FFFFFFF  }
0xc2: {  	(tm) =	ssettm $0x7FFFFFFF  }
0xc3: {  	_ =	shalt  }
tec
execute0_lowered:
.L_overlay_start_1:
0x0: {  	(tag) =	ssettag $0x1  }
0x1: {  	s0 =	srdreg.scid  }
0x2: {  	s13 =	stileid.u32;
	s6 =	rddreg [dreg:$0x0]  }
0x3: {  	s2 =	rddreg [dreg:$0x1];
	s0 =	sand.u32 $0x1, s0;
	s29 =	smul.u32 $0x50000, s13  }
0x4: {  	s1 =	sshll.u32 s13, $0x1;
	s3 =	sshrl.u32 s13, $0x2;
	s13 =	smul.u32 $0x14000, s13  }
0x5: {  	s12 =	sadd.s32 $0x2E000, s6;
	s1 =	sor.u32 s0, s1;
	s4 =	smul.u32 $0x13C00, s3  }
0x6: {  	s3 =	simm.s32 $0x0;
	s8 =	ssub.s32 $0x2, s0;
	s0 =	smul.u32 $0x140000, s0  }
0x7: {  	s5 =	sshll.u32 s1, $0x7;
	[smem:$0x7FF] =	sst s3;
	s9 =	smul.u32 $0x27100, s1  }
0x8: {  	s10 =	sshrl.u32 s8, $0x1;
	s11 =	smul.u32 $0x138800, s1;
	s18 =	sadd.s32 $0x5000, s13  }
0x9: {  	s22 =	sadd.s32 $0xA000, s13;
	s5 =	sand.u32 $0x380, s5;
	_ =	strace $0x80000047  }
0xa: {  	s8 =	ssub.s32 s8, s10;
	s23 =	sadd.s32 s0, s13;
	s5 =	sor.u32 s4, s5  }
0xb: {  	s4 =	sadd.s32 $0x6E00, s6;
	s31 =	sshrl.u32 s11, $0x3;
	s11 =	sshrl.u32 s29, $0x2  }
0xc: {  	s14 =	smax.u32 s8, $0x1;
	s8 =	sadd.s32 s0, s22;
	s5 =	sshrl.u32 s5, $0x3  }
0xd: {  	s10 =	sadd.s32 s11, s2;
	[dreg:$0x6] =	wrdreg s14;
	s8 =	sshrl.u32 s8, $0x3  }
0xe: {  	s11 =	simm.s32 $0x2800;
	s14 =	simm.s32 $0x3;
	s15 =	sadd.s32 $0x1400, s10  }
0xf: {  	s7 =	sadd.s32 s5, s6;
	s16 =	sadd.s32 $0x2800, s10;
	[dreg:$0x7] =	wrdreg s15  }
0x10: {  	s5 =	sadd.s32 $0x4F2C00, s6;
	s17 =	sadd.s32 $0x3C00, s10;
	[dreg:$0x8] =	wrdreg s16  }
0x11: {  	s6 =	smul.u32 $0x2710, s1;
	s19 =	sadd.s32 $0x6400, s10;
	[dreg:$0x9] =	wrdreg s17  }
0x12: {  	s20 =	sadd.s32 $0x7800, s10;
	s21 =	sadd.s32 $0x8C00, s10;
	[dreg:$0xa] =	wrdreg s19  }
0x13: {  	s24 =	sadd.s32 s12, s8;
	s25 =	sadd.s32 $0xB400, s10;
	[dreg:$0xb] =	wrdreg s20  }
0x14: {  	s26 =	sadd.s32 $0xC800, s10;
	s28 =	sadd.s32 $0xDC00, s10;
	[dreg:$0xc] =	wrdreg s21  }
0x15: {  	s29 =	sadd.s32 $0x10400, s10;
	s8 =	simm.s32 $0x28;
	[dreg:$0xf] =	wrdreg s24  }
0x16: {  	s30 =	sadd.s32 $0x4E8E00, s7;
	s9 =	sadd.s32 s5, s9;
	[dreg:$0x11] =	wrdreg s25  }
0x17: {  	s1 =	sadd.s32 s5, s31;
	s15 =	sadd.s32 s18, s2;
	[dreg:$0x12] =	wrdreg s26  }
0x18: {  	s19 =	sadd.s32 s22, s2;
	s7 =	sadd.s32 s0, s18;
	[dreg:$0x13] =	wrdreg s28  }
0x19: {  	[dreg:$0x14] =	wrdreg s29;
	s31 =	sadd.s32 $0x12C00, s10;
	s16 =	simm.s32 $0x2880  }
0x1a: {  	s17 =	simm.s32 $0x6;
	s18 =	simm.s32 $0x4;
	s20 =	simm.s32 $0x2900  }
0x1b: {  	s21 =	simm.s32 $0x8D80;
	s22 =	simm.s32 $0x7;
	[dreg:$0x3] =	wrdreg s30  }
0x1c: {  	s24 =	simm.s32 $0x0;
	[dreg:$0x4] =	wrdreg s9;
	s1 =	sadd.s32 $0x280, s1  }
0x1d: {  	s9 =	sshrl.u32 s23, $0x3;
	s7 =	sshrl.u32 s7, $0x3;
	[dreg:$0x16] =	wrdreg s31  }
0x1e: {  	s30 =	sadd.s32 $0x11800, s10;
	s23 =	simm.s32 $0x8;
	[dreg:$0x5] =	wrdreg s1  }
0x1f: {  	s1 =	sadd.s32 $0xF000, s13;
	s9 =	sadd.s32 s12, s9;
	[dreg:$0x15] =	wrdreg s30  }
.Ltmp0:
0x20: {  	s7 =	sadd.s32 s12, s7;
	[dreg:$0xd] =	wrdreg s9;
	(pc) =	sbr.rel .LBB2_1-.Ltmp0, $4  }
0x21: {  	s13 =	simm.s32 $0x5;
	s0 =	sadd.s32 s0, s1;
	[dreg:$0xe] =	wrdreg s7  }
0x22: {  	s25 =	sadd.s32 s1, s2;
	s1 =	simm.s32 $0x7980;
	s0 =	sshrl.u32 s0, $0x3  }
0x23: {  	s7 =	simm.s32 $0x2;
	s9 =	simm.s32 $0x6580;
	s0 =	sadd.s32 s12, s0  }
0x24: {  	v0 =	vimm.f32 $0.0e+00;
	s12 =	simm.s32 $0x3D80;
	[dreg:$0x10] =	wrdreg s0;
	s0 =	simm.s32 $0x1  }
.LBB2_12:
0x25: {  	_ =	swait.ge [sflag:s22], $0x1400  }
0x26: {  	[sflag:s22] =	ssyncset.done $0x0  }
0x27: {  	[sflag:s22] =	ssyncadd.s32 $0xFFFFEC00  }
0x28: {  	_ =	swait.ge [sflag:s23], $0x1400  }
0x29: {  	[sflag:s23] =	ssyncset.done $0x0  }
0x2a: {  	s26 =	stileid.u32;
	[sflag:s23] =	ssyncadd.s32 $0xFFFFEC00  }
0x2b: {  	s26 =	sshll.u32 s26, $0x6;
	[bflag:$0x0] =	sbarrier.arrive $0xFFFF  }
0x2c: {  	s28 =	sshrl.u32 s10, $0x3;
	s26 =	sor.u32 $0x1C01, s26;
	s29 =	rddreg [dreg:$0xd]  }
0x2d: {  	[hbm:s29], [sflag:s26] =	dma.local [spmem:s28], $0xA00  }
0x2e: {  	s30 =	sshrl.u32 s15, $0x3;
	s29 =	rddreg [dreg:$0xe]  }
0x2f: {  	[hbm:s29], [sflag:s26] =	dma.local [spmem:s30], $0xA00  }
0x30: {  	s31 =	sshrl.u32 s19, $0x3;
	s29 =	rddreg [dreg:$0xf]  }
0x31: {  	[hbm:s29], [sflag:s26] =	dma.local [spmem:s31], $0xA00  }
0x32: {  	s30 =	sshrl.u32 s25, $0x3;
	s29 =	rddreg [dreg:$0x10]  }
0x33: {  	[hbm:s29], [sflag:s26] =	dma.local [spmem:s30], $0xA00  }
0x34: {  	_ =	swait.ge [sflag:s0], $0xA00  }
0x35: {  	[sflag:s0] =	ssyncset.done $0x0  }
0x36: {  	[sflag:s0] =	ssyncadd.s32 $0xFFFFF600  }
0x37: {  	_ =	swait.ge [sflag:s0], $0xA00  }
0x38: {  	[sflag:s0] =	ssyncset.done $0x0  }
0x39: {  	[sflag:s0] =	ssyncadd.s32 $0xFFFFF600  }
0x3a: {  	_ =	swait.ge [sflag:s0], $0xA00  }
0x3b: {  	[sflag:s0] =	ssyncset.done $0x0  }
0x3c: {  	[sflag:s0] =	ssyncadd.s32 $0xFFFFF600  }
0x3d: {  	_ =	swait.ge [sflag:s0], $0xA00  }
0x3e: {  	s24 =	sadd.s32 $0x1, s24;
	s31 =	rddreg [dreg:$0x6]  }
0x3f: {  	p0 =	sne.s32 s24, s31  }
.Ltmp1:
0x40: {  	_ = 	snop;
	(pc) =	sbr.rel @!p0 .LBB2_13-.Ltmp1, $3  }
0x41: {  	_ =	sdelay $0x1  }
0x42: {  	[sflag:s0] =	ssyncset.done $0x0  }
0x43: {  	[sflag:s0] =	ssyncadd.s32 $0xFFFFF600  }
.LBB2_1:
0x44: {  	s26 =	rddreg [dreg:$0x3];
	s28 =	simm.s32 $0x80;
	s29 =	simm.s32 $0x400  }
0x45: {  	[tilespmem:s3], [sflag:$0x1] =	stream.strided.gather [hbm4b:s26+s28], $0x2780, s29, s28, $0x38;
	[tilespmem:$0x1E180] =	vst v63  }
0x46: {  	s26 =	simm.s32 $0x0;
	s28 =	simm.s32 $0x200  }
.LBB2_2:
0x47: {  	p0 =	sne.s32 s28, $0x4E00;
	[tilespmem:s26+$0x79F0] =	vst v0  }
0x48: {  	[tilespmem:s26+$0x7980] =	vst v0  }
0x49: {  	[tilespmem:s26+$0x7990] =	vst v0  }
.Ltmp2:
0x4a: {  	[tilespmem:s26+$0x79A0] =	vst v0;
	(pc) =	sbr.rel @p0 .LBB2_2-.Ltmp2, $4  }
0x4b: {  	[tilespmem:s26+$0x79B0] =	vst v0  }
0x4c: {  	[tilespmem:s26+$0x79C0] =	vst v0  }
0x4d: {  	[tilespmem:s26+$0x79D0] =	vst v0  }
0x4e: {  	[tilespmem:s26+$0x79E0] =	vst v0;
	s26 =	sshra.s32 s28, $0x2;
	s28 =	sadd.s32 $0x200, s28  }
0x4f: {  	[tilespmem:s26+$0x79F0] =	vst v0  }
0x50: {  	[tilespmem:s26+$0x7980] =	vst v0  }
0x51: {  	[tilespmem:s26+$0x7990] =	vst v0  }
0x52: {  	[tilespmem:s26+$0x79A0] =	vst v0  }
0x53: {  	[tilespmem:s26+$0x79B0] =	vst v0  }
0x54: {  	[tilespmem:s26+$0x79C0] =	vst v0  }
0x55: {  	[tilespmem:s26+$0x79D0] =	vst v0  }
0x56: {  	[tilespmem:s26+$0x79E0] =	vst v0;
	s26 =	simm.s32 $0x0;
	s28 =	simm.s32 $0x200  }
.LBB2_4:
0x57: {  	p0 =	sne.s32 s28, $0x4E00;
	[tilespmem:s26+$0x8DF0] =	vst v0  }
0x58: {  	[tilespmem:s26+$0x8D80] =	vst v0  }
0x59: {  	[tilespmem:s26+$0x8D90] =	vst v0  }
.Ltmp3:
0x5a: {  	[tilespmem:s26+$0x8DA0] =	vst v0;
	(pc) =	sbr.rel @p0 .LBB2_4-.Ltmp3, $4  }
0x5b: {  	[tilespmem:s26+$0x8DB0] =	vst v0  }
0x5c: {  	[tilespmem:s26+$0x8DC0] =	vst v0  }
0x5d: {  	[tilespmem:s26+$0x8DD0] =	vst v0  }
0x5e: {  	[tilespmem:s26+$0x8DE0] =	vst v0;
	s26 =	sshra.s32 s28, $0x2;
	s28 =	sadd.s32 $0x200, s28  }
0x5f: {  	[tilespmem:s26+$0x8DF0] =	vst v0  }
0x60: {  	[tilespmem:s26+$0x8D80] =	vst v0  }
0x61: {  	[tilespmem:s26+$0x8D90] =	vst v0  }
0x62: {  	[tilespmem:s26+$0x8DA0] =	vst v0  }
0x63: {  	[tilespmem:s26+$0x8DB0] =	vst v0  }
0x64: {  	[tilespmem:s26+$0x8DC0] =	vst v0  }
0x65: {  	[tilespmem:s26+$0x8DD0] =	vst v0  }
0x66: {  	[tilespmem:s26+$0x8DE0] =	vst v0  }
0x67: {  	[spmem:s10] =	stream.linear.scatter [tilespmem:s1], [sflag:$0x2], $0x1400, $0x38;
	[tilespmem:$0x1E180] =	vst v63  }
0x68: {  	s31 =	rddreg [dreg:$0x7]  }
0x69: {  	[spmem:s31] =	stream.linear.scatter [tilespmem:s1], [sflag:$0x2], $0x1400, $0x38;
	[tilespmem:$0x1E180] =	vst v63  }
0x6a: {  	s28 =	rddreg [dreg:$0x8]  }
0x6b: {  	[spmem:s28] =	stream.linear.scatter [tilespmem:s1], [sflag:$0x2], $0x1400, $0x38;
	[tilespmem:$0x1E180] =	vst v63  }
0x6c: {  	s29 =	rddreg [dreg:$0x9]  }
0x6d: {  	[spmem:s29] =	stream.linear.scatter [tilespmem:s1], [sflag:$0x2], $0x1400, $0x38;
	[tilespmem:$0x1E180] =	vst v63  }
0x6e: {  	_ = 	snop  }
0x6f: {  	[spmem:s15] =	stream.linear.scatter [tilespmem:s1], [sflag:$0x2], $0x1400, $0x38;
	[tilespmem:$0x1E180] =	vst v63  }
0x70: {  	s30 =	rddreg [dreg:$0xa]  }
0x71: {  	[spmem:s30] =	stream.linear.scatter [tilespmem:s1], [sflag:$0x2], $0x1400, $0x38;
	[tilespmem:$0x1E180] =	vst v63  }
0x72: {  	s31 =	rddreg [dreg:$0xb]  }
0x73: {  	[spmem:s31] =	stream.linear.scatter [tilespmem:s1], [sflag:$0x2], $0x1400, $0x38;
	[tilespmem:$0x1E180] =	vst v63  }
0x74: {  	s28 =	rddreg [dreg:$0xc]  }
0x75: {  	[spmem:s28] =	stream.linear.scatter [tilespmem:s1], [sflag:$0x2], $0x1400, $0x38;
	[tilespmem:$0x1E180] =	vst v63  }
0x76: {  	_ = 	snop  }
0x77: {  	[spmem:s19] =	stream.linear.scatter [tilespmem:s1], [sflag:$0x2], $0x1400, $0x38;
	[tilespmem:$0x1E180] =	vst v63  }
0x78: {  	s29 =	rddreg [dreg:$0x11]  }
0x79: {  	[spmem:s29] =	stream.linear.scatter [tilespmem:s1], [sflag:$0x2], $0x1400, $0x38;
	[tilespmem:$0x1E180] =	vst v63  }
0x7a: {  	s30 =	rddreg [dreg:$0x12]  }
0x7b: {  	[spmem:s30] =	stream.linear.scatter [tilespmem:s1], [sflag:$0x2], $0x1400, $0x38;
	[tilespmem:$0x1E180] =	vst v63  }
0x7c: {  	s31 =	rddreg [dreg:$0x13]  }
0x7d: {  	[spmem:s31] =	stream.linear.scatter [tilespmem:s1], [sflag:$0x2], $0x1400, $0x38;
	[tilespmem:$0x1E180] =	vst v63  }
0x7e: {  	_ = 	snop  }
0x7f: {  	[spmem:s25] =	stream.linear.scatter [tilespmem:s1], [sflag:$0x2], $0x1400, $0x38;
	[tilespmem:$0x1E180] =	vst v63  }
0x80: {  	s28 =	rddreg [dreg:$0x14]  }
0x81: {  	[spmem:s28] =	stream.linear.scatter [tilespmem:s1], [sflag:$0x2], $0x1400, $0x38;
	[tilespmem:$0x1E180] =	vst v63  }
0x82: {  	s29 =	rddreg [dreg:$0x15]  }
0x83: {  	[spmem:s29] =	stream.linear.scatter [tilespmem:s1], [sflag:$0x2], $0x1400, $0x38;
	[tilespmem:$0x1E180] =	vst v63  }
0x84: {  	s30 =	rddreg [dreg:$0x16]  }
0x85: {  	[spmem:s30] =	stream.linear.scatter [tilespmem:s1], [sflag:$0x2], $0x1400, $0x38;
	[tilespmem:$0x1E180] =	vst v63  }
0x86: {  	_ =	swait.ge [sflag:s0], $0x2780  }
0x87: {  	[sflag:s0] =	ssyncset.done $0x0  }
0x88: {  	[sflag:s0] =	ssyncadd.s32 $0xFFFFD880  }
0x89: {  	_ =	swait.ge [sflag:s7], $0x1400  }
0x8a: {  	[sflag:s7] =	ssyncset.done $0x0  }
0x8b: {  	[sflag:s7] =	ssyncadd.s32 $0xFFFFEC00  }
0x8c: {  	_ =	swait.ge [sflag:s7], $0x1400  }
0x8d: {  	[sflag:s7] =	ssyncset.done $0x0  }
0x8e: {  	[sflag:s7] =	ssyncadd.s32 $0xFFFFEC00  }
0x8f: {  	_ =	swait.ge [sflag:s7], $0x1400  }
0x90: {  	[sflag:s7] =	ssyncset.done $0x0  }
0x91: {  	[sflag:s7] =	ssyncadd.s32 $0xFFFFEC00  }
0x92: {  	_ =	swait.ge [sflag:s7], $0x1400  }
0x93: {  	[sflag:s7] =	ssyncset.done $0x0  }
0x94: {  	[sflag:s7] =	ssyncadd.s32 $0xFFFFEC00  }
0x95: {  	_ =	swait.ge [sflag:s7], $0x1400  }
0x96: {  	[sflag:s7] =	ssyncset.done $0x0  }
0x97: {  	[sflag:s7] =	ssyncadd.s32 $0xFFFFEC00  }
0x98: {  	_ =	swait.ge [sflag:s7], $0x1400  }
0x99: {  	[sflag:s7] =	ssyncset.done $0x0  }
0x9a: {  	[sflag:s7] =	ssyncadd.s32 $0xFFFFEC00  }
0x9b: {  	_ =	swait.ge [sflag:s7], $0x1400  }
0x9c: {  	[sflag:s7] =	ssyncset.done $0x0  }
0x9d: {  	[sflag:s7] =	ssyncadd.s32 $0xFFFFEC00  }
0x9e: {  	_ =	swait.ge [sflag:s7], $0x1400  }
0x9f: {  	[sflag:s7] =	ssyncset.done $0x0  }
0xa0: {  	[sflag:s7] =	ssyncadd.s32 $0xFFFFEC00  }
0xa1: {  	_ =	swait.ge [sflag:s7], $0x1400  }
0xa2: {  	[sflag:s7] =	ssyncset.done $0x0  }
0xa3: {  	[sflag:s7] =	ssyncadd.s32 $0xFFFFEC00  }
0xa4: {  	_ =	swait.ge [sflag:s7], $0x1400  }
0xa5: {  	[sflag:s7] =	ssyncset.done $0x0  }
0xa6: {  	[sflag:s7] =	ssyncadd.s32 $0xFFFFEC00  }
0xa7: {  	_ =	swait.ge [sflag:s7], $0x1400  }
0xa8: {  	[sflag:s7] =	ssyncset.done $0x0  }
0xa9: {  	[sflag:s7] =	ssyncadd.s32 $0xFFFFEC00  }
0xaa: {  	_ =	swait.ge [sflag:s7], $0x1400  }
0xab: {  	[sflag:s7] =	ssyncset.done $0x0  }
0xac: {  	[sflag:s7] =	ssyncadd.s32 $0xFFFFEC00  }
0xad: {  	_ =	swait.ge [sflag:s7], $0x1400  }
0xae: {  	[sflag:s7] =	ssyncset.done $0x0  }
0xaf: {  	[sflag:s7] =	ssyncadd.s32 $0xFFFFEC00  }
0xb0: {  	_ =	swait.ge [sflag:s7], $0x1400  }
0xb1: {  	[sflag:s7] =	ssyncset.done $0x0  }
0xb2: {  	[sflag:s7] =	ssyncadd.s32 $0xFFFFEC00  }
0xb3: {  	_ =	swait.ge [sflag:s7], $0x1400  }
0xb4: {  	[sflag:s7] =	ssyncset.done $0x0  }
0xb5: {  	[sflag:s7] =	ssyncadd.s32 $0xFFFFEC00  }
0xb6: {  	_ =	swait.ge [sflag:s7], $0x1400  }
0xb7: {  	[sflag:s7] =	ssyncset.done $0x0  }
0xb8: {  	[sflag:s7] =	ssyncadd.s32 $0xFFFFEC00  }
0xb9: {  	v1 =	vld [tilespmem:$0x0]  }
0xba: {  	v2 =	vld [tilespmem:$0x10]  }
0xbb: {  	v3 =	vld [tilespmem:$0x18]  }
0xbc: {  	v4 =	vld [tilespmem:$0x28]  }
0xbd: {  	v5 =	vld [tilespmem:$0x38]  }
0xbe: {  	v6 =	vld [tilespmem:$0x40];
	v1 =	vand.u32 $0x3FFF, v1  }
0xbf: {  	[tilespmem:$0x2780] =	vst v1;
	v1 =	vand.u32 $0x3FFF, v2  }
0xc0: {  	[tilespmem:$0x2790] =	vst v1;
	v1 =	vand.u32 $0x3FFF, v3  }
0xc1: {  	[tilespmem:$0x2798] =	vst v1;
	v1 =	vand.u32 $0x3FFF, v4  }
0xc2: {  	[tilespmem:$0x2800] =	vst v1;
	v1 =	vand.u32 $0x3FFF, v5  }
0xc3: {  	[tilespmem:$0x2810] =	vst v1;
	v1 =	vand.u32 $0x3FFF, v6  }
0xc4: {  	[tilespmem:$0x2818] =	vst v1  }
0xc5: {  	[bflag:$0x0] =	sbarrier.arrive $0xFFFF  }
0xc6: {  	s26 =	simm.s32 $0x0;
	s29 =	simm.s32 $0x5180;
	s28 =	rddreg [dreg:$0x4]  }
0xc7: {  	[tilespmem:s29], [sflag:$0x5] =	stream.linear.gather [hbm4b:s28+s26], $0x1400, $0x38;
	[tilespmem:$0x1E180] =	vst v63  }
0xc8: {  	s31 =	simm.s32 $0x2780;
	s30 =	simm.s32 $0x2980  }
0xc9: {  	[tilespmem:s30], [sflag:$0x3] =	stream.indirect.gather [hbm4b:s4+s8], $0x80, s31, s8, $0xb8;
	[tilespmem:$0x1E180] =	vst v63  }
0xca: {  	s31 =	rddreg [dreg:$0x5]  }
0xcb: {  	[tilespmem:s9], [sflag:$0x6] =	stream.linear.gather [hbm4b:s31+s26], $0x1400, $0x38;
	[tilespmem:$0x1E180] =	vst v63  }
0xcc: {  	_ = 	snop  }
0xcd: {  	[tilespmem:s12], [sflag:$0x4] =	stream.indirect.gather [hbm4b:s4+s8], $0x80, s11, s8, $0xb8;
	[tilespmem:$0x1E180] =	vst v63  }
.LBB2_6:
0xce: {  	_ =	swait.ge [sflag:s13], $0x1400  }
0xcf: {  	[sflag:s13] =	ssyncset.done $0x0  }
0xd0: {  	[sflag:s13] =	ssyncadd.s32 $0xFFFFEC00  }
0xd1: {  	_ =	swait.ge [sflag:s14], $0x1400  }
0xd2: {  	p0 =	seq.s32 s26, $0x0;
	[sflag:s14] =	ssyncset.done $0x0  }
0xd3: {  	s29 =	simm.s32 @!p0 $0x7;
	[sflag:s14] =	ssyncadd.s32 $0xFFFFEC00  }
0xd4: {  	_ =	swait.ge @!p0 [sflag:s29], $0x1400  }
0xd5: {  	s28 =	smul.u32 $0x50, s26;
	[sflag:s29] =	ssyncset.done @!p0 $0x0  }
0xd6: {  	[sflag:s29] =	ssyncadd.s32 @!p0 $0xFFFFEC00  }
0xd7: {  	v1 =	vld [tilespmem:s28+$0x0];
	_ =	sdelay $0x4  }
0xd8: {  	v1 =	vshrl.u32 v1, $0xE  }
0xd9: {  	[tilespmem:$0x2880] =	vst v1  }
0xda: {  	v1 =	vld [tilespmem:s28+$0x10];
	_ =	sdelay $0x4  }
0xdb: {  	v1 =	vshrl.u32 v1, $0xE  }
0xdc: {  	[tilespmem:$0x2890] =	vst v1  }
0xdd: {  	v1 =	vld [tilespmem:s28+$0x18];
	_ =	sdelay $0x4  }
0xde: {  	v1 =	vshrl.u32 v1, $0xE  }
0xdf: {  	s29 =	simm.s32 $0x0;
	[tilespmem:$0x2898] =	vst v1  }
0xe0: {  	v1 =	vld [tilespmem:s29+$0x29E0]  }
0xe1: {  	v2 =	vld [tilespmem:s29+$0x51E0]  }
0xe2: {  	v3 =	vld [tilespmem:s29+$0x2980]  }
0xe3: {  	v4 =	vld [tilespmem:s29+$0x5180]  }
0xe4: {  	v5 =	vld [tilespmem:s29+$0x2990]  }
0xe5: {  	v6 =	vld [tilespmem:s29+$0x5190]  }
0xe6: {  	v7 =	vld [tilespmem:s29+$0x29A0]  }
0xe7: {  	v8 =	vld [tilespmem:s29+$0x51A0]  }
0xe8: {  	v9 =	vld [tilespmem:s29+$0x29B0];
	v1 =	vadd.f32 v2, v1  }
0xe9: {  	v10 =	vld [tilespmem:s29+$0x51B0];
	v2 =	vadd.f32 v4, v3  }
0xea: {  	v4 =	vadd.f32 v6, v5;
	v3 =	vld [tilespmem:s29+$0x51C0];
	v1 =	vmax.f32 v1, $0.0e+00  }
0xeb: {  	v2 =	vmax.f32 v2, $0.0e+00;
	[tilespmem:s29+$0x79E0] =	vst v1;
	v1 =	vld [tilespmem:s29+$0x29C0]  }
0xec: {  	v6 =	vadd.f32 v8, v7;
	v4 =	vmax.f32 v4, $0.0e+00;
	[tilespmem:s29+$0x7980] =	vst v2;
	v2 =	vld [tilespmem:s29+$0x29D0]  }
0xed: {  	s30 =	simm.s32 $0x80;
	[tilespmem:s29+$0x7990] =	vst v4;
	v4 =	vld [tilespmem:s29+$0x51D0]  }
0xee: {  	s31 =	simm.s32 $0x400;
	v5 =	vld [tilespmem:s30+$0x29E0];
	v7 =	vmax.f32 v6, $0.0e+00;
	v6 =	vadd.f32 v10, v9  }
.LBB2_7:
0xef: {  	p1 =	sne.s32 s31, $0x4E00;
	v8 =	vld [tilespmem:s30+$0x51E0];
	[tilespmem:s29+$0x79A0] =	vst v7  }
0xf0: {  	v7 =	vld [tilespmem:s30+$0x2980];
	v6 =	vmax.f32 v6, $0.0e+00;
	v1 =	vadd.f32 v3, v1  }
0xf1: {  	v3 =	vld [tilespmem:s30+$0x5180];
	[tilespmem:s29+$0x79B0] =	vst v6  }
0xf2: {  	v6 =	vld [tilespmem:s30+$0x2990];
	v1 =	vmax.f32 v1, $0.0e+00;
	v2 =	vadd.f32 v4, v2  }
0xf3: {  	v4 =	vld [tilespmem:s30+$0x5190];
	[tilespmem:s29+$0x79C0] =	vst v1  }
0xf4: {  	v9 =	vld [tilespmem:s30+$0x29A0];
	v1 =	vadd.f32 v8, v5;
	v2 =	vmax.f32 v2, $0.0e+00  }
0xf5: {  	v5 =	vld [tilespmem:s30+$0x51A0];
	[tilespmem:s29+$0x79D0] =	vst v2;
	s29 =	smov.u32 s30  }
0xf6: {  	v2 =	vadd.f32 v3, v7;
	v8 =	vld [tilespmem:s29+$0x29B0];
	v1 =	vmax.f32 v1, $0.0e+00  }
0xf7: {  	v10 =	vld [tilespmem:s29+$0x51B0];
	[tilespmem:s29+$0x79E0] =	vst v1  }
.Ltmp4:
0xf8: {  	v2 =	vmax.f32 v2, $0.0e+00;
	v4 =	vadd.f32 v4, v6;
	v1 =	vld [tilespmem:s29+$0x29C0];
	(pc) =	sbr.rel @p1 .LBB2_7-.Ltmp4, $4  }
0xf9: {  	[tilespmem:s29+$0x7980] =	vst v2;
	v3 =	vld [tilespmem:s29+$0x51C0]  }
0xfa: {  	v4 =	vmax.f32 v4, $0.0e+00;
	v6 =	vadd.f32 v5, v9;
	v2 =	vld [tilespmem:s29+$0x29D0]  }
0xfb: {  	s30 =	sshra.s32 s31, $0x2;
	[tilespmem:s29+$0x7990] =	vst v4;
	v4 =	vld [tilespmem:s29+$0x51D0]  }
0xfc: {  	s31 =	sadd.s32 $0x200, s31;
	v5 =	vld [tilespmem:s30+$0x29E0];
	v7 =	vmax.f32 v6, $0.0e+00;
	v6 =	vadd.f32 v10, v8  }
0xfd: {  	v8 =	vld [tilespmem:s30+$0x51E0]  }
0xfe: {  	v9 =	vld [tilespmem:s30+$0x2980]  }
0xff: {  	v10 =	vld [tilespmem:s30+$0x5180]  }
0x100: {  	v11 =	vld [tilespmem:s30+$0x2990]  }
0x101: {  	v12 =	vld [tilespmem:s30+$0x5190]  }
0x102: {  	v13 =	vld [tilespmem:s30+$0x29A0]  }
0x103: {  	v14 =	vld [tilespmem:s30+$0x29B0]  }
0x104: {  	v59 =	vld [tilespmem:s30+$0x51B0];
	v5 =	vadd.f32 v8, v5  }
0x105: {  	v60 =	vld [tilespmem:s30+$0x29C0];
	v9 =	vadd.f32 v10, v9  }
0x106: {  	v8 =	vld [tilespmem:s30+$0x51A0];
	v5 =	vmax.f32 v5, $0.0e+00  }
0x107: {  	v61 =	vld [tilespmem:s30+$0x29D0];
	[tilespmem:s30+$0x79E0] =	vst v5;
	v5 =	vmax.f32 v9, $0.0e+00  }
0x108: {  	v1 =	vadd.f32 v3, v1;
	[tilespmem:s30+$0x7980] =	vst v5;
	v5 =	vld [tilespmem:s30+$0x51C0]  }
0x109: {  	[tilespmem:s29+$0x79A0] =	vst v7;
	v3 =	vld [tilespmem:s30+$0x51D0];
	v2 =	vadd.f32 v4, v2;
	v4 =	vmax.f32 v6, $0.0e+00  }
0x10a: {  	v1 =	vmax.f32 v1, $0.0e+00;
	[tilespmem:s29+$0x79B0] =	vst v4;
	v11 =	vadd.f32 v12, v11  }
0x10b: {  	[tilespmem:s29+$0x79C0] =	vst v1;
	v1 =	vmax.f32 v2, $0.0e+00;
	v4 =	vadd.f32 v8, v13  }
0x10c: {  	v2 =	vadd.f32 v59, v14;
	[tilespmem:s29+$0x79D0] =	vst v1;
	v11 =	vmax.f32 v11, $0.0e+00  }
0x10d: {  	[tilespmem:s30+$0x7990] =	vst v11;
	v1 =	vmax.f32 v4, $0.0e+00;
	v4 =	vadd.f32 v5, v60  }
0x10e: {  	[tilespmem:s30+$0x79A0] =	vst v1;
	v1 =	vmax.f32 v2, $0.0e+00;
	v2 =	vadd.f32 v3, v61  }
0x10f: {  	[tilespmem:s30+$0x79B0] =	vst v1;
	v1 =	vmax.f32 v4, $0.0e+00  }
0x110: {  	[tilespmem:s30+$0x79C0] =	vst v1;
	v1 =	vmax.f32 v2, $0.0e+00  }
0x111: {  	p1 =	seq.s32 s26, $0x7C;
	[tilespmem:s30+$0x79D0] =	vst v1  }
0x112: {  	[spmem:s2] =	stream.indirect.scatter.add.f32 [tilespmem:s1], [sflag:$0x7], $0x80, s16, s8, $0xb8;
	[tilespmem:$0x1E180] =	vst v63  }
0x113: {  	v1 =	vld @!p1 [tilespmem:s28+$0x50];
	_ =	sdelay $0x4  }
0x114: {  	v1 =	vand.u32 @!p1 $0x3FFF, v1  }
0x115: {  	[tilespmem:$0x2780] =	vst @!p1 v1  }
0x116: {  	v1 =	vld @!p1 [tilespmem:s28+$0x60];
	_ =	sdelay $0x4  }
0x117: {  	v1 =	vand.u32 @!p1 $0x3FFF, v1  }
0x118: {  	[tilespmem:$0x2790] =	vst @!p1 v1  }
0x119: {  	v1 =	vld @!p1 [tilespmem:s28+$0x68];
	_ =	sdelay $0x2  }
0x11a: {  	s29 =	sadd.s32 @!p1 $0x50, s28  }
0x11b: {  	s29 =	sadd.s32 @!p1 s6, s29  }
0x11c: {  	s29 =	sshll.u32 @!p1 s29, $0x4;
	v1 =	vand.u32 @!p1 $0x3FFF, v1  }
0x11d: {  	s31 =	simm.s32 @!p1 $0x5180;
	s29 =	sadd.s32 @!p1 s5, s29;
	s30 =	simm.s32 @!p1 $0x0;
	[tilespmem:$0x2798] =	vst @!p1 v1  }
0x11e: {  	[tilespmem:s31], [sflag:$0x5] =	stream.linear.gather @!p1 [hbm4b:s29+s30], $0x1400, $0x38;
	[tilespmem:$0x1E180] =	vst v63  }
0x11f: {  	s29 =	simm.s32 @!p1 $0x28;
	s30 =	simm.s32 @!p1 $0x2780;
	s31 =	simm.s32 @!p1 $0x2980  }
0x120: {  	[tilespmem:s31], [sflag:$0x3] =	stream.indirect.gather @!p1 [hbm4b:s4+s29], $0x80, s30, s29, $0xb8;
	[tilespmem:$0x1E180] =	vst v63  }
0x121: {  	_ =	swait.ge [sflag:s17], $0x1400  }
0x122: {  	[sflag:s17] =	ssyncset.done $0x0  }
0x123: {  	[sflag:s17] =	ssyncadd.s32 $0xFFFFEC00  }
0x124: {  	_ =	swait.ge [sflag:s18], $0x1400  }
0x125: {  	[sflag:s18] =	ssyncset.done $0x0  }
0x126: {  	s29 =	simm.s32 @!p0 $0x8;
	[sflag:s18] =	ssyncadd.s32 $0xFFFFEC00  }
0x127: {  	_ =	swait.ge @!p0 [sflag:s29], $0x1400  }
0x128: {  	[sflag:s29] =	ssyncset.done @!p0 $0x0  }
0x129: {  	[sflag:s29] =	ssyncadd.s32 @!p0 $0xFFFFEC00  }
0x12a: {  	v1 =	vld [tilespmem:s28+$0x28];
	_ =	sdelay $0x4  }
0x12b: {  	v1 =	vshrl.u32 v1, $0xE  }
0x12c: {  	[tilespmem:$0x2900] =	vst v1  }
0x12d: {  	v1 =	vld [tilespmem:s28+$0x38];
	_ =	sdelay $0x4  }
0x12e: {  	v1 =	vshrl.u32 v1, $0xE  }
0x12f: {  	[tilespmem:$0x2910] =	vst v1  }
0x130: {  	v1 =	vld [tilespmem:s28+$0x40];
	_ =	sdelay $0x4  }
0x131: {  	v1 =	vshrl.u32 v1, $0xE  }
0x132: {  	s29 =	simm.s32 $0x0;
	[tilespmem:$0x2918] =	vst v1  }
0x133: {  	v1 =	vld [tilespmem:s29+$0x3DE0]  }
0x134: {  	v2 =	vld [tilespmem:s29+$0x65E0]  }
0x135: {  	v3 =	vld [tilespmem:s29+$0x3D80]  }
0x136: {  	v4 =	vld [tilespmem:s29+$0x6580]  }
0x137: {  	v5 =	vld [tilespmem:s29+$0x3D90]  }
0x138: {  	v6 =	vld [tilespmem:s29+$0x6590]  }
0x139: {  	v7 =	vld [tilespmem:s29+$0x3DA0]  }
0x13a: {  	v8 =	vld [tilespmem:s29+$0x65A0]  }
0x13b: {  	v62 =	vld [tilespmem:s29+$0x3DB0];
	v1 =	vadd.f32 v2, v1  }
0x13c: {  	v63 =	vld [tilespmem:s29+$0x65B0];
	v2 =	vadd.f32 v4, v3  }
0x13d: {  	v4 =	vadd.f32 v6, v5;
	v3 =	vld [tilespmem:s29+$0x65C0];
	v1 =	vmax.f32 v1, $0.0e+00  }
0x13e: {  	v2 =	vmax.f32 v2, $0.0e+00;
	[tilespmem:s29+$0x8DE0] =	vst v1;
	v1 =	vld [tilespmem:s29+$0x3DC0]  }
0x13f: {  	v6 =	vadd.f32 v8, v7;
	v4 =	vmax.f32 v4, $0.0e+00;
	[tilespmem:s29+$0x8D80] =	vst v2;
	v2 =	vld [tilespmem:s29+$0x3DD0]  }
0x140: {  	s30 =	simm.s32 $0x80;
	[tilespmem:s29+$0x8D90] =	vst v4;
	v4 =	vld [tilespmem:s29+$0x65D0]  }
0x141: {  	s31 =	simm.s32 $0x400;
	v5 =	vld [tilespmem:s30+$0x3DE0];
	v7 =	vmax.f32 v6, $0.0e+00;
	v6 =	vadd.f32 v63, v62  }
.LBB2_9:
0x142: {  	p0 =	sne.s32 s31, $0x4E00;
	v8 =	vld [tilespmem:s30+$0x65E0];
	[tilespmem:s29+$0x8DA0] =	vst v7  }
0x143: {  	v7 =	vld [tilespmem:s30+$0x3D80];
	v6 =	vmax.f32 v6, $0.0e+00;
	v1 =	vadd.f32 v3, v1  }
0x144: {  	v3 =	vld [tilespmem:s30+$0x6580];
	[tilespmem:s29+$0x8DB0] =	vst v6  }
0x145: {  	v6 =	vld [tilespmem:s30+$0x3D90];
	v1 =	vmax.f32 v1, $0.0e+00;
	v2 =	vadd.f32 v4, v2  }
0x146: {  	v4 =	vld [tilespmem:s30+$0x6590];
	[tilespmem:s29+$0x8DC0] =	vst v1  }
0x147: {  	v9 =	vld [tilespmem:s30+$0x3DA0];
	v1 =	vadd.f32 v8, v5;
	v2 =	vmax.f32 v2, $0.0e+00  }
0x148: {  	v5 =	vld [tilespmem:s30+$0x65A0];
	[tilespmem:s29+$0x8DD0] =	vst v2;
	s29 =	smov.u32 s30  }
0x149: {  	v2 =	vadd.f32 v3, v7;
	v8 =	vld [tilespmem:s29+$0x3DB0];
	v1 =	vmax.f32 v1, $0.0e+00  }
0x14a: {  	v10 =	vld [tilespmem:s29+$0x65B0];
	[tilespmem:s29+$0x8DE0] =	vst v1  }
.Ltmp5:
0x14b: {  	v2 =	vmax.f32 v2, $0.0e+00;
	v4 =	vadd.f32 v4, v6;
	v1 =	vld [tilespmem:s29+$0x3DC0];
	(pc) =	sbr.rel @p0 .LBB2_9-.Ltmp5, $4  }
0x14c: {  	[tilespmem:s29+$0x8D80] =	vst v2;
	v3 =	vld [tilespmem:s29+$0x65C0]  }
0x14d: {  	v4 =	vmax.f32 v4, $0.0e+00;
	v6 =	vadd.f32 v5, v9;
	v2 =	vld [tilespmem:s29+$0x3DD0]  }
0x14e: {  	s30 =	sshra.s32 s31, $0x2;
	[tilespmem:s29+$0x8D90] =	vst v4;
	v4 =	vld [tilespmem:s29+$0x65D0]  }
0x14f: {  	s31 =	sadd.s32 $0x200, s31;
	v5 =	vld [tilespmem:s30+$0x3DE0];
	v7 =	vmax.f32 v6, $0.0e+00;
	v6 =	vadd.f32 v10, v8  }
0x150: {  	v8 =	vld [tilespmem:s30+$0x65E0]  }
0x151: {  	v9 =	vld [tilespmem:s30+$0x3D80]  }
0x152: {  	v10 =	vld [tilespmem:s30+$0x6580]  }
0x153: {  	v11 =	vld [tilespmem:s30+$0x3D90]  }
0x154: {  	v12 =	vld [tilespmem:s30+$0x6590]  }
0x155: {  	v13 =	vld [tilespmem:s30+$0x3DA0]  }
0x156: {  	v55 =	vld [tilespmem:s30+$0x65A0]  }
0x157: {  	v14 =	vld [tilespmem:s30+$0x3DB0]  }
0x158: {  	v56 =	vld [tilespmem:s30+$0x65B0]  }
0x159: {  	v58 =	vld [tilespmem:s30+$0x3DC0];
	v1 =	vadd.f32 v3, v1  }
0x15a: {  	v59 =	vld [tilespmem:s30+$0x65C0];
	[tilespmem:s29+$0x8DA0] =	vst v7;
	v61 =	vmax.f32 v6, $0.0e+00;
	v2 =	vadd.f32 v4, v2  }
0x15b: {  	v60 =	vld [tilespmem:s30+$0x3DD0];
	[tilespmem:s29+$0x8DB0] =	vst v61;
	v1 =	vmax.f32 v1, $0.0e+00;
	v5 =	vadd.f32 v8, v5  }
0x15c: {  	v3 =	vld [tilespmem:s30+$0x65D0];
	[tilespmem:s29+$0x8DC0] =	vst v1;
	v9 =	vadd.f32 v10, v9;
	v1 =	vmax.f32 v2, $0.0e+00  }
0x15d: {  	v11 =	vadd.f32 v12, v11;
	[tilespmem:s29+$0x8DD0] =	vst v1;
	v5 =	vmax.f32 v5, $0.0e+00  }
0x15e: {  	v62 =	vadd.f32 v55, v13;
	v57 =	vmax.f32 v9, $0.0e+00;
	[tilespmem:s30+$0x8DE0] =	vst v5  }
0x15f: {  	v2 =	vadd.f32 v56, v14;
	v11 =	vmax.f32 v11, $0.0e+00;
	[tilespmem:s30+$0x8D80] =	vst v57  }
0x160: {  	v63 =	vadd.f32 v59, v58;
	v1 =	vmax.f32 v62, $0.0e+00;
	[tilespmem:s30+$0x8D90] =	vst v11  }
.Ltmp6:
0x161: {  	[tilespmem:s30+$0x8DA0] =	vst v1;
	v1 =	vmax.f32 v2, $0.0e+00;
	v2 =	vadd.f32 v3, v60;
	(pc) =	sbr.rel @p1 .LBB2_12-.Ltmp6, $4  }
0x162: {  	[tilespmem:s30+$0x8DB0] =	vst v1;
	v1 =	vmax.f32 v63, $0.0e+00  }
0x163: {  	[tilespmem:s30+$0x8DC0] =	vst v1;
	v1 =	vmax.f32 v2, $0.0e+00  }
0x164: {  	[tilespmem:s30+$0x8DD0] =	vst v1  }
0x165: {  	[spmem:s2] =	stream.indirect.scatter.add.f32 [tilespmem:s21], [sflag:$0x8], $0x80, s20, s8, $0xb8;
	[tilespmem:$0x1E180] =	vst v63  }
0x166: {  	v1 =	vld [tilespmem:s28+$0x78];
	_ =	sdelay $0x4  }
0x167: {  	v1 =	vand.u32 $0x3FFF, v1  }
0x168: {  	[tilespmem:$0x2800] =	vst v1  }
0x169: {  	v1 =	vld [tilespmem:s28+$0x88];
	_ =	sdelay $0x4  }
0x16a: {  	v1 =	vand.u32 $0x3FFF, v1  }
0x16b: {  	[tilespmem:$0x2810] =	vst v1  }
0x16c: {  	v1 =	vld [tilespmem:s28+$0x90];
	_ =	sdelay $0x2  }
0x16d: {  	s31 =	sadd.s32 $0x78, s28  }
0x16e: {  	s28 =	sadd.s32 s6, s31  }
.Ltmp7:
0x16f: {  	s28 =	sshll.u32 s28, $0x4;
	v1 =	vand.u32 $0x3FFF, v1;
	(pc) =	sbr.rel .LBB2_6-.Ltmp7, $4  }
0x170: {  	s28 =	sadd.s32 s5, s28;
	[tilespmem:$0x2818] =	vst v1  }
0x171: {  	[tilespmem:s9], [sflag:$0x6] =	stream.linear.gather [hbm4b:s28+s3], $0x1400, $0x38;
	[tilespmem:$0x1E180] =	vst v63  }
0x172: {  	s26 =	sadd.s32 $0x1, s26  }
0x173: {  	[tilespmem:s12], [sflag:$0x4] =	stream.indirect.gather [hbm4b:s4+s8], $0x80, s11, s8, $0xb8;
	[tilespmem:$0x1E180] =	vst v63  }
.LBB2_13:
0x174: {  	_ =	sfence.sel $0x180000  }
0x175: {  	[bflag:$0x0] =	sbarrier.arrive $0xFFFF  }
0x176: {  	_ =	strace $0x90000047  }
0x177: {  	s0 =	stileid.u32;
	[bflag:$0x2] =	sbarrier.arrive $0xFFFF  }
0x178: {  	p0 =	sne.s32 s0, $0x0;
	s0 =	rddreg [dreg:$0x2]  }
0x179: {  	s0 =	sadd.s32 @!p0 $0x100000, s0  }
0x17a: {  	[sflag:s0] =	ssyncadd.tile.s32 @!p0 $0x1;
	_ =	shalt  }
.Lfunc_end2:
_tile_overlayer_lowered:
.L_overlay_start_2:
0x17b: {  	(tag) =	ssettag $0x2  }
0x17c: {  	s0 =	rddreg [dreg:$0x0];
	s2 =	stileid.u32  }
0x17d: {  	s1 =	rddreg [dreg:$0x1];
	p0 =	sne.s32 s2, $0x0  }
0x17e: {  	s3 =	rddreg [dreg:$0x2];
	[bflag:$0x3] =	sbarrier.arrive $0xFFFF;
	s2 =	simm.s32 @!p0 $0x1C09  }
0x17f: {  	[timem:s3], [sflag:s2] =	dma.local @!p0 [hbm:s0], s1  }
0x180: {  	s0 =	simm.s32 @!p0 $0x9  }
0x181: {  	_ =	swait.ge @!p0 [sflag:s0], s1  }
0x182: {  	s1 =	ssub.s32 @!p0 $0x0, s1;
	[sflag:s0] =	ssyncset.done @!p0 $0x0  }
0x183: {  	[sflag:s0] =	ssyncadd.s32 @!p0 s1  }
0x184: {  	[bflag:$0x3] =	sbarrier.arrive $0xFFFF  }
0x185: {  	_ =	shalt  }

</sc_bundles>
